<compile_context>
chip_gen: v7x
topology: tpu7x:2x2x1
jax: 0.10.2.dev20260603
libtpu: 0.0.44.dev20260713+nightly
codegen_flags: <defaults>
</compile_context>

<pallas_src>
import functools

import jax
import jax.numpy as jnp
from jax import lax
from jax.experimental import pallas as pl
from jax.experimental.pallas import tpu as pltpu
from jax.experimental.pallas import tpu_sc as plsc

NUM_FIELDS = 26
VOCAB_P1 = 100001
EMB_DIM = 32
BATCH = 16384

NC = 2
NS = 16
NW = NC * NS
B_PER_W = BATCH // NW
BB = 8
NCHUNKW = B_PER_W // BB


def _body(x_hbm, tf_hbm, out_hbm, xv, rows, semx0, semx1, semg0, semg1,
          semo0, semo1):
    wid = lax.axis_index("s") * NC + lax.axis_index("c")
    b0w = wid * B_PER_W

    def idx_load(c, p, sem):
        pltpu.async_copy(x_hbm.at[pl.ds(b0w + c * BB, BB)], xv.at[p], sem)

    def idx_wait(p, sem):
        pltpu.make_async_copy(x_hbm.at[pl.ds(0, BB)], xv.at[p], sem).wait()

    def fetch(c, p, sem):
        def row_body(b, carry):
            v0 = xv[p, b, pl.ds(0, 16)]
            v1 = xv[p, b, pl.ds(NUM_FIELDS - 16, 16)]
            for f in range(NUM_FIELDS):
                r = v0[f] if f < 16 else v1[f - (NUM_FIELDS - 16)]
                pltpu.async_copy(tf_hbm.at[f, r], rows.at[p, b, f], sem)
            return carry

        lax.fori_loop(0, BB, row_body, 0)

    def drain(sem):
        pltpu.make_async_copy(out_hbm.at[pl.ds(0, BB)], rows.at[0], sem).wait()

    def store(c, p, sem):
        pltpu.async_copy(rows.at[p], out_hbm.at[pl.ds(b0w + c * BB, BB)], sem)

    idx_load(0, 0, semx0)
    idx_load(1, 1, semx1)
    idx_wait(0, semx0)
    fetch(0, 0, semg0)
    idx_wait(1, semx1)
    fetch(1, 1, semg1)

    def pair_body(k, carry):
        a = 2 * k
        drain(semg0)
        store(a, 0, semo0)

        @pl.when(a + 2 < NCHUNKW)
        def _():
            idx_load(a + 2, 0, semx0)

        drain(semg1)
        store(a + 1, 1, semo1)

        @pl.when(a + 3 < NCHUNKW)
        def _():
            idx_load(a + 3, 1, semx1)

        @pl.when(a + 2 < NCHUNKW)
        def _():
            drain(semo0)
            idx_wait(0, semx0)
            fetch(a + 2, 0, semg0)

        @pl.when(a + 3 < NCHUNKW)
        def _():
            drain(semo1)
            idx_wait(1, semx1)
            fetch(a + 3, 1, semg1)

        return carry

    lax.fori_loop(0, NCHUNKW // 2, pair_body, 0)
    drain(semo0)
    drain(semo1)


_mesh = plsc.VectorSubcoreMesh(core_axis_name="c", subcore_axis_name="s")

_gather = functools.partial(
    pl.kernel,
    mesh=_mesh,
    out_type=jax.ShapeDtypeStruct((BATCH, NUM_FIELDS, EMB_DIM), jnp.float32),
    scratch_types=[
        pltpu.VMEM((2, BB, NUM_FIELDS), jnp.int32),
        pltpu.VMEM((2, BB, NUM_FIELDS, EMB_DIM), jnp.float32),
        pltpu.SemaphoreType.DMA,
        pltpu.SemaphoreType.DMA,
        pltpu.SemaphoreType.DMA,
        pltpu.SemaphoreType.DMA,
        pltpu.SemaphoreType.DMA,
        pltpu.SemaphoreType.DMA,
    ],
    compiler_params=pltpu.CompilerParams(use_tc_tiling_on_sc=True),
)(_body)


def kernel(x, tables):
    return _gather(x, tables)

# --- scband reference (transcript-rebuilt; emitter-appended) ---
"""Pipeline reference for scband-tfembedding-33363305955591 (READ-ONLY COPY).

The authoritative reference and input builder live on the scoring server;
editing this copy changes nothing except your own understanding.
"""

import jax, jax.numpy as jnp
import numpy as np

NUM_FIELDS = 26
VOCAB = 100000
EMB_DIM = 32
BATCH = 16384


def setup_inputs(seed: int = 0) -> dict:
    key = jax.random.key(seed)
    kx, kt = jax.random.split(key)
    x = jax.random.randint(kx, (BATCH, NUM_FIELDS), 0, VOCAB).astype(jnp.int32)
    # 26 embedding tables, each (vocab+1, emb_dim), stacked; padding row 0 zeroed
    tables = jax.random.normal(kt, (NUM_FIELDS, VOCAB + 1, EMB_DIM), dtype=jnp.float32)
    tables = tables.at[:, 0, :].set(0.0)
    return {"x": x, "tables": tables}


def reference(x, tables):
    # TFEmbedding.forward: per-field embedding lookup, unsqueeze, concat on dim 1
    token_field_emb_list = [
        jnp.take(tables[i], x[:, i], axis=0)[:, None, :] for i in range(NUM_FIELDS)
    ]
    return jnp.concatenate(token_field_emb_list, axis=1)

if __name__ == "__main__":
    import jax
    _d = setup_inputs()
    print(jax.jit(kernel)(*tuple(_d.values())))

</pallas_src>

<mosaic_0001>
#map = affine_map<(d0, d1) -> (0, 0)>
#map1 = affine_map<(d0, d1) -> (0, 0, 0)>
module attributes {stable_mosaic.version = 14 : i64} {
  func.func @_body(%arg0: i32, %arg1: i32, %arg2: memref<16384x26xi32, #tpu.memory_space<hbm>>, %arg3: memref<26x100001x32xf32, #tpu.memory_space<hbm>>, %arg4: memref<16384x26x32xf32, #tpu.memory_space<hbm>>, %arg5: memref<2x8x26xi32, #tpu.memory_space<vmem>>, %arg6: memref<2x8x26x32xf32, #tpu.memory_space<vmem>>, %arg7: memref<!tpu.dma_semaphore, #tpu.memory_space<semaphore_mem>>, %arg8: memref<!tpu.dma_semaphore, #tpu.memory_space<semaphore_mem>>, %arg9: memref<!tpu.dma_semaphore, #tpu.memory_space<semaphore_mem>>, %arg10: memref<!tpu.dma_semaphore, #tpu.memory_space<semaphore_mem>>, %arg11: memref<!tpu.dma_semaphore, #tpu.memory_space<semaphore_mem>>, %arg12: memref<!tpu.dma_semaphore, #tpu.memory_space<semaphore_mem>>) attributes {dimension_semantics = [#tpu.dimension_semantics<core_parallel>, #tpu.dimension_semantics<subcore_parallel>], iteration_bounds = array<i64: 2, 16>, scalar_prefetch = 0 : i64, scratch_operands = 8 : i64, tpu.core_type = #tpu.core_type<sc_vector_subcore>, window_params = [{transform_indices = #map}, {transform_indices = #map1}, {transform_indices = #map1}]} {
    %mul3A = arith.constant 2 : i32
    %mul3A_0 = arith.muli %arg1, %mul3A : i32
    %add3A = arith.addi %mul3A_0, %arg0 : i32
    %mul3A_1 = arith.constant 512 : i32
    %mul3A_2 = arith.muli %add3A, %mul3A_1 : i32
    %add3A_3 = arith.constant 0 : i32
    %add3A_4 = arith.addi %mul3A_2, %add3A_3 : i32
    %dma_start3A = arith.constant 0 : i32
    %dma_start3A_5 = arith.constant 0 : i32
    %dma_start3A_6 = arith.constant 0 : i32
    %dma_start3A_7 = tpu.memref_slice %arg5[%dma_start3A, %dma_start3A_5, %dma_start3A_6] : memref<2x8x26xi32, #tpu.memory_space<vmem>> -> memref<1x8x26xi32, #tpu.memory_space<vmem>>
    %dma_start3A_8 = tpu.memref_squeeze %dma_start3A_7 : memref<1x8x26xi32, #tpu.memory_space<vmem>> -> memref<8x26xi32, #tpu.memory_space<vmem>>
    %dma_start3A_9 = arith.constant 0 : i32
    %dma_start3A_10 = tpu.memref_slice %arg2[%add3A_4, %dma_start3A_9] : memref<16384x26xi32, #tpu.memory_space<hbm>> -> memref<8x26xi32, #tpu.memory_space<hbm>>
    %dma_start3A_11 = arith.constant 0 : i32
    %dma_start3A_12 = arith.constant 0 : i32
    %dma_start3A_13 = tpu.memref_slice %arg5[%dma_start3A, %dma_start3A_11, %dma_start3A_12] : memref<2x8x26xi32, #tpu.memory_space<vmem>> -> memref<1x8x26xi32, #tpu.memory_space<vmem>>
    %dma_start3A_14 = tpu.memref_squeeze %dma_start3A_13 : memref<1x8x26xi32, #tpu.memory_space<vmem>> -> memref<8x26xi32, #tpu.memory_space<vmem>>
    %dma_start3A_15 = arith.constant 0 : i32
    %dma_start3A_16 = tpu.memref_slice %arg2[%add3A_4, %dma_start3A_15] : memref<16384x26xi32, #tpu.memory_space<hbm>> -> memref<8x26xi32, #tpu.memory_space<hbm>>
    tpu.enqueue_dma source(%dma_start3A_16 : memref<8x26xi32, #tpu.memory_space<hbm>>) target(%dma_start3A_14 : memref<8x26xi32, #tpu.memory_space<vmem>>) target_semaphore(%arg7 : memref<!tpu.dma_semaphore, #tpu.memory_space<semaphore_mem>>)
    %add3A_17 = arith.constant 8 : i32
    %add3A_18 = arith.addi %mul3A_2, %add3A_17 : i32
    %dma_start3A_19 = arith.constant 1 : i32
    %dma_start3A_20 = arith.constant 0 : i32
    %dma_start3A_21 = arith.constant 0 : i32
    %dma_start3A_22 = tpu.memref_slice %arg5[%dma_start3A_19, %dma_start3A_20, %dma_start3A_21] : memref<2x8x26xi32, #tpu.memory_space<vmem>> -> memref<1x8x26xi32, #tpu.memory_space<vmem>>
    %dma_start3A_23 = tpu.memref_squeeze %dma_start3A_22 : memref<1x8x26xi32, #tpu.memory_space<vmem>> -> memref<8x26xi32, #tpu.memory_space<vmem>>
    %dma_start3A_24 = arith.constant 0 : i32
    %dma_start3A_25 = tpu.memref_slice %arg2[%add3A_18, %dma_start3A_24] : memref<16384x26xi32, #tpu.memory_space<hbm>> -> memref<8x26xi32, #tpu.memory_space<hbm>>
    %dma_start3A_26 = arith.constant 0 : i32
    %dma_start3A_27 = arith.constant 0 : i32
    %dma_start3A_28 = tpu.memref_slice %arg5[%dma_start3A_19, %dma_start3A_26, %dma_start3A_27] : memref<2x8x26xi32, #tpu.memory_space<vmem>> -> memref<1x8x26xi32, #tpu.memory_space<vmem>>
    %dma_start3A_29 = tpu.memref_squeeze %dma_start3A_28 : memref<1x8x26xi32, #tpu.memory_space<vmem>> -> memref<8x26xi32, #tpu.memory_space<vmem>>
    %dma_start3A_30 = arith.constant 0 : i32
    %dma_start3A_31 = tpu.memref_slice %arg2[%add3A_18, %dma_start3A_30] : memref<16384x26xi32, #tpu.memory_space<hbm>> -> memref<8x26xi32, #tpu.memory_space<hbm>>
    tpu.enqueue_dma source(%dma_start3A_31 : memref<8x26xi32, #tpu.memory_space<hbm>>) target(%dma_start3A_29 : memref<8x26xi32, #tpu.memory_space<vmem>>) target_semaphore(%arg8 : memref<!tpu.dma_semaphore, #tpu.memory_space<semaphore_mem>>)
    %dma_wait3A = arith.constant 0 : i32
    %dma_wait3A_32 = arith.constant 0 : i32
    %dma_wait3A_33 = arith.constant 0 : i32
    %dma_wait3A_34 = tpu.memref_slice %arg5[%dma_wait3A, %dma_wait3A_32, %dma_wait3A_33] : memref<2x8x26xi32, #tpu.memory_space<vmem>> -> memref<1x8x26xi32, #tpu.memory_space<vmem>>
    %dma_wait3A_35 = tpu.memref_squeeze %dma_wait3A_34 : memref<1x8x26xi32, #tpu.memory_space<vmem>> -> memref<8x26xi32, #tpu.memory_space<vmem>>
    %dma_wait3A_36 = arith.constant 0 : i32
    %dma_wait3A_37 = arith.constant 0 : i32
    %dma_wait3A_38 = tpu.memref_slice %arg2[%dma_wait3A_36, %dma_wait3A_37] : memref<16384x26xi32, #tpu.memory_space<hbm>> -> memref<8x26xi32, #tpu.memory_space<hbm>>
    %dma_wait3A_39 = arith.constant 0 : i32
    %dma_wait3A_40 = arith.constant 0 : i32
    %dma_wait3A_41 = tpu.memref_slice %arg5[%dma_wait3A, %dma_wait3A_39, %dma_wait3A_40] : memref<2x8x26xi32, #tpu.memory_space<vmem>> -> memref<1x8x26xi32, #tpu.memory_space<vmem>>
    %dma_wait3A_42 = tpu.memref_squeeze %dma_wait3A_41 : memref<1x8x26xi32, #tpu.memory_space<vmem>> -> memref<8x26xi32, #tpu.memory_space<vmem>>
    %dma_wait3A_43 = arith.constant 0 : i32
    %dma_wait3A_44 = arith.constant 0 : i32
    %dma_wait3A_45 = tpu.memref_slice %arg2[%dma_wait3A_43, %dma_wait3A_44] : memref<16384x26xi32, #tpu.memory_space<hbm>> -> memref<8x26xi32, #tpu.memory_space<hbm>>
    tpu.wait_dma2 semaphore(%arg7 : memref<!tpu.dma_semaphore, #tpu.memory_space<semaphore_mem>>) src(%dma_wait3A_45 : memref<8x26xi32, #tpu.memory_space<hbm>>) dst(%dma_wait3A_42 : memref<8x26xi32, #tpu.memory_space<vmem>>)
    %scan3A = arith.constant 0 : i32
    %scan3A_46 = arith.constant 0 : i32
    %scan3A_47 = arith.constant 8 : i32
    %scan3A_48 = arith.addi %scan3A_46, %scan3A_47 : i32
    %scan3A_49 = arith.constant 1 : i32
    scf.for %scan3A_116 = %scan3A_46 to %scan3A_48 step %scan3A_49  : i32 {
      %get3A = arith.constant 0 : i32
      %get3A_117 = arith.index_cast %get3A : i32 to index
      %get3A_118 = arith.index_cast %scan3A_116 : i32 to index
      %get3A_119 = arith.constant 0 : index
      %get3A_120 = tpu.vector_load %arg5[%get3A_117, %get3A_118, %get3A_119] {strides = array<i32>} : memref<2x8x26xi32, #tpu.memory_space<vmem>>, vector<1x1x16xi32>,
      %get3A_121 = vector.shape_cast %get3A_120 : vector<1x1x16xi32> to vector<16xi32>
      %get3A_122 = arith.constant 0 : i32
      %get3A_123 = arith.index_cast %get3A_122 : i32 to index
      %get3A_124 = arith.index_cast %scan3A_116 : i32 to index
      %get3A_125 = arith.constant 10 : index
      %get3A_126 = tpu.vector_load %arg5[%get3A_123, %get3A_124, %get3A_125] {strides = array<i32>} : memref<2x8x26xi32, #tpu.memory_space<vmem>>, vector<1x1x16xi32>,
      %get3A_127 = vector.shape_cast %get3A_126 : vector<1x1x16xi32> to vector<16xi32>
      %slice3A = vector.extract_strided_slice %get3A_121 {offsets = [0], sizes = [1], strides = [1]} : vector<16xi32> to vector<1xi32>
      %squeeze3A = vector.extract %slice3A[0] : i32 from vector<1xi32>
      %dma_start3A_128 = arith.constant 0 : i32
      %dma_start3A_129 = arith.constant 0 : i32
      %dma_start3A_130 = arith.constant 0 : i32
      %dma_start3A_131 = arith.constant 0 : i32
      %dma_start3A_132 = tpu.memref_slice %arg6[%dma_start3A_129, %scan3A_116, %dma_start3A_130, %dma_start3A_131] : memref<2x8x26x32xf32, #tpu.memory_space<vmem>> -> memref<1x1x1x32xf32, #tpu.memory_space<vmem>>
      %dma_start3A_133 = tpu.memref_squeeze %dma_start3A_132 : memref<1x1x1x32xf32, #tpu.memory_space<vmem>> -> memref<32xf32, #tpu.memory_space<vmem>>
      %dma_start3A_134 = arith.constant 0 : i32
      %dma_start3A_135 = tpu.memref_slice %arg3[%dma_start3A_128, %squeeze3A, %dma_start3A_134] : memref<26x100001x32xf32, #tpu.memory_space<hbm>> -> memref<1x1x32xf32, #tpu.memory_space<hbm>>
      %dma_start3A_136 = tpu.memref_squeeze %dma_start3A_135 : memref<1x1x32xf32, #tpu.memory_space<hbm>> -> memref<32xf32, #tpu.memory_space<hbm>>
      %dma_start3A_137 = arith.constant 0 : i32
      %dma_start3A_138 = tpu.memref_slice %arg6[%dma_start3A_129, %scan3A_116, %dma_start3A_130, %dma_start3A_137] : memref<2x8x26x32xf32, #tpu.memory_space<vmem>> -> memref<1x1x1x32xf32, #tpu.memory_space<vmem>>
      %dma_start3A_139 = tpu.memref_squeeze %dma_start3A_138 : memref<1x1x1x32xf32, #tpu.memory_space<vmem>> -> memref<32xf32, #tpu.memory_space<vmem>>
      %dma_start3A_140 = arith.constant 0 : i32
      %dma_start3A_141 = tpu.memref_slice %arg3[%dma_start3A_128, %squeeze3A, %dma_start3A_140] : memref<26x100001x32xf32, #tpu.memory_space<hbm>> -> memref<1x1x32xf32, #tpu.memory_space<hbm>>
      %dma_start3A_142 = tpu.memref_squeeze %dma_start3A_141 : memref<1x1x32xf32, #tpu.memory_space<hbm>> -> memref<32xf32, #tpu.memory_space<hbm>>
      tpu.enqueue_dma source(%dma_start3A_142 : memref<32xf32, #tpu.memory_space<hbm>>) target(%dma_start3A_139 : memref<32xf32, #tpu.memory_space<vmem>>) target_semaphore(%arg9 : memref<!tpu.dma_semaphore, #tpu.memory_space<semaphore_mem>>)
      %slice3A_143 = vector.extract_strided_slice %get3A_121 {offsets = [1], sizes = [1], strides = [1]} : vector<16xi32> to vector<1xi32>
      %squeeze3A_144 = vector.extract %slice3A_143[0] : i32 from vector<1xi32>
      %dma_start3A_145 = arith.constant 1 : i32
      %dma_start3A_146 = arith.constant 0 : i32
      %dma_start3A_147 = arith.constant 1 : i32
      %dma_start3A_148 = arith.constant 0 : i32
      %dma_start3A_149 = tpu.memref_slice %arg6[%dma_start3A_146, %scan3A_116, %dma_start3A_147, %dma_start3A_148] : memref<2x8x26x32xf32, #tpu.memory_space<vmem>> -> memref<1x1x1x32xf32, #tpu.memory_space<vmem>>
      %dma_start3A_150 = tpu.memref_squeeze %dma_start3A_149 : memref<1x1x1x32xf32, #tpu.memory_space<vmem>> -> memref<32xf32, #tpu.memory_space<vmem>>
      %dma_start3A_151 = arith.constant 0 : i32
      %dma_start3A_152 = tpu.memref_slice %arg3[%dma_start3A_145, %squeeze3A_144, %dma_start3A_151] : memref<26x100001x32xf32, #tpu.memory_space<hbm>> -> memref<1x1x32xf32, #tpu.memory_space<hbm>>
      %dma_start3A_153 = tpu.memref_squeeze %dma_start3A_152 : memref<1x1x32xf32, #tpu.memory_space<hbm>> -> memref<32xf32, #tpu.memory_space<hbm>>
      %dma_start3A_154 = arith.constant 0 : i32
      %dma_start3A_155 = tpu.memref_slice %arg6[%dma_start3A_146, %scan3A_116, %dma_start3A_147, %dma_start3A_154] : memref<2x8x26x32xf32, #tpu.memory_space<vmem>> -> memref<1x1x1x32xf32, #tpu.memory_space<vmem>>
      %dma_start3A_156 = tpu.memref_squeeze %dma_start3A_155 : memref<1x1x1x32xf32, #tpu.memory_space<vmem>> -> memref<32xf32, #tpu.memory_space<vmem>>
      %dma_start3A_157 = arith.constant 0 : i32
      %dma_start3A_158 = tpu.memref_slice %arg3[%dma_start3A_145, %squeeze3A_144, %dma_start3A_157] : memref<26x100001x32xf32, #tpu.memory_space<hbm>> -> memref<1x1x32xf32, #tpu.memory_space<hbm>>
      %dma_start3A_159 = tpu.memref_squeeze %dma_start3A_158 : memref<1x1x32xf32, #tpu.memory_space<hbm>> -> memref<32xf32, #tpu.memory_space<hbm>>
      tpu.enqueue_dma source(%dma_start3A_159 : memref<32xf32, #tpu.memory_space<hbm>>) target(%dma_start3A_156 : memref<32xf32, #tpu.memory_space<vmem>>) target_semaphore(%arg9 : memref<!tpu.dma_semaphore, #tpu.memory_space<semaphore_mem>>)
      %slice3A_160 = vector.extract_strided_slice %get3A_121 {offsets = [2], sizes = [1], strides = [1]} : vector<16xi32> to vector<1xi32>
      %squeeze3A_161 = vector.extract %slice3A_160[0] : i32 from vector<1xi32>
      %dma_start3A_162 = arith.constant 2 : i32
      %dma_start3A_163 = arith.constant 0 : i32
      %dma_start3A_164 = arith.constant 2 : i32
      %dma_start3A_165 = arith.constant 0 : i32
      %dma_start3A_166 = tpu.memref_slice %arg6[%dma_start3A_163, %scan3A_116, %dma_start3A_164, %dma_start3A_165] : memref<2x8x26x32xf32, #tpu.memory_space<vmem>> -> memref<1x1x1x32xf32, #tpu.memory_space<vmem>>
      %dma_start3A_167 = tpu.memref_squeeze %dma_start3A_166 : memref<1x1x1x32xf32, #tpu.memory_space<vmem>> -> memref<32xf32, #tpu.memory_space<vmem>>
      %dma_start3A_168 = arith.constant 0 : i32
      %dma_start3A_169 = tpu.memref_slice %arg3[%dma_start3A_162, %squeeze3A_161, %dma_start3A_168] : memref<26x100001x32xf32, #tpu.memory_space<hbm>> -> memref<1x1x32xf32, #tpu.memory_space<hbm>>
      %dma_start3A_170 = tpu.memref_squeeze %dma_start3A_169 : memref<1x1x32xf32, #tpu.memory_space<hbm>> -> memref<32xf32, #tpu.memory_space<hbm>>
      %dma_start3A_171 = arith.constant 0 : i32
      %dma_start3A_172 = tpu.memref_slice %arg6[%dma_start3A_163, %scan3A_116, %dma_start3A_164, %dma_start3A_171] : memref<2x8x26x32xf32, #tpu.memory_space<vmem>> -> memref<1x1x1x32xf32, #tpu.memory_space<vmem>>
      %dma_start3A_173 = tpu.memref_squeeze %dma_start3A_172 : memref<1x1x1x32xf32, #tpu.memory_space<vmem>> -> memref<32xf32, #tpu.memory_space<vmem>>
      %dma_start3A_174 = arith.constant 0 : i32
      %dma_start3A_175 = tpu.memref_slice %arg3[%dma_start3A_162, %squeeze3A_161, %dma_start3A_174] : memref<26x100001x32xf32, #tpu.memory_space<hbm>> -> memref<1x1x32xf32, #tpu.memory_space<hbm>>
      %dma_start3A_176 = tpu.memref_squeeze %dma_start3A_175 : memref<1x1x32xf32, #tpu.memory_space<hbm>> -> memref<32xf32, #tpu.memory_space<hbm>>
      tpu.enqueue_dma source(%dma_start3A_176 : memref<32xf32, #tpu.memory_space<hbm>>) target(%dma_start3A_173 : memref<32xf32, #tpu.memory_space<vmem>>) target_semaphore(%arg9 : memref<!tpu.dma_semaphore, #tpu.memory_space<semaphore_mem>>)
      %slice3A_177 = vector.extract_strided_slice %get3A_121 {offsets = [3], sizes = [1], strides = [1]} : vector<16xi32> to vector<1xi32>
      %squeeze3A_178 = vector.extract %slice3A_177[0] : i32 from vector<1xi32>
      %dma_start3A_179 = arith.constant 3 : i32
      %dma_start3A_180 = arith.constant 0 : i32
      %dma_start3A_181 = arith.constant 3 : i32
      %dma_start3A_182 = arith.constant 0 : i32
      %dma_start3A_183 = tpu.memref_slice %arg6[%dma_start3A_180, %scan3A_116, %dma_start3A_181, %dma_start3A_182] : memref<2x8x26x32xf32, #tpu.memory_space<vmem>> -> memref<1x1x1x32xf32, #tpu.memory_space<vmem>>
      %dma_start3A_184 = tpu.memref_squeeze %dma_start3A_183 : memref<1x1x1x32xf32, #tpu.memory_space<vmem>> -> memref<32xf32, #tpu.memory_space<vmem>>
      %dma_start3A_185 = arith.constant 0 : i32
      %dma_start3A_186 = tpu.memref_slice %arg3[%dma_start3A_179, %squeeze3A_178, %dma_start3A_185] : memref<26x100001x32xf32, #tpu.memory_space<hbm>> -> memref<1x1x32xf32, #tpu.memory_space<hbm>>
      %dma_start3A_187 = tpu.memref_squeeze %dma_start3A_186 : memref<1x1x32xf32, #tpu.memory_space<hbm>> -> memref<32xf32, #tpu.memory_space<hbm>>
      %dma_start3A_188 = arith.constant 0 : i32
      %dma_start3A_189 = tpu.memref_slice %arg6[%dma_start3A_180, %scan3A_116, %dma_start3A_181, %dma_start3A_188] : memref<2x8x26x32xf32, #tpu.memory_space<vmem>> -> memref<1x1x1x32xf32, #tpu.memory_space<vmem>>
      %dma_start3A_190 = tpu.memref_squeeze %dma_start3A_189 : memref<1x1x1x32xf32, #tpu.memory_space<vmem>> -> memref<32xf32, #tpu.memory_space<vmem>>
      %dma_start3A_191 = arith.constant 0 : i32
      %dma_start3A_192 = tpu.memref_slice %arg3[%dma_start3A_179, %squeeze3A_178, %dma_start3A_191] : memref<26x100001x32xf32, #tpu.memory_space<hbm>> -> memref<1x1x32xf32, #tpu.memory_space<hbm>>
      %dma_start3A_193 = tpu.memref_squeeze %dma_start3A_192 : memref<1x1x32xf32, #tpu.memory_space<hbm>> -> memref<32xf32, #tpu.memory_space<hbm>>
      tpu.enqueue_dma source(%dma_start3A_193 : memref<32xf32, #tpu.memory_space<hbm>>) target(%dma_start3A_190 : memref<32xf32, #tpu.memory_space<vmem>>) target_semaphore(%arg9 : memref<!tpu.dma_semaphore, #tpu.memory_space<semaphore_mem>>)
      %slice3A_194 = vector.extract_strided_slice %get3A_121 {offsets = [4], sizes = [1], strides = [1]} : vector<16xi32> to vector<1xi32>
      %squeeze3A_195 = vector.extract %slice3A_194[0] : i32 from vector<1xi32>
      %dma_start3A_196 = arith.constant 4 : i32
      %dma_start3A_197 = arith.constant 0 : i32
      %dma_start3A_198 = arith.constant 4 : i32
      %dma_start3A_199 = arith.constant 0 : i32
      %dma_start3A_200 = tpu.memref_slice %arg6[%dma_start3A_197, %scan3A_116, %dma_start3A_198, %dma_start3A_199] : memref<2x8x26x32xf32, #tpu.memory_space<vmem>> -> memref<1x1x1x32xf32, #tpu.memory_space<vmem>>
      %dma_start3A_201 = tpu.memref_squeeze %dma_start3A_200 : memref<1x1x1x32xf32, #tpu.memory_space<vmem>> -> memref<32xf32, #tpu.memory_space<vmem>>
      %dma_start3A_202 = arith.constant 0 : i32
      %dma_start3A_203 = tpu.memref_slice %arg3[%dma_start3A_196, %squeeze3A_195, %dma_start3A_202] : memref<26x100001x32xf32, #tpu.memory_space<hbm>> -> memref<1x1x32xf32, #tpu.memory_space<hbm>>
      %dma_start3A_204 = tpu.memref_squeeze %dma_start3A_203 : memref<1x1x32xf32, #tpu.memory_space<hbm>> -> memref<32xf32, #tpu.memory_space<hbm>>
      %dma_start3A_205 = arith.constant 0 : i32
      %dma_start3A_206 = tpu.memref_slice %arg6[%dma_start3A_197, %scan3A_116, %dma_start3A_198, %dma_start3A_205] : memref<2x8x26x32xf32, #tpu.memory_space<vmem>> -> memref<1x1x1x32xf32, #tpu.memory_space<vmem>>
      %dma_start3A_207 = tpu.memref_squeeze %dma_start3A_206 : memref<1x1x1x32xf32, #tpu.memory_space<vmem>> -> memref<32xf32, #tpu.memory_space<vmem>>
      %dma_start3A_208 = arith.constant 0 : i32
      %dma_start3A_209 = tpu.memref_slice %arg3[%dma_start3A_196, %squeeze3A_195, %dma_start3A_208] : memref<26x100001x32xf32, #tpu.memory_space<hbm>> -> memref<1x1x32xf32, #tpu.memory_space<hbm>>
      %dma_start3A_210 = tpu.memref_squeeze %dma_start3A_209 : memref<1x1x32xf32, #tpu.memory_space<hbm>> -> memref<32xf32, #tpu.memory_space<hbm>>
      tpu.enqueue_dma source(%dma_start3A_210 : memref<32xf32, #tpu.memory_space<hbm>>) target(%dma_start3A_207 : memref<32xf32, #tpu.memory_space<vmem>>) target_semaphore(%arg9 : memref<!tpu.dma_semaphore, #tpu.memory_space<semaphore_mem>>)
      %slice3A_211 = vector.extract_strided_slice %get3A_121 {offsets = [5], sizes = [1], strides = [1]} : vector<16xi32> to vector<1xi32>
      %squeeze3A_212 = vector.extract %slice3A_211[0] : i32 from vector<1xi32>
      %dma_start3A_213 = arith.constant 5 : i32
      %dma_start3A_214 = arith.constant 0 : i32
      %dma_start3A_215 = arith.constant 5 : i32
      %dma_start3A_216 = arith.constant 0 : i32
      %dma_start3A_217 = tpu.memref_slice %arg6[%dma_start3A_214, %scan3A_116, %dma_start3A_215, %dma_start3A_216] : memref<2x8x26x32xf32, #tpu.memory_space<vmem>> -> memref<1x1x1x32xf32, #tpu.memory_space<vmem>>
      %dma_start3A_218 = tpu.memref_squeeze %dma_start3A_217 : memref<1x1x1x32xf32, #tpu.memory_space<vmem>> -> memref<32xf32, #tpu.memory_space<vmem>>
      %dma_start3A_219 = arith.constant 0 : i32
      %dma_start3A_220 = tpu.memref_slice %arg3[%dma_start3A_213, %squeeze3A_212, %dma_start3A_219] : memref<26x100001x32xf32, #tpu.memory_space<hbm>> -> memref<1x1x32xf32, #tpu.memory_space<hbm>>
      %dma_start3A_221 = tpu.memref_squeeze %dma_start3A_220 : memref<1x1x32xf32, #tpu.memory_space<hbm>> -> memref<32xf32, #tpu.memory_space<hbm>>
      %dma_start3A_222 = arith.constant 0 : i32
      %dma_start3A_223 = tpu.memref_slice %arg6[%dma_start3A_214, %scan3A_116, %dma_start3A_215, %dma_start3A_222] : memref<2x8x26x32xf32, #tpu.memory_space<vmem>> -> memref<1x1x1x32xf32, #tpu.memory_space<vmem>>
      %dma_start3A_224 = tpu.memref_squeeze %dma_start3A_223 : memref<1x1x1x32xf32, #tpu.memory_space<vmem>> -> memref<32xf32, #tpu.memory_space<vmem>>
      %dma_start3A_225 = arith.constant 0 : i32
      %dma_start3A_226 = tpu.memref_slice %arg3[%dma_start3A_213, %squeeze3A_212, %dma_start3A_225] : memref<26x100001x32xf32, #tpu.memory_space<hbm>> -> memref<1x1x32xf32, #tpu.memory_space<hbm>>
      %dma_start3A_227 = tpu.memref_squeeze %dma_start3A_226 : memref<1x1x32xf32, #tpu.memory_space<hbm>> -> memref<32xf32, #tpu.memory_space<hbm>>
      tpu.enqueue_dma source(%dma_start3A_227 : memref<32xf32, #tpu.memory_space<hbm>>) target(%dma_start3A_224 : memref<32xf32, #tpu.memory_space<vmem>>) target_semaphore(%arg9 : memref<!tpu.dma_semaphore, #tpu.memory_space<semaphore_mem>>)
      %slice3A_228 = vector.extract_strided_slice %get3A_121 {offsets = [6], sizes = [1], strides = [1]} : vector<16xi32> to vector<1xi32>
      %squeeze3A_229 = vector.extract %slice3A_228[0] : i32 from vector<1xi32>
      %dma_start3A_230 = arith.constant 6 : i32
      %dma_start3A_231 = arith.constant 0 : i32
      %dma_start3A_232 = arith.constant 6 : i32
      %dma_start3A_233 = arith.constant 0 : i32
      %dma_start3A_234 = tpu.memref_slice %arg6[%dma_start3A_231, %scan3A_116, %dma_start3A_232, %dma_start3A_233] : memref<2x8x26x32xf32, #tpu.memory_space<vmem>> -> memref<1x1x1x32xf32, #tpu.memory_space<vmem>>
      %dma_start3A_235 = tpu.memref_squeeze %dma_start3A_234 : memref<1x1x1x32xf32, #tpu.memory_space<vmem>> -> memref<32xf32, #tpu.memory_space<vmem>>
      %dma_start3A_236 = arith.constant 0 : i32
      %dma_start3A_237 = tpu.memref_slice %arg3[%dma_start3A_230, %squeeze3A_229, %dma_start3A_236] : memref<26x100001x32xf32, #tpu.memory_space<hbm>> -> memref<1x1x32xf32, #tpu.memory_space<hbm>>
      %dma_start3A_238 = tpu.memref_squeeze %dma_start3A_237 : memref<1x1x32xf32, #tpu.memory_space<hbm>> -> memref<32xf32, #tpu.memory_space<hbm>>
      %dma_start3A_239 = arith.constant 0 : i32
      %dma_start3A_240 = tpu.memref_slice %arg6[%dma_start3A_231, %scan3A_116, %dma_start3A_232, %dma_start3A_239] : memref<2x8x26x32xf32, #tpu.memory_space<vmem>> -> memref<1x1x1x32xf32, #tpu.memory_space<vmem>>
      %dma_start3A_241 = tpu.memref_squeeze %dma_start3A_240 : memref<1x1x1x32xf32, #tpu.memory_space<vmem>> -> memref<32xf32, #tpu.memory_space<vmem>>
      %dma_start3A_242 = arith.constant 0 : i32
      %dma_start3A_243 = tpu.memref_slice %arg3[%dma_start3A_230, %squeeze3A_229, %dma_start3A_242] : memref<26x100001x32xf32, #tpu.memory_space<hbm>> -> memref<1x1x32xf32, #tpu.memory_space<hbm>>
      %dma_start3A_244 = tpu.memref_squeeze %dma_start3A_243 : memref<1x1x32xf32, #tpu.memory_space<hbm>> -> memref<32xf32, #tpu.memory_space<hbm>>
      tpu.enqueue_dma source(%dma_start3A_244 : memref<32xf32, #tpu.memory_space<hbm>>) target(%dma_start3A_241 : memref<32xf32, #tpu.memory_space<vmem>>) target_semaphore(%arg9 : memref<!tpu.dma_semaphore, #tpu.memory_space<semaphore_mem>>)
      %slice3A_245 = vector.extract_strided_slice %get3A_121 {offsets = [7], sizes = [1], strides = [1]} : vector<16xi32> to vector<1xi32>
      %squeeze3A_246 = vector.extract %slice3A_245[0] : i32 from vector<1xi32>
      %dma_start3A_247 = arith.constant 7 : i32
      %dma_start3A_248 = arith.constant 0 : i32
      %dma_start3A_249 = arith.constant 7 : i32
      %dma_start3A_250 = arith.constant 0 : i32
      %dma_start3A_251 = tpu.memref_slice %arg6[%dma_start3A_248, %scan3A_116, %dma_start3A_249, %dma_start3A_250] : memref<2x8x26x32xf32, #tpu.memory_space<vmem>> -> memref<1x1x1x32xf32, #tpu.memory_space<vmem>>
      %dma_start3A_252 = tpu.memref_squeeze %dma_start3A_251 : memref<1x1x1x32xf32, #tpu.memory_space<vmem>> -> memref<32xf32, #tpu.memory_space<vmem>>
      %dma_start3A_253 = arith.constant 0 : i32
      %dma_start3A_254 = tpu.memref_slice %arg3[%dma_start3A_247, %squeeze3A_246, %dma_start3A_253] : memref<26x100001x32xf32, #tpu.memory_space<hbm>> -> memref<1x1x32xf32, #tpu.memory_space<hbm>>
      %dma_start3A_255 = tpu.memref_squeeze %dma_start3A_254 : memref<1x1x32xf32, #tpu.memory_space<hbm>> -> memref<32xf32, #tpu.memory_space<hbm>>
      %dma_start3A_256 = arith.constant 0 : i32
      %dma_start3A_257 = tpu.memref_slice %arg6[%dma_start3A_248, %scan3A_116, %dma_start3A_249, %dma_start3A_256] : memref<2x8x26x32xf32, #tpu.memory_space<vmem>> -> memref<1x1x1x32xf32, #tpu.memory_space<vmem>>
      %dma_start3A_258 = tpu.memref_squeeze %dma_start3A_257 : memref<1x1x1x32xf32, #tpu.memory_space<vmem>> -> memref<32xf32, #tpu.memory_space<vmem>>
      %dma_start3A_259 = arith.constant 0 : i32
      %dma_start3A_260 = tpu.memref_slice %arg3[%dma_start3A_247, %squeeze3A_246, %dma_start3A_259] : memref<26x100001x32xf32, #tpu.memory_space<hbm>> -> memref<1x1x32xf32, #tpu.memory_space<hbm>>
      %dma_start3A_261 = tpu.memref_squeeze %dma_start3A_260 : memref<1x1x32xf32, #tpu.memory_space<hbm>> -> memref<32xf32, #tpu.memory_space<hbm>>
      tpu.enqueue_dma source(%dma_start3A_261 : memref<32xf32, #tpu.memory_space<hbm>>) target(%dma_start3A_258 : memref<32xf32, #tpu.memory_space<vmem>>) target_semaphore(%arg9 : memref<!tpu.dma_semaphore, #tpu.memory_space<semaphore_mem>>)
      %slice3A_262 = vector.extract_strided_slice %get3A_121 {offsets = [8], sizes = [1], strides = [1]} : vector<16xi32> to vector<1xi32>
      %squeeze3A_263 = vector.extract %slice3A_262[0] : i32 from vector<1xi32>
      %dma_start3A_264 = arith.constant 8 : i32
      %dma_start3A_265 = arith.constant 0 : i32
      %dma_start3A_266 = arith.constant 8 : i32
      %dma_start3A_267 = arith.constant 0 : i32
      %dma_start3A_268 = tpu.memref_slice %arg6[%dma_start3A_265, %scan3A_116, %dma_start3A_266, %dma_start3A_267] : memref<2x8x26x32xf32, #tpu.memory_space<vmem>> -> memref<1x1x1x32xf32, #tpu.memory_space<vmem>>
      %dma_start3A_269 = tpu.memref_squeeze %dma_start3A_268 : memref<1x1x1x32xf32, #tpu.memory_space<vmem>> -> memref<32xf32, #tpu.memory_space<vmem>>
      %dma_start3A_270 = arith.constant 0 : i32
      %dma_start3A_271 = tpu.memref_slice %arg3[%dma_start3A_264, %squeeze3A_263, %dma_start3A_270] : memref<26x100001x32xf32, #tpu.memory_space<hbm>> -> memref<1x1x32xf32, #tpu.memory_space<hbm>>
      %dma_start3A_272 = tpu.memref_squeeze %dma_start3A_271 : memref<1x1x32xf32, #tpu.memory_space<hbm>> -> memref<32xf32, #tpu.memory_space<hbm>>
      %dma_start3A_273 = arith.constant 0 : i32
      %dma_start3A_274 = tpu.memref_slice %arg6[%dma_start3A_265, %scan3A_116, %dma_start3A_266, %dma_start3A_273] : memref<2x8x26x32xf32, #tpu.memory_space<vmem>> -> memref<1x1x1x32xf32, #tpu.memory_space<vmem>>
      %dma_start3A_275 = tpu.memref_squeeze %dma_start3A_274 : memref<1x1x1x32xf32, #tpu.memory_space<vmem>> -> memref<32xf32, #tpu.memory_space<vmem>>
      %dma_start3A_276 = arith.constant 0 : i32
      %dma_start3A_277 = tpu.memref_slice %arg3[%dma_start3A_264, %squeeze3A_263, %dma_start3A_276] : memref<26x100001x32xf32, #tpu.memory_space<hbm>> -> memref<1x1x32xf32, #tpu.memory_space<hbm>>
      %dma_start3A_278 = tpu.memref_squeeze %dma_start3A_277 : memref<1x1x32xf32, #tpu.memory_space<hbm>> -> memref<32xf32, #tpu.memory_space<hbm>>
      tpu.enqueue_dma source(%dma_start3A_278 : memref<32xf32, #tpu.memory_space<hbm>>) target(%dma_start3A_275 : memref<32xf32, #tpu.memory_space<vmem>>) target_semaphore(%arg9 : memref<!tpu.dma_semaphore, #tpu.memory_space<semaphore_mem>>)
      %slice3A_279 = vector.extract_strided_slice %get3A_121 {offsets = [9], sizes = [1], strides = [1]} : vector<16xi32> to vector<1xi32>
      %squeeze3A_280 = vector.extract %slice3A_279[0] : i32 from vector<1xi32>
      %dma_start3A_281 = arith.constant 9 : i32
      %dma_start3A_282 = arith.constant 0 : i32
      %dma_start3A_283 = arith.constant 9 : i32
      %dma_start3A_284 = arith.constant 0 : i32
      %dma_start3A_285 = tpu.memref_slice %arg6[%dma_start3A_282, %scan3A_116, %dma_start3A_283, %dma_start3A_284] : memref<2x8x26x32xf32, #tpu.memory_space<vmem>> -> memref<1x1x1x32xf32, #tpu.memory_space<vmem>>
      %dma_start3A_286 = tpu.memref_squeeze %dma_start3A_285 : memref<1x1x1x32xf32, #tpu.memory_space<vmem>> -> memref<32xf32, #tpu.memory_space<vmem>>
      %dma_start3A_287 = arith.constant 0 : i32
      %dma_start3A_288 = tpu.memref_slice %arg3[%dma_start3A_281, %squeeze3A_280, %dma_start3A_287] : memref<26x100001x32xf32, #tpu.memory_space<hbm>> -> memref<1x1x32xf32, #tpu.memory_space<hbm>>
      %dma_start3A_289 = tpu.memref_squeeze %dma_start3A_288 : memref<1x1x32xf32, #tpu.memory_space<hbm>> -> memref<32xf32, #tpu.memory_space<hbm>>
      %dma_start3A_290 = arith.constant 0 : i32
      %dma_start3A_291 = tpu.memref_slice %arg6[%dma_start3A_282, %scan3A_116, %dma_start3A_283, %dma_start3A_290] : memref<2x8x26x32xf32, #tpu.memory_space<vmem>> -> memref<1x1x1x32xf32, #tpu.memory_space<vmem>>
      %dma_start3A_292 = tpu.memref_squeeze %dma_start3A_291 : memref<1x1x1x32xf32, #tpu.memory_space<vmem>> -> memref<32xf32, #tpu.memory_space<vmem>>
      %dma_start3A_293 = arith.constant 0 : i32
      %dma_start3A_294 = tpu.memref_slice %arg3[%dma_start3A_281, %squeeze3A_280, %dma_start3A_293] : memref<26x100001x32xf32, #tpu.memory_space<hbm>> -> memref<1x1x32xf32, #tpu.memory_space<hbm>>
      %dma_start3A_295 = tpu.memref_squeeze %dma_start3A_294 : memref<1x1x32xf32, #tpu.memory_space<hbm>> -> memref<32xf32, #tpu.memory_space<hbm>>
      tpu.enqueue_dma source(%dma_start3A_295 : memref<32xf32, #tpu.memory_space<hbm>>) target(%dma_start3A_292 : memref<32xf32, #tpu.memory_space<vmem>>) target_semaphore(%arg9 : memref<!tpu.dma_semaphore, #tpu.memory_space<semaphore_mem>>)
      %slice3A_296 = vector.extract_strided_slice %get3A_121 {offsets = [10], sizes = [1], strides = [1]} : vector<16xi32> to vector<1xi32>
      %squeeze3A_297 = vector.extract %slice3A_296[0] : i32 from vector<1xi32>
      %dma_start3A_298 = arith.constant 10 : i32
      %dma_start3A_299 = arith.constant 0 : i32
      %dma_start3A_300 = arith.constant 10 : i32
      %dma_start3A_301 = arith.constant 0 : i32
      %dma_start3A_302 = tpu.memref_slice %arg6[%dma_start3A_299, %scan3A_116, %dma_start3A_300, %dma_start3A_301] : memref<2x8x26x32xf32, #tpu.memory_space<vmem>> -> memref<1x1x1x32xf32, #tpu.memory_space<vmem>>
      %dma_start3A_303 = tpu.memref_squeeze %dma_start3A_302 : memref<1x1x1x32xf32, #tpu.memory_space<vmem>> -> memref<32xf32, #tpu.memory_space<vmem>>
      %dma_start3A_304 = arith.constant 0 : i32
      %dma_start3A_305 = tpu.memref_slice %arg3[%dma_start3A_298, %squeeze3A_297, %dma_start3A_304] : memref<26x100001x32xf32, #tpu.memory_space<hbm>> -> memref<1x1x32xf32, #tpu.memory_space<hbm>>
      %dma_start3A_306 = tpu.memref_squeeze %dma_start3A_305 : memref<1x1x32xf32, #tpu.memory_space<hbm>> -> memref<32xf32, #tpu.memory_space<hbm>>
      %dma_start3A_307 = arith.constant 0 : i32
      %dma_start3A_308 = tpu.memref_slice %arg6[%dma_start3A_299, %scan3A_116, %dma_start3A_300, %dma_start3A_307] : memref<2x8x26x32xf32, #tpu.memory_space<vmem>> -> memref<1x1x1x32xf32, #tpu.memory_space<vmem>>
      %dma_start3A_309 = tpu.memref_squeeze %dma_start3A_308 : memref<1x1x1x32xf32, #tpu.memory_space<vmem>> -> memref<32xf32, #tpu.memory_space<vmem>>
      %dma_start3A_310 = arith.constant 0 : i32
      %dma_start3A_311 = tpu.memref_slice %arg3[%dma_start3A_298, %squeeze3A_297, %dma_start3A_310] : memref<26x100001x32xf32, #tpu.memory_space<hbm>> -> memref<1x1x32xf32, #tpu.memory_space<hbm>>
      %dma_start3A_312 = tpu.memref_squeeze %dma_start3A_311 : memref<1x1x32xf32, #tpu.memory_space<hbm>> -> memref<32xf32, #tpu.memory_space<hbm>>
      tpu.enqueue_dma source(%dma_start3A_312 : memref<32xf32, #tpu.memory_space<hbm>>) target(%dma_start3A_309 : memref<32xf32, #tpu.memory_space<vmem>>) target_semaphore(%arg9 : memref<!tpu.dma_semaphore, #tpu.memory_space<semaphore_mem>>)
      %slice3A_313 = vector.extract_strided_slice %get3A_121 {offsets = [11], sizes = [1], strides = [1]} : vector<16xi32> to vector<1xi32>
      %squeeze3A_314 = vector.extract %slice3A_313[0] : i32 from vector<1xi32>
      %dma_start3A_315 = arith.constant 11 : i32
      %dma_start3A_316 = arith.constant 0 : i32
      %dma_start3A_317 = arith.constant 11 : i32
      %dma_start3A_318 = arith.constant 0 : i32
      %dma_start3A_319 = tpu.memref_slice %arg6[%dma_start3A_316, %scan3A_116, %dma_start3A_317, %dma_start3A_318] : memref<2x8x26x32xf32, #tpu.memory_space<vmem>> -> memref<1x1x1x32xf32, #tpu.memory_space<vmem>>
      %dma_start3A_320 = tpu.memref_squeeze %dma_start3A_319 : memref<1x1x1x32xf32, #tpu.memory_space<vmem>> -> memref<32xf32, #tpu.memory_space<vmem>>
      %dma_start3A_321 = arith.constant 0 : i32
      %dma_start3A_322 = tpu.memref_slice %arg3[%dma_start3A_315, %squeeze3A_314, %dma_start3A_321] : memref<26x100001x32xf32, #tpu.memory_space<hbm>> -> memref<1x1x32xf32, #tpu.memory_space<hbm>>
      %dma_start3A_323 = tpu.memref_squeeze %dma_start3A_322 : memref<1x1x32xf32, #tpu.memory_space<hbm>> -> memref<32xf32, #tpu.memory_space<hbm>>
      %dma_start3A_324 = arith.constant 0 : i32
      %dma_start3A_325 = tpu.memref_slice %arg6[%dma_start3A_316, %scan3A_116, %dma_start3A_317, %dma_start3A_324] : memref<2x8x26x32xf32, #tpu.memory_space<vmem>> -> memref<1x1x1x32xf32, #tpu.memory_space<vmem>>
      %dma_start3A_326 = tpu.memref_squeeze %dma_start3A_325 : memref<1x1x1x32xf32, #tpu.memory_space<vmem>> -> memref<32xf32, #tpu.memory_space<vmem>>
      %dma_start3A_327 = arith.constant 0 : i32
      %dma_start3A_328 = tpu.memref_slice %arg3[%dma_start3A_315, %squeeze3A_314, %dma_start3A_327] : memref<26x100001x32xf32, #tpu.memory_space<hbm>> -> memref<1x1x32xf32, #tpu.memory_space<hbm>>
      %dma_start3A_329 = tpu.memref_squeeze %dma_start3A_328 : memref<1x1x32xf32, #tpu.memory_space<hbm>> -> memref<32xf32, #tpu.memory_space<hbm>>
      tpu.enqueue_dma source(%dma_start3A_329 : memref<32xf32, #tpu.memory_space<hbm>>) target(%dma_start3A_326 : memref<32xf32, #tpu.memory_space<vmem>>) target_semaphore(%arg9 : memref<!tpu.dma_semaphore, #tpu.memory_space<semaphore_mem>>)
      %slice3A_330 = vector.extract_strided_slice %get3A_121 {offsets = [12], sizes = [1], strides = [1]} : vector<16xi32> to vector<1xi32>
      %squeeze3A_331 = vector.extract %slice3A_330[0] : i32 from vector<1xi32>
      %dma_start3A_332 = arith.constant 12 : i32
      %dma_start3A_333 = arith.constant 0 : i32
      %dma_start3A_334 = arith.constant 12 : i32
      %dma_start3A_335 = arith.constant 0 : i32
      %dma_start3A_336 = tpu.memref_slice %arg6[%dma_start3A_333, %scan3A_116, %dma_start3A_334, %dma_start3A_335] : memref<2x8x26x32xf32, #tpu.memory_space<vmem>> -> memref<1x1x1x32xf32, #tpu.memory_space<vmem>>
      %dma_start3A_337 = tpu.memref_squeeze %dma_start3A_336 : memref<1x1x1x32xf32, #tpu.memory_space<vmem>> -> memref<32xf32, #tpu.memory_space<vmem>>
      %dma_start3A_338 = arith.constant 0 : i32
      %dma_start3A_339 = tpu.memref_slice %arg3[%dma_start3A_332, %squeeze3A_331, %dma_start3A_338] : memref<26x100001x32xf32, #tpu.memory_space<hbm>> -> memref<1x1x32xf32, #tpu.memory_space<hbm>>
      %dma_start3A_340 = tpu.memref_squeeze %dma_start3A_339 : memref<1x1x32xf32, #tpu.memory_space<hbm>> -> memref<32xf32, #tpu.memory_space<hbm>>
      %dma_start3A_341 = arith.constant 0 : i32
      %dma_start3A_342 = tpu.memref_slice %arg6[%dma_start3A_333, %scan3A_116, %dma_start3A_334, %dma_start3A_341] : memref<2x8x26x32xf32, #tpu.memory_space<vmem>> -> memref<1x1x1x32xf32, #tpu.memory_space<vmem>>
      %dma_start3A_343 = tpu.memref_squeeze %dma_start3A_342 : memref<1x1x1x32xf32, #tpu.memory_space<vmem>> -> memref<32xf32, #tpu.memory_space<vmem>>
      %dma_start3A_344 = arith.constant 0 : i32
      %dma_start3A_345 = tpu.memref_slice %arg3[%dma_start3A_332, %squeeze3A_331, %dma_start3A_344] : memref<26x100001x32xf32, #tpu.memory_space<hbm>> -> memref<1x1x32xf32, #tpu.memory_space<hbm>>
      %dma_start3A_346 = tpu.memref_squeeze %dma_start3A_345 : memref<1x1x32xf32, #tpu.memory_space<hbm>> -> memref<32xf32, #tpu.memory_space<hbm>>
      tpu.enqueue_dma source(%dma_start3A_346 : memref<32xf32, #tpu.memory_space<hbm>>) target(%dma_start3A_343 : memref<32xf32, #tpu.memory_space<vmem>>) target_semaphore(%arg9 : memref<!tpu.dma_semaphore, #tpu.memory_space<semaphore_mem>>)
      %slice3A_347 = vector.extract_strided_slice %get3A_121 {offsets = [13], sizes = [1], strides = [1]} : vector<16xi32> to vector<1xi32>
      %squeeze3A_348 = vector.extract %slice3A_347[0] : i32 from vector<1xi32>
      %dma_start3A_349 = arith.constant 13 : i32
      %dma_start3A_350 = arith.constant 0 : i32
      %dma_start3A_351 = arith.constant 13 : i32
      %dma_start3A_352 = arith.constant 0 : i32
      %dma_start3A_353 = tpu.memref_slice %arg6[%dma_start3A_350, %scan3A_116, %dma_start3A_351, %dma_start3A_352] : memref<2x8x26x32xf32, #tpu.memory_space<vmem>> -> memref<1x1x1x32xf32, #tpu.memory_space<vmem>>
      %dma_start3A_354 = tpu.memref_squeeze %dma_start3A_353 : memref<1x1x1x32xf32, #tpu.memory_space<vmem>> -> memref<32xf32, #tpu.memory_space<vmem>>
      %dma_start3A_355 = arith.constant 0 : i32
      %dma_start3A_356 = tpu.memref_slice %arg3[%dma_start3A_349, %squeeze3A_348, %dma_start3A_355] : memref<26x100001x32xf32, #tpu.memory_space<hbm>> -> memref<1x1x32xf32, #tpu.memory_space<hbm>>
      %dma_start3A_357 = tpu.memref_squeeze %dma_start3A_356 : memref<1x1x32xf32, #tpu.memory_space<hbm>> -> memref<32xf32, #tpu.memory_space<hbm>>
      %dma_start3A_358 = arith.constant 0 : i32
      %dma_start3A_359 = tpu.memref_slice %arg6[%dma_start3A_350, %scan3A_116, %dma_start3A_351, %dma_start3A_358] : memref<2x8x26x32xf32, #tpu.memory_space<vmem>> -> memref<1x1x1x32xf32, #tpu.memory_space<vmem>>
      %dma_start3A_360 = tpu.memref_squeeze %dma_start3A_359 : memref<1x1x1x32xf32, #tpu.memory_space<vmem>> -> memref<32xf32, #tpu.memory_space<vmem>>
      %dma_start3A_361 = arith.constant 0 : i32
      %dma_start3A_362 = tpu.memref_slice %arg3[%dma_start3A_349, %squeeze3A_348, %dma_start3A_361] : memref<26x100001x32xf32, #tpu.memory_space<hbm>> -> memref<1x1x32xf32, #tpu.memory_space<hbm>>
      %dma_start3A_363 = tpu.memref_squeeze %dma_start3A_362 : memref<1x1x32xf32, #tpu.memory_space<hbm>> -> memref<32xf32, #tpu.memory_space<hbm>>
      tpu.enqueue_dma source(%dma_start3A_363 : memref<32xf32, #tpu.memory_space<hbm>>) target(%dma_start3A_360 : memref<32xf32, #tpu.memory_space<vmem>>) target_semaphore(%arg9 : memref<!tpu.dma_semaphore, #tpu.memory_space<semaphore_mem>>)
      %slice3A_364 = vector.extract_strided_slice %get3A_121 {offsets = [14], sizes = [1], strides = [1]} : vector<16xi32> to vector<1xi32>
      %squeeze3A_365 = vector.extract %slice3A_364[0] : i32 from vector<1xi32>
      %dma_start3A_366 = arith.constant 14 : i32
      %dma_start3A_367 = arith.constant 0 : i32
      %dma_start3A_368 = arith.constant 14 : i32
      %dma_start3A_369 = arith.constant 0 : i32
      %dma_start3A_370 = tpu.memref_slice %arg6[%dma_start3A_367, %scan3A_116, %dma_start3A_368, %dma_start3A_369] : memref<2x8x26x32xf32, #tpu.memory_space<vmem>> -> memref<1x1x1x32xf32, #tpu.memory_space<vmem>>
      %dma_start3A_371 = tpu.memref_squeeze %dma_start3A_370 : memref<1x1x1x32xf32, #tpu.memory_space<vmem>> -> memref<32xf32, #tpu.memory_space<vmem>>
      %dma_start3A_372 = arith.constant 0 : i32
      %dma_start3A_373 = tpu.memref_slice %arg3[%dma_start3A_366, %squeeze3A_365, %dma_start3A_372] : memref<26x100001x32xf32, #tpu.memory_space<hbm>> -> memref<1x1x32xf32, #tpu.memory_space<hbm>>
      %dma_start3A_374 = tpu.memref_squeeze %dma_start3A_373 : memref<1x1x32xf32, #tpu.memory_space<hbm>> -> memref<32xf32, #tpu.memory_space<hbm>>
      %dma_start3A_375 = arith.constant 0 : i32
      %dma_start3A_376 = tpu.memref_slice %arg6[%dma_start3A_367, %scan3A_116, %dma_start3A_368, %dma_start3A_375] : memref<2x8x26x32xf32, #tpu.memory_space<vmem>> -> memref<1x1x1x32xf32, #tpu.memory_space<vmem>>
      %dma_start3A_377 = tpu.memref_squeeze %dma_start3A_376 : memref<1x1x1x32xf32, #tpu.memory_space<vmem>> -> memref<32xf32, #tpu.memory_space<vmem>>
      %dma_start3A_378 = arith.constant 0 : i32
      %dma_start3A_379 = tpu.memref_slice %arg3[%dma_start3A_366, %squeeze3A_365, %dma_start3A_378] : memref<26x100001x32xf32, #tpu.memory_space<hbm>> -> memref<1x1x32xf32, #tpu.memory_space<hbm>>
      %dma_start3A_380 = tpu.memref_squeeze %dma_start3A_379 : memref<1x1x32xf32, #tpu.memory_space<hbm>> -> memref<32xf32, #tpu.memory_space<hbm>>
      tpu.enqueue_dma source(%dma_start3A_380 : memref<32xf32, #tpu.memory_space<hbm>>) target(%dma_start3A_377 : memref<32xf32, #tpu.memory_space<vmem>>) target_semaphore(%arg9 : memref<!tpu.dma_semaphore, #tpu.memory_space<semaphore_mem>>)
      %slice3A_381 = vector.extract_strided_slice %get3A_121 {offsets = [15], sizes = [1], strides = [1]} : vector<16xi32> to vector<1xi32>
      %squeeze3A_382 = vector.extract %slice3A_381[0] : i32 from vector<1xi32>
      %dma_start3A_383 = arith.constant 15 : i32
      %dma_start3A_384 = arith.constant 0 : i32
      %dma_start3A_385 = arith.constant 15 : i32
      %dma_start3A_386 = arith.constant 0 : i32
      %dma_start3A_387 = tpu.memref_slice %arg6[%dma_start3A_384, %scan3A_116, %dma_start3A_385, %dma_start3A_386] : memref<2x8x26x32xf32, #tpu.memory_space<vmem>> -> memref<1x1x1x32xf32, #tpu.memory_space<vmem>>
      %dma_start3A_388 = tpu.memref_squeeze %dma_start3A_387 : memref<1x1x1x32xf32, #tpu.memory_space<vmem>> -> memref<32xf32, #tpu.memory_space<vmem>>
      %dma_start3A_389 = arith.constant 0 : i32
      %dma_start3A_390 = tpu.memref_slice %arg3[%dma_start3A_383, %squeeze3A_382, %dma_start3A_389] : memref<26x100001x32xf32, #tpu.memory_space<hbm>> -> memref<1x1x32xf32, #tpu.memory_space<hbm>>
      %dma_start3A_391 = tpu.memref_squeeze %dma_start3A_390 : memref<1x1x32xf32, #tpu.memory_space<hbm>> -> memref<32xf32, #tpu.memory_space<hbm>>
      %dma_start3A_392 = arith.constant 0 : i32
      %dma_start3A_393 = tpu.memref_slice %arg6[%dma_start3A_384, %scan3A_116, %dma_start3A_385, %dma_start3A_392] : memref<2x8x26x32xf32, #tpu.memory_space<vmem>> -> memref<1x1x1x32xf32, #tpu.memory_space<vmem>>
      %dma_start3A_394 = tpu.memref_squeeze %dma_start3A_393 : memref<1x1x1x32xf32, #tpu.memory_space<vmem>> -> memref<32xf32, #tpu.memory_space<vmem>>
      %dma_start3A_395 = arith.constant 0 : i32
      %dma_start3A_396 = tpu.memref_slice %arg3[%dma_start3A_383, %squeeze3A_382, %dma_start3A_395] : memref<26x100001x32xf32, #tpu.memory_space<hbm>> -> memref<1x1x32xf32, #tpu.memory_space<hbm>>
      %dma_start3A_397 = tpu.memref_squeeze %dma_start3A_396 : memref<1x1x32xf32, #tpu.memory_space<hbm>> -> memref<32xf32, #tpu.memory_space<hbm>>
      tpu.enqueue_dma source(%dma_start3A_397 : memref<32xf32, #tpu.memory_space<hbm>>) target(%dma_start3A_394 : memref<32xf32, #tpu.memory_space<vmem>>) target_semaphore(%arg9 : memref<!tpu.dma_semaphore, #tpu.memory_space<semaphore_mem>>)
      %slice3A_398 = vector.extract_strided_slice %get3A_127 {offsets = [6], sizes = [1], strides = [1]} : vector<16xi32> to vector<1xi32>
      %squeeze3A_399 = vector.extract %slice3A_398[0] : i32 from vector<1xi32>
      %dma_start3A_400 = arith.constant 16 : i32
      %dma_start3A_401 = arith.constant 0 : i32
      %dma_start3A_402 = arith.constant 16 : i32
      %dma_start3A_403 = arith.constant 0 : i32
      %dma_start3A_404 = tpu.memref_slice %arg6[%dma_start3A_401, %scan3A_116, %dma_start3A_402, %dma_start3A_403] : memref<2x8x26x32xf32, #tpu.memory_space<vmem>> -> memref<1x1x1x32xf32, #tpu.memory_space<vmem>>
      %dma_start3A_405 = tpu.memref_squeeze %dma_start3A_404 : memref<1x1x1x32xf32, #tpu.memory_space<vmem>> -> memref<32xf32, #tpu.memory_space<vmem>>
      %dma_start3A_406 = arith.constant 0 : i32
      %dma_start3A_407 = tpu.memref_slice %arg3[%dma_start3A_400, %squeeze3A_399, %dma_start3A_406] : memref<26x100001x32xf32, #tpu.memory_space<hbm>> -> memref<1x1x32xf32, #tpu.memory_space<hbm>>
      %dma_start3A_408 = tpu.memref_squeeze %dma_start3A_407 : memref<1x1x32xf32, #tpu.memory_space<hbm>> -> memref<32xf32, #tpu.memory_space<hbm>>
      %dma_start3A_409 = arith.constant 0 : i32
      %dma_start3A_410 = tpu.memref_slice %arg6[%dma_start3A_401, %scan3A_116, %dma_start3A_402, %dma_start3A_409] : memref<2x8x26x32xf32, #tpu.memory_space<vmem>> -> memref<1x1x1x32xf32, #tpu.memory_space<vmem>>
      %dma_start3A_411 = tpu.memref_squeeze %dma_start3A_410 : memref<1x1x1x32xf32, #tpu.memory_space<vmem>> -> memref<32xf32, #tpu.memory_space<vmem>>
      %dma_start3A_412 = arith.constant 0 : i32
      %dma_start3A_413 = tpu.memref_slice %arg3[%dma_start3A_400, %squeeze3A_399, %dma_start3A_412] : memref<26x100001x32xf32, #tpu.memory_space<hbm>> -> memref<1x1x32xf32, #tpu.memory_space<hbm>>
      %dma_start3A_414 = tpu.memref_squeeze %dma_start3A_413 : memref<1x1x32xf32, #tpu.memory_space<hbm>> -> memref<32xf32, #tpu.memory_space<hbm>>
      tpu.enqueue_dma source(%dma_start3A_414 : memref<32xf32, #tpu.memory_space<hbm>>) target(%dma_start3A_411 : memref<32xf32, #tpu.memory_space<vmem>>) target_semaphore(%arg9 : memref<!tpu.dma_semaphore, #tpu.memory_space<semaphore_mem>>)
      %slice3A_415 = vector.extract_strided_slice %get3A_127 {offsets = [7], sizes = [1], strides = [1]} : vector<16xi32> to vector<1xi32>
      %squeeze3A_416 = vector.extract %slice3A_415[0] : i32 from vector<1xi32>
      %dma_start3A_417 = arith.constant 17 : i32
      %dma_start3A_418 = arith.constant 0 : i32
      %dma_start3A_419 = arith.constant 17 : i32
      %dma_start3A_420 = arith.constant 0 : i32
      %dma_start3A_421 = tpu.memref_slice %arg6[%dma_start3A_418, %scan3A_116, %dma_start3A_419, %dma_start3A_420] : memref<2x8x26x32xf32, #tpu.memory_space<vmem>> -> memref<1x1x1x32xf32, #tpu.memory_space<vmem>>
      %dma_start3A_422 = tpu.memref_squeeze %dma_start3A_421 : memref<1x1x1x32xf32, #tpu.memory_space<vmem>> -> memref<32xf32, #tpu.memory_space<vmem>>
      %dma_start3A_423 = arith.constant 0 : i32
      %dma_start3A_424 = tpu.memref_slice %arg3[%dma_start3A_417, %squeeze3A_416, %dma_start3A_423] : memref<26x100001x32xf32, #tpu.memory_space<hbm>> -> memref<1x1x32xf32, #tpu.memory_space<hbm>>
      %dma_start3A_425 = tpu.memref_squeeze %dma_start3A_424 : memref<1x1x32xf32, #tpu.memory_space<hbm>> -> memref<32xf32, #tpu.memory_space<hbm>>
      %dma_start3A_426 = arith.constant 0 : i32
      %dma_start3A_427 = tpu.memref_slice %arg6[%dma_start3A_418, %scan3A_116, %dma_start3A_419, %dma_start3A_426] : memref<2x8x26x32xf32, #tpu.memory_space<vmem>> -> memref<1x1x1x32xf32, #tpu.memory_space<vmem>>
      %dma_start3A_428 = tpu.memref_squeeze %dma_start3A_427 : memref<1x1x1x32xf32, #tpu.memory_space<vmem>> -> memref<32xf32, #tpu.memory_space<vmem>>
      %dma_start3A_429 = arith.constant 0 : i32
      %dma_start3A_430 = tpu.memref_slice %arg3[%dma_start3A_417, %squeeze3A_416, %dma_start3A_429] : memref<26x100001x32xf32, #tpu.memory_space<hbm>> -> memref<1x1x32xf32, #tpu.memory_space<hbm>>
      %dma_start3A_431 = tpu.memref_squeeze %dma_start3A_430 : memref<1x1x32xf32, #tpu.memory_space<hbm>> -> memref<32xf32, #tpu.memory_space<hbm>>
      tpu.enqueue_dma source(%dma_start3A_431 : memref<32xf32, #tpu.memory_space<hbm>>) target(%dma_start3A_428 : memref<32xf32, #tpu.memory_space<vmem>>) target_semaphore(%arg9 : memref<!tpu.dma_semaphore, #tpu.memory_space<semaphore_mem>>)
      %slice3A_432 = vector.extract_strided_slice %get3A_127 {offsets = [8], sizes = [1], strides = [1]} : vector<16xi32> to vector<1xi32>
      %squeeze3A_433 = vector.extract %slice3A_432[0] : i32 from vector<1xi32>
      %dma_start3A_434 = arith.constant 18 : i32
      %dma_start3A_435 = arith.constant 0 : i32
      %dma_start3A_436 = arith.constant 18 : i32
      %dma_start3A_437 = arith.constant 0 : i32
      %dma_start3A_438 = tpu.memref_slice %arg6[%dma_start3A_435, %scan3A_116, %dma_start3A_436, %dma_start3A_437] : memref<2x8x26x32xf32, #tpu.memory_space<vmem>> -> memref<1x1x1x32xf32, #tpu.memory_space<vmem>>
      %dma_start3A_439 = tpu.memref_squeeze %dma_start3A_438 : memref<1x1x1x32xf32, #tpu.memory_space<vmem>> -> memref<32xf32, #tpu.memory_space<vmem>>
      %dma_start3A_440 = arith.constant 0 : i32
      %dma_start3A_441 = tpu.memref_slice %arg3[%dma_start3A_434, %squeeze3A_433, %dma_start3A_440] : memref<26x100001x32xf32, #tpu.memory_space<hbm>> -> memref<1x1x32xf32, #tpu.memory_space<hbm>>
      %dma_start3A_442 = tpu.memref_squeeze %dma_start3A_441 : memref<1x1x32xf32, #tpu.memory_space<hbm>> -> memref<32xf32, #tpu.memory_space<hbm>>
      %dma_start3A_443 = arith.constant 0 : i32
      %dma_start3A_444 = tpu.memref_slice %arg6[%dma_start3A_435, %scan3A_116, %dma_start3A_436, %dma_start3A_443] : memref<2x8x26x32xf32, #tpu.memory_space<vmem>> -> memref<1x1x1x32xf32, #tpu.memory_space<vmem>>
      %dma_start3A_445 = tpu.memref_squeeze %dma_start3A_444 : memref<1x1x1x32xf32, #tpu.memory_space<vmem>> -> memref<32xf32, #tpu.memory_space<vmem>>
      %dma_start3A_446 = arith.constant 0 : i32
      %dma_start3A_447 = tpu.memref_slice %arg3[%dma_start3A_434, %squeeze3A_433, %dma_start3A_446] : memref<26x100001x32xf32, #tpu.memory_space<hbm>> -> memref<1x1x32xf32, #tpu.memory_space<hbm>>
      %dma_start3A_448 = tpu.memref_squeeze %dma_start3A_447 : memref<1x1x32xf32, #tpu.memory_space<hbm>> -> memref<32xf32, #tpu.memory_space<hbm>>
      tpu.enqueue_dma source(%dma_start3A_448 : memref<32xf32, #tpu.memory_space<hbm>>) target(%dma_start3A_445 : memref<32xf32, #tpu.memory_space<vmem>>) target_semaphore(%arg9 : memref<!tpu.dma_semaphore, #tpu.memory_space<semaphore_mem>>)
      %slice3A_449 = vector.extract_strided_slice %get3A_127 {offsets = [9], sizes = [1], strides = [1]} : vector<16xi32> to vector<1xi32>
      %squeeze3A_450 = vector.extract %slice3A_449[0] : i32 from vector<1xi32>
      %dma_start3A_451 = arith.constant 19 : i32
      %dma_start3A_452 = arith.constant 0 : i32
      %dma_start3A_453 = arith.constant 19 : i32
      %dma_start3A_454 = arith.constant 0 : i32
      %dma_start3A_455 = tpu.memref_slice %arg6[%dma_start3A_452, %scan3A_116, %dma_start3A_453, %dma_start3A_454] : memref<2x8x26x32xf32, #tpu.memory_space<vmem>> -> memref<1x1x1x32xf32, #tpu.memory_space<vmem>>
      %dma_start3A_456 = tpu.memref_squeeze %dma_start3A_455 : memref<1x1x1x32xf32, #tpu.memory_space<vmem>> -> memref<32xf32, #tpu.memory_space<vmem>>
      %dma_start3A_457 = arith.constant 0 : i32
      %dma_start3A_458 = tpu.memref_slice %arg3[%dma_start3A_451, %squeeze3A_450, %dma_start3A_457] : memref<26x100001x32xf32, #tpu.memory_space<hbm>> -> memref<1x1x32xf32, #tpu.memory_space<hbm>>
      %dma_start3A_459 = tpu.memref_squeeze %dma_start3A_458 : memref<1x1x32xf32, #tpu.memory_space<hbm>> -> memref<32xf32, #tpu.memory_space<hbm>>
      %dma_start3A_460 = arith.constant 0 : i32
      %dma_start3A_461 = tpu.memref_slice %arg6[%dma_start3A_452, %scan3A_116, %dma_start3A_453, %dma_start3A_460] : memref<2x8x26x32xf32, #tpu.memory_space<vmem>> -> memref<1x1x1x32xf32, #tpu.memory_space<vmem>>
      %dma_start3A_462 = tpu.memref_squeeze %dma_start3A_461 : memref<1x1x1x32xf32, #tpu.memory_space<vmem>> -> memref<32xf32, #tpu.memory_space<vmem>>
      %dma_start3A_463 = arith.constant 0 : i32
      %dma_start3A_464 = tpu.memref_slice %arg3[%dma_start3A_451, %squeeze3A_450, %dma_start3A_463] : memref<26x100001x32xf32, #tpu.memory_space<hbm>> -> memref<1x1x32xf32, #tpu.memory_space<hbm>>
      %dma_start3A_465 = tpu.memref_squeeze %dma_start3A_464 : memref<1x1x32xf32, #tpu.memory_space<hbm>> -> memref<32xf32, #tpu.memory_space<hbm>>
      tpu.enqueue_dma source(%dma_start3A_465 : memref<32xf32, #tpu.memory_space<hbm>>) target(%dma_start3A_462 : memref<32xf32, #tpu.memory_space<vmem>>) target_semaphore(%arg9 : memref<!tpu.dma_semaphore, #tpu.memory_space<semaphore_mem>>)
      %slice3A_466 = vector.extract_strided_slice %get3A_127 {offsets = [10], sizes = [1], strides = [1]} : vector<16xi32> to vector<1xi32>
      %squeeze3A_467 = vector.extract %slice3A_466[0] : i32 from vector<1xi32>
      %dma_start3A_468 = arith.constant 20 : i32
      %dma_start3A_469 = arith.constant 0 : i32
      %dma_start3A_470 = arith.constant 20 : i32
      %dma_start3A_471 = arith.constant 0 : i32
      %dma_start3A_472 = tpu.memref_slice %arg6[%dma_start3A_469, %scan3A_116, %dma_start3A_470, %dma_start3A_471] : memref<2x8x26x32xf32, #tpu.memory_space<vmem>> -> memref<1x1x1x32xf32, #tpu.memory_space<vmem>>
      %dma_start3A_473 = tpu.memref_squeeze %dma_start3A_472 : memref<1x1x1x32xf32, #tpu.memory_space<vmem>> -> memref<32xf32, #tpu.memory_space<vmem>>
      %dma_start3A_474 = arith.constant 0 : i32
      %dma_start3A_475 = tpu.memref_slice %arg3[%dma_start3A_468, %squeeze3A_467, %dma_start3A_474] : memref<26x100001x32xf32, #tpu.memory_space<hbm>> -> memref<1x1x32xf32, #tpu.memory_space<hbm>>
      %dma_start3A_476 = tpu.memref_squeeze %dma_start3A_475 : memref<1x1x32xf32, #tpu.memory_space<hbm>> -> memref<32xf32, #tpu.memory_space<hbm>>
      %dma_start3A_477 = arith.constant 0 : i32
      %dma_start3A_478 = tpu.memref_slice %arg6[%dma_start3A_469, %scan3A_116, %dma_start3A_470, %dma_start3A_477] : memref<2x8x26x32xf32, #tpu.memory_space<vmem>> -> memref<1x1x1x32xf32, #tpu.memory_space<vmem>>
      %dma_start3A_479 = tpu.memref_squeeze %dma_start3A_478 : memref<1x1x1x32xf32, #tpu.memory_space<vmem>> -> memref<32xf32, #tpu.memory_space<vmem>>
      %dma_start3A_480 = arith.constant 0 : i32
      %dma_start3A_481 = tpu.memref_slice %arg3[%dma_start3A_468, %squeeze3A_467, %dma_start3A_480] : memref<26x100001x32xf32, #tpu.memory_space<hbm>> -> memref<1x1x32xf32, #tpu.memory_space<hbm>>
      %dma_start3A_482 = tpu.memref_squeeze %dma_start3A_481 : memref<1x1x32xf32, #tpu.memory_space<hbm>> -> memref<32xf32, #tpu.memory_space<hbm>>
      tpu.enqueue_dma source(%dma_start3A_482 : memref<32xf32, #tpu.memory_space<hbm>>) target(%dma_start3A_479 : memref<32xf32, #tpu.memory_space<vmem>>) target_semaphore(%arg9 : memref<!tpu.dma_semaphore, #tpu.memory_space<semaphore_mem>>)
      %slice3A_483 = vector.extract_strided_slice %get3A_127 {offsets = [11], sizes = [1], strides = [1]} : vector<16xi32> to vector<1xi32>
      %squeeze3A_484 = vector.extract %slice3A_483[0] : i32 from vector<1xi32>
      %dma_start3A_485 = arith.constant 21 : i32
      %dma_start3A_486 = arith.constant 0 : i32
      %dma_start3A_487 = arith.constant 21 : i32
      %dma_start3A_488 = arith.constant 0 : i32
      %dma_start3A_489 = tpu.memref_slice %arg6[%dma_start3A_486, %scan3A_116, %dma_start3A_487, %dma_start3A_488] : memref<2x8x26x32xf32, #tpu.memory_space<vmem>> -> memref<1x1x1x32xf32, #tpu.memory_space<vmem>>
      %dma_start3A_490 = tpu.memref_squeeze %dma_start3A_489 : memref<1x1x1x32xf32, #tpu.memory_space<vmem>> -> memref<32xf32, #tpu.memory_space<vmem>>
      %dma_start3A_491 = arith.constant 0 : i32
      %dma_start3A_492 = tpu.memref_slice %arg3[%dma_start3A_485, %squeeze3A_484, %dma_start3A_491] : memref<26x100001x32xf32, #tpu.memory_space<hbm>> -> memref<1x1x32xf32, #tpu.memory_space<hbm>>
      %dma_start3A_493 = tpu.memref_squeeze %dma_start3A_492 : memref<1x1x32xf32, #tpu.memory_space<hbm>> -> memref<32xf32, #tpu.memory_space<hbm>>
      %dma_start3A_494 = arith.constant 0 : i32
      %dma_start3A_495 = tpu.memref_slice %arg6[%dma_start3A_486, %scan3A_116, %dma_start3A_487, %dma_start3A_494] : memref<2x8x26x32xf32, #tpu.memory_space<vmem>> -> memref<1x1x1x32xf32, #tpu.memory_space<vmem>>
      %dma_start3A_496 = tpu.memref_squeeze %dma_start3A_495 : memref<1x1x1x32xf32, #tpu.memory_space<vmem>> -> memref<32xf32, #tpu.memory_space<vmem>>
      %dma_start3A_497 = arith.constant 0 : i32
      %dma_start3A_498 = tpu.memref_slice %arg3[%dma_start3A_485, %squeeze3A_484, %dma_start3A_497] : memref<26x100001x32xf32, #tpu.memory_space<hbm>> -> memref<1x1x32xf32, #tpu.memory_space<hbm>>
      %dma_start3A_499 = tpu.memref_squeeze %dma_start3A_498 : memref<1x1x32xf32, #tpu.memory_space<hbm>> -> memref<32xf32, #tpu.memory_space<hbm>>
      tpu.enqueue_dma source(%dma_start3A_499 : memref<32xf32, #tpu.memory_space<hbm>>) target(%dma_start3A_496 : memref<32xf32, #tpu.memory_space<vmem>>) target_semaphore(%arg9 : memref<!tpu.dma_semaphore, #tpu.memory_space<semaphore_mem>>)
      %slice3A_500 = vector.extract_strided_slice %get3A_127 {offsets = [12], sizes = [1], strides = [1]} : vector<16xi32> to vector<1xi32>
      %squeeze3A_501 = vector.extract %slice3A_500[0] : i32 from vector<1xi32>
      %dma_start3A_502 = arith.constant 22 : i32
      %dma_start3A_503 = arith.constant 0 : i32
      %dma_start3A_504 = arith.constant 22 : i32
      %dma_start3A_505 = arith.constant 0 : i32
      %dma_start3A_506 = tpu.memref_slice %arg6[%dma_start3A_503, %scan3A_116, %dma_start3A_504, %dma_start3A_505] : memref<2x8x26x32xf32, #tpu.memory_space<vmem>> -> memref<1x1x1x32xf32, #tpu.memory_space<vmem>>
      %dma_start3A_507 = tpu.memref_squeeze %dma_start3A_506 : memref<1x1x1x32xf32, #tpu.memory_space<vmem>> -> memref<32xf32, #tpu.memory_space<vmem>>
      %dma_start3A_508 = arith.constant 0 : i32
      %dma_start3A_509 = tpu.memref_slice %arg3[%dma_start3A_502, %squeeze3A_501, %dma_start3A_508] : memref<26x100001x32xf32, #tpu.memory_space<hbm>> -> memref<1x1x32xf32, #tpu.memory_space<hbm>>
      %dma_start3A_510 = tpu.memref_squeeze %dma_start3A_509 : memref<1x1x32xf32, #tpu.memory_space<hbm>> -> memref<32xf32, #tpu.memory_space<hbm>>
      %dma_start3A_511 = arith.constant 0 : i32
      %dma_start3A_512 = tpu.memref_slice %arg6[%dma_start3A_503, %scan3A_116, %dma_start3A_504, %dma_start3A_511] : memref<2x8x26x32xf32, #tpu.memory_space<vmem>> -> memref<1x1x1x32xf32, #tpu.memory_space<vmem>>
      %dma_start3A_513 = tpu.memref_squeeze %dma_start3A_512 : memref<1x1x1x32xf32, #tpu.memory_space<vmem>> -> memref<32xf32, #tpu.memory_space<vmem>>
      %dma_start3A_514 = arith.constant 0 : i32
      %dma_start3A_515 = tpu.memref_slice %arg3[%dma_start3A_502, %squeeze3A_501, %dma_start3A_514] : memref<26x100001x32xf32, #tpu.memory_space<hbm>> -> memref<1x1x32xf32, #tpu.memory_space<hbm>>
      %dma_start3A_516 = tpu.memref_squeeze %dma_start3A_515 : memref<1x1x32xf32, #tpu.memory_space<hbm>> -> memref<32xf32, #tpu.memory_space<hbm>>
      tpu.enqueue_dma source(%dma_start3A_516 : memref<32xf32, #tpu.memory_space<hbm>>) target(%dma_start3A_513 : memref<32xf32, #tpu.memory_space<vmem>>) target_semaphore(%arg9 : memref<!tpu.dma_semaphore, #tpu.memory_space<semaphore_mem>>)
      %slice3A_517 = vector.extract_strided_slice %get3A_127 {offsets = [13], sizes = [1], strides = [1]} : vector<16xi32> to vector<1xi32>
      %squeeze3A_518 = vector.extract %slice3A_517[0] : i32 from vector<1xi32>
      %dma_start3A_519 = arith.constant 23 : i32
      %dma_start3A_520 = arith.constant 0 : i32
      %dma_start3A_521 = arith.constant 23 : i32
      %dma_start3A_522 = arith.constant 0 : i32
      %dma_start3A_523 = tpu.memref_slice %arg6[%dma_start3A_520, %scan3A_116, %dma_start3A_521, %dma_start3A_522] : memref<2x8x26x32xf32, #tpu.memory_space<vmem>> -> memref<1x1x1x32xf32, #tpu.memory_space<vmem>>
      %dma_start3A_524 = tpu.memref_squeeze %dma_start3A_523 : memref<1x1x1x32xf32, #tpu.memory_space<vmem>> -> memref<32xf32, #tpu.memory_space<vmem>>
      %dma_start3A_525 = arith.constant 0 : i32
      %dma_start3A_526 = tpu.memref_slice %arg3[%dma_start3A_519, %squeeze3A_518, %dma_start3A_525] : memref<26x100001x32xf32, #tpu.memory_space<hbm>> -> memref<1x1x32xf32, #tpu.memory_space<hbm>>
      %dma_start3A_527 = tpu.memref_squeeze %dma_start3A_526 : memref<1x1x32xf32, #tpu.memory_space<hbm>> -> memref<32xf32, #tpu.memory_space<hbm>>
      %dma_start3A_528 = arith.constant 0 : i32
      %dma_start3A_529 = tpu.memref_slice %arg6[%dma_start3A_520, %scan3A_116, %dma_start3A_521, %dma_start3A_528] : memref<2x8x26x32xf32, #tpu.memory_space<vmem>> -> memref<1x1x1x32xf32, #tpu.memory_space<vmem>>
      %dma_start3A_530 = tpu.memref_squeeze %dma_start3A_529 : memref<1x1x1x32xf32, #tpu.memory_space<vmem>> -> memref<32xf32, #tpu.memory_space<vmem>>
      %dma_start3A_531 = arith.constant 0 : i32
      %dma_start3A_532 = tpu.memref_slice %arg3[%dma_start3A_519, %squeeze3A_518, %dma_start3A_531] : memref<26x100001x32xf32, #tpu.memory_space<hbm>> -> memref<1x1x32xf32, #tpu.memory_space<hbm>>
      %dma_start3A_533 = tpu.memref_squeeze %dma_start3A_532 : memref<1x1x32xf32, #tpu.memory_space<hbm>> -> memref<32xf32, #tpu.memory_space<hbm>>
      tpu.enqueue_dma source(%dma_start3A_533 : memref<32xf32, #tpu.memory_space<hbm>>) target(%dma_start3A_530 : memref<32xf32, #tpu.memory_space<vmem>>) target_semaphore(%arg9 : memref<!tpu.dma_semaphore, #tpu.memory_space<semaphore_mem>>)
      %slice3A_534 = vector.extract_strided_slice %get3A_127 {offsets = [14], sizes = [1], strides = [1]} : vector<16xi32> to vector<1xi32>
      %squeeze3A_535 = vector.extract %slice3A_534[0] : i32 from vector<1xi32>
      %dma_start3A_536 = arith.constant 24 : i32
      %dma_start3A_537 = arith.constant 0 : i32
      %dma_start3A_538 = arith.constant 24 : i32
      %dma_start3A_539 = arith.constant 0 : i32
      %dma_start3A_540 = tpu.memref_slice %arg6[%dma_start3A_537, %scan3A_116, %dma_start3A_538, %dma_start3A_539] : memref<2x8x26x32xf32, #tpu.memory_space<vmem>> -> memref<1x1x1x32xf32, #tpu.memory_space<vmem>>
      %dma_start3A_541 = tpu.memref_squeeze %dma_start3A_540 : memref<1x1x1x32xf32, #tpu.memory_space<vmem>> -> memref<32xf32, #tpu.memory_space<vmem>>
      %dma_start3A_542 = arith.constant 0 : i32
      %dma_start3A_543 = tpu.memref_slice %arg3[%dma_start3A_536, %squeeze3A_535, %dma_start3A_542] : memref<26x100001x32xf32, #tpu.memory_space<hbm>> -> memref<1x1x32xf32, #tpu.memory_space<hbm>>
      %dma_start3A_544 = tpu.memref_squeeze %dma_start3A_543 : memref<1x1x32xf32, #tpu.memory_space<hbm>> -> memref<32xf32, #tpu.memory_space<hbm>>
      %dma_start3A_545 = arith.constant 0 : i32
      %dma_start3A_546 = tpu.memref_slice %arg6[%dma_start3A_537, %scan3A_116, %dma_start3A_538, %dma_start3A_545] : memref<2x8x26x32xf32, #tpu.memory_space<vmem>> -> memref<1x1x1x32xf32, #tpu.memory_space<vmem>>
      %dma_start3A_547 = tpu.memref_squeeze %dma_start3A_546 : memref<1x1x1x32xf32, #tpu.memory_space<vmem>> -> memref<32xf32, #tpu.memory_space<vmem>>
      %dma_start3A_548 = arith.constant 0 : i32
      %dma_start3A_549 = tpu.memref_slice %arg3[%dma_start3A_536, %squeeze3A_535, %dma_start3A_548] : memref<26x100001x32xf32, #tpu.memory_space<hbm>> -> memref<1x1x32xf32, #tpu.memory_space<hbm>>
      %dma_start3A_550 = tpu.memref_squeeze %dma_start3A_549 : memref<1x1x32xf32, #tpu.memory_space<hbm>> -> memref<32xf32, #tpu.memory_space<hbm>>
      tpu.enqueue_dma source(%dma_start3A_550 : memref<32xf32, #tpu.memory_space<hbm>>) target(%dma_start3A_547 : memref<32xf32, #tpu.memory_space<vmem>>) target_semaphore(%arg9 : memref<!tpu.dma_semaphore, #tpu.memory_space<semaphore_mem>>)
      %slice3A_551 = vector.extract_strided_slice %get3A_127 {offsets = [15], sizes = [1], strides = [1]} : vector<16xi32> to vector<1xi32>
      %squeeze3A_552 = vector.extract %slice3A_551[0] : i32 from vector<1xi32>
      %dma_start3A_553 = arith.constant 25 : i32
      %dma_start3A_554 = arith.constant 0 : i32
      %dma_start3A_555 = arith.constant 25 : i32
      %dma_start3A_556 = arith.constant 0 : i32
      %dma_start3A_557 = tpu.memref_slice %arg6[%dma_start3A_554, %scan3A_116, %dma_start3A_555, %dma_start3A_556] : memref<2x8x26x32xf32, #tpu.memory_space<vmem>> -> memref<1x1x1x32xf32, #tpu.memory_space<vmem>>
      %dma_start3A_558 = tpu.memref_squeeze %dma_start3A_557 : memref<1x1x1x32xf32, #tpu.memory_space<vmem>> -> memref<32xf32, #tpu.memory_space<vmem>>
      %dma_start3A_559 = arith.constant 0 : i32
      %dma_start3A_560 = tpu.memref_slice %arg3[%dma_start3A_553, %squeeze3A_552, %dma_start3A_559] : memref<26x100001x32xf32, #tpu.memory_space<hbm>> -> memref<1x1x32xf32, #tpu.memory_space<hbm>>
      %dma_start3A_561 = tpu.memref_squeeze %dma_start3A_560 : memref<1x1x32xf32, #tpu.memory_space<hbm>> -> memref<32xf32, #tpu.memory_space<hbm>>
      %dma_start3A_562 = arith.constant 0 : i32
      %dma_start3A_563 = tpu.memref_slice %arg6[%dma_start3A_554, %scan3A_116, %dma_start3A_555, %dma_start3A_562] : memref<2x8x26x32xf32, #tpu.memory_space<vmem>> -> memref<1x1x1x32xf32, #tpu.memory_space<vmem>>
      %dma_start3A_564 = tpu.memref_squeeze %dma_start3A_563 : memref<1x1x1x32xf32, #tpu.memory_space<vmem>> -> memref<32xf32, #tpu.memory_space<vmem>>
      %dma_start3A_565 = arith.constant 0 : i32
      %dma_start3A_566 = tpu.memref_slice %arg3[%dma_start3A_553, %squeeze3A_552, %dma_start3A_565] : memref<26x100001x32xf32, #tpu.memory_space<hbm>> -> memref<1x1x32xf32, #tpu.memory_space<hbm>>
      %dma_start3A_567 = tpu.memref_squeeze %dma_start3A_566 : memref<1x1x32xf32, #tpu.memory_space<hbm>> -> memref<32xf32, #tpu.memory_space<hbm>>
      tpu.enqueue_dma source(%dma_start3A_567 : memref<32xf32, #tpu.memory_space<hbm>>) target(%dma_start3A_564 : memref<32xf32, #tpu.memory_space<vmem>>) target_semaphore(%arg9 : memref<!tpu.dma_semaphore, #tpu.memory_space<semaphore_mem>>)
    }
    %scan3A_50 = arith.constant 8 : i32
    %dma_wait3A_51 = arith.constant 1 : i32
    %dma_wait3A_52 = arith.constant 0 : i32
    %dma_wait3A_53 = arith.constant 0 : i32
    %dma_wait3A_54 = tpu.memref_slice %arg5[%dma_wait3A_51, %dma_wait3A_52, %dma_wait3A_53] : memref<2x8x26xi32, #tpu.memory_space<vmem>> -> memref<1x8x26xi32, #tpu.memory_space<vmem>>
    %dma_wait3A_55 = tpu.memref_squeeze %dma_wait3A_54 : memref<1x8x26xi32, #tpu.memory_space<vmem>> -> memref<8x26xi32, #tpu.memory_space<vmem>>
    %dma_wait3A_56 = arith.constant 0 : i32
    %dma_wait3A_57 = arith.constant 0 : i32
    %dma_wait3A_58 = tpu.memref_slice %arg2[%dma_wait3A_56, %dma_wait3A_57] : memref<16384x26xi32, #tpu.memory_space<hbm>> -> memref<8x26xi32, #tpu.memory_space<hbm>>
    %dma_wait3A_59 = arith.constant 0 : i32
    %dma_wait3A_60 = arith.constant 0 : i32
    %dma_wait3A_61 = tpu.memref_slice %arg5[%dma_wait3A_51, %dma_wait3A_59, %dma_wait3A_60] : memref<2x8x26xi32, #tpu.memory_space<vmem>> -> memref<1x8x26xi32, #tpu.memory_space<vmem>>
    %dma_wait3A_62 = tpu.memref_squeeze %dma_wait3A_61 : memref<1x8x26xi32, #tpu.memory_space<vmem>> -> memref<8x26xi32, #tpu.memory_space<vmem>>
    %dma_wait3A_63 = arith.constant 0 : i32
    %dma_wait3A_64 = arith.constant 0 : i32
    %dma_wait3A_65 = tpu.memref_slice %arg2[%dma_wait3A_63, %dma_wait3A_64] : memref<16384x26xi32, #tpu.memory_space<hbm>> -> memref<8x26xi32, #tpu.memory_space<hbm>>
    tpu.wait_dma2 semaphore(%arg8 : memref<!tpu.dma_semaphore, #tpu.memory_space<semaphore_mem>>) src(%dma_wait3A_65 : memref<8x26xi32, #tpu.memory_space<hbm>>) dst(%dma_wait3A_62 : memref<8x26xi32, #tpu.memory_space<vmem>>)
    %scan3A_66 = arith.constant 0 : i32
    %scan3A_67 = arith.constant 0 : i32
    %scan3A_68 = arith.constant 8 : i32
    %scan3A_69 = arith.addi %scan3A_67, %scan3A_68 : i32
    %scan3A_70 = arith.constant 1 : i32
    scf.for %scan3A_116 = %scan3A_67 to %scan3A_69 step %scan3A_70  : i32 {
      %get3A = arith.constant 1 : i32
      %get3A_117 = arith.index_cast %get3A : i32 to index
      %get3A_118 = arith.index_cast %scan3A_116 : i32 to index
      %get3A_119 = arith.constant 0 : index
      %get3A_120 = tpu.vector_load %arg5[%get3A_117, %get3A_118, %get3A_119] {strides = array<i32>} : memref<2x8x26xi32, #tpu.memory_space<vmem>>, vector<1x1x16xi32>,
      %get3A_121 = vector.shape_cast %get3A_120 : vector<1x1x16xi32> to vector<16xi32>
      %get3A_122 = arith.constant 1 : i32
      %get3A_123 = arith.index_cast %get3A_122 : i32 to index
      %get3A_124 = arith.index_cast %scan3A_116 : i32 to index
      %get3A_125 = arith.constant 10 : index
      %get3A_126 = tpu.vector_load %arg5[%get3A_123, %get3A_124, %get3A_125] {strides = array<i32>} : memref<2x8x26xi32, #tpu.memory_space<vmem>>, vector<1x1x16xi32>,
      %get3A_127 = vector.shape_cast %get3A_126 : vector<1x1x16xi32> to vector<16xi32>
      %slice3A = vector.extract_strided_slice %get3A_121 {offsets = [0], sizes = [1], strides = [1]} : vector<16xi32> to vector<1xi32>
      %squeeze3A = vector.extract %slice3A[0] : i32 from vector<1xi32>
      %dma_start3A_128 = arith.constant 0 : i32
      %dma_start3A_129 = arith.constant 1 : i32
      %dma_start3A_130 = arith.constant 0 : i32
      %dma_start3A_131 = arith.constant 0 : i32
      %dma_start3A_132 = tpu.memref_slice %arg6[%dma_start3A_129, %scan3A_116, %dma_start3A_130, %dma_start3A_131] : memref<2x8x26x32xf32, #tpu.memory_space<vmem>> -> memref<1x1x1x32xf32, #tpu.memory_space<vmem>>
      %dma_start3A_133 = tpu.memref_squeeze %dma_start3A_132 : memref<1x1x1x32xf32, #tpu.memory_space<vmem>> -> memref<32xf32, #tpu.memory_space<vmem>>
      %dma_start3A_134 = arith.constant 0 : i32
      %dma_start3A_135 = tpu.memref_slice %arg3[%dma_start3A_128, %squeeze3A, %dma_start3A_134] : memref<26x100001x32xf32, #tpu.memory_space<hbm>> -> memref<1x1x32xf32, #tpu.memory_space<hbm>>
      %dma_start3A_136 = tpu.memref_squeeze %dma_start3A_135 : memref<1x1x32xf32, #tpu.memory_space<hbm>> -> memref<32xf32, #tpu.memory_space<hbm>>
      %dma_start3A_137 = arith.constant 0 : i32
      %dma_start3A_138 = tpu.memref_slice %arg6[%dma_start3A_129, %scan3A_116, %dma_start3A_130, %dma_start3A_137] : memref<2x8x26x32xf32, #tpu.memory_space<vmem>> -> memref<1x1x1x32xf32, #tpu.memory_space<vmem>>
      %dma_start3A_139 = tpu.memref_squeeze %dma_start3A_138 : memref<1x1x1x32xf32, #tpu.memory_space<vmem>> -> memref<32xf32, #tpu.memory_space<vmem>>
      %dma_start3A_140 = arith.constant 0 : i32
      %dma_start3A_141 = tpu.memref_slice %arg3[%dma_start3A_128, %squeeze3A, %dma_start3A_140] : memref<26x100001x32xf32, #tpu.memory_space<hbm>> -> memref<1x1x32xf32, #tpu.memory_space<hbm>>
      %dma_start3A_142 = tpu.memref_squeeze %dma_start3A_141 : memref<1x1x32xf32, #tpu.memory_space<hbm>> -> memref<32xf32, #tpu.memory_space<hbm>>
      tpu.enqueue_dma source(%dma_start3A_142 : memref<32xf32, #tpu.memory_space<hbm>>) target(%dma_start3A_139 : memref<32xf32, #tpu.memory_space<vmem>>) target_semaphore(%arg10 : memref<!tpu.dma_semaphore, #tpu.memory_space<semaphore_mem>>)
      %slice3A_143 = vector.extract_strided_slice %get3A_121 {offsets = [1], sizes = [1], strides = [1]} : vector<16xi32> to vector<1xi32>
      %squeeze3A_144 = vector.extract %slice3A_143[0] : i32 from vector<1xi32>
      %dma_start3A_145 = arith.constant 1 : i32
      %dma_start3A_146 = arith.constant 1 : i32
      %dma_start3A_147 = arith.constant 1 : i32
      %dma_start3A_148 = arith.constant 0 : i32
      %dma_start3A_149 = tpu.memref_slice %arg6[%dma_start3A_146, %scan3A_116, %dma_start3A_147, %dma_start3A_148] : memref<2x8x26x32xf32, #tpu.memory_space<vmem>> -> memref<1x1x1x32xf32, #tpu.memory_space<vmem>>
      %dma_start3A_150 = tpu.memref_squeeze %dma_start3A_149 : memref<1x1x1x32xf32, #tpu.memory_space<vmem>> -> memref<32xf32, #tpu.memory_space<vmem>>
      %dma_start3A_151 = arith.constant 0 : i32
      %dma_start3A_152 = tpu.memref_slice %arg3[%dma_start3A_145, %squeeze3A_144, %dma_start3A_151] : memref<26x100001x32xf32, #tpu.memory_space<hbm>> -> memref<1x1x32xf32, #tpu.memory_space<hbm>>
      %dma_start3A_153 = tpu.memref_squeeze %dma_start3A_152 : memref<1x1x32xf32, #tpu.memory_space<hbm>> -> memref<32xf32, #tpu.memory_space<hbm>>
      %dma_start3A_154 = arith.constant 0 : i32
      %dma_start3A_155 = tpu.memref_slice %arg6[%dma_start3A_146, %scan3A_116, %dma_start3A_147, %dma_start3A_154] : memref<2x8x26x32xf32, #tpu.memory_space<vmem>> -> memref<1x1x1x32xf32, #tpu.memory_space<vmem>>
      %dma_start3A_156 = tpu.memref_squeeze %dma_start3A_155 : memref<1x1x1x32xf32, #tpu.memory_space<vmem>> -> memref<32xf32, #tpu.memory_space<vmem>>
      %dma_start3A_157 = arith.constant 0 : i32
      %dma_start3A_158 = tpu.memref_slice %arg3[%dma_start3A_145, %squeeze3A_144, %dma_start3A_157] : memref<26x100001x32xf32, #tpu.memory_space<hbm>> -> memref<1x1x32xf32, #tpu.memory_space<hbm>>
      %dma_start3A_159 = tpu.memref_squeeze %dma_start3A_158 : memref<1x1x32xf32, #tpu.memory_space<hbm>> -> memref<32xf32, #tpu.memory_space<hbm>>
      tpu.enqueue_dma source(%dma_start3A_159 : memref<32xf32, #tpu.memory_space<hbm>>) target(%dma_start3A_156 : memref<32xf32, #tpu.memory_space<vmem>>) target_semaphore(%arg10 : memref<!tpu.dma_semaphore, #tpu.memory_space<semaphore_mem>>)
      %slice3A_160 = vector.extract_strided_slice %get3A_121 {offsets = [2], sizes = [1], strides = [1]} : vector<16xi32> to vector<1xi32>
      %squeeze3A_161 = vector.extract %slice3A_160[0] : i32 from vector<1xi32>
      %dma_start3A_162 = arith.constant 2 : i32
      %dma_start3A_163 = arith.constant 1 : i32
      %dma_start3A_164 = arith.constant 2 : i32
      %dma_start3A_165 = arith.constant 0 : i32
      %dma_start3A_166 = tpu.memref_slice %arg6[%dma_start3A_163, %scan3A_116, %dma_start3A_164, %dma_start3A_165] : memref<2x8x26x32xf32, #tpu.memory_space<vmem>> -> memref<1x1x1x32xf32, #tpu.memory_space<vmem>>
      %dma_start3A_167 = tpu.memref_squeeze %dma_start3A_166 : memref<1x1x1x32xf32, #tpu.memory_space<vmem>> -> memref<32xf32, #tpu.memory_space<vmem>>
      %dma_start3A_168 = arith.constant 0 : i32
      %dma_start3A_169 = tpu.memref_slice %arg3[%dma_start3A_162, %squeeze3A_161, %dma_start3A_168] : memref<26x100001x32xf32, #tpu.memory_space<hbm>> -> memref<1x1x32xf32, #tpu.memory_space<hbm>>
      %dma_start3A_170 = tpu.memref_squeeze %dma_start3A_169 : memref<1x1x32xf32, #tpu.memory_space<hbm>> -> memref<32xf32, #tpu.memory_space<hbm>>
      %dma_start3A_171 = arith.constant 0 : i32
      %dma_start3A_172 = tpu.memref_slice %arg6[%dma_start3A_163, %scan3A_116, %dma_start3A_164, %dma_start3A_171] : memref<2x8x26x32xf32, #tpu.memory_space<vmem>> -> memref<1x1x1x32xf32, #tpu.memory_space<vmem>>
      %dma_start3A_173 = tpu.memref_squeeze %dma_start3A_172 : memref<1x1x1x32xf32, #tpu.memory_space<vmem>> -> memref<32xf32, #tpu.memory_space<vmem>>
      %dma_start3A_174 = arith.constant 0 : i32
      %dma_start3A_175 = tpu.memref_slice %arg3[%dma_start3A_162, %squeeze3A_161, %dma_start3A_174] : memref<26x100001x32xf32, #tpu.memory_space<hbm>> -> memref<1x1x32xf32, #tpu.memory_space<hbm>>
      %dma_start3A_176 = tpu.memref_squeeze %dma_start3A_175 : memref<1x1x32xf32, #tpu.memory_space<hbm>> -> memref<32xf32, #tpu.memory_space<hbm>>
      tpu.enqueue_dma source(%dma_start3A_176 : memref<32xf32, #tpu.memory_space<hbm>>) target(%dma_start3A_173 : memref<32xf32, #tpu.memory_space<vmem>>) target_semaphore(%arg10 : memref<!tpu.dma_semaphore, #tpu.memory_space<semaphore_mem>>)
      %slice3A_177 = vector.extract_strided_slice %get3A_121 {offsets = [3], sizes = [1], strides = [1]} : vector<16xi32> to vector<1xi32>
      %squeeze3A_178 = vector.extract %slice3A_177[0] : i32 from vector<1xi32>
      %dma_start3A_179 = arith.constant 3 : i32
      %dma_start3A_180 = arith.constant 1 : i32
      %dma_start3A_181 = arith.constant 3 : i32
      %dma_start3A_182 = arith.constant 0 : i32
      %dma_start3A_183 = tpu.memref_slice %arg6[%dma_start3A_180, %scan3A_116, %dma_start3A_181, %dma_start3A_182] : memref<2x8x26x32xf32, #tpu.memory_space<vmem>> -> memref<1x1x1x32xf32, #tpu.memory_space<vmem>>
      %dma_start3A_184 = tpu.memref_squeeze %dma_start3A_183 : memref<1x1x1x32xf32, #tpu.memory_space<vmem>> -> memref<32xf32, #tpu.memory_space<vmem>>
      %dma_start3A_185 = arith.constant 0 : i32
      %dma_start3A_186 = tpu.memref_slice %arg3[%dma_start3A_179, %squeeze3A_178, %dma_start3A_185] : memref<26x100001x32xf32, #tpu.memory_space<hbm>> -> memref<1x1x32xf32, #tpu.memory_space<hbm>>
      %dma_start3A_187 = tpu.memref_squeeze %dma_start3A_186 : memref<1x1x32xf32, #tpu.memory_space<hbm>> -> memref<32xf32, #tpu.memory_space<hbm>>
      %dma_start3A_188 = arith.constant 0 : i32
      %dma_start3A_189 = tpu.memref_slice %arg6[%dma_start3A_180, %scan3A_116, %dma_start3A_181, %dma_start3A_188] : memref<2x8x26x32xf32, #tpu.memory_space<vmem>> -> memref<1x1x1x32xf32, #tpu.memory_space<vmem>>
      %dma_start3A_190 = tpu.memref_squeeze %dma_start3A_189 : memref<1x1x1x32xf32, #tpu.memory_space<vmem>> -> memref<32xf32, #tpu.memory_space<vmem>>
      %dma_start3A_191 = arith.constant 0 : i32
      %dma_start3A_192 = tpu.memref_slice %arg3[%dma_start3A_179, %squeeze3A_178, %dma_start3A_191] : memref<26x100001x32xf32, #tpu.memory_space<hbm>> -> memref<1x1x32xf32, #tpu.memory_space<hbm>>
      %dma_start3A_193 = tpu.memref_squeeze %dma_start3A_192 : memref<1x1x32xf32, #tpu.memory_space<hbm>> -> memref<32xf32, #tpu.memory_space<hbm>>
      tpu.enqueue_dma source(%dma_start3A_193 : memref<32xf32, #tpu.memory_space<hbm>>) target(%dma_start3A_190 : memref<32xf32, #tpu.memory_space<vmem>>) target_semaphore(%arg10 : memref<!tpu.dma_semaphore, #tpu.memory_space<semaphore_mem>>)
      %slice3A_194 = vector.extract_strided_slice %get3A_121 {offsets = [4], sizes = [1], strides = [1]} : vector<16xi32> to vector<1xi32>
      %squeeze3A_195 = vector.extract %slice3A_194[0] : i32 from vector<1xi32>
      %dma_start3A_196 = arith.constant 4 : i32
      %dma_start3A_197 = arith.constant 1 : i32
      %dma_start3A_198 = arith.constant 4 : i32
      %dma_start3A_199 = arith.constant 0 : i32
      %dma_start3A_200 = tpu.memref_slice %arg6[%dma_start3A_197, %scan3A_116, %dma_start3A_198, %dma_start3A_199] : memref<2x8x26x32xf32, #tpu.memory_space<vmem>> -> memref<1x1x1x32xf32, #tpu.memory_space<vmem>>
      %dma_start3A_201 = tpu.memref_squeeze %dma_start3A_200 : memref<1x1x1x32xf32, #tpu.memory_space<vmem>> -> memref<32xf32, #tpu.memory_space<vmem>>
      %dma_start3A_202 = arith.constant 0 : i32
      %dma_start3A_203 = tpu.memref_slice %arg3[%dma_start3A_196, %squeeze3A_195, %dma_start3A_202] : memref<26x100001x32xf32, #tpu.memory_space<hbm>> -> memref<1x1x32xf32, #tpu.memory_space<hbm>>
      %dma_start3A_204 = tpu.memref_squeeze %dma_start3A_203 : memref<1x1x32xf32, #tpu.memory_space<hbm>> -> memref<32xf32, #tpu.memory_space<hbm>>
      %dma_start3A_205 = arith.constant 0 : i32
      %dma_start3A_206 = tpu.memref_slice %arg6[%dma_start3A_197, %scan3A_116, %dma_start3A_198, %dma_start3A_205] : memref<2x8x26x32xf32, #tpu.memory_space<vmem>> -> memref<1x1x1x32xf32, #tpu.memory_space<vmem>>
      %dma_start3A_207 = tpu.memref_squeeze %dma_start3A_206 : memref<1x1x1x32xf32, #tpu.memory_space<vmem>> -> memref<32xf32, #tpu.memory_space<vmem>>
      %dma_start3A_208 = arith.constant 0 : i32
      %dma_start3A_209 = tpu.memref_slice %arg3[%dma_start3A_196, %squeeze3A_195, %dma_start3A_208] : memref<26x100001x32xf32, #tpu.memory_space<hbm>> -> memref<1x1x32xf32, #tpu.memory_space<hbm>>
      %dma_start3A_210 = tpu.memref_squeeze %dma_start3A_209 : memref<1x1x32xf32, #tpu.memory_space<hbm>> -> memref<32xf32, #tpu.memory_space<hbm>>
      tpu.enqueue_dma source(%dma_start3A_210 : memref<32xf32, #tpu.memory_space<hbm>>) target(%dma_start3A_207 : memref<32xf32, #tpu.memory_space<vmem>>) target_semaphore(%arg10 : memref<!tpu.dma_semaphore, #tpu.memory_space<semaphore_mem>>)
      %slice3A_211 = vector.extract_strided_slice %get3A_121 {offsets = [5], sizes = [1], strides = [1]} : vector<16xi32> to vector<1xi32>
      %squeeze3A_212 = vector.extract %slice3A_211[0] : i32 from vector<1xi32>
      %dma_start3A_213 = arith.constant 5 : i32
      %dma_start3A_214 = arith.constant 1 : i32
      %dma_start3A_215 = arith.constant 5 : i32
      %dma_start3A_216 = arith.constant 0 : i32
      %dma_start3A_217 = tpu.memref_slice %arg6[%dma_start3A_214, %scan3A_116, %dma_start3A_215, %dma_start3A_216] : memref<2x8x26x32xf32, #tpu.memory_space<vmem>> -> memref<1x1x1x32xf32, #tpu.memory_space<vmem>>
      %dma_start3A_218 = tpu.memref_squeeze %dma_start3A_217 : memref<1x1x1x32xf32, #tpu.memory_space<vmem>> -> memref<32xf32, #tpu.memory_space<vmem>>
      %dma_start3A_219 = arith.constant 0 : i32
      %dma_start3A_220 = tpu.memref_slice %arg3[%dma_start3A_213, %squeeze3A_212, %dma_start3A_219] : memref<26x100001x32xf32, #tpu.memory_space<hbm>> -> memref<1x1x32xf32, #tpu.memory_space<hbm>>
      %dma_start3A_221 = tpu.memref_squeeze %dma_start3A_220 : memref<1x1x32xf32, #tpu.memory_space<hbm>> -> memref<32xf32, #tpu.memory_space<hbm>>
      %dma_start3A_222 = arith.constant 0 : i32
      %dma_start3A_223 = tpu.memref_slice %arg6[%dma_start3A_214, %scan3A_116, %dma_start3A_215, %dma_start3A_222] : memref<2x8x26x32xf32, #tpu.memory_space<vmem>> -> memref<1x1x1x32xf32, #tpu.memory_space<vmem>>
      %dma_start3A_224 = tpu.memref_squeeze %dma_start3A_223 : memref<1x1x1x32xf32, #tpu.memory_space<vmem>> -> memref<32xf32, #tpu.memory_space<vmem>>
      %dma_start3A_225 = arith.constant 0 : i32
      %dma_start3A_226 = tpu.memref_slice %arg3[%dma_start3A_213, %squeeze3A_212, %dma_start3A_225] : memref<26x100001x32xf32, #tpu.memory_space<hbm>> -> memref<1x1x32xf32, #tpu.memory_space<hbm>>
      %dma_start3A_227 = tpu.memref_squeeze %dma_start3A_226 : memref<1x1x32xf32, #tpu.memory_space<hbm>> -> memref<32xf32, #tpu.memory_space<hbm>>
      tpu.enqueue_dma source(%dma_start3A_227 : memref<32xf32, #tpu.memory_space<hbm>>) target(%dma_start3A_224 : memref<32xf32, #tpu.memory_space<vmem>>) target_semaphore(%arg10 : memref<!tpu.dma_semaphore, #tpu.memory_space<semaphore_mem>>)
      %slice3A_228 = vector.extract_strided_slice %get3A_121 {offsets = [6], sizes = [1], strides = [1]} : vector<16xi32> to vector<1xi32>
      %squeeze3A_229 = vector.extract %slice3A_228[0] : i32 from vector<1xi32>
      %dma_start3A_230 = arith.constant 6 : i32
      %dma_start3A_231 = arith.constant 1 : i32
      %dma_start3A_232 = arith.constant 6 : i32
      %dma_start3A_233 = arith.constant 0 : i32
      %dma_start3A_234 = tpu.memref_slice %arg6[%dma_start3A_231, %scan3A_116, %dma_start3A_232, %dma_start3A_233] : memref<2x8x26x32xf32, #tpu.memory_space<vmem>> -> memref<1x1x1x32xf32, #tpu.memory_space<vmem>>
      %dma_start3A_235 = tpu.memref_squeeze %dma_start3A_234 : memref<1x1x1x32xf32, #tpu.memory_space<vmem>> -> memref<32xf32, #tpu.memory_space<vmem>>
      %dma_start3A_236 = arith.constant 0 : i32
      %dma_start3A_237 = tpu.memref_slice %arg3[%dma_start3A_230, %squeeze3A_229, %dma_start3A_236] : memref<26x100001x32xf32, #tpu.memory_space<hbm>> -> memref<1x1x32xf32, #tpu.memory_space<hbm>>
      %dma_start3A_238 = tpu.memref_squeeze %dma_start3A_237 : memref<1x1x32xf32, #tpu.memory_space<hbm>> -> memref<32xf32, #tpu.memory_space<hbm>>
      %dma_start3A_239 = arith.constant 0 : i32
      %dma_start3A_240 = tpu.memref_slice %arg6[%dma_start3A_231, %scan3A_116, %dma_start3A_232, %dma_start3A_239] : memref<2x8x26x32xf32, #tpu.memory_space<vmem>> -> memref<1x1x1x32xf32, #tpu.memory_space<vmem>>
      %dma_start3A_241 = tpu.memref_squeeze %dma_start3A_240 : memref<1x1x1x32xf32, #tpu.memory_space<vmem>> -> memref<32xf32, #tpu.memory_space<vmem>>
      %dma_start3A_242 = arith.constant 0 : i32
      %dma_start3A_243 = tpu.memref_slice %arg3[%dma_start3A_230, %squeeze3A_229, %dma_start3A_242] : memref<26x100001x32xf32, #tpu.memory_space<hbm>> -> memref<1x1x32xf32, #tpu.memory_space<hbm>>
      %dma_start3A_244 = tpu.memref_squeeze %dma_start3A_243 : memref<1x1x32xf32, #tpu.memory_space<hbm>> -> memref<32xf32, #tpu.memory_space<hbm>>
      tpu.enqueue_dma source(%dma_start3A_244 : memref<32xf32, #tpu.memory_space<hbm>>) target(%dma_start3A_241 : memref<32xf32, #tpu.memory_space<vmem>>) target_semaphore(%arg10 : memref<!tpu.dma_semaphore, #tpu.memory_space<semaphore_mem>>)
      %slice3A_245 = vector.extract_strided_slice %get3A_121 {offsets = [7], sizes = [1], strides = [1]} : vector<16xi32> to vector<1xi32>
      %squeeze3A_246 = vector.extract %slice3A_245[0] : i32 from vector<1xi32>
      %dma_start3A_247 = arith.constant 7 : i32
      %dma_start3A_248 = arith.constant 1 : i32
      %dma_start3A_249 = arith.constant 7 : i32
      %dma_start3A_250 = arith.constant 0 : i32
      %dma_start3A_251 = tpu.memref_slice %arg6[%dma_start3A_248, %scan3A_116, %dma_start3A_249, %dma_start3A_250] : memref<2x8x26x32xf32, #tpu.memory_space<vmem>> -> memref<1x1x1x32xf32, #tpu.memory_space<vmem>>
      %dma_start3A_252 = tpu.memref_squeeze %dma_start3A_251 : memref<1x1x1x32xf32, #tpu.memory_space<vmem>> -> memref<32xf32, #tpu.memory_space<vmem>>
      %dma_start3A_253 = arith.constant 0 : i32
      %dma_start3A_254 = tpu.memref_slice %arg3[%dma_start3A_247, %squeeze3A_246, %dma_start3A_253] : memref<26x100001x32xf32, #tpu.memory_space<hbm>> -> memref<1x1x32xf32, #tpu.memory_space<hbm>>
      %dma_start3A_255 = tpu.memref_squeeze %dma_start3A_254 : memref<1x1x32xf32, #tpu.memory_space<hbm>> -> memref<32xf32, #tpu.memory_space<hbm>>
      %dma_start3A_256 = arith.constant 0 : i32
      %dma_start3A_257 = tpu.memref_slice %arg6[%dma_start3A_248, %scan3A_116, %dma_start3A_249, %dma_start3A_256] : memref<2x8x26x32xf32, #tpu.memory_space<vmem>> -> memref<1x1x1x32xf32, #tpu.memory_space<vmem>>
      %dma_start3A_258 = tpu.memref_squeeze %dma_start3A_257 : memref<1x1x1x32xf32, #tpu.memory_space<vmem>> -> memref<32xf32, #tpu.memory_space<vmem>>
      %dma_start3A_259 = arith.constant 0 : i32
      %dma_start3A_260 = tpu.memref_slice %arg3[%dma_start3A_247, %squeeze3A_246, %dma_start3A_259] : memref<26x100001x32xf32, #tpu.memory_space<hbm>> -> memref<1x1x32xf32, #tpu.memory_space<hbm>>
      %dma_start3A_261 = tpu.memref_squeeze %dma_start3A_260 : memref<1x1x32xf32, #tpu.memory_space<hbm>> -> memref<32xf32, #tpu.memory_space<hbm>>
      tpu.enqueue_dma source(%dma_start3A_261 : memref<32xf32, #tpu.memory_space<hbm>>) target(%dma_start3A_258 : memref<32xf32, #tpu.memory_space<vmem>>) target_semaphore(%arg10 : memref<!tpu.dma_semaphore, #tpu.memory_space<semaphore_mem>>)
      %slice3A_262 = vector.extract_strided_slice %get3A_121 {offsets = [8], sizes = [1], strides = [1]} : vector<16xi32> to vector<1xi32>
      %squeeze3A_263 = vector.extract %slice3A_262[0] : i32 from vector<1xi32>
      %dma_start3A_264 = arith.constant 8 : i32
      %dma_start3A_265 = arith.constant 1 : i32
      %dma_start3A_266 = arith.constant 8 : i32
      %dma_start3A_267 = arith.constant 0 : i32
      %dma_start3A_268 = tpu.memref_slice %arg6[%dma_start3A_265, %scan3A_116, %dma_start3A_266, %dma_start3A_267] : memref<2x8x26x32xf32, #tpu.memory_space<vmem>> -> memref<1x1x1x32xf32, #tpu.memory_space<vmem>>
      %dma_start3A_269 = tpu.memref_squeeze %dma_start3A_268 : memref<1x1x1x32xf32, #tpu.memory_space<vmem>> -> memref<32xf32, #tpu.memory_space<vmem>>
      %dma_start3A_270 = arith.constant 0 : i32
      %dma_start3A_271 = tpu.memref_slice %arg3[%dma_start3A_264, %squeeze3A_263, %dma_start3A_270] : memref<26x100001x32xf32, #tpu.memory_space<hbm>> -> memref<1x1x32xf32, #tpu.memory_space<hbm>>
      %dma_start3A_272 = tpu.memref_squeeze %dma_start3A_271 : memref<1x1x32xf32, #tpu.memory_space<hbm>> -> memref<32xf32, #tpu.memory_space<hbm>>
      %dma_start3A_273 = arith.constant 0 : i32
      %dma_start3A_274 = tpu.memref_slice %arg6[%dma_start3A_265, %scan3A_116, %dma_start3A_266, %dma_start3A_273] : memref<2x8x26x32xf32, #tpu.memory_space<vmem>> -> memref<1x1x1x32xf32, #tpu.memory_space<vmem>>
      %dma_start3A_275 = tpu.memref_squeeze %dma_start3A_274 : memref<1x1x1x32xf32, #tpu.memory_space<vmem>> -> memref<32xf32, #tpu.memory_space<vmem>>
      %dma_start3A_276 = arith.constant 0 : i32
      %dma_start3A_277 = tpu.memref_slice %arg3[%dma_start3A_264, %squeeze3A_263, %dma_start3A_276] : memref<26x100001x32xf32, #tpu.memory_space<hbm>> -> memref<1x1x32xf32, #tpu.memory_space<hbm>>
      %dma_start3A_278 = tpu.memref_squeeze %dma_start3A_277 : memref<1x1x32xf32, #tpu.memory_space<hbm>> -> memref<32xf32, #tpu.memory_space<hbm>>
      tpu.enqueue_dma source(%dma_start3A_278 : memref<32xf32, #tpu.memory_space<hbm>>) target(%dma_start3A_275 : memref<32xf32, #tpu.memory_space<vmem>>) target_semaphore(%arg10 : memref<!tpu.dma_semaphore, #tpu.memory_space<semaphore_mem>>)
      %slice3A_279 = vector.extract_strided_slice %get3A_121 {offsets = [9], sizes = [1], strides = [1]} : vector<16xi32> to vector<1xi32>
      %squeeze3A_280 = vector.extract %slice3A_279[0] : i32 from vector<1xi32>
      %dma_start3A_281 = arith.constant 9 : i32
      %dma_start3A_282 = arith.constant 1 : i32
      %dma_start3A_283 = arith.constant 9 : i32
      %dma_start3A_284 = arith.constant 0 : i32
      %dma_start3A_285 = tpu.memref_slice %arg6[%dma_start3A_282, %scan3A_116, %dma_start3A_283, %dma_start3A_284] : memref<2x8x26x32xf32, #tpu.memory_space<vmem>> -> memref<1x1x1x32xf32, #tpu.memory_space<vmem>>
      %dma_start3A_286 = tpu.memref_squeeze %dma_start3A_285 : memref<1x1x1x32xf32, #tpu.memory_space<vmem>> -> memref<32xf32, #tpu.memory_space<vmem>>
      %dma_start3A_287 = arith.constant 0 : i32
      %dma_start3A_288 = tpu.memref_slice %arg3[%dma_start3A_281, %squeeze3A_280, %dma_start3A_287] : memref<26x100001x32xf32, #tpu.memory_space<hbm>> -> memref<1x1x32xf32, #tpu.memory_space<hbm>>
      %dma_start3A_289 = tpu.memref_squeeze %dma_start3A_288 : memref<1x1x32xf32, #tpu.memory_space<hbm>> -> memref<32xf32, #tpu.memory_space<hbm>>
      %dma_start3A_290 = arith.constant 0 : i32
      %dma_start3A_291 = tpu.memref_slice %arg6[%dma_start3A_282, %scan3A_116, %dma_start3A_283, %dma_start3A_290] : memref<2x8x26x32xf32, #tpu.memory_space<vmem>> -> memref<1x1x1x32xf32, #tpu.memory_space<vmem>>
      %dma_start3A_292 = tpu.memref_squeeze %dma_start3A_291 : memref<1x1x1x32xf32, #tpu.memory_space<vmem>> -> memref<32xf32, #tpu.memory_space<vmem>>
      %dma_start3A_293 = arith.constant 0 : i32
      %dma_start3A_294 = tpu.memref_slice %arg3[%dma_start3A_281, %squeeze3A_280, %dma_start3A_293] : memref<26x100001x32xf32, #tpu.memory_space<hbm>> -> memref<1x1x32xf32, #tpu.memory_space<hbm>>
      %dma_start3A_295 = tpu.memref_squeeze %dma_start3A_294 : memref<1x1x32xf32, #tpu.memory_space<hbm>> -> memref<32xf32, #tpu.memory_space<hbm>>
      tpu.enqueue_dma source(%dma_start3A_295 : memref<32xf32, #tpu.memory_space<hbm>>) target(%dma_start3A_292 : memref<32xf32, #tpu.memory_space<vmem>>) target_semaphore(%arg10 : memref<!tpu.dma_semaphore, #tpu.memory_space<semaphore_mem>>)
      %slice3A_296 = vector.extract_strided_slice %get3A_121 {offsets = [10], sizes = [1], strides = [1]} : vector<16xi32> to vector<1xi32>
      %squeeze3A_297 = vector.extract %slice3A_296[0] : i32 from vector<1xi32>
      %dma_start3A_298 = arith.constant 10 : i32
      %dma_start3A_299 = arith.constant 1 : i32
      %dma_start3A_300 = arith.constant 10 : i32
      %dma_start3A_301 = arith.constant 0 : i32
      %dma_start3A_302 = tpu.memref_slice %arg6[%dma_start3A_299, %scan3A_116, %dma_start3A_300, %dma_start3A_301] : memref<2x8x26x32xf32, #tpu.memory_space<vmem>> -> memref<1x1x1x32xf32, #tpu.memory_space<vmem>>
      %dma_start3A_303 = tpu.memref_squeeze %dma_start3A_302 : memref<1x1x1x32xf32, #tpu.memory_space<vmem>> -> memref<32xf32, #tpu.memory_space<vmem>>
      %dma_start3A_304 = arith.constant 0 : i32
      %dma_start3A_305 = tpu.memref_slice %arg3[%dma_start3A_298, %squeeze3A_297, %dma_start3A_304] : memref<26x100001x32xf32, #tpu.memory_space<hbm>> -> memref<1x1x32xf32, #tpu.memory_space<hbm>>
      %dma_start3A_306 = tpu.memref_squeeze %dma_start3A_305 : memref<1x1x32xf32, #tpu.memory_space<hbm>> -> memref<32xf32, #tpu.memory_space<hbm>>
      %dma_start3A_307 = arith.constant 0 : i32
      %dma_start3A_308 = tpu.memref_slice %arg6[%dma_start3A_299, %scan3A_116, %dma_start3A_300, %dma_start3A_307] : memref<2x8x26x32xf32, #tpu.memory_space<vmem>> -> memref<1x1x1x32xf32, #tpu.memory_space<vmem>>
      %dma_start3A_309 = tpu.memref_squeeze %dma_start3A_308 : memref<1x1x1x32xf32, #tpu.memory_space<vmem>> -> memref<32xf32, #tpu.memory_space<vmem>>
      %dma_start3A_310 = arith.constant 0 : i32
      %dma_start3A_311 = tpu.memref_slice %arg3[%dma_start3A_298, %squeeze3A_297, %dma_start3A_310] : memref<26x100001x32xf32, #tpu.memory_space<hbm>> -> memref<1x1x32xf32, #tpu.memory_space<hbm>>
      %dma_start3A_312 = tpu.memref_squeeze %dma_start3A_311 : memref<1x1x32xf32, #tpu.memory_space<hbm>> -> memref<32xf32, #tpu.memory_space<hbm>>
      tpu.enqueue_dma source(%dma_start3A_312 : memref<32xf32, #tpu.memory_space<hbm>>) target(%dma_start3A_309 : memref<32xf32, #tpu.memory_space<vmem>>) target_semaphore(%arg10 : memref<!tpu.dma_semaphore, #tpu.memory_space<semaphore_mem>>)
      %slice3A_313 = vector.extract_strided_slice %get3A_121 {offsets = [11], sizes = [1], strides = [1]} : vector<16xi32> to vector<1xi32>
      %squeeze3A_314 = vector.extract %slice3A_313[0] : i32 from vector<1xi32>
      %dma_start3A_315 = arith.constant 11 : i32
      %dma_start3A_316 = arith.constant 1 : i32
      %dma_start3A_317 = arith.constant 11 : i32
      %dma_start3A_318 = arith.constant 0 : i32
      %dma_start3A_319 = tpu.memref_slice %arg6[%dma_start3A_316, %scan3A_116, %dma_start3A_317, %dma_start3A_318] : memref<2x8x26x32xf32, #tpu.memory_space<vmem>> -> memref<1x1x1x32xf32, #tpu.memory_space<vmem>>
      %dma_start3A_320 = tpu.memref_squeeze %dma_start3A_319 : memref<1x1x1x32xf32, #tpu.memory_space<vmem>> -> memref<32xf32, #tpu.memory_space<vmem>>
      %dma_start3A_321 = arith.constant 0 : i32
      %dma_start3A_322 = tpu.memref_slice %arg3[%dma_start3A_315, %squeeze3A_314, %dma_start3A_321] : memref<26x100001x32xf32, #tpu.memory_space<hbm>> -> memref<1x1x32xf32, #tpu.memory_space<hbm>>
      %dma_start3A_323 = tpu.memref_squeeze %dma_start3A_322 : memref<1x1x32xf32, #tpu.memory_space<hbm>> -> memref<32xf32, #tpu.memory_space<hbm>>
      %dma_start3A_324 = arith.constant 0 : i32
      %dma_start3A_325 = tpu.memref_slice %arg6[%dma_start3A_316, %scan3A_116, %dma_start3A_317, %dma_start3A_324] : memref<2x8x26x32xf32, #tpu.memory_space<vmem>> -> memref<1x1x1x32xf32, #tpu.memory_space<vmem>>
      %dma_start3A_326 = tpu.memref_squeeze %dma_start3A_325 : memref<1x1x1x32xf32, #tpu.memory_space<vmem>> -> memref<32xf32, #tpu.memory_space<vmem>>
      %dma_start3A_327 = arith.constant 0 : i32
      %dma_start3A_328 = tpu.memref_slice %arg3[%dma_start3A_315, %squeeze3A_314, %dma_start3A_327] : memref<26x100001x32xf32, #tpu.memory_space<hbm>> -> memref<1x1x32xf32, #tpu.memory_space<hbm>>
      %dma_start3A_329 = tpu.memref_squeeze %dma_start3A_328 : memref<1x1x32xf32, #tpu.memory_space<hbm>> -> memref<32xf32, #tpu.memory_space<hbm>>
      tpu.enqueue_dma source(%dma_start3A_329 : memref<32xf32, #tpu.memory_space<hbm>>) target(%dma_start3A_326 : memref<32xf32, #tpu.memory_space<vmem>>) target_semaphore(%arg10 : memref<!tpu.dma_semaphore, #tpu.memory_space<semaphore_mem>>)
      %slice3A_330 = vector.extract_strided_slice %get3A_121 {offsets = [12], sizes = [1], strides = [1]} : vector<16xi32> to vector<1xi32>
      %squeeze3A_331 = vector.extract %slice3A_330[0] : i32 from vector<1xi32>
      %dma_start3A_332 = arith.constant 12 : i32
      %dma_start3A_333 = arith.constant 1 : i32
      %dma_start3A_334 = arith.constant 12 : i32
      %dma_start3A_335 = arith.constant 0 : i32
      %dma_start3A_336 = tpu.memref_slice %arg6[%dma_start3A_333, %scan3A_116, %dma_start3A_334, %dma_start3A_335] : memref<2x8x26x32xf32, #tpu.memory_space<vmem>> -> memref<1x1x1x32xf32, #tpu.memory_space<vmem>>
      %dma_start3A_337 = tpu.memref_squeeze %dma_start3A_336 : memref<1x1x1x32xf32, #tpu.memory_space<vmem>> -> memref<32xf32, #tpu.memory_space<vmem>>
      %dma_start3A_338 = arith.constant 0 : i32
      %dma_start3A_339 = tpu.memref_slice %arg3[%dma_start3A_332, %squeeze3A_331, %dma_start3A_338] : memref<26x100001x32xf32, #tpu.memory_space<hbm>> -> memref<1x1x32xf32, #tpu.memory_space<hbm>>
      %dma_start3A_340 = tpu.memref_squeeze %dma_start3A_339 : memref<1x1x32xf32, #tpu.memory_space<hbm>> -> memref<32xf32, #tpu.memory_space<hbm>>
      %dma_start3A_341 = arith.constant 0 : i32
      %dma_start3A_342 = tpu.memref_slice %arg6[%dma_start3A_333, %scan3A_116, %dma_start3A_334, %dma_start3A_341] : memref<2x8x26x32xf32, #tpu.memory_space<vmem>> -> memref<1x1x1x32xf32, #tpu.memory_space<vmem>>
      %dma_start3A_343 = tpu.memref_squeeze %dma_start3A_342 : memref<1x1x1x32xf32, #tpu.memory_space<vmem>> -> memref<32xf32, #tpu.memory_space<vmem>>
      %dma_start3A_344 = arith.constant 0 : i32
      %dma_start3A_345 = tpu.memref_slice %arg3[%dma_start3A_332, %squeeze3A_331, %dma_start3A_344] : memref<26x100001x32xf32, #tpu.memory_space<hbm>> -> memref<1x1x32xf32, #tpu.memory_space<hbm>>
      %dma_start3A_346 = tpu.memref_squeeze %dma_start3A_345 : memref<1x1x32xf32, #tpu.memory_space<hbm>> -> memref<32xf32, #tpu.memory_space<hbm>>
      tpu.enqueue_dma source(%dma_start3A_346 : memref<32xf32, #tpu.memory_space<hbm>>) target(%dma_start3A_343 : memref<32xf32, #tpu.memory_space<vmem>>) target_semaphore(%arg10 : memref<!tpu.dma_semaphore, #tpu.memory_space<semaphore_mem>>)
      %slice3A_347 = vector.extract_strided_slice %get3A_121 {offsets = [13], sizes = [1], strides = [1]} : vector<16xi32> to vector<1xi32>
      %squeeze3A_348 = vector.extract %slice3A_347[0] : i32 from vector<1xi32>
      %dma_start3A_349 = arith.constant 13 : i32
      %dma_start3A_350 = arith.constant 1 : i32
      %dma_start3A_351 = arith.constant 13 : i32
      %dma_start3A_352 = arith.constant 0 : i32
      %dma_start3A_353 = tpu.memref_slice %arg6[%dma_start3A_350, %scan3A_116, %dma_start3A_351, %dma_start3A_352] : memref<2x8x26x32xf32, #tpu.memory_space<vmem>> -> memref<1x1x1x32xf32, #tpu.memory_space<vmem>>
      %dma_start3A_354 = tpu.memref_squeeze %dma_start3A_353 : memref<1x1x1x32xf32, #tpu.memory_space<vmem>> -> memref<32xf32, #tpu.memory_space<vmem>>
      %dma_start3A_355 = arith.constant 0 : i32
      %dma_start3A_356 = tpu.memref_slice %arg3[%dma_start3A_349, %squeeze3A_348, %dma_start3A_355] : memref<26x100001x32xf32, #tpu.memory_space<hbm>> -> memref<1x1x32xf32, #tpu.memory_space<hbm>>
      %dma_start3A_357 = tpu.memref_squeeze %dma_start3A_356 : memref<1x1x32xf32, #tpu.memory_space<hbm>> -> memref<32xf32, #tpu.memory_space<hbm>>
      %dma_start3A_358 = arith.constant 0 : i32
      %dma_start3A_359 = tpu.memref_slice %arg6[%dma_start3A_350, %scan3A_116, %dma_start3A_351, %dma_start3A_358] : memref<2x8x26x32xf32, #tpu.memory_space<vmem>> -> memref<1x1x1x32xf32, #tpu.memory_space<vmem>>
      %dma_start3A_360 = tpu.memref_squeeze %dma_start3A_359 : memref<1x1x1x32xf32, #tpu.memory_space<vmem>> -> memref<32xf32, #tpu.memory_space<vmem>>
      %dma_start3A_361 = arith.constant 0 : i32
      %dma_start3A_362 = tpu.memref_slice %arg3[%dma_start3A_349, %squeeze3A_348, %dma_start3A_361] : memref<26x100001x32xf32, #tpu.memory_space<hbm>> -> memref<1x1x32xf32, #tpu.memory_space<hbm>>
      %dma_start3A_363 = tpu.memref_squeeze %dma_start3A_362 : memref<1x1x32xf32, #tpu.memory_space<hbm>> -> memref<32xf32, #tpu.memory_space<hbm>>
      tpu.enqueue_dma source(%dma_start3A_363 : memref<32xf32, #tpu.memory_space<hbm>>) target(%dma_start3A_360 : memref<32xf32, #tpu.memory_space<vmem>>) target_semaphore(%arg10 : memref<!tpu.dma_semaphore, #tpu.memory_space<semaphore_mem>>)
      %slice3A_364 = vector.extract_strided_slice %get3A_121 {offsets = [14], sizes = [1], strides = [1]} : vector<16xi32> to vector<1xi32>
      %squeeze3A_365 = vector.extract %slice3A_364[0] : i32 from vector<1xi32>
      %dma_start3A_366 = arith.constant 14 : i32
      %dma_start3A_367 = arith.constant 1 : i32
      %dma_start3A_368 = arith.constant 14 : i32
      %dma_start3A_369 = arith.constant 0 : i32
      %dma_start3A_370 = tpu.memref_slice %arg6[%dma_start3A_367, %scan3A_116, %dma_start3A_368, %dma_start3A_369] : memref<2x8x26x32xf32, #tpu.memory_space<vmem>> -> memref<1x1x1x32xf32, #tpu.memory_space<vmem>>
      %dma_start3A_371 = tpu.memref_squeeze %dma_start3A_370 : memref<1x1x1x32xf32, #tpu.memory_space<vmem>> -> memref<32xf32, #tpu.memory_space<vmem>>
      %dma_start3A_372 = arith.constant 0 : i32
      %dma_start3A_373 = tpu.memref_slice %arg3[%dma_start3A_366, %squeeze3A_365, %dma_start3A_372] : memref<26x100001x32xf32, #tpu.memory_space<hbm>> -> memref<1x1x32xf32, #tpu.memory_space<hbm>>
      %dma_start3A_374 = tpu.memref_squeeze %dma_start3A_373 : memref<1x1x32xf32, #tpu.memory_space<hbm>> -> memref<32xf32, #tpu.memory_space<hbm>>
      %dma_start3A_375 = arith.constant 0 : i32
      %dma_start3A_376 = tpu.memref_slice %arg6[%dma_start3A_367, %scan3A_116, %dma_start3A_368, %dma_start3A_375] : memref<2x8x26x32xf32, #tpu.memory_space<vmem>> -> memref<1x1x1x32xf32, #tpu.memory_space<vmem>>
      %dma_start3A_377 = tpu.memref_squeeze %dma_start3A_376 : memref<1x1x1x32xf32, #tpu.memory_space<vmem>> -> memref<32xf32, #tpu.memory_space<vmem>>
      %dma_start3A_378 = arith.constant 0 : i32
      %dma_start3A_379 = tpu.memref_slice %arg3[%dma_start3A_366, %squeeze3A_365, %dma_start3A_378] : memref<26x100001x32xf32, #tpu.memory_space<hbm>> -> memref<1x1x32xf32, #tpu.memory_space<hbm>>
      %dma_start3A_380 = tpu.memref_squeeze %dma_start3A_379 : memref<1x1x32xf32, #tpu.memory_space<hbm>> -> memref<32xf32, #tpu.memory_space<hbm>>
      tpu.enqueue_dma source(%dma_start3A_380 : memref<32xf32, #tpu.memory_space<hbm>>) target(%dma_start3A_377 : memref<32xf32, #tpu.memory_space<vmem>>) target_semaphore(%arg10 : memref<!tpu.dma_semaphore, #tpu.memory_space<semaphore_mem>>)
      %slice3A_381 = vector.extract_strided_slice %get3A_121 {offsets = [15], sizes = [1], strides = [1]} : vector<16xi32> to vector<1xi32>
      %squeeze3A_382 = vector.extract %slice3A_381[0] : i32 from vector<1xi32>
      %dma_start3A_383 = arith.constant 15 : i32
      %dma_start3A_384 = arith.constant 1 : i32
      %dma_start3A_385 = arith.constant 15 : i32
      %dma_start3A_386 = arith.constant 0 : i32
      %dma_start3A_387 = tpu.memref_slice %arg6[%dma_start3A_384, %scan3A_116, %dma_start3A_385, %dma_start3A_386] : memref<2x8x26x32xf32, #tpu.memory_space<vmem>> -> memref<1x1x1x32xf32, #tpu.memory_space<vmem>>
      %dma_start3A_388 = tpu.memref_squeeze %dma_start3A_387 : memref<1x1x1x32xf32, #tpu.memory_space<vmem>> -> memref<32xf32, #tpu.memory_space<vmem>>
      %dma_start3A_389 = arith.constant 0 : i32
      %dma_start3A_390 = tpu.memref_slice %arg3[%dma_start3A_383, %squeeze3A_382, %dma_start3A_389] : memref<26x100001x32xf32, #tpu.memory_space<hbm>> -> memref<1x1x32xf32, #tpu.memory_space<hbm>>
      %dma_start3A_391 = tpu.memref_squeeze %dma_start3A_390 : memref<1x1x32xf32, #tpu.memory_space<hbm>> -> memref<32xf32, #tpu.memory_space<hbm>>
      %dma_start3A_392 = arith.constant 0 : i32
      %dma_start3A_393 = tpu.memref_slice %arg6[%dma_start3A_384, %scan3A_116, %dma_start3A_385, %dma_start3A_392] : memref<2x8x26x32xf32, #tpu.memory_space<vmem>> -> memref<1x1x1x32xf32, #tpu.memory_space<vmem>>
      %dma_start3A_394 = tpu.memref_squeeze %dma_start3A_393 : memref<1x1x1x32xf32, #tpu.memory_space<vmem>> -> memref<32xf32, #tpu.memory_space<vmem>>
      %dma_start3A_395 = arith.constant 0 : i32
      %dma_start3A_396 = tpu.memref_slice %arg3[%dma_start3A_383, %squeeze3A_382, %dma_start3A_395] : memref<26x100001x32xf32, #tpu.memory_space<hbm>> -> memref<1x1x32xf32, #tpu.memory_space<hbm>>
      %dma_start3A_397 = tpu.memref_squeeze %dma_start3A_396 : memref<1x1x32xf32, #tpu.memory_space<hbm>> -> memref<32xf32, #tpu.memory_space<hbm>>
      tpu.enqueue_dma source(%dma_start3A_397 : memref<32xf32, #tpu.memory_space<hbm>>) target(%dma_start3A_394 : memref<32xf32, #tpu.memory_space<vmem>>) target_semaphore(%arg10 : memref<!tpu.dma_semaphore, #tpu.memory_space<semaphore_mem>>)
      %slice3A_398 = vector.extract_strided_slice %get3A_127 {offsets = [6], sizes = [1], strides = [1]} : vector<16xi32> to vector<1xi32>
      %squeeze3A_399 = vector.extract %slice3A_398[0] : i32 from vector<1xi32>
      %dma_start3A_400 = arith.constant 16 : i32
      %dma_start3A_401 = arith.constant 1 : i32
      %dma_start3A_402 = arith.constant 16 : i32
      %dma_start3A_403 = arith.constant 0 : i32
      %dma_start3A_404 = tpu.memref_slice %arg6[%dma_start3A_401, %scan3A_116, %dma_start3A_402, %dma_start3A_403] : memref<2x8x26x32xf32, #tpu.memory_space<vmem>> -> memref<1x1x1x32xf32, #tpu.memory_space<vmem>>
      %dma_start3A_405 = tpu.memref_squeeze %dma_start3A_404 : memref<1x1x1x32xf32, #tpu.memory_space<vmem>> -> memref<32xf32, #tpu.memory_space<vmem>>
      %dma_start3A_406 = arith.constant 0 : i32
      %dma_start3A_407 = tpu.memref_slice %arg3[%dma_start3A_400, %squeeze3A_399, %dma_start3A_406] : memref<26x100001x32xf32, #tpu.memory_space<hbm>> -> memref<1x1x32xf32, #tpu.memory_space<hbm>>
      %dma_start3A_408 = tpu.memref_squeeze %dma_start3A_407 : memref<1x1x32xf32, #tpu.memory_space<hbm>> -> memref<32xf32, #tpu.memory_space<hbm>>
      %dma_start3A_409 = arith.constant 0 : i32
      %dma_start3A_410 = tpu.memref_slice %arg6[%dma_start3A_401, %scan3A_116, %dma_start3A_402, %dma_start3A_409] : memref<2x8x26x32xf32, #tpu.memory_space<vmem>> -> memref<1x1x1x32xf32, #tpu.memory_space<vmem>>
      %dma_start3A_411 = tpu.memref_squeeze %dma_start3A_410 : memref<1x1x1x32xf32, #tpu.memory_space<vmem>> -> memref<32xf32, #tpu.memory_space<vmem>>
      %dma_start3A_412 = arith.constant 0 : i32
      %dma_start3A_413 = tpu.memref_slice %arg3[%dma_start3A_400, %squeeze3A_399, %dma_start3A_412] : memref<26x100001x32xf32, #tpu.memory_space<hbm>> -> memref<1x1x32xf32, #tpu.memory_space<hbm>>
      %dma_start3A_414 = tpu.memref_squeeze %dma_start3A_413 : memref<1x1x32xf32, #tpu.memory_space<hbm>> -> memref<32xf32, #tpu.memory_space<hbm>>
      tpu.enqueue_dma source(%dma_start3A_414 : memref<32xf32, #tpu.memory_space<hbm>>) target(%dma_start3A_411 : memref<32xf32, #tpu.memory_space<vmem>>) target_semaphore(%arg10 : memref<!tpu.dma_semaphore, #tpu.memory_space<semaphore_mem>>)
      %slice3A_415 = vector.extract_strided_slice %get3A_127 {offsets = [7], sizes = [1], strides = [1]} : vector<16xi32> to vector<1xi32>
      %squeeze3A_416 = vector.extract %slice3A_415[0] : i32 from vector<1xi32>
      %dma_start3A_417 = arith.constant 17 : i32
      %dma_start3A_418 = arith.constant 1 : i32
      %dma_start3A_419 = arith.constant 17 : i32
      %dma_start3A_420 = arith.constant 0 : i32
      %dma_start3A_421 = tpu.memref_slice %arg6[%dma_start3A_418, %scan3A_116, %dma_start3A_419, %dma_start3A_420] : memref<2x8x26x32xf32, #tpu.memory_space<vmem>> -> memref<1x1x1x32xf32, #tpu.memory_space<vmem>>
      %dma_start3A_422 = tpu.memref_squeeze %dma_start3A_421 : memref<1x1x1x32xf32, #tpu.memory_space<vmem>> -> memref<32xf32, #tpu.memory_space<vmem>>
      %dma_start3A_423 = arith.constant 0 : i32
      %dma_start3A_424 = tpu.memref_slice %arg3[%dma_start3A_417, %squeeze3A_416, %dma_start3A_423] : memref<26x100001x32xf32, #tpu.memory_space<hbm>> -> memref<1x1x32xf32, #tpu.memory_space<hbm>>
      %dma_start3A_425 = tpu.memref_squeeze %dma_start3A_424 : memref<1x1x32xf32, #tpu.memory_space<hbm>> -> memref<32xf32, #tpu.memory_space<hbm>>
      %dma_start3A_426 = arith.constant 0 : i32
      %dma_start3A_427 = tpu.memref_slice %arg6[%dma_start3A_418, %scan3A_116, %dma_start3A_419, %dma_start3A_426] : memref<2x8x26x32xf32, #tpu.memory_space<vmem>> -> memref<1x1x1x32xf32, #tpu.memory_space<vmem>>
      %dma_start3A_428 = tpu.memref_squeeze %dma_start3A_427 : memref<1x1x1x32xf32, #tpu.memory_space<vmem>> -> memref<32xf32, #tpu.memory_space<vmem>>
      %dma_start3A_429 = arith.constant 0 : i32
      %dma_start3A_430 = tpu.memref_slice %arg3[%dma_start3A_417, %squeeze3A_416, %dma_start3A_429] : memref<26x100001x32xf32, #tpu.memory_space<hbm>> -> memref<1x1x32xf32, #tpu.memory_space<hbm>>
      %dma_start3A_431 = tpu.memref_squeeze %dma_start3A_430 : memref<1x1x32xf32, #tpu.memory_space<hbm>> -> memref<32xf32, #tpu.memory_space<hbm>>
      tpu.enqueue_dma source(%dma_start3A_431 : memref<32xf32, #tpu.memory_space<hbm>>) target(%dma_start3A_428 : memref<32xf32, #tpu.memory_space<vmem>>) target_semaphore(%arg10 : memref<!tpu.dma_semaphore, #tpu.memory_space<semaphore_mem>>)
      %slice3A_432 = vector.extract_strided_slice %get3A_127 {offsets = [8], sizes = [1], strides = [1]} : vector<16xi32> to vector<1xi32>
      %squeeze3A_433 = vector.extract %slice3A_432[0] : i32 from vector<1xi32>
      %dma_start3A_434 = arith.constant 18 : i32
      %dma_start3A_435 = arith.constant 1 : i32
      %dma_start3A_436 = arith.constant 18 : i32
      %dma_start3A_437 = arith.constant 0 : i32
      %dma_start3A_438 = tpu.memref_slice %arg6[%dma_start3A_435, %scan3A_116, %dma_start3A_436, %dma_start3A_437] : memref<2x8x26x32xf32, #tpu.memory_space<vmem>> -> memref<1x1x1x32xf32, #tpu.memory_space<vmem>>
      %dma_start3A_439 = tpu.memref_squeeze %dma_start3A_438 : memref<1x1x1x32xf32, #tpu.memory_space<vmem>> -> memref<32xf32, #tpu.memory_space<vmem>>
      %dma_start3A_440 = arith.constant 0 : i32
      %dma_start3A_441 = tpu.memref_slice %arg3[%dma_start3A_434, %squeeze3A_433, %dma_start3A_440] : memref<26x100001x32xf32, #tpu.memory_space<hbm>> -> memref<1x1x32xf32, #tpu.memory_space<hbm>>
      %dma_start3A_442 = tpu.memref_squeeze %dma_start3A_441 : memref<1x1x32xf32, #tpu.memory_space<hbm>> -> memref<32xf32, #tpu.memory_space<hbm>>
      %dma_start3A_443 = arith.constant 0 : i32
      %dma_start3A_444 = tpu.memref_slice %arg6[%dma_start3A_435, %scan3A_116, %dma_start3A_436, %dma_start3A_443] : memref<2x8x26x32xf32, #tpu.memory_space<vmem>> -> memref<1x1x1x32xf32, #tpu.memory_space<vmem>>
      %dma_start3A_445 = tpu.memref_squeeze %dma_start3A_444 : memref<1x1x1x32xf32, #tpu.memory_space<vmem>> -> memref<32xf32, #tpu.memory_space<vmem>>
      %dma_start3A_446 = arith.constant 0 : i32
      %dma_start3A_447 = tpu.memref_slice %arg3[%dma_start3A_434, %squeeze3A_433, %dma_start3A_446] : memref<26x100001x32xf32, #tpu.memory_space<hbm>> -> memref<1x1x32xf32, #tpu.memory_space<hbm>>
      %dma_start3A_448 = tpu.memref_squeeze %dma_start3A_447 : memref<1x1x32xf32, #tpu.memory_space<hbm>> -> memref<32xf32, #tpu.memory_space<hbm>>
      tpu.enqueue_dma source(%dma_start3A_448 : memref<32xf32, #tpu.memory_space<hbm>>) target(%dma_start3A_445 : memref<32xf32, #tpu.memory_space<vmem>>) target_semaphore(%arg10 : memref<!tpu.dma_semaphore, #tpu.memory_space<semaphore_mem>>)
      %slice3A_449 = vector.extract_strided_slice %get3A_127 {offsets = [9], sizes = [1], strides = [1]} : vector<16xi32> to vector<1xi32>
      %squeeze3A_450 = vector.extract %slice3A_449[0] : i32 from vector<1xi32>
      %dma_start3A_451 = arith.constant 19 : i32
      %dma_start3A_452 = arith.constant 1 : i32
      %dma_start3A_453 = arith.constant 19 : i32
      %dma_start3A_454 = arith.constant 0 : i32
      %dma_start3A_455 = tpu.memref_slice %arg6[%dma_start3A_452, %scan3A_116, %dma_start3A_453, %dma_start3A_454] : memref<2x8x26x32xf32, #tpu.memory_space<vmem>> -> memref<1x1x1x32xf32, #tpu.memory_space<vmem>>
      %dma_start3A_456 = tpu.memref_squeeze %dma_start3A_455 : memref<1x1x1x32xf32, #tpu.memory_space<vmem>> -> memref<32xf32, #tpu.memory_space<vmem>>
      %dma_start3A_457 = arith.constant 0 : i32
      %dma_start3A_458 = tpu.memref_slice %arg3[%dma_start3A_451, %squeeze3A_450, %dma_start3A_457] : memref<26x100001x32xf32, #tpu.memory_space<hbm>> -> memref<1x1x32xf32, #tpu.memory_space<hbm>>
      %dma_start3A_459 = tpu.memref_squeeze %dma_start3A_458 : memref<1x1x32xf32, #tpu.memory_space<hbm>> -> memref<32xf32, #tpu.memory_space<hbm>>
      %dma_start3A_460 = arith.constant 0 : i32
      %dma_start3A_461 = tpu.memref_slice %arg6[%dma_start3A_452, %scan3A_116, %dma_start3A_453, %dma_start3A_460] : memref<2x8x26x32xf32, #tpu.memory_space<vmem>> -> memref<1x1x1x32xf32, #tpu.memory_space<vmem>>
      %dma_start3A_462 = tpu.memref_squeeze %dma_start3A_461 : memref<1x1x1x32xf32, #tpu.memory_space<vmem>> -> memref<32xf32, #tpu.memory_space<vmem>>
      %dma_start3A_463 = arith.constant 0 : i32
      %dma_start3A_464 = tpu.memref_slice %arg3[%dma_start3A_451, %squeeze3A_450, %dma_start3A_463] : memref<26x100001x32xf32, #tpu.memory_space<hbm>> -> memref<1x1x32xf32, #tpu.memory_space<hbm>>
      %dma_start3A_465 = tpu.memref_squeeze %dma_start3A_464 : memref<1x1x32xf32, #tpu.memory_space<hbm>> -> memref<32xf32, #tpu.memory_space<hbm>>
      tpu.enqueue_dma source(%dma_start3A_465 : memref<32xf32, #tpu.memory_space<hbm>>) target(%dma_start3A_462 : memref<32xf32, #tpu.memory_space<vmem>>) target_semaphore(%arg10 : memref<!tpu.dma_semaphore, #tpu.memory_space<semaphore_mem>>)
      %slice3A_466 = vector.extract_strided_slice %get3A_127 {offsets = [10], sizes = [1], strides = [1]} : vector<16xi32> to vector<1xi32>
      %squeeze3A_467 = vector.extract %slice3A_466[0] : i32 from vector<1xi32>
      %dma_start3A_468 = arith.constant 20 : i32
      %dma_start3A_469 = arith.constant 1 : i32
      %dma_start3A_470 = arith.constant 20 : i32
      %dma_start3A_471 = arith.constant 0 : i32
      %dma_start3A_472 = tpu.memref_slice %arg6[%dma_start3A_469, %scan3A_116, %dma_start3A_470, %dma_start3A_471] : memref<2x8x26x32xf32, #tpu.memory_space<vmem>> -> memref<1x1x1x32xf32, #tpu.memory_space<vmem>>
      %dma_start3A_473 = tpu.memref_squeeze %dma_start3A_472 : memref<1x1x1x32xf32, #tpu.memory_space<vmem>> -> memref<32xf32, #tpu.memory_space<vmem>>
      %dma_start3A_474 = arith.constant 0 : i32
      %dma_start3A_475 = tpu.memref_slice %arg3[%dma_start3A_468, %squeeze3A_467, %dma_start3A_474] : memref<26x100001x32xf32, #tpu.memory_space<hbm>> -> memref<1x1x32xf32, #tpu.memory_space<hbm>>
      %dma_start3A_476 = tpu.memref_squeeze %dma_start3A_475 : memref<1x1x32xf32, #tpu.memory_space<hbm>> -> memref<32xf32, #tpu.memory_space<hbm>>
      %dma_start3A_477 = arith.constant 0 : i32
      %dma_start3A_478 = tpu.memref_slice %arg6[%dma_start3A_469, %scan3A_116, %dma_start3A_470, %dma_start3A_477] : memref<2x8x26x32xf32, #tpu.memory_space<vmem>> -> memref<1x1x1x32xf32, #tpu.memory_space<vmem>>
      %dma_start3A_479 = tpu.memref_squeeze %dma_start3A_478 : memref<1x1x1x32xf32, #tpu.memory_space<vmem>> -> memref<32xf32, #tpu.memory_space<vmem>>
      %dma_start3A_480 = arith.constant 0 : i32
      %dma_start3A_481 = tpu.memref_slice %arg3[%dma_start3A_468, %squeeze3A_467, %dma_start3A_480] : memref<26x100001x32xf32, #tpu.memory_space<hbm>> -> memref<1x1x32xf32, #tpu.memory_space<hbm>>
      %dma_start3A_482 = tpu.memref_squeeze %dma_start3A_481 : memref<1x1x32xf32, #tpu.memory_space<hbm>> -> memref<32xf32, #tpu.memory_space<hbm>>
      tpu.enqueue_dma source(%dma_start3A_482 : memref<32xf32, #tpu.memory_space<hbm>>) target(%dma_start3A_479 : memref<32xf32, #tpu.memory_space<vmem>>) target_semaphore(%arg10 : memref<!tpu.dma_semaphore, #tpu.memory_space<semaphore_mem>>)
      %slice3A_483 = vector.extract_strided_slice %get3A_127 {offsets = [11], sizes = [1], strides = [1]} : vector<16xi32> to vector<1xi32>
      %squeeze3A_484 = vector.extract %slice3A_483[0] : i32 from vector<1xi32>
      %dma_start3A_485 = arith.constant 21 : i32
      %dma_start3A_486 = arith.constant 1 : i32
      %dma_start3A_487 = arith.constant 21 : i32
      %dma_start3A_488 = arith.constant 0 : i32
      %dma_start3A_489 = tpu.memref_slice %arg6[%dma_start3A_486, %scan3A_116, %dma_start3A_487, %dma_start3A_488] : memref<2x8x26x32xf32, #tpu.memory_space<vmem>> -> memref<1x1x1x32xf32, #tpu.memory_space<vmem>>
      %dma_start3A_490 = tpu.memref_squeeze %dma_start3A_489 : memref<1x1x1x32xf32, #tpu.memory_space<vmem>> -> memref<32xf32, #tpu.memory_space<vmem>>
      %dma_start3A_491 = arith.constant 0 : i32
      %dma_start3A_492 = tpu.memref_slice %arg3[%dma_start3A_485, %squeeze3A_484, %dma_start3A_491] : memref<26x100001x32xf32, #tpu.memory_space<hbm>> -> memref<1x1x32xf32, #tpu.memory_space<hbm>>
      %dma_start3A_493 = tpu.memref_squeeze %dma_start3A_492 : memref<1x1x32xf32, #tpu.memory_space<hbm>> -> memref<32xf32, #tpu.memory_space<hbm>>
      %dma_start3A_494 = arith.constant 0 : i32
      %dma_start3A_495 = tpu.memref_slice %arg6[%dma_start3A_486, %scan3A_116, %dma_start3A_487, %dma_start3A_494] : memref<2x8x26x32xf32, #tpu.memory_space<vmem>> -> memref<1x1x1x32xf32, #tpu.memory_space<vmem>>
      %dma_start3A_496 = tpu.memref_squeeze %dma_start3A_495 : memref<1x1x1x32xf32, #tpu.memory_space<vmem>> -> memref<32xf32, #tpu.memory_space<vmem>>
      %dma_start3A_497 = arith.constant 0 : i32
      %dma_start3A_498 = tpu.memref_slice %arg3[%dma_start3A_485, %squeeze3A_484, %dma_start3A_497] : memref<26x100001x32xf32, #tpu.memory_space<hbm>> -> memref<1x1x32xf32, #tpu.memory_space<hbm>>
      %dma_start3A_499 = tpu.memref_squeeze %dma_start3A_498 : memref<1x1x32xf32, #tpu.memory_space<hbm>> -> memref<32xf32, #tpu.memory_space<hbm>>
      tpu.enqueue_dma source(%dma_start3A_499 : memref<32xf32, #tpu.memory_space<hbm>>) target(%dma_start3A_496 : memref<32xf32, #tpu.memory_space<vmem>>) target_semaphore(%arg10 : memref<!tpu.dma_semaphore, #tpu.memory_space<semaphore_mem>>)
      %slice3A_500 = vector.extract_strided_slice %get3A_127 {offsets = [12], sizes = [1], strides = [1]} : vector<16xi32> to vector<1xi32>
      %squeeze3A_501 = vector.extract %slice3A_500[0] : i32 from vector<1xi32>
      %dma_start3A_502 = arith.constant 22 : i32
      %dma_start3A_503 = arith.constant 1 : i32
      %dma_start3A_504 = arith.constant 22 : i32
      %dma_start3A_505 = arith.constant 0 : i32
      %dma_start3A_506 = tpu.memref_slice %arg6[%dma_start3A_503, %scan3A_116, %dma_start3A_504, %dma_start3A_505] : memref<2x8x26x32xf32, #tpu.memory_space<vmem>> -> memref<1x1x1x32xf32, #tpu.memory_space<vmem>>
      %dma_start3A_507 = tpu.memref_squeeze %dma_start3A_506 : memref<1x1x1x32xf32, #tpu.memory_space<vmem>> -> memref<32xf32, #tpu.memory_space<vmem>>
      %dma_start3A_508 = arith.constant 0 : i32
      %dma_start3A_509 = tpu.memref_slice %arg3[%dma_start3A_502, %squeeze3A_501, %dma_start3A_508] : memref<26x100001x32xf32, #tpu.memory_space<hbm>> -> memref<1x1x32xf32, #tpu.memory_space<hbm>>
      %dma_start3A_510 = tpu.memref_squeeze %dma_start3A_509 : memref<1x1x32xf32, #tpu.memory_space<hbm>> -> memref<32xf32, #tpu.memory_space<hbm>>
      %dma_start3A_511 = arith.constant 0 : i32
      %dma_start3A_512 = tpu.memref_slice %arg6[%dma_start3A_503, %scan3A_116, %dma_start3A_504, %dma_start3A_511] : memref<2x8x26x32xf32, #tpu.memory_space<vmem>> -> memref<1x1x1x32xf32, #tpu.memory_space<vmem>>
      %dma_start3A_513 = tpu.memref_squeeze %dma_start3A_512 : memref<1x1x1x32xf32, #tpu.memory_space<vmem>> -> memref<32xf32, #tpu.memory_space<vmem>>
      %dma_start3A_514 = arith.constant 0 : i32
      %dma_start3A_515 = tpu.memref_slice %arg3[%dma_start3A_502, %squeeze3A_501, %dma_start3A_514] : memref<26x100001x32xf32, #tpu.memory_space<hbm>> -> memref<1x1x32xf32, #tpu.memory_space<hbm>>
      %dma_start3A_516 = tpu.memref_squeeze %dma_start3A_515 : memref<1x1x32xf32, #tpu.memory_space<hbm>> -> memref<32xf32, #tpu.memory_space<hbm>>
      tpu.enqueue_dma source(%dma_start3A_516 : memref<32xf32, #tpu.memory_space<hbm>>) target(%dma_start3A_513 : memref<32xf32, #tpu.memory_space<vmem>>) target_semaphore(%arg10 : memref<!tpu.dma_semaphore, #tpu.memory_space<semaphore_mem>>)
      %slice3A_517 = vector.extract_strided_slice %get3A_127 {offsets = [13], sizes = [1], strides = [1]} : vector<16xi32> to vector<1xi32>
      %squeeze3A_518 = vector.extract %slice3A_517[0] : i32 from vector<1xi32>
      %dma_start3A_519 = arith.constant 23 : i32
      %dma_start3A_520 = arith.constant 1 : i32
      %dma_start3A_521 = arith.constant 23 : i32
      %dma_start3A_522 = arith.constant 0 : i32
      %dma_start3A_523 = tpu.memref_slice %arg6[%dma_start3A_520, %scan3A_116, %dma_start3A_521, %dma_start3A_522] : memref<2x8x26x32xf32, #tpu.memory_space<vmem>> -> memref<1x1x1x32xf32, #tpu.memory_space<vmem>>
      %dma_start3A_524 = tpu.memref_squeeze %dma_start3A_523 : memref<1x1x1x32xf32, #tpu.memory_space<vmem>> -> memref<32xf32, #tpu.memory_space<vmem>>
      %dma_start3A_525 = arith.constant 0 : i32
      %dma_start3A_526 = tpu.memref_slice %arg3[%dma_start3A_519, %squeeze3A_518, %dma_start3A_525] : memref<26x100001x32xf32, #tpu.memory_space<hbm>> -> memref<1x1x32xf32, #tpu.memory_space<hbm>>
      %dma_start3A_527 = tpu.memref_squeeze %dma_start3A_526 : memref<1x1x32xf32, #tpu.memory_space<hbm>> -> memref<32xf32, #tpu.memory_space<hbm>>
      %dma_start3A_528 = arith.constant 0 : i32
      %dma_start3A_529 = tpu.memref_slice %arg6[%dma_start3A_520, %scan3A_116, %dma_start3A_521, %dma_start3A_528] : memref<2x8x26x32xf32, #tpu.memory_space<vmem>> -> memref<1x1x1x32xf32, #tpu.memory_space<vmem>>
      %dma_start3A_530 = tpu.memref_squeeze %dma_start3A_529 : memref<1x1x1x32xf32, #tpu.memory_space<vmem>> -> memref<32xf32, #tpu.memory_space<vmem>>
      %dma_start3A_531 = arith.constant 0 : i32
      %dma_start3A_532 = tpu.memref_slice %arg3[%dma_start3A_519, %squeeze3A_518, %dma_start3A_531] : memref<26x100001x32xf32, #tpu.memory_space<hbm>> -> memref<1x1x32xf32, #tpu.memory_space<hbm>>
      %dma_start3A_533 = tpu.memref_squeeze %dma_start3A_532 : memref<1x1x32xf32, #tpu.memory_space<hbm>> -> memref<32xf32, #tpu.memory_space<hbm>>
      tpu.enqueue_dma source(%dma_start3A_533 : memref<32xf32, #tpu.memory_space<hbm>>) target(%dma_start3A_530 : memref<32xf32, #tpu.memory_space<vmem>>) target_semaphore(%arg10 : memref<!tpu.dma_semaphore, #tpu.memory_space<semaphore_mem>>)
      %slice3A_534 = vector.extract_strided_slice %get3A_127 {offsets = [14], sizes = [1], strides = [1]} : vector<16xi32> to vector<1xi32>
      %squeeze3A_535 = vector.extract %slice3A_534[0] : i32 from vector<1xi32>
      %dma_start3A_536 = arith.constant 24 : i32
      %dma_start3A_537 = arith.constant 1 : i32
      %dma_start3A_538 = arith.constant 24 : i32
      %dma_start3A_539 = arith.constant 0 : i32
      %dma_start3A_540 = tpu.memref_slice %arg6[%dma_start3A_537, %scan3A_116, %dma_start3A_538, %dma_start3A_539] : memref<2x8x26x32xf32, #tpu.memory_space<vmem>> -> memref<1x1x1x32xf32, #tpu.memory_space<vmem>>
      %dma_start3A_541 = tpu.memref_squeeze %dma_start3A_540 : memref<1x1x1x32xf32, #tpu.memory_space<vmem>> -> memref<32xf32, #tpu.memory_space<vmem>>
      %dma_start3A_542 = arith.constant 0 : i32
      %dma_start3A_543 = tpu.memref_slice %arg3[%dma_start3A_536, %squeeze3A_535, %dma_start3A_542] : memref<26x100001x32xf32, #tpu.memory_space<hbm>> -> memref<1x1x32xf32, #tpu.memory_space<hbm>>
      %dma_start3A_544 = tpu.memref_squeeze %dma_start3A_543 : memref<1x1x32xf32, #tpu.memory_space<hbm>> -> memref<32xf32, #tpu.memory_space<hbm>>
      %dma_start3A_545 = arith.constant 0 : i32
      %dma_start3A_546 = tpu.memref_slice %arg6[%dma_start3A_537, %scan3A_116, %dma_start3A_538, %dma_start3A_545] : memref<2x8x26x32xf32, #tpu.memory_space<vmem>> -> memref<1x1x1x32xf32, #tpu.memory_space<vmem>>
      %dma_start3A_547 = tpu.memref_squeeze %dma_start3A_546 : memref<1x1x1x32xf32, #tpu.memory_space<vmem>> -> memref<32xf32, #tpu.memory_space<vmem>>
      %dma_start3A_548 = arith.constant 0 : i32
      %dma_start3A_549 = tpu.memref_slice %arg3[%dma_start3A_536, %squeeze3A_535, %dma_start3A_548] : memref<26x100001x32xf32, #tpu.memory_space<hbm>> -> memref<1x1x32xf32, #tpu.memory_space<hbm>>
      %dma_start3A_550 = tpu.memref_squeeze %dma_start3A_549 : memref<1x1x32xf32, #tpu.memory_space<hbm>> -> memref<32xf32, #tpu.memory_space<hbm>>
      tpu.enqueue_dma source(%dma_start3A_550 : memref<32xf32, #tpu.memory_space<hbm>>) target(%dma_start3A_547 : memref<32xf32, #tpu.memory_space<vmem>>) target_semaphore(%arg10 : memref<!tpu.dma_semaphore, #tpu.memory_space<semaphore_mem>>)
      %slice3A_551 = vector.extract_strided_slice %get3A_127 {offsets = [15], sizes = [1], strides = [1]} : vector<16xi32> to vector<1xi32>
      %squeeze3A_552 = vector.extract %slice3A_551[0] : i32 from vector<1xi32>
      %dma_start3A_553 = arith.constant 25 : i32
      %dma_start3A_554 = arith.constant 1 : i32
      %dma_start3A_555 = arith.constant 25 : i32
      %dma_start3A_556 = arith.constant 0 : i32
      %dma_start3A_557 = tpu.memref_slice %arg6[%dma_start3A_554, %scan3A_116, %dma_start3A_555, %dma_start3A_556] : memref<2x8x26x32xf32, #tpu.memory_space<vmem>> -> memref<1x1x1x32xf32, #tpu.memory_space<vmem>>
      %dma_start3A_558 = tpu.memref_squeeze %dma_start3A_557 : memref<1x1x1x32xf32, #tpu.memory_space<vmem>> -> memref<32xf32, #tpu.memory_space<vmem>>
      %dma_start3A_559 = arith.constant 0 : i32
      %dma_start3A_560 = tpu.memref_slice %arg3[%dma_start3A_553, %squeeze3A_552, %dma_start3A_559] : memref<26x100001x32xf32, #tpu.memory_space<hbm>> -> memref<1x1x32xf32, #tpu.memory_space<hbm>>
      %dma_start3A_561 = tpu.memref_squeeze %dma_start3A_560 : memref<1x1x32xf32, #tpu.memory_space<hbm>> -> memref<32xf32, #tpu.memory_space<hbm>>
      %dma_start3A_562 = arith.constant 0 : i32
      %dma_start3A_563 = tpu.memref_slice %arg6[%dma_start3A_554, %scan3A_116, %dma_start3A_555, %dma_start3A_562] : memref<2x8x26x32xf32, #tpu.memory_space<vmem>> -> memref<1x1x1x32xf32, #tpu.memory_space<vmem>>
      %dma_start3A_564 = tpu.memref_squeeze %dma_start3A_563 : memref<1x1x1x32xf32, #tpu.memory_space<vmem>> -> memref<32xf32, #tpu.memory_space<vmem>>
      %dma_start3A_565 = arith.constant 0 : i32
      %dma_start3A_566 = tpu.memref_slice %arg3[%dma_start3A_553, %squeeze3A_552, %dma_start3A_565] : memref<26x100001x32xf32, #tpu.memory_space<hbm>> -> memref<1x1x32xf32, #tpu.memory_space<hbm>>
      %dma_start3A_567 = tpu.memref_squeeze %dma_start3A_566 : memref<1x1x32xf32, #tpu.memory_space<hbm>> -> memref<32xf32, #tpu.memory_space<hbm>>
      tpu.enqueue_dma source(%dma_start3A_567 : memref<32xf32, #tpu.memory_space<hbm>>) target(%dma_start3A_564 : memref<32xf32, #tpu.memory_space<vmem>>) target_semaphore(%arg10 : memref<!tpu.dma_semaphore, #tpu.memory_space<semaphore_mem>>)
    }
    %scan3A_71 = arith.constant 8 : i32
    %scan3A_72 = arith.constant 0 : i32
    %scan3A_73 = arith.constant 0 : i32
    %scan3A_74 = arith.constant 32 : i32
    %scan3A_75 = arith.addi %scan3A_73, %scan3A_74 : i32
    %scan3A_76 = arith.constant 1 : i32
    scf.for %scan3A_116 = %scan3A_73 to %scan3A_75 step %scan3A_76  : i32 {
      %mul3A_117 = arith.constant 2 : i32
      %mul3A_118 = arith.muli %mul3A_117, %scan3A_116 : i32
      %dma_wait3A_119 = arith.constant 0 : i32
      %dma_wait3A_120 = arith.constant 0 : i32
      %dma_wait3A_121 = arith.constant 0 : i32
      %dma_wait3A_122 = arith.constant 0 : i32
      %dma_wait3A_123 = tpu.memref_slice %arg6[%dma_wait3A_119, %dma_wait3A_120, %dma_wait3A_121, %dma_wait3A_122] : memref<2x8x26x32xf32, #tpu.memory_space<vmem>> -> memref<1x8x26x32xf32, #tpu.memory_space<vmem>>
      %dma_wait3A_124 = tpu.memref_squeeze %dma_wait3A_123 : memref<1x8x26x32xf32, #tpu.memory_space<vmem>> -> memref<8x26x32xf32, #tpu.memory_space<vmem>>
      %dma_wait3A_125 = arith.constant 0 : i32
      %dma_wait3A_126 = arith.constant 0 : i32
      %dma_wait3A_127 = arith.constant 0 : i32
      %dma_wait3A_128 = tpu.memref_slice %arg4[%dma_wait3A_125, %dma_wait3A_126, %dma_wait3A_127] : memref<16384x26x32xf32, #tpu.memory_space<hbm>> -> memref<8x26x32xf32, #tpu.memory_space<hbm>>
      %dma_wait3A_129 = arith.constant 0 : i32
      %dma_wait3A_130 = arith.constant 0 : i32
      %dma_wait3A_131 = arith.constant 0 : i32
      %dma_wait3A_132 = tpu.memref_slice %arg6[%dma_wait3A_119, %dma_wait3A_129, %dma_wait3A_130, %dma_wait3A_131] : memref<2x8x26x32xf32, #tpu.memory_space<vmem>> -> memref<1x8x26x32xf32, #tpu.memory_space<vmem>>
      %dma_wait3A_133 = tpu.memref_squeeze %dma_wait3A_132 : memref<1x8x26x32xf32, #tpu.memory_space<vmem>> -> memref<8x26x32xf32, #tpu.memory_space<vmem>>
      %dma_wait3A_134 = arith.constant 0 : i32
      %dma_wait3A_135 = arith.constant 0 : i32
      %dma_wait3A_136 = arith.constant 0 : i32
      %dma_wait3A_137 = tpu.memref_slice %arg4[%dma_wait3A_134, %dma_wait3A_135, %dma_wait3A_136] : memref<16384x26x32xf32, #tpu.memory_space<hbm>> -> memref<8x26x32xf32, #tpu.memory_space<hbm>>
      tpu.wait_dma2 semaphore(%arg9 : memref<!tpu.dma_semaphore, #tpu.memory_space<semaphore_mem>>) src(%dma_wait3A_137 : memref<8x26x32xf32, #tpu.memory_space<hbm>>) dst(%dma_wait3A_133 : memref<8x26x32xf32, #tpu.memory_space<vmem>>)
      %mul3A_138 = arith.constant 8 : i32
      %mul3A_139 = arith.muli %mul3A_118, %mul3A_138 : i32
      %add3A_140 = arith.addi %mul3A_2, %mul3A_139 : i32
      %dma_start3A_141 = arith.constant 0 : i32
      %dma_start3A_142 = arith.constant 0 : i32
      %dma_start3A_143 = arith.constant 0 : i32
      %dma_start3A_144 = arith.constant 0 : i32
      %dma_start3A_145 = tpu.memref_slice %arg6[%dma_start3A_141, %dma_start3A_142, %dma_start3A_143, %dma_start3A_144] : memref<2x8x26x32xf32, #tpu.memory_space<vmem>> -> memref<1x8x26x32xf32, #tpu.memory_space<vmem>>
      %dma_start3A_146 = tpu.memref_squeeze %dma_start3A_145 : memref<1x8x26x32xf32, #tpu.memory_space<vmem>> -> memref<8x26x32xf32, #tpu.memory_space<vmem>>
      %dma_start3A_147 = arith.constant 0 : i32
      %dma_start3A_148 = arith.constant 0 : i32
      %dma_start3A_149 = tpu.memref_slice %arg4[%add3A_140, %dma_start3A_147, %dma_start3A_148] : memref<16384x26x32xf32, #tpu.memory_space<hbm>> -> memref<8x26x32xf32, #tpu.memory_space<hbm>>
      %dma_start3A_150 = arith.constant 0 : i32
      %dma_start3A_151 = arith.constant 0 : i32
      %dma_start3A_152 = tpu.memref_slice %arg4[%add3A_140, %dma_start3A_150, %dma_start3A_151] : memref<16384x26x32xf32, #tpu.memory_space<hbm>> -> memref<8x26x32xf32, #tpu.memory_space<hbm>>
      %dma_start3A_153 = arith.constant 0 : i32
      %dma_start3A_154 = arith.constant 0 : i32
      %dma_start3A_155 = arith.constant 0 : i32
      %dma_start3A_156 = tpu.memref_slice %arg6[%dma_start3A_141, %dma_start3A_153, %dma_start3A_154, %dma_start3A_155] : memref<2x8x26x32xf32, #tpu.memory_space<vmem>> -> memref<1x8x26x32xf32, #tpu.memory_space<vmem>>
      %dma_start3A_157 = tpu.memref_squeeze %dma_start3A_156 : memref<1x8x26x32xf32, #tpu.memory_space<vmem>> -> memref<8x26x32xf32, #tpu.memory_space<vmem>>
      tpu.enqueue_dma source(%dma_start3A_157 : memref<8x26x32xf32, #tpu.memory_space<vmem>>) target(%dma_start3A_152 : memref<8x26x32xf32, #tpu.memory_space<hbm>>) target_semaphore(%arg11 : memref<!tpu.dma_semaphore, #tpu.memory_space<semaphore_mem>>)
      %add3A_158 = arith.constant 2 : i32
      %add3A_159 = arith.addi %mul3A_118, %add3A_158 : i32
      %lt3A = arith.constant 64 : i32
      %lt3A_160 = arith.cmpi slt, %add3A_159, %lt3A : i32
      %convert_element_type3A = arith.extui %lt3A_160 : i1 to i32
      %cond3A = arith.constant 0 : i32
      %cond3A_161 = arith.cmpi ne, %convert_element_type3A, %cond3A : i32
      scf.if %cond3A_161 {
        %add3A_224 = arith.constant 2 : i32
        %add3A_225 = arith.addi %mul3A_118, %add3A_224 : i32
        %mul3A_226 = arith.constant 8 : i32
        %mul3A_227 = arith.muli %add3A_225, %mul3A_226 : i32
        %add3A_228 = arith.addi %mul3A_2, %mul3A_227 : i32
        %dma_start3A_229 = arith.constant 0 : i32
        %dma_start3A_230 = arith.constant 0 : i32
        %dma_start3A_231 = arith.constant 0 : i32
        %dma_start3A_232 = tpu.memref_slice %arg5[%dma_start3A_229, %dma_start3A_230, %dma_start3A_231] : memref<2x8x26xi32, #tpu.memory_space<vmem>> -> memref<1x8x26xi32, #tpu.memory_space<vmem>>
        %dma_start3A_233 = tpu.memref_squeeze %dma_start3A_232 : memref<1x8x26xi32, #tpu.memory_space<vmem>> -> memref<8x26xi32, #tpu.memory_space<vmem>>
        %dma_start3A_234 = arith.constant 0 : i32
        %dma_start3A_235 = tpu.memref_slice %arg2[%add3A_228, %dma_start3A_234] : memref<16384x26xi32, #tpu.memory_space<hbm>> -> memref<8x26xi32, #tpu.memory_space<hbm>>
        %dma_start3A_236 = arith.constant 0 : i32
        %dma_start3A_237 = arith.constant 0 : i32
        %dma_start3A_238 = tpu.memref_slice %arg5[%dma_start3A_229, %dma_start3A_236, %dma_start3A_237] : memref<2x8x26xi32, #tpu.memory_space<vmem>> -> memref<1x8x26xi32, #tpu.memory_space<vmem>>
        %dma_start3A_239 = tpu.memref_squeeze %dma_start3A_238 : memref<1x8x26xi32, #tpu.memory_space<vmem>> -> memref<8x26xi32, #tpu.memory_space<vmem>>
        %dma_start3A_240 = arith.constant 0 : i32
        %dma_start3A_241 = tpu.memref_slice %arg2[%add3A_228, %dma_start3A_240] : memref<16384x26xi32, #tpu.memory_space<hbm>> -> memref<8x26xi32, #tpu.memory_space<hbm>>
        tpu.enqueue_dma source(%dma_start3A_241 : memref<8x26xi32, #tpu.memory_space<hbm>>) target(%dma_start3A_239 : memref<8x26xi32, #tpu.memory_space<vmem>>) target_semaphore(%arg7 : memref<!tpu.dma_semaphore, #tpu.memory_space<semaphore_mem>>)
      } else {
      }
      %dma_wait3A_162 = arith.constant 0 : i32
      %dma_wait3A_163 = arith.constant 0 : i32
      %dma_wait3A_164 = arith.constant 0 : i32
      %dma_wait3A_165 = arith.constant 0 : i32
      %dma_wait3A_166 = tpu.memref_slice %arg6[%dma_wait3A_162, %dma_wait3A_163, %dma_wait3A_164, %dma_wait3A_165] : memref<2x8x26x32xf32, #tpu.memory_space<vmem>> -> memref<1x8x26x32xf32, #tpu.memory_space<vmem>>
      %dma_wait3A_167 = tpu.memref_squeeze %dma_wait3A_166 : memref<1x8x26x32xf32, #tpu.memory_space<vmem>> -> memref<8x26x32xf32, #tpu.memory_space<vmem>>
      %dma_wait3A_168 = arith.constant 0 : i32
      %dma_wait3A_169 = arith.constant 0 : i32
      %dma_wait3A_170 = arith.constant 0 : i32
      %dma_wait3A_171 = tpu.memref_slice %arg4[%dma_wait3A_168, %dma_wait3A_169, %dma_wait3A_170] : memref<16384x26x32xf32, #tpu.memory_space<hbm>> -> memref<8x26x32xf32, #tpu.memory_space<hbm>>
      %dma_wait3A_172 = arith.constant 0 : i32
      %dma_wait3A_173 = arith.constant 0 : i32
      %dma_wait3A_174 = arith.constant 0 : i32
      %dma_wait3A_175 = tpu.memref_slice %arg6[%dma_wait3A_162, %dma_wait3A_172, %dma_wait3A_173, %dma_wait3A_174] : memref<2x8x26x32xf32, #tpu.memory_space<vmem>> -> memref<1x8x26x32xf32, #tpu.memory_space<vmem>>
      %dma_wait3A_176 = tpu.memref_squeeze %dma_wait3A_175 : memref<1x8x26x32xf32, #tpu.memory_space<vmem>> -> memref<8x26x32xf32, #tpu.memory_space<vmem>>
      %dma_wait3A_177 = arith.constant 0 : i32
      %dma_wait3A_178 = arith.constant 0 : i32
      %dma_wait3A_179 = arith.constant 0 : i32
      %dma_wait3A_180 = tpu.memref_slice %arg4[%dma_wait3A_177, %dma_wait3A_178, %dma_wait3A_179] : memref<16384x26x32xf32, #tpu.memory_space<hbm>> -> memref<8x26x32xf32, #tpu.memory_space<hbm>>
      tpu.wait_dma2 semaphore(%arg10 : memref<!tpu.dma_semaphore, #tpu.memory_space<semaphore_mem>>) src(%dma_wait3A_180 : memref<8x26x32xf32, #tpu.memory_space<hbm>>) dst(%dma_wait3A_176 : memref<8x26x32xf32, #tpu.memory_space<vmem>>)
      %add3A_181 = arith.constant 1 : i32
      %add3A_182 = arith.addi %mul3A_118, %add3A_181 : i32
      %mul3A_183 = arith.constant 8 : i32
      %mul3A_184 = arith.muli %add3A_182, %mul3A_183 : i32
      %add3A_185 = arith.addi %mul3A_2, %mul3A_184 : i32
      %dma_start3A_186 = arith.constant 1 : i32
      %dma_start3A_187 = arith.constant 0 : i32
      %dma_start3A_188 = arith.constant 0 : i32
      %dma_start3A_189 = arith.constant 0 : i32
      %dma_start3A_190 = tpu.memref_slice %arg6[%dma_start3A_186, %dma_start3A_187, %dma_start3A_188, %dma_start3A_189] : memref<2x8x26x32xf32, #tpu.memory_space<vmem>> -> memref<1x8x26x32xf32, #tpu.memory_space<vmem>>
      %dma_start3A_191 = tpu.memref_squeeze %dma_start3A_190 : memref<1x8x26x32xf32, #tpu.memory_space<vmem>> -> memref<8x26x32xf32, #tpu.memory_space<vmem>>
      %dma_start3A_192 = arith.constant 0 : i32
      %dma_start3A_193 = arith.constant 0 : i32
      %dma_start3A_194 = tpu.memref_slice %arg4[%add3A_185, %dma_start3A_192, %dma_start3A_193] : memref<16384x26x32xf32, #tpu.memory_space<hbm>> -> memref<8x26x32xf32, #tpu.memory_space<hbm>>
      %dma_start3A_195 = arith.constant 0 : i32
      %dma_start3A_196 = arith.constant 0 : i32
      %dma_start3A_197 = tpu.memref_slice %arg4[%add3A_185, %dma_start3A_195, %dma_start3A_196] : memref<16384x26x32xf32, #tpu.memory_space<hbm>> -> memref<8x26x32xf32, #tpu.memory_space<hbm>>
      %dma_start3A_198 = arith.constant 0 : i32
      %dma_start3A_199 = arith.constant 0 : i32
      %dma_start3A_200 = arith.constant 0 : i32
      %dma_start3A_201 = tpu.memref_slice %arg6[%dma_start3A_186, %dma_start3A_198, %dma_start3A_199, %dma_start3A_200] : memref<2x8x26x32xf32, #tpu.memory_space<vmem>> -> memref<1x8x26x32xf32, #tpu.memory_space<vmem>>
      %dma_start3A_202 = tpu.memref_squeeze %dma_start3A_201 : memref<1x8x26x32xf32, #tpu.memory_space<vmem>> -> memref<8x26x32xf32, #tpu.memory_space<vmem>>
      tpu.enqueue_dma source(%dma_start3A_202 : memref<8x26x32xf32, #tpu.memory_space<vmem>>) target(%dma_start3A_197 : memref<8x26x32xf32, #tpu.memory_space<hbm>>) target_semaphore(%arg12 : memref<!tpu.dma_semaphore, #tpu.memory_space<semaphore_mem>>)
      %add3A_203 = arith.constant 3 : i32
      %add3A_204 = arith.addi %mul3A_118, %add3A_203 : i32
      %lt3A_205 = arith.constant 64 : i32
      %lt3A_206 = arith.cmpi slt, %add3A_204, %lt3A_205 : i32
      %convert_element_type3A_207 = arith.extui %lt3A_206 : i1 to i32
      %cond3A_208 = arith.constant 0 : i32
      %cond3A_209 = arith.cmpi ne, %convert_element_type3A_207, %cond3A_208 : i32
      scf.if %cond3A_209 {
        %add3A_224 = arith.constant 3 : i32
        %add3A_225 = arith.addi %mul3A_118, %add3A_224 : i32
        %mul3A_226 = arith.constant 8 : i32
        %mul3A_227 = arith.muli %add3A_225, %mul3A_226 : i32
        %add3A_228 = arith.addi %mul3A_2, %mul3A_227 : i32
        %dma_start3A_229 = arith.constant 1 : i32
        %dma_start3A_230 = arith.constant 0 : i32
        %dma_start3A_231 = arith.constant 0 : i32
        %dma_start3A_232 = tpu.memref_slice %arg5[%dma_start3A_229, %dma_start3A_230, %dma_start3A_231] : memref<2x8x26xi32, #tpu.memory_space<vmem>> -> memref<1x8x26xi32, #tpu.memory_space<vmem>>
        %dma_start3A_233 = tpu.memref_squeeze %dma_start3A_232 : memref<1x8x26xi32, #tpu.memory_space<vmem>> -> memref<8x26xi32, #tpu.memory_space<vmem>>
        %dma_start3A_234 = arith.constant 0 : i32
        %dma_start3A_235 = tpu.memref_slice %arg2[%add3A_228, %dma_start3A_234] : memref<16384x26xi32, #tpu.memory_space<hbm>> -> memref<8x26xi32, #tpu.memory_space<hbm>>
        %dma_start3A_236 = arith.constant 0 : i32
        %dma_start3A_237 = arith.constant 0 : i32
        %dma_start3A_238 = tpu.memref_slice %arg5[%dma_start3A_229, %dma_start3A_236, %dma_start3A_237] : memref<2x8x26xi32, #tpu.memory_space<vmem>> -> memref<1x8x26xi32, #tpu.memory_space<vmem>>
        %dma_start3A_239 = tpu.memref_squeeze %dma_start3A_238 : memref<1x8x26xi32, #tpu.memory_space<vmem>> -> memref<8x26xi32, #tpu.memory_space<vmem>>
        %dma_start3A_240 = arith.constant 0 : i32
        %dma_start3A_241 = tpu.memref_slice %arg2[%add3A_228, %dma_start3A_240] : memref<16384x26xi32, #tpu.memory_space<hbm>> -> memref<8x26xi32, #tpu.memory_space<hbm>>
        tpu.enqueue_dma source(%dma_start3A_241 : memref<8x26xi32, #tpu.memory_space<hbm>>) target(%dma_start3A_239 : memref<8x26xi32, #tpu.memory_space<vmem>>) target_semaphore(%arg8 : memref<!tpu.dma_semaphore, #tpu.memory_space<semaphore_mem>>)
      } else {
      }
      %add3A_210 = arith.constant 2 : i32
      %add3A_211 = arith.addi %mul3A_118, %add3A_210 : i32
      %lt3A_212 = arith.constant 64 : i32
      %lt3A_213 = arith.cmpi slt, %add3A_211, %lt3A_212 : i32
      %convert_element_type3A_214 = arith.extui %lt3A_213 : i1 to i32
      %cond3A_215 = arith.constant 0 : i32
      %cond3A_216 = arith.cmpi ne, %convert_element_type3A_214, %cond3A_215 : i32
      scf.if %cond3A_216 {
        %dma_wait3A_224 = arith.constant 0 : i32
        %dma_wait3A_225 = arith.constant 0 : i32
        %dma_wait3A_226 = arith.constant 0 : i32
        %dma_wait3A_227 = arith.constant 0 : i32
        %dma_wait3A_228 = tpu.memref_slice %arg6[%dma_wait3A_224, %dma_wait3A_225, %dma_wait3A_226, %dma_wait3A_227] : memref<2x8x26x32xf32, #tpu.memory_space<vmem>> -> memref<1x8x26x32xf32, #tpu.memory_space<vmem>>
        %dma_wait3A_229 = tpu.memref_squeeze %dma_wait3A_228 : memref<1x8x26x32xf32, #tpu.memory_space<vmem>> -> memref<8x26x32xf32, #tpu.memory_space<vmem>>
        %dma_wait3A_230 = arith.constant 0 : i32
        %dma_wait3A_231 = arith.constant 0 : i32
        %dma_wait3A_232 = arith.constant 0 : i32
        %dma_wait3A_233 = tpu.memref_slice %arg4[%dma_wait3A_230, %dma_wait3A_231, %dma_wait3A_232] : memref<16384x26x32xf32, #tpu.memory_space<hbm>> -> memref<8x26x32xf32, #tpu.memory_space<hbm>>
        %dma_wait3A_234 = arith.constant 0 : i32
        %dma_wait3A_235 = arith.constant 0 : i32
        %dma_wait3A_236 = arith.constant 0 : i32
        %dma_wait3A_237 = tpu.memref_slice %arg6[%dma_wait3A_224, %dma_wait3A_234, %dma_wait3A_235, %dma_wait3A_236] : memref<2x8x26x32xf32, #tpu.memory_space<vmem>> -> memref<1x8x26x32xf32, #tpu.memory_space<vmem>>
        %dma_wait3A_238 = tpu.memref_squeeze %dma_wait3A_237 : memref<1x8x26x32xf32, #tpu.memory_space<vmem>> -> memref<8x26x32xf32, #tpu.memory_space<vmem>>
        %dma_wait3A_239 = arith.constant 0 : i32
        %dma_wait3A_240 = arith.constant 0 : i32
        %dma_wait3A_241 = arith.constant 0 : i32
        %dma_wait3A_242 = tpu.memref_slice %arg4[%dma_wait3A_239, %dma_wait3A_240, %dma_wait3A_241] : memref<16384x26x32xf32, #tpu.memory_space<hbm>> -> memref<8x26x32xf32, #tpu.memory_space<hbm>>
        tpu.wait_dma2 semaphore(%arg11 : memref<!tpu.dma_semaphore, #tpu.memory_space<semaphore_mem>>) src(%dma_wait3A_242 : memref<8x26x32xf32, #tpu.memory_space<hbm>>) dst(%dma_wait3A_238 : memref<8x26x32xf32, #tpu.memory_space<vmem>>)
        %dma_wait3A_243 = arith.constant 0 : i32
        %dma_wait3A_244 = arith.constant 0 : i32
        %dma_wait3A_245 = arith.constant 0 : i32
        %dma_wait3A_246 = tpu.memref_slice %arg5[%dma_wait3A_243, %dma_wait3A_244, %dma_wait3A_245] : memref<2x8x26xi32, #tpu.memory_space<vmem>> -> memref<1x8x26xi32, #tpu.memory_space<vmem>>
        %dma_wait3A_247 = tpu.memref_squeeze %dma_wait3A_246 : memref<1x8x26xi32, #tpu.memory_space<vmem>> -> memref<8x26xi32, #tpu.memory_space<vmem>>
        %dma_wait3A_248 = arith.constant 0 : i32
        %dma_wait3A_249 = arith.constant 0 : i32
        %dma_wait3A_250 = tpu.memref_slice %arg2[%dma_wait3A_248, %dma_wait3A_249] : memref<16384x26xi32, #tpu.memory_space<hbm>> -> memref<8x26xi32, #tpu.memory_space<hbm>>
        %dma_wait3A_251 = arith.constant 0 : i32
        %dma_wait3A_252 = arith.constant 0 : i32
        %dma_wait3A_253 = tpu.memref_slice %arg5[%dma_wait3A_243, %dma_wait3A_251, %dma_wait3A_252] : memref<2x8x26xi32, #tpu.memory_space<vmem>> -> memref<1x8x26xi32, #tpu.memory_space<vmem>>
        %dma_wait3A_254 = tpu.memref_squeeze %dma_wait3A_253 : memref<1x8x26xi32, #tpu.memory_space<vmem>> -> memref<8x26xi32, #tpu.memory_space<vmem>>
        %dma_wait3A_255 = arith.constant 0 : i32
        %dma_wait3A_256 = arith.constant 0 : i32
        %dma_wait3A_257 = tpu.memref_slice %arg2[%dma_wait3A_255, %dma_wait3A_256] : memref<16384x26xi32, #tpu.memory_space<hbm>> -> memref<8x26xi32, #tpu.memory_space<hbm>>
        tpu.wait_dma2 semaphore(%arg7 : memref<!tpu.dma_semaphore, #tpu.memory_space<semaphore_mem>>) src(%dma_wait3A_257 : memref<8x26xi32, #tpu.memory_space<hbm>>) dst(%dma_wait3A_254 : memref<8x26xi32, #tpu.memory_space<vmem>>)
        %add3A_258 = arith.constant 2 : i32
        %add3A_259 = arith.addi %mul3A_118, %add3A_258 : i32
        %scan3A_260 = arith.constant 0 : i32
        %scan3A_261 = arith.constant 0 : i32
        %scan3A_262 = arith.constant 8 : i32
        %scan3A_263 = arith.addi %scan3A_261, %scan3A_262 : i32
        %scan3A_264 = arith.constant 1 : i32
        scf.for %scan3A_266 = %scan3A_261 to %scan3A_263 step %scan3A_264  : i32 {
          %get3A = arith.constant 0 : i32
          %get3A_267 = arith.index_cast %get3A : i32 to index
          %get3A_268 = arith.index_cast %scan3A_266 : i32 to index
          %get3A_269 = arith.constant 0 : index
          %get3A_270 = tpu.vector_load %arg5[%get3A_267, %get3A_268, %get3A_269] {strides = array<i32>} : memref<2x8x26xi32, #tpu.memory_space<vmem>>, vector<1x1x16xi32>,
          %get3A_271 = vector.shape_cast %get3A_270 : vector<1x1x16xi32> to vector<16xi32>
          %get3A_272 = arith.constant 0 : i32
          %get3A_273 = arith.index_cast %get3A_272 : i32 to index
          %get3A_274 = arith.index_cast %scan3A_266 : i32 to index
          %get3A_275 = arith.constant 10 : index
          %get3A_276 = tpu.vector_load %arg5[%get3A_273, %get3A_274, %get3A_275] {strides = array<i32>} : memref<2x8x26xi32, #tpu.memory_space<vmem>>, vector<1x1x16xi32>,
          %get3A_277 = vector.shape_cast %get3A_276 : vector<1x1x16xi32> to vector<16xi32>
          %slice3A = vector.extract_strided_slice %get3A_271 {offsets = [0], sizes = [1], strides = [1]} : vector<16xi32> to vector<1xi32>
          %squeeze3A = vector.extract %slice3A[0] : i32 from vector<1xi32>
          %dma_start3A_278 = arith.constant 0 : i32
          %dma_start3A_279 = arith.constant 0 : i32
          %dma_start3A_280 = arith.constant 0 : i32
          %dma_start3A_281 = arith.constant 0 : i32
          %dma_start3A_282 = tpu.memref_slice %arg6[%dma_start3A_279, %scan3A_266, %dma_start3A_280, %dma_start3A_281] : memref<2x8x26x32xf32, #tpu.memory_space<vmem>> -> memref<1x1x1x32xf32, #tpu.memory_space<vmem>>
          %dma_start3A_283 = tpu.memref_squeeze %dma_start3A_282 : memref<1x1x1x32xf32, #tpu.memory_space<vmem>> -> memref<32xf32, #tpu.memory_space<vmem>>
          %dma_start3A_284 = arith.constant 0 : i32
          %dma_start3A_285 = tpu.memref_slice %arg3[%dma_start3A_278, %squeeze3A, %dma_start3A_284] : memref<26x100001x32xf32, #tpu.memory_space<hbm>> -> memref<1x1x32xf32, #tpu.memory_space<hbm>>
          %dma_start3A_286 = tpu.memref_squeeze %dma_start3A_285 : memref<1x1x32xf32, #tpu.memory_space<hbm>> -> memref<32xf32, #tpu.memory_space<hbm>>
          %dma_start3A_287 = arith.constant 0 : i32
          %dma_start3A_288 = tpu.memref_slice %arg6[%dma_start3A_279, %scan3A_266, %dma_start3A_280, %dma_start3A_287] : memref<2x8x26x32xf32, #tpu.memory_space<vmem>> -> memref<1x1x1x32xf32, #tpu.memory_space<vmem>>
          %dma_start3A_289 = tpu.memref_squeeze %dma_start3A_288 : memref<1x1x1x32xf32, #tpu.memory_space<vmem>> -> memref<32xf32, #tpu.memory_space<vmem>>
          %dma_start3A_290 = arith.constant 0 : i32
          %dma_start3A_291 = tpu.memref_slice %arg3[%dma_start3A_278, %squeeze3A, %dma_start3A_290] : memref<26x100001x32xf32, #tpu.memory_space<hbm>> -> memref<1x1x32xf32, #tpu.memory_space<hbm>>
          %dma_start3A_292 = tpu.memref_squeeze %dma_start3A_291 : memref<1x1x32xf32, #tpu.memory_space<hbm>> -> memref<32xf32, #tpu.memory_space<hbm>>
          tpu.enqueue_dma source(%dma_start3A_292 : memref<32xf32, #tpu.memory_space<hbm>>) target(%dma_start3A_289 : memref<32xf32, #tpu.memory_space<vmem>>) target_semaphore(%arg9 : memref<!tpu.dma_semaphore, #tpu.memory_space<semaphore_mem>>)
          %slice3A_293 = vector.extract_strided_slice %get3A_271 {offsets = [1], sizes = [1], strides = [1]} : vector<16xi32> to vector<1xi32>
          %squeeze3A_294 = vector.extract %slice3A_293[0] : i32 from vector<1xi32>
          %dma_start3A_295 = arith.constant 1 : i32
          %dma_start3A_296 = arith.constant 0 : i32
          %dma_start3A_297 = arith.constant 1 : i32
          %dma_start3A_298 = arith.constant 0 : i32
          %dma_start3A_299 = tpu.memref_slice %arg6[%dma_start3A_296, %scan3A_266, %dma_start3A_297, %dma_start3A_298] : memref<2x8x26x32xf32, #tpu.memory_space<vmem>> -> memref<1x1x1x32xf32, #tpu.memory_space<vmem>>
          %dma_start3A_300 = tpu.memref_squeeze %dma_start3A_299 : memref<1x1x1x32xf32, #tpu.memory_space<vmem>> -> memref<32xf32, #tpu.memory_space<vmem>>
          %dma_start3A_301 = arith.constant 0 : i32
          %dma_start3A_302 = tpu.memref_slice %arg3[%dma_start3A_295, %squeeze3A_294, %dma_start3A_301] : memref<26x100001x32xf32, #tpu.memory_space<hbm>> -> memref<1x1x32xf32, #tpu.memory_space<hbm>>
          %dma_start3A_303 = tpu.memref_squeeze %dma_start3A_302 : memref<1x1x32xf32, #tpu.memory_space<hbm>> -> memref<32xf32, #tpu.memory_space<hbm>>
          %dma_start3A_304 = arith.constant 0 : i32
          %dma_start3A_305 = tpu.memref_slice %arg6[%dma_start3A_296, %scan3A_266, %dma_start3A_297, %dma_start3A_304] : memref<2x8x26x32xf32, #tpu.memory_space<vmem>> -> memref<1x1x1x32xf32, #tpu.memory_space<vmem>>
          %dma_start3A_306 = tpu.memref_squeeze %dma_start3A_305 : memref<1x1x1x32xf32, #tpu.memory_space<vmem>> -> memref<32xf32, #tpu.memory_space<vmem>>
          %dma_start3A_307 = arith.constant 0 : i32
          %dma_start3A_308 = tpu.memref_slice %arg3[%dma_start3A_295, %squeeze3A_294, %dma_start3A_307] : memref<26x100001x32xf32, #tpu.memory_space<hbm>> -> memref<1x1x32xf32, #tpu.memory_space<hbm>>
          %dma_start3A_309 = tpu.memref_squeeze %dma_start3A_308 : memref<1x1x32xf32, #tpu.memory_space<hbm>> -> memref<32xf32, #tpu.memory_space<hbm>>
          tpu.enqueue_dma source(%dma_start3A_309 : memref<32xf32, #tpu.memory_space<hbm>>) target(%dma_start3A_306 : memref<32xf32, #tpu.memory_space<vmem>>) target_semaphore(%arg9 : memref<!tpu.dma_semaphore, #tpu.memory_space<semaphore_mem>>)
          %slice3A_310 = vector.extract_strided_slice %get3A_271 {offsets = [2], sizes = [1], strides = [1]} : vector<16xi32> to vector<1xi32>
          %squeeze3A_311 = vector.extract %slice3A_310[0] : i32 from vector<1xi32>
          %dma_start3A_312 = arith.constant 2 : i32
          %dma_start3A_313 = arith.constant 0 : i32
          %dma_start3A_314 = arith.constant 2 : i32
          %dma_start3A_315 = arith.constant 0 : i32
          %dma_start3A_316 = tpu.memref_slice %arg6[%dma_start3A_313, %scan3A_266, %dma_start3A_314, %dma_start3A_315] : memref<2x8x26x32xf32, #tpu.memory_space<vmem>> -> memref<1x1x1x32xf32, #tpu.memory_space<vmem>>
          %dma_start3A_317 = tpu.memref_squeeze %dma_start3A_316 : memref<1x1x1x32xf32, #tpu.memory_space<vmem>> -> memref<32xf32, #tpu.memory_space<vmem>>
          %dma_start3A_318 = arith.constant 0 : i32
          %dma_start3A_319 = tpu.memref_slice %arg3[%dma_start3A_312, %squeeze3A_311, %dma_start3A_318] : memref<26x100001x32xf32, #tpu.memory_space<hbm>> -> memref<1x1x32xf32, #tpu.memory_space<hbm>>
          %dma_start3A_320 = tpu.memref_squeeze %dma_start3A_319 : memref<1x1x32xf32, #tpu.memory_space<hbm>> -> memref<32xf32, #tpu.memory_space<hbm>>
          %dma_start3A_321 = arith.constant 0 : i32
          %dma_start3A_322 = tpu.memref_slice %arg6[%dma_start3A_313, %scan3A_266, %dma_start3A_314, %dma_start3A_321] : memref<2x8x26x32xf32, #tpu.memory_space<vmem>> -> memref<1x1x1x32xf32, #tpu.memory_space<vmem>>
          %dma_start3A_323 = tpu.memref_squeeze %dma_start3A_322 : memref<1x1x1x32xf32, #tpu.memory_space<vmem>> -> memref<32xf32, #tpu.memory_space<vmem>>
          %dma_start3A_324 = arith.constant 0 : i32
          %dma_start3A_325 = tpu.memref_slice %arg3[%dma_start3A_312, %squeeze3A_311, %dma_start3A_324] : memref<26x100001x32xf32, #tpu.memory_space<hbm>> -> memref<1x1x32xf32, #tpu.memory_space<hbm>>
          %dma_start3A_326 = tpu.memref_squeeze %dma_start3A_325 : memref<1x1x32xf32, #tpu.memory_space<hbm>> -> memref<32xf32, #tpu.memory_space<hbm>>
          tpu.enqueue_dma source(%dma_start3A_326 : memref<32xf32, #tpu.memory_space<hbm>>) target(%dma_start3A_323 : memref<32xf32, #tpu.memory_space<vmem>>) target_semaphore(%arg9 : memref<!tpu.dma_semaphore, #tpu.memory_space<semaphore_mem>>)
          %slice3A_327 = vector.extract_strided_slice %get3A_271 {offsets = [3], sizes = [1], strides = [1]} : vector<16xi32> to vector<1xi32>
          %squeeze3A_328 = vector.extract %slice3A_327[0] : i32 from vector<1xi32>
          %dma_start3A_329 = arith.constant 3 : i32
          %dma_start3A_330 = arith.constant 0 : i32
          %dma_start3A_331 = arith.constant 3 : i32
          %dma_start3A_332 = arith.constant 0 : i32
          %dma_start3A_333 = tpu.memref_slice %arg6[%dma_start3A_330, %scan3A_266, %dma_start3A_331, %dma_start3A_332] : memref<2x8x26x32xf32, #tpu.memory_space<vmem>> -> memref<1x1x1x32xf32, #tpu.memory_space<vmem>>
          %dma_start3A_334 = tpu.memref_squeeze %dma_start3A_333 : memref<1x1x1x32xf32, #tpu.memory_space<vmem>> -> memref<32xf32, #tpu.memory_space<vmem>>
          %dma_start3A_335 = arith.constant 0 : i32
          %dma_start3A_336 = tpu.memref_slice %arg3[%dma_start3A_329, %squeeze3A_328, %dma_start3A_335] : memref<26x100001x32xf32, #tpu.memory_space<hbm>> -> memref<1x1x32xf32, #tpu.memory_space<hbm>>
          %dma_start3A_337 = tpu.memref_squeeze %dma_start3A_336 : memref<1x1x32xf32, #tpu.memory_space<hbm>> -> memref<32xf32, #tpu.memory_space<hbm>>
          %dma_start3A_338 = arith.constant 0 : i32
          %dma_start3A_339 = tpu.memref_slice %arg6[%dma_start3A_330, %scan3A_266, %dma_start3A_331, %dma_start3A_338] : memref<2x8x26x32xf32, #tpu.memory_space<vmem>> -> memref<1x1x1x32xf32, #tpu.memory_space<vmem>>
          %dma_start3A_340 = tpu.memref_squeeze %dma_start3A_339 : memref<1x1x1x32xf32, #tpu.memory_space<vmem>> -> memref<32xf32, #tpu.memory_space<vmem>>
          %dma_start3A_341 = arith.constant 0 : i32
          %dma_start3A_342 = tpu.memref_slice %arg3[%dma_start3A_329, %squeeze3A_328, %dma_start3A_341] : memref<26x100001x32xf32, #tpu.memory_space<hbm>> -> memref<1x1x32xf32, #tpu.memory_space<hbm>>
          %dma_start3A_343 = tpu.memref_squeeze %dma_start3A_342 : memref<1x1x32xf32, #tpu.memory_space<hbm>> -> memref<32xf32, #tpu.memory_space<hbm>>
          tpu.enqueue_dma source(%dma_start3A_343 : memref<32xf32, #tpu.memory_space<hbm>>) target(%dma_start3A_340 : memref<32xf32, #tpu.memory_space<vmem>>) target_semaphore(%arg9 : memref<!tpu.dma_semaphore, #tpu.memory_space<semaphore_mem>>)
          %slice3A_344 = vector.extract_strided_slice %get3A_271 {offsets = [4], sizes = [1], strides = [1]} : vector<16xi32> to vector<1xi32>
          %squeeze3A_345 = vector.extract %slice3A_344[0] : i32 from vector<1xi32>
          %dma_start3A_346 = arith.constant 4 : i32
          %dma_start3A_347 = arith.constant 0 : i32
          %dma_start3A_348 = arith.constant 4 : i32
          %dma_start3A_349 = arith.constant 0 : i32
          %dma_start3A_350 = tpu.memref_slice %arg6[%dma_start3A_347, %scan3A_266, %dma_start3A_348, %dma_start3A_349] : memref<2x8x26x32xf32, #tpu.memory_space<vmem>> -> memref<1x1x1x32xf32, #tpu.memory_space<vmem>>
          %dma_start3A_351 = tpu.memref_squeeze %dma_start3A_350 : memref<1x1x1x32xf32, #tpu.memory_space<vmem>> -> memref<32xf32, #tpu.memory_space<vmem>>
          %dma_start3A_352 = arith.constant 0 : i32
          %dma_start3A_353 = tpu.memref_slice %arg3[%dma_start3A_346, %squeeze3A_345, %dma_start3A_352] : memref<26x100001x32xf32, #tpu.memory_space<hbm>> -> memref<1x1x32xf32, #tpu.memory_space<hbm>>
          %dma_start3A_354 = tpu.memref_squeeze %dma_start3A_353 : memref<1x1x32xf32, #tpu.memory_space<hbm>> -> memref<32xf32, #tpu.memory_space<hbm>>
          %dma_start3A_355 = arith.constant 0 : i32
          %dma_start3A_356 = tpu.memref_slice %arg6[%dma_start3A_347, %scan3A_266, %dma_start3A_348, %dma_start3A_355] : memref<2x8x26x32xf32, #tpu.memory_space<vmem>> -> memref<1x1x1x32xf32, #tpu.memory_space<vmem>>
          %dma_start3A_357 = tpu.memref_squeeze %dma_start3A_356 : memref<1x1x1x32xf32, #tpu.memory_space<vmem>> -> memref<32xf32, #tpu.memory_space<vmem>>
          %dma_start3A_358 = arith.constant 0 : i32
          %dma_start3A_359 = tpu.memref_slice %arg3[%dma_start3A_346, %squeeze3A_345, %dma_start3A_358] : memref<26x100001x32xf32, #tpu.memory_space<hbm>> -> memref<1x1x32xf32, #tpu.memory_space<hbm>>
          %dma_start3A_360 = tpu.memref_squeeze %dma_start3A_359 : memref<1x1x32xf32, #tpu.memory_space<hbm>> -> memref<32xf32, #tpu.memory_space<hbm>>
          tpu.enqueue_dma source(%dma_start3A_360 : memref<32xf32, #tpu.memory_space<hbm>>) target(%dma_start3A_357 : memref<32xf32, #tpu.memory_space<vmem>>) target_semaphore(%arg9 : memref<!tpu.dma_semaphore, #tpu.memory_space<semaphore_mem>>)
          %slice3A_361 = vector.extract_strided_slice %get3A_271 {offsets = [5], sizes = [1], strides = [1]} : vector<16xi32> to vector<1xi32>
          %squeeze3A_362 = vector.extract %slice3A_361[0] : i32 from vector<1xi32>
          %dma_start3A_363 = arith.constant 5 : i32
          %dma_start3A_364 = arith.constant 0 : i32
          %dma_start3A_365 = arith.constant 5 : i32
          %dma_start3A_366 = arith.constant 0 : i32
          %dma_start3A_367 = tpu.memref_slice %arg6[%dma_start3A_364, %scan3A_266, %dma_start3A_365, %dma_start3A_366] : memref<2x8x26x32xf32, #tpu.memory_space<vmem>> -> memref<1x1x1x32xf32, #tpu.memory_space<vmem>>
          %dma_start3A_368 = tpu.memref_squeeze %dma_start3A_367 : memref<1x1x1x32xf32, #tpu.memory_space<vmem>> -> memref<32xf32, #tpu.memory_space<vmem>>
          %dma_start3A_369 = arith.constant 0 : i32
          %dma_start3A_370 = tpu.memref_slice %arg3[%dma_start3A_363, %squeeze3A_362, %dma_start3A_369] : memref<26x100001x32xf32, #tpu.memory_space<hbm>> -> memref<1x1x32xf32, #tpu.memory_space<hbm>>
          %dma_start3A_371 = tpu.memref_squeeze %dma_start3A_370 : memref<1x1x32xf32, #tpu.memory_space<hbm>> -> memref<32xf32, #tpu.memory_space<hbm>>
          %dma_start3A_372 = arith.constant 0 : i32
          %dma_start3A_373 = tpu.memref_slice %arg6[%dma_start3A_364, %scan3A_266, %dma_start3A_365, %dma_start3A_372] : memref<2x8x26x32xf32, #tpu.memory_space<vmem>> -> memref<1x1x1x32xf32, #tpu.memory_space<vmem>>
          %dma_start3A_374 = tpu.memref_squeeze %dma_start3A_373 : memref<1x1x1x32xf32, #tpu.memory_space<vmem>> -> memref<32xf32, #tpu.memory_space<vmem>>
          %dma_start3A_375 = arith.constant 0 : i32
          %dma_start3A_376 = tpu.memref_slice %arg3[%dma_start3A_363, %squeeze3A_362, %dma_start3A_375] : memref<26x100001x32xf32, #tpu.memory_space<hbm>> -> memref<1x1x32xf32, #tpu.memory_space<hbm>>
          %dma_start3A_377 = tpu.memref_squeeze %dma_start3A_376 : memref<1x1x32xf32, #tpu.memory_space<hbm>> -> memref<32xf32, #tpu.memory_space<hbm>>
          tpu.enqueue_dma source(%dma_start3A_377 : memref<32xf32, #tpu.memory_space<hbm>>) target(%dma_start3A_374 : memref<32xf32, #tpu.memory_space<vmem>>) target_semaphore(%arg9 : memref<!tpu.dma_semaphore, #tpu.memory_space<semaphore_mem>>)
          %slice3A_378 = vector.extract_strided_slice %get3A_271 {offsets = [6], sizes = [1], strides = [1]} : vector<16xi32> to vector<1xi32>
          %squeeze3A_379 = vector.extract %slice3A_378[0] : i32 from vector<1xi32>
          %dma_start3A_380 = arith.constant 6 : i32
          %dma_start3A_381 = arith.constant 0 : i32
          %dma_start3A_382 = arith.constant 6 : i32
          %dma_start3A_383 = arith.constant 0 : i32
          %dma_start3A_384 = tpu.memref_slice %arg6[%dma_start3A_381, %scan3A_266, %dma_start3A_382, %dma_start3A_383] : memref<2x8x26x32xf32, #tpu.memory_space<vmem>> -> memref<1x1x1x32xf32, #tpu.memory_space<vmem>>
          %dma_start3A_385 = tpu.memref_squeeze %dma_start3A_384 : memref<1x1x1x32xf32, #tpu.memory_space<vmem>> -> memref<32xf32, #tpu.memory_space<vmem>>
          %dma_start3A_386 = arith.constant 0 : i32
          %dma_start3A_387 = tpu.memref_slice %arg3[%dma_start3A_380, %squeeze3A_379, %dma_start3A_386] : memref<26x100001x32xf32, #tpu.memory_space<hbm>> -> memref<1x1x32xf32, #tpu.memory_space<hbm>>
          %dma_start3A_388 = tpu.memref_squeeze %dma_start3A_387 : memref<1x1x32xf32, #tpu.memory_space<hbm>> -> memref<32xf32, #tpu.memory_space<hbm>>
          %dma_start3A_389 = arith.constant 0 : i32
          %dma_start3A_390 = tpu.memref_slice %arg6[%dma_start3A_381, %scan3A_266, %dma_start3A_382, %dma_start3A_389] : memref<2x8x26x32xf32, #tpu.memory_space<vmem>> -> memref<1x1x1x32xf32, #tpu.memory_space<vmem>>
          %dma_start3A_391 = tpu.memref_squeeze %dma_start3A_390 : memref<1x1x1x32xf32, #tpu.memory_space<vmem>> -> memref<32xf32, #tpu.memory_space<vmem>>
          %dma_start3A_392 = arith.constant 0 : i32
          %dma_start3A_393 = tpu.memref_slice %arg3[%dma_start3A_380, %squeeze3A_379, %dma_start3A_392] : memref<26x100001x32xf32, #tpu.memory_space<hbm>> -> memref<1x1x32xf32, #tpu.memory_space<hbm>>
          %dma_start3A_394 = tpu.memref_squeeze %dma_start3A_393 : memref<1x1x32xf32, #tpu.memory_space<hbm>> -> memref<32xf32, #tpu.memory_space<hbm>>
          tpu.enqueue_dma source(%dma_start3A_394 : memref<32xf32, #tpu.memory_space<hbm>>) target(%dma_start3A_391 : memref<32xf32, #tpu.memory_space<vmem>>) target_semaphore(%arg9 : memref<!tpu.dma_semaphore, #tpu.memory_space<semaphore_mem>>)
          %slice3A_395 = vector.extract_strided_slice %get3A_271 {offsets = [7], sizes = [1], strides = [1]} : vector<16xi32> to vector<1xi32>
          %squeeze3A_396 = vector.extract %slice3A_395[0] : i32 from vector<1xi32>
          %dma_start3A_397 = arith.constant 7 : i32
          %dma_start3A_398 = arith.constant 0 : i32
          %dma_start3A_399 = arith.constant 7 : i32
          %dma_start3A_400 = arith.constant 0 : i32
          %dma_start3A_401 = tpu.memref_slice %arg6[%dma_start3A_398, %scan3A_266, %dma_start3A_399, %dma_start3A_400] : memref<2x8x26x32xf32, #tpu.memory_space<vmem>> -> memref<1x1x1x32xf32, #tpu.memory_space<vmem>>
          %dma_start3A_402 = tpu.memref_squeeze %dma_start3A_401 : memref<1x1x1x32xf32, #tpu.memory_space<vmem>> -> memref<32xf32, #tpu.memory_space<vmem>>
          %dma_start3A_403 = arith.constant 0 : i32
          %dma_start3A_404 = tpu.memref_slice %arg3[%dma_start3A_397, %squeeze3A_396, %dma_start3A_403] : memref<26x100001x32xf32, #tpu.memory_space<hbm>> -> memref<1x1x32xf32, #tpu.memory_space<hbm>>
          %dma_start3A_405 = tpu.memref_squeeze %dma_start3A_404 : memref<1x1x32xf32, #tpu.memory_space<hbm>> -> memref<32xf32, #tpu.memory_space<hbm>>
          %dma_start3A_406 = arith.constant 0 : i32
          %dma_start3A_407 = tpu.memref_slice %arg6[%dma_start3A_398, %scan3A_266, %dma_start3A_399, %dma_start3A_406] : memref<2x8x26x32xf32, #tpu.memory_space<vmem>> -> memref<1x1x1x32xf32, #tpu.memory_space<vmem>>
          %dma_start3A_408 = tpu.memref_squeeze %dma_start3A_407 : memref<1x1x1x32xf32, #tpu.memory_space<vmem>> -> memref<32xf32, #tpu.memory_space<vmem>>
          %dma_start3A_409 = arith.constant 0 : i32
          %dma_start3A_410 = tpu.memref_slice %arg3[%dma_start3A_397, %squeeze3A_396, %dma_start3A_409] : memref<26x100001x32xf32, #tpu.memory_space<hbm>> -> memref<1x1x32xf32, #tpu.memory_space<hbm>>
          %dma_start3A_411 = tpu.memref_squeeze %dma_start3A_410 : memref<1x1x32xf32, #tpu.memory_space<hbm>> -> memref<32xf32, #tpu.memory_space<hbm>>
          tpu.enqueue_dma source(%dma_start3A_411 : memref<32xf32, #tpu.memory_space<hbm>>) target(%dma_start3A_408 : memref<32xf32, #tpu.memory_space<vmem>>) target_semaphore(%arg9 : memref<!tpu.dma_semaphore, #tpu.memory_space<semaphore_mem>>)
          %slice3A_412 = vector.extract_strided_slice %get3A_271 {offsets = [8], sizes = [1], strides = [1]} : vector<16xi32> to vector<1xi32>
          %squeeze3A_413 = vector.extract %slice3A_412[0] : i32 from vector<1xi32>
          %dma_start3A_414 = arith.constant 8 : i32
          %dma_start3A_415 = arith.constant 0 : i32
          %dma_start3A_416 = arith.constant 8 : i32
          %dma_start3A_417 = arith.constant 0 : i32
          %dma_start3A_418 = tpu.memref_slice %arg6[%dma_start3A_415, %scan3A_266, %dma_start3A_416, %dma_start3A_417] : memref<2x8x26x32xf32, #tpu.memory_space<vmem>> -> memref<1x1x1x32xf32, #tpu.memory_space<vmem>>
          %dma_start3A_419 = tpu.memref_squeeze %dma_start3A_418 : memref<1x1x1x32xf32, #tpu.memory_space<vmem>> -> memref<32xf32, #tpu.memory_space<vmem>>
          %dma_start3A_420 = arith.constant 0 : i32
          %dma_start3A_421 = tpu.memref_slice %arg3[%dma_start3A_414, %squeeze3A_413, %dma_start3A_420] : memref<26x100001x32xf32, #tpu.memory_space<hbm>> -> memref<1x1x32xf32, #tpu.memory_space<hbm>>
          %dma_start3A_422 = tpu.memref_squeeze %dma_start3A_421 : memref<1x1x32xf32, #tpu.memory_space<hbm>> -> memref<32xf32, #tpu.memory_space<hbm>>
          %dma_start3A_423 = arith.constant 0 : i32
          %dma_start3A_424 = tpu.memref_slice %arg6[%dma_start3A_415, %scan3A_266, %dma_start3A_416, %dma_start3A_423] : memref<2x8x26x32xf32, #tpu.memory_space<vmem>> -> memref<1x1x1x32xf32, #tpu.memory_space<vmem>>
          %dma_start3A_425 = tpu.memref_squeeze %dma_start3A_424 : memref<1x1x1x32xf32, #tpu.memory_space<vmem>> -> memref<32xf32, #tpu.memory_space<vmem>>
          %dma_start3A_426 = arith.constant 0 : i32
          %dma_start3A_427 = tpu.memref_slice %arg3[%dma_start3A_414, %squeeze3A_413, %dma_start3A_426] : memref<26x100001x32xf32, #tpu.memory_space<hbm>> -> memref<1x1x32xf32, #tpu.memory_space<hbm>>
          %dma_start3A_428 = tpu.memref_squeeze %dma_start3A_427 : memref<1x1x32xf32, #tpu.memory_space<hbm>> -> memref<32xf32, #tpu.memory_space<hbm>>
          tpu.enqueue_dma source(%dma_start3A_428 : memref<32xf32, #tpu.memory_space<hbm>>) target(%dma_start3A_425 : memref<32xf32, #tpu.memory_space<vmem>>) target_semaphore(%arg9 : memref<!tpu.dma_semaphore, #tpu.memory_space<semaphore_mem>>)
          %slice3A_429 = vector.extract_strided_slice %get3A_271 {offsets = [9], sizes = [1], strides = [1]} : vector<16xi32> to vector<1xi32>
          %squeeze3A_430 = vector.extract %slice3A_429[0] : i32 from vector<1xi32>
          %dma_start3A_431 = arith.constant 9 : i32
          %dma_start3A_432 = arith.constant 0 : i32
          %dma_start3A_433 = arith.constant 9 : i32
          %dma_start3A_434 = arith.constant 0 : i32
          %dma_start3A_435 = tpu.memref_slice %arg6[%dma_start3A_432, %scan3A_266, %dma_start3A_433, %dma_start3A_434] : memref<2x8x26x32xf32, #tpu.memory_space<vmem>> -> memref<1x1x1x32xf32, #tpu.memory_space<vmem>>
          %dma_start3A_436 = tpu.memref_squeeze %dma_start3A_435 : memref<1x1x1x32xf32, #tpu.memory_space<vmem>> -> memref<32xf32, #tpu.memory_space<vmem>>
          %dma_start3A_437 = arith.constant 0 : i32
          %dma_start3A_438 = tpu.memref_slice %arg3[%dma_start3A_431, %squeeze3A_430, %dma_start3A_437] : memref<26x100001x32xf32, #tpu.memory_space<hbm>> -> memref<1x1x32xf32, #tpu.memory_space<hbm>>
          %dma_start3A_439 = tpu.memref_squeeze %dma_start3A_438 : memref<1x1x32xf32, #tpu.memory_space<hbm>> -> memref<32xf32, #tpu.memory_space<hbm>>
          %dma_start3A_440 = arith.constant 0 : i32
          %dma_start3A_441 = tpu.memref_slice %arg6[%dma_start3A_432, %scan3A_266, %dma_start3A_433, %dma_start3A_440] : memref<2x8x26x32xf32, #tpu.memory_space<vmem>> -> memref<1x1x1x32xf32, #tpu.memory_space<vmem>>
          %dma_start3A_442 = tpu.memref_squeeze %dma_start3A_441 : memref<1x1x1x32xf32, #tpu.memory_space<vmem>> -> memref<32xf32, #tpu.memory_space<vmem>>
          %dma_start3A_443 = arith.constant 0 : i32
          %dma_start3A_444 = tpu.memref_slice %arg3[%dma_start3A_431, %squeeze3A_430, %dma_start3A_443] : memref<26x100001x32xf32, #tpu.memory_space<hbm>> -> memref<1x1x32xf32, #tpu.memory_space<hbm>>
          %dma_start3A_445 = tpu.memref_squeeze %dma_start3A_444 : memref<1x1x32xf32, #tpu.memory_space<hbm>> -> memref<32xf32, #tpu.memory_space<hbm>>
          tpu.enqueue_dma source(%dma_start3A_445 : memref<32xf32, #tpu.memory_space<hbm>>) target(%dma_start3A_442 : memref<32xf32, #tpu.memory_space<vmem>>) target_semaphore(%arg9 : memref<!tpu.dma_semaphore, #tpu.memory_space<semaphore_mem>>)
          %slice3A_446 = vector.extract_strided_slice %get3A_271 {offsets = [10], sizes = [1], strides = [1]} : vector<16xi32> to vector<1xi32>
          %squeeze3A_447 = vector.extract %slice3A_446[0] : i32 from vector<1xi32>
          %dma_start3A_448 = arith.constant 10 : i32
          %dma_start3A_449 = arith.constant 0 : i32
          %dma_start3A_450 = arith.constant 10 : i32
          %dma_start3A_451 = arith.constant 0 : i32
          %dma_start3A_452 = tpu.memref_slice %arg6[%dma_start3A_449, %scan3A_266, %dma_start3A_450, %dma_start3A_451] : memref<2x8x26x32xf32, #tpu.memory_space<vmem>> -> memref<1x1x1x32xf32, #tpu.memory_space<vmem>>
          %dma_start3A_453 = tpu.memref_squeeze %dma_start3A_452 : memref<1x1x1x32xf32, #tpu.memory_space<vmem>> -> memref<32xf32, #tpu.memory_space<vmem>>
          %dma_start3A_454 = arith.constant 0 : i32
          %dma_start3A_455 = tpu.memref_slice %arg3[%dma_start3A_448, %squeeze3A_447, %dma_start3A_454] : memref<26x100001x32xf32, #tpu.memory_space<hbm>> -> memref<1x1x32xf32, #tpu.memory_space<hbm>>
          %dma_start3A_456 = tpu.memref_squeeze %dma_start3A_455 : memref<1x1x32xf32, #tpu.memory_space<hbm>> -> memref<32xf32, #tpu.memory_space<hbm>>
          %dma_start3A_457 = arith.constant 0 : i32
          %dma_start3A_458 = tpu.memref_slice %arg6[%dma_start3A_449, %scan3A_266, %dma_start3A_450, %dma_start3A_457] : memref<2x8x26x32xf32, #tpu.memory_space<vmem>> -> memref<1x1x1x32xf32, #tpu.memory_space<vmem>>
          %dma_start3A_459 = tpu.memref_squeeze %dma_start3A_458 : memref<1x1x1x32xf32, #tpu.memory_space<vmem>> -> memref<32xf32, #tpu.memory_space<vmem>>
          %dma_start3A_460 = arith.constant 0 : i32
          %dma_start3A_461 = tpu.memref_slice %arg3[%dma_start3A_448, %squeeze3A_447, %dma_start3A_460] : memref<26x100001x32xf32, #tpu.memory_space<hbm>> -> memref<1x1x32xf32, #tpu.memory_space<hbm>>
          %dma_start3A_462 = tpu.memref_squeeze %dma_start3A_461 : memref<1x1x32xf32, #tpu.memory_space<hbm>> -> memref<32xf32, #tpu.memory_space<hbm>>
          tpu.enqueue_dma source(%dma_start3A_462 : memref<32xf32, #tpu.memory_space<hbm>>) target(%dma_start3A_459 : memref<32xf32, #tpu.memory_space<vmem>>) target_semaphore(%arg9 : memref<!tpu.dma_semaphore, #tpu.memory_space<semaphore_mem>>)
          %slice3A_463 = vector.extract_strided_slice %get3A_271 {offsets = [11], sizes = [1], strides = [1]} : vector<16xi32> to vector<1xi32>
          %squeeze3A_464 = vector.extract %slice3A_463[0] : i32 from vector<1xi32>
          %dma_start3A_465 = arith.constant 11 : i32
          %dma_start3A_466 = arith.constant 0 : i32
          %dma_start3A_467 = arith.constant 11 : i32
          %dma_start3A_468 = arith.constant 0 : i32
          %dma_start3A_469 = tpu.memref_slice %arg6[%dma_start3A_466, %scan3A_266, %dma_start3A_467, %dma_start3A_468] : memref<2x8x26x32xf32, #tpu.memory_space<vmem>> -> memref<1x1x1x32xf32, #tpu.memory_space<vmem>>
          %dma_start3A_470 = tpu.memref_squeeze %dma_start3A_469 : memref<1x1x1x32xf32, #tpu.memory_space<vmem>> -> memref<32xf32, #tpu.memory_space<vmem>>
          %dma_start3A_471 = arith.constant 0 : i32
          %dma_start3A_472 = tpu.memref_slice %arg3[%dma_start3A_465, %squeeze3A_464, %dma_start3A_471] : memref<26x100001x32xf32, #tpu.memory_space<hbm>> -> memref<1x1x32xf32, #tpu.memory_space<hbm>>
          %dma_start3A_473 = tpu.memref_squeeze %dma_start3A_472 : memref<1x1x32xf32, #tpu.memory_space<hbm>> -> memref<32xf32, #tpu.memory_space<hbm>>
          %dma_start3A_474 = arith.constant 0 : i32
          %dma_start3A_475 = tpu.memref_slice %arg6[%dma_start3A_466, %scan3A_266, %dma_start3A_467, %dma_start3A_474] : memref<2x8x26x32xf32, #tpu.memory_space<vmem>> -> memref<1x1x1x32xf32, #tpu.memory_space<vmem>>
          %dma_start3A_476 = tpu.memref_squeeze %dma_start3A_475 : memref<1x1x1x32xf32, #tpu.memory_space<vmem>> -> memref<32xf32, #tpu.memory_space<vmem>>
          %dma_start3A_477 = arith.constant 0 : i32
          %dma_start3A_478 = tpu.memref_slice %arg3[%dma_start3A_465, %squeeze3A_464, %dma_start3A_477] : memref<26x100001x32xf32, #tpu.memory_space<hbm>> -> memref<1x1x32xf32, #tpu.memory_space<hbm>>
          %dma_start3A_479 = tpu.memref_squeeze %dma_start3A_478 : memref<1x1x32xf32, #tpu.memory_space<hbm>> -> memref<32xf32, #tpu.memory_space<hbm>>
          tpu.enqueue_dma source(%dma_start3A_479 : memref<32xf32, #tpu.memory_space<hbm>>) target(%dma_start3A_476 : memref<32xf32, #tpu.memory_space<vmem>>) target_semaphore(%arg9 : memref<!tpu.dma_semaphore, #tpu.memory_space<semaphore_mem>>)
          %slice3A_480 = vector.extract_strided_slice %get3A_271 {offsets = [12], sizes = [1], strides = [1]} : vector<16xi32> to vector<1xi32>
          %squeeze3A_481 = vector.extract %slice3A_480[0] : i32 from vector<1xi32>
          %dma_start3A_482 = arith.constant 12 : i32
          %dma_start3A_483 = arith.constant 0 : i32
          %dma_start3A_484 = arith.constant 12 : i32
          %dma_start3A_485 = arith.constant 0 : i32
          %dma_start3A_486 = tpu.memref_slice %arg6[%dma_start3A_483, %scan3A_266, %dma_start3A_484, %dma_start3A_485] : memref<2x8x26x32xf32, #tpu.memory_space<vmem>> -> memref<1x1x1x32xf32, #tpu.memory_space<vmem>>
          %dma_start3A_487 = tpu.memref_squeeze %dma_start3A_486 : memref<1x1x1x32xf32, #tpu.memory_space<vmem>> -> memref<32xf32, #tpu.memory_space<vmem>>
          %dma_start3A_488 = arith.constant 0 : i32
          %dma_start3A_489 = tpu.memref_slice %arg3[%dma_start3A_482, %squeeze3A_481, %dma_start3A_488] : memref<26x100001x32xf32, #tpu.memory_space<hbm>> -> memref<1x1x32xf32, #tpu.memory_space<hbm>>
          %dma_start3A_490 = tpu.memref_squeeze %dma_start3A_489 : memref<1x1x32xf32, #tpu.memory_space<hbm>> -> memref<32xf32, #tpu.memory_space<hbm>>
          %dma_start3A_491 = arith.constant 0 : i32
          %dma_start3A_492 = tpu.memref_slice %arg6[%dma_start3A_483, %scan3A_266, %dma_start3A_484, %dma_start3A_491] : memref<2x8x26x32xf32, #tpu.memory_space<vmem>> -> memref<1x1x1x32xf32, #tpu.memory_space<vmem>>
          %dma_start3A_493 = tpu.memref_squeeze %dma_start3A_492 : memref<1x1x1x32xf32, #tpu.memory_space<vmem>> -> memref<32xf32, #tpu.memory_space<vmem>>
          %dma_start3A_494 = arith.constant 0 : i32
          %dma_start3A_495 = tpu.memref_slice %arg3[%dma_start3A_482, %squeeze3A_481, %dma_start3A_494] : memref<26x100001x32xf32, #tpu.memory_space<hbm>> -> memref<1x1x32xf32, #tpu.memory_space<hbm>>
          %dma_start3A_496 = tpu.memref_squeeze %dma_start3A_495 : memref<1x1x32xf32, #tpu.memory_space<hbm>> -> memref<32xf32, #tpu.memory_space<hbm>>
          tpu.enqueue_dma source(%dma_start3A_496 : memref<32xf32, #tpu.memory_space<hbm>>) target(%dma_start3A_493 : memref<32xf32, #tpu.memory_space<vmem>>) target_semaphore(%arg9 : memref<!tpu.dma_semaphore, #tpu.memory_space<semaphore_mem>>)
          %slice3A_497 = vector.extract_strided_slice %get3A_271 {offsets = [13], sizes = [1], strides = [1]} : vector<16xi32> to vector<1xi32>
          %squeeze3A_498 = vector.extract %slice3A_497[0] : i32 from vector<1xi32>
          %dma_start3A_499 = arith.constant 13 : i32
          %dma_start3A_500 = arith.constant 0 : i32
          %dma_start3A_501 = arith.constant 13 : i32
          %dma_start3A_502 = arith.constant 0 : i32
          %dma_start3A_503 = tpu.memref_slice %arg6[%dma_start3A_500, %scan3A_266, %dma_start3A_501, %dma_start3A_502] : memref<2x8x26x32xf32, #tpu.memory_space<vmem>> -> memref<1x1x1x32xf32, #tpu.memory_space<vmem>>
          %dma_start3A_504 = tpu.memref_squeeze %dma_start3A_503 : memref<1x1x1x32xf32, #tpu.memory_space<vmem>> -> memref<32xf32, #tpu.memory_space<vmem>>
          %dma_start3A_505 = arith.constant 0 : i32
          %dma_start3A_506 = tpu.memref_slice %arg3[%dma_start3A_499, %squeeze3A_498, %dma_start3A_505] : memref<26x100001x32xf32, #tpu.memory_space<hbm>> -> memref<1x1x32xf32, #tpu.memory_space<hbm>>
          %dma_start3A_507 = tpu.memref_squeeze %dma_start3A_506 : memref<1x1x32xf32, #tpu.memory_space<hbm>> -> memref<32xf32, #tpu.memory_space<hbm>>
          %dma_start3A_508 = arith.constant 0 : i32
          %dma_start3A_509 = tpu.memref_slice %arg6[%dma_start3A_500, %scan3A_266, %dma_start3A_501, %dma_start3A_508] : memref<2x8x26x32xf32, #tpu.memory_space<vmem>> -> memref<1x1x1x32xf32, #tpu.memory_space<vmem>>
          %dma_start3A_510 = tpu.memref_squeeze %dma_start3A_509 : memref<1x1x1x32xf32, #tpu.memory_space<vmem>> -> memref<32xf32, #tpu.memory_space<vmem>>
          %dma_start3A_511 = arith.constant 0 : i32
          %dma_start3A_512 = tpu.memref_slice %arg3[%dma_start3A_499, %squeeze3A_498, %dma_start3A_511] : memref<26x100001x32xf32, #tpu.memory_space<hbm>> -> memref<1x1x32xf32, #tpu.memory_space<hbm>>
          %dma_start3A_513 = tpu.memref_squeeze %dma_start3A_512 : memref<1x1x32xf32, #tpu.memory_space<hbm>> -> memref<32xf32, #tpu.memory_space<hbm>>
          tpu.enqueue_dma source(%dma_start3A_513 : memref<32xf32, #tpu.memory_space<hbm>>) target(%dma_start3A_510 : memref<32xf32, #tpu.memory_space<vmem>>) target_semaphore(%arg9 : memref<!tpu.dma_semaphore, #tpu.memory_space<semaphore_mem>>)
          %slice3A_514 = vector.extract_strided_slice %get3A_271 {offsets = [14], sizes = [1], strides = [1]} : vector<16xi32> to vector<1xi32>
          %squeeze3A_515 = vector.extract %slice3A_514[0] : i32 from vector<1xi32>
          %dma_start3A_516 = arith.constant 14 : i32
          %dma_start3A_517 = arith.constant 0 : i32
          %dma_start3A_518 = arith.constant 14 : i32
          %dma_start3A_519 = arith.constant 0 : i32
          %dma_start3A_520 = tpu.memref_slice %arg6[%dma_start3A_517, %scan3A_266, %dma_start3A_518, %dma_start3A_519] : memref<2x8x26x32xf32, #tpu.memory_space<vmem>> -> memref<1x1x1x32xf32, #tpu.memory_space<vmem>>
          %dma_start3A_521 = tpu.memref_squeeze %dma_start3A_520 : memref<1x1x1x32xf32, #tpu.memory_space<vmem>> -> memref<32xf32, #tpu.memory_space<vmem>>
          %dma_start3A_522 = arith.constant 0 : i32
          %dma_start3A_523 = tpu.memref_slice %arg3[%dma_start3A_516, %squeeze3A_515, %dma_start3A_522] : memref<26x100001x32xf32, #tpu.memory_space<hbm>> -> memref<1x1x32xf32, #tpu.memory_space<hbm>>
          %dma_start3A_524 = tpu.memref_squeeze %dma_start3A_523 : memref<1x1x32xf32, #tpu.memory_space<hbm>> -> memref<32xf32, #tpu.memory_space<hbm>>
          %dma_start3A_525 = arith.constant 0 : i32
          %dma_start3A_526 = tpu.memref_slice %arg6[%dma_start3A_517, %scan3A_266, %dma_start3A_518, %dma_start3A_525] : memref<2x8x26x32xf32, #tpu.memory_space<vmem>> -> memref<1x1x1x32xf32, #tpu.memory_space<vmem>>
          %dma_start3A_527 = tpu.memref_squeeze %dma_start3A_526 : memref<1x1x1x32xf32, #tpu.memory_space<vmem>> -> memref<32xf32, #tpu.memory_space<vmem>>
          %dma_start3A_528 = arith.constant 0 : i32
          %dma_start3A_529 = tpu.memref_slice %arg3[%dma_start3A_516, %squeeze3A_515, %dma_start3A_528] : memref<26x100001x32xf32, #tpu.memory_space<hbm>> -> memref<1x1x32xf32, #tpu.memory_space<hbm>>
          %dma_start3A_530 = tpu.memref_squeeze %dma_start3A_529 : memref<1x1x32xf32, #tpu.memory_space<hbm>> -> memref<32xf32, #tpu.memory_space<hbm>>
          tpu.enqueue_dma source(%dma_start3A_530 : memref<32xf32, #tpu.memory_space<hbm>>) target(%dma_start3A_527 : memref<32xf32, #tpu.memory_space<vmem>>) target_semaphore(%arg9 : memref<!tpu.dma_semaphore, #tpu.memory_space<semaphore_mem>>)
          %slice3A_531 = vector.extract_strided_slice %get3A_271 {offsets = [15], sizes = [1], strides = [1]} : vector<16xi32> to vector<1xi32>
          %squeeze3A_532 = vector.extract %slice3A_531[0] : i32 from vector<1xi32>
          %dma_start3A_533 = arith.constant 15 : i32
          %dma_start3A_534 = arith.constant 0 : i32
          %dma_start3A_535 = arith.constant 15 : i32
          %dma_start3A_536 = arith.constant 0 : i32
          %dma_start3A_537 = tpu.memref_slice %arg6[%dma_start3A_534, %scan3A_266, %dma_start3A_535, %dma_start3A_536] : memref<2x8x26x32xf32, #tpu.memory_space<vmem>> -> memref<1x1x1x32xf32, #tpu.memory_space<vmem>>
          %dma_start3A_538 = tpu.memref_squeeze %dma_start3A_537 : memref<1x1x1x32xf32, #tpu.memory_space<vmem>> -> memref<32xf32, #tpu.memory_space<vmem>>
          %dma_start3A_539 = arith.constant 0 : i32
          %dma_start3A_540 = tpu.memref_slice %arg3[%dma_start3A_533, %squeeze3A_532, %dma_start3A_539] : memref<26x100001x32xf32, #tpu.memory_space<hbm>> -> memref<1x1x32xf32, #tpu.memory_space<hbm>>
          %dma_start3A_541 = tpu.memref_squeeze %dma_start3A_540 : memref<1x1x32xf32, #tpu.memory_space<hbm>> -> memref<32xf32, #tpu.memory_space<hbm>>
          %dma_start3A_542 = arith.constant 0 : i32
          %dma_start3A_543 = tpu.memref_slice %arg6[%dma_start3A_534, %scan3A_266, %dma_start3A_535, %dma_start3A_542] : memref<2x8x26x32xf32, #tpu.memory_space<vmem>> -> memref<1x1x1x32xf32, #tpu.memory_space<vmem>>
          %dma_start3A_544 = tpu.memref_squeeze %dma_start3A_543 : memref<1x1x1x32xf32, #tpu.memory_space<vmem>> -> memref<32xf32, #tpu.memory_space<vmem>>
          %dma_start3A_545 = arith.constant 0 : i32
          %dma_start3A_546 = tpu.memref_slice %arg3[%dma_start3A_533, %squeeze3A_532, %dma_start3A_545] : memref<26x100001x32xf32, #tpu.memory_space<hbm>> -> memref<1x1x32xf32, #tpu.memory_space<hbm>>
          %dma_start3A_547 = tpu.memref_squeeze %dma_start3A_546 : memref<1x1x32xf32, #tpu.memory_space<hbm>> -> memref<32xf32, #tpu.memory_space<hbm>>
          tpu.enqueue_dma source(%dma_start3A_547 : memref<32xf32, #tpu.memory_space<hbm>>) target(%dma_start3A_544 : memref<32xf32, #tpu.memory_space<vmem>>) target_semaphore(%arg9 : memref<!tpu.dma_semaphore, #tpu.memory_space<semaphore_mem>>)
          %slice3A_548 = vector.extract_strided_slice %get3A_277 {offsets = [6], sizes = [1], strides = [1]} : vector<16xi32> to vector<1xi32>
          %squeeze3A_549 = vector.extract %slice3A_548[0] : i32 from vector<1xi32>
          %dma_start3A_550 = arith.constant 16 : i32
          %dma_start3A_551 = arith.constant 0 : i32
          %dma_start3A_552 = arith.constant 16 : i32
          %dma_start3A_553 = arith.constant 0 : i32
          %dma_start3A_554 = tpu.memref_slice %arg6[%dma_start3A_551, %scan3A_266, %dma_start3A_552, %dma_start3A_553] : memref<2x8x26x32xf32, #tpu.memory_space<vmem>> -> memref<1x1x1x32xf32, #tpu.memory_space<vmem>>
          %dma_start3A_555 = tpu.memref_squeeze %dma_start3A_554 : memref<1x1x1x32xf32, #tpu.memory_space<vmem>> -> memref<32xf32, #tpu.memory_space<vmem>>
          %dma_start3A_556 = arith.constant 0 : i32
          %dma_start3A_557 = tpu.memref_slice %arg3[%dma_start3A_550, %squeeze3A_549, %dma_start3A_556] : memref<26x100001x32xf32, #tpu.memory_space<hbm>> -> memref<1x1x32xf32, #tpu.memory_space<hbm>>
          %dma_start3A_558 = tpu.memref_squeeze %dma_start3A_557 : memref<1x1x32xf32, #tpu.memory_space<hbm>> -> memref<32xf32, #tpu.memory_space<hbm>>
          %dma_start3A_559 = arith.constant 0 : i32
          %dma_start3A_560 = tpu.memref_slice %arg6[%dma_start3A_551, %scan3A_266, %dma_start3A_552, %dma_start3A_559] : memref<2x8x26x32xf32, #tpu.memory_space<vmem>> -> memref<1x1x1x32xf32, #tpu.memory_space<vmem>>
          %dma_start3A_561 = tpu.memref_squeeze %dma_start3A_560 : memref<1x1x1x32xf32, #tpu.memory_space<vmem>> -> memref<32xf32, #tpu.memory_space<vmem>>
          %dma_start3A_562 = arith.constant 0 : i32
          %dma_start3A_563 = tpu.memref_slice %arg3[%dma_start3A_550, %squeeze3A_549, %dma_start3A_562] : memref<26x100001x32xf32, #tpu.memory_space<hbm>> -> memref<1x1x32xf32, #tpu.memory_space<hbm>>
          %dma_start3A_564 = tpu.memref_squeeze %dma_start3A_563 : memref<1x1x32xf32, #tpu.memory_space<hbm>> -> memref<32xf32, #tpu.memory_space<hbm>>
          tpu.enqueue_dma source(%dma_start3A_564 : memref<32xf32, #tpu.memory_space<hbm>>) target(%dma_start3A_561 : memref<32xf32, #tpu.memory_space<vmem>>) target_semaphore(%arg9 : memref<!tpu.dma_semaphore, #tpu.memory_space<semaphore_mem>>)
          %slice3A_565 = vector.extract_strided_slice %get3A_277 {offsets = [7], sizes = [1], strides = [1]} : vector<16xi32> to vector<1xi32>
          %squeeze3A_566 = vector.extract %slice3A_565[0] : i32 from vector<1xi32>
          %dma_start3A_567 = arith.constant 17 : i32
          %dma_start3A_568 = arith.constant 0 : i32
          %dma_start3A_569 = arith.constant 17 : i32
          %dma_start3A_570 = arith.constant 0 : i32
          %dma_start3A_571 = tpu.memref_slice %arg6[%dma_start3A_568, %scan3A_266, %dma_start3A_569, %dma_start3A_570] : memref<2x8x26x32xf32, #tpu.memory_space<vmem>> -> memref<1x1x1x32xf32, #tpu.memory_space<vmem>>
          %dma_start3A_572 = tpu.memref_squeeze %dma_start3A_571 : memref<1x1x1x32xf32, #tpu.memory_space<vmem>> -> memref<32xf32, #tpu.memory_space<vmem>>
          %dma_start3A_573 = arith.constant 0 : i32
          %dma_start3A_574 = tpu.memref_slice %arg3[%dma_start3A_567, %squeeze3A_566, %dma_start3A_573] : memref<26x100001x32xf32, #tpu.memory_space<hbm>> -> memref<1x1x32xf32, #tpu.memory_space<hbm>>
          %dma_start3A_575 = tpu.memref_squeeze %dma_start3A_574 : memref<1x1x32xf32, #tpu.memory_space<hbm>> -> memref<32xf32, #tpu.memory_space<hbm>>
          %dma_start3A_576 = arith.constant 0 : i32
          %dma_start3A_577 = tpu.memref_slice %arg6[%dma_start3A_568, %scan3A_266, %dma_start3A_569, %dma_start3A_576] : memref<2x8x26x32xf32, #tpu.memory_space<vmem>> -> memref<1x1x1x32xf32, #tpu.memory_space<vmem>>
          %dma_start3A_578 = tpu.memref_squeeze %dma_start3A_577 : memref<1x1x1x32xf32, #tpu.memory_space<vmem>> -> memref<32xf32, #tpu.memory_space<vmem>>
          %dma_start3A_579 = arith.constant 0 : i32
          %dma_start3A_580 = tpu.memref_slice %arg3[%dma_start3A_567, %squeeze3A_566, %dma_start3A_579] : memref<26x100001x32xf32, #tpu.memory_space<hbm>> -> memref<1x1x32xf32, #tpu.memory_space<hbm>>
          %dma_start3A_581 = tpu.memref_squeeze %dma_start3A_580 : memref<1x1x32xf32, #tpu.memory_space<hbm>> -> memref<32xf32, #tpu.memory_space<hbm>>
          tpu.enqueue_dma source(%dma_start3A_581 : memref<32xf32, #tpu.memory_space<hbm>>) target(%dma_start3A_578 : memref<32xf32, #tpu.memory_space<vmem>>) target_semaphore(%arg9 : memref<!tpu.dma_semaphore, #tpu.memory_space<semaphore_mem>>)
          %slice3A_582 = vector.extract_strided_slice %get3A_277 {offsets = [8], sizes = [1], strides = [1]} : vector<16xi32> to vector<1xi32>
          %squeeze3A_583 = vector.extract %slice3A_582[0] : i32 from vector<1xi32>
          %dma_start3A_584 = arith.constant 18 : i32
          %dma_start3A_585 = arith.constant 0 : i32
          %dma_start3A_586 = arith.constant 18 : i32
          %dma_start3A_587 = arith.constant 0 : i32
          %dma_start3A_588 = tpu.memref_slice %arg6[%dma_start3A_585, %scan3A_266, %dma_start3A_586, %dma_start3A_587] : memref<2x8x26x32xf32, #tpu.memory_space<vmem>> -> memref<1x1x1x32xf32, #tpu.memory_space<vmem>>
          %dma_start3A_589 = tpu.memref_squeeze %dma_start3A_588 : memref<1x1x1x32xf32, #tpu.memory_space<vmem>> -> memref<32xf32, #tpu.memory_space<vmem>>
          %dma_start3A_590 = arith.constant 0 : i32
          %dma_start3A_591 = tpu.memref_slice %arg3[%dma_start3A_584, %squeeze3A_583, %dma_start3A_590] : memref<26x100001x32xf32, #tpu.memory_space<hbm>> -> memref<1x1x32xf32, #tpu.memory_space<hbm>>
          %dma_start3A_592 = tpu.memref_squeeze %dma_start3A_591 : memref<1x1x32xf32, #tpu.memory_space<hbm>> -> memref<32xf32, #tpu.memory_space<hbm>>
          %dma_start3A_593 = arith.constant 0 : i32
          %dma_start3A_594 = tpu.memref_slice %arg6[%dma_start3A_585, %scan3A_266, %dma_start3A_586, %dma_start3A_593] : memref<2x8x26x32xf32, #tpu.memory_space<vmem>> -> memref<1x1x1x32xf32, #tpu.memory_space<vmem>>
          %dma_start3A_595 = tpu.memref_squeeze %dma_start3A_594 : memref<1x1x1x32xf32, #tpu.memory_space<vmem>> -> memref<32xf32, #tpu.memory_space<vmem>>
          %dma_start3A_596 = arith.constant 0 : i32
          %dma_start3A_597 = tpu.memref_slice %arg3[%dma_start3A_584, %squeeze3A_583, %dma_start3A_596] : memref<26x100001x32xf32, #tpu.memory_space<hbm>> -> memref<1x1x32xf32, #tpu.memory_space<hbm>>
          %dma_start3A_598 = tpu.memref_squeeze %dma_start3A_597 : memref<1x1x32xf32, #tpu.memory_space<hbm>> -> memref<32xf32, #tpu.memory_space<hbm>>
          tpu.enqueue_dma source(%dma_start3A_598 : memref<32xf32, #tpu.memory_space<hbm>>) target(%dma_start3A_595 : memref<32xf32, #tpu.memory_space<vmem>>) target_semaphore(%arg9 : memref<!tpu.dma_semaphore, #tpu.memory_space<semaphore_mem>>)
          %slice3A_599 = vector.extract_strided_slice %get3A_277 {offsets = [9], sizes = [1], strides = [1]} : vector<16xi32> to vector<1xi32>
          %squeeze3A_600 = vector.extract %slice3A_599[0] : i32 from vector<1xi32>
          %dma_start3A_601 = arith.constant 19 : i32
          %dma_start3A_602 = arith.constant 0 : i32
          %dma_start3A_603 = arith.constant 19 : i32
          %dma_start3A_604 = arith.constant 0 : i32
          %dma_start3A_605 = tpu.memref_slice %arg6[%dma_start3A_602, %scan3A_266, %dma_start3A_603, %dma_start3A_604] : memref<2x8x26x32xf32, #tpu.memory_space<vmem>> -> memref<1x1x1x32xf32, #tpu.memory_space<vmem>>
          %dma_start3A_606 = tpu.memref_squeeze %dma_start3A_605 : memref<1x1x1x32xf32, #tpu.memory_space<vmem>> -> memref<32xf32, #tpu.memory_space<vmem>>
          %dma_start3A_607 = arith.constant 0 : i32
          %dma_start3A_608 = tpu.memref_slice %arg3[%dma_start3A_601, %squeeze3A_600, %dma_start3A_607] : memref<26x100001x32xf32, #tpu.memory_space<hbm>> -> memref<1x1x32xf32, #tpu.memory_space<hbm>>
          %dma_start3A_609 = tpu.memref_squeeze %dma_start3A_608 : memref<1x1x32xf32, #tpu.memory_space<hbm>> -> memref<32xf32, #tpu.memory_space<hbm>>
          %dma_start3A_610 = arith.constant 0 : i32
          %dma_start3A_611 = tpu.memref_slice %arg6[%dma_start3A_602, %scan3A_266, %dma_start3A_603, %dma_start3A_610] : memref<2x8x26x32xf32, #tpu.memory_space<vmem>> -> memref<1x1x1x32xf32, #tpu.memory_space<vmem>>
          %dma_start3A_612 = tpu.memref_squeeze %dma_start3A_611 : memref<1x1x1x32xf32, #tpu.memory_space<vmem>> -> memref<32xf32, #tpu.memory_space<vmem>>
          %dma_start3A_613 = arith.constant 0 : i32
          %dma_start3A_614 = tpu.memref_slice %arg3[%dma_start3A_601, %squeeze3A_600, %dma_start3A_613] : memref<26x100001x32xf32, #tpu.memory_space<hbm>> -> memref<1x1x32xf32, #tpu.memory_space<hbm>>
          %dma_start3A_615 = tpu.memref_squeeze %dma_start3A_614 : memref<1x1x32xf32, #tpu.memory_space<hbm>> -> memref<32xf32, #tpu.memory_space<hbm>>
          tpu.enqueue_dma source(%dma_start3A_615 : memref<32xf32, #tpu.memory_space<hbm>>) target(%dma_start3A_612 : memref<32xf32, #tpu.memory_space<vmem>>) target_semaphore(%arg9 : memref<!tpu.dma_semaphore, #tpu.memory_space<semaphore_mem>>)
          %slice3A_616 = vector.extract_strided_slice %get3A_277 {offsets = [10], sizes = [1], strides = [1]} : vector<16xi32> to vector<1xi32>
          %squeeze3A_617 = vector.extract %slice3A_616[0] : i32 from vector<1xi32>
          %dma_start3A_618 = arith.constant 20 : i32
          %dma_start3A_619 = arith.constant 0 : i32
          %dma_start3A_620 = arith.constant 20 : i32
          %dma_start3A_621 = arith.constant 0 : i32
          %dma_start3A_622 = tpu.memref_slice %arg6[%dma_start3A_619, %scan3A_266, %dma_start3A_620, %dma_start3A_621] : memref<2x8x26x32xf32, #tpu.memory_space<vmem>> -> memref<1x1x1x32xf32, #tpu.memory_space<vmem>>
          %dma_start3A_623 = tpu.memref_squeeze %dma_start3A_622 : memref<1x1x1x32xf32, #tpu.memory_space<vmem>> -> memref<32xf32, #tpu.memory_space<vmem>>
          %dma_start3A_624 = arith.constant 0 : i32
          %dma_start3A_625 = tpu.memref_slice %arg3[%dma_start3A_618, %squeeze3A_617, %dma_start3A_624] : memref<26x100001x32xf32, #tpu.memory_space<hbm>> -> memref<1x1x32xf32, #tpu.memory_space<hbm>>
          %dma_start3A_626 = tpu.memref_squeeze %dma_start3A_625 : memref<1x1x32xf32, #tpu.memory_space<hbm>> -> memref<32xf32, #tpu.memory_space<hbm>>
          %dma_start3A_627 = arith.constant 0 : i32
          %dma_start3A_628 = tpu.memref_slice %arg6[%dma_start3A_619, %scan3A_266, %dma_start3A_620, %dma_start3A_627] : memref<2x8x26x32xf32, #tpu.memory_space<vmem>> -> memref<1x1x1x32xf32, #tpu.memory_space<vmem>>
          %dma_start3A_629 = tpu.memref_squeeze %dma_start3A_628 : memref<1x1x1x32xf32, #tpu.memory_space<vmem>> -> memref<32xf32, #tpu.memory_space<vmem>>
          %dma_start3A_630 = arith.constant 0 : i32
          %dma_start3A_631 = tpu.memref_slice %arg3[%dma_start3A_618, %squeeze3A_617, %dma_start3A_630] : memref<26x100001x32xf32, #tpu.memory_space<hbm>> -> memref<1x1x32xf32, #tpu.memory_space<hbm>>
          %dma_start3A_632 = tpu.memref_squeeze %dma_start3A_631 : memref<1x1x32xf32, #tpu.memory_space<hbm>> -> memref<32xf32, #tpu.memory_space<hbm>>
          tpu.enqueue_dma source(%dma_start3A_632 : memref<32xf32, #tpu.memory_space<hbm>>) target(%dma_start3A_629 : memref<32xf32, #tpu.memory_space<vmem>>) target_semaphore(%arg9 : memref<!tpu.dma_semaphore, #tpu.memory_space<semaphore_mem>>)
          %slice3A_633 = vector.extract_strided_slice %get3A_277 {offsets = [11], sizes = [1], strides = [1]} : vector<16xi32> to vector<1xi32>
          %squeeze3A_634 = vector.extract %slice3A_633[0] : i32 from vector<1xi32>
          %dma_start3A_635 = arith.constant 21 : i32
          %dma_start3A_636 = arith.constant 0 : i32
          %dma_start3A_637 = arith.constant 21 : i32
          %dma_start3A_638 = arith.constant 0 : i32
          %dma_start3A_639 = tpu.memref_slice %arg6[%dma_start3A_636, %scan3A_266, %dma_start3A_637, %dma_start3A_638] : memref<2x8x26x32xf32, #tpu.memory_space<vmem>> -> memref<1x1x1x32xf32, #tpu.memory_space<vmem>>
          %dma_start3A_640 = tpu.memref_squeeze %dma_start3A_639 : memref<1x1x1x32xf32, #tpu.memory_space<vmem>> -> memref<32xf32, #tpu.memory_space<vmem>>
          %dma_start3A_641 = arith.constant 0 : i32
          %dma_start3A_642 = tpu.memref_slice %arg3[%dma_start3A_635, %squeeze3A_634, %dma_start3A_641] : memref<26x100001x32xf32, #tpu.memory_space<hbm>> -> memref<1x1x32xf32, #tpu.memory_space<hbm>>
          %dma_start3A_643 = tpu.memref_squeeze %dma_start3A_642 : memref<1x1x32xf32, #tpu.memory_space<hbm>> -> memref<32xf32, #tpu.memory_space<hbm>>
          %dma_start3A_644 = arith.constant 0 : i32
          %dma_start3A_645 = tpu.memref_slice %arg6[%dma_start3A_636, %scan3A_266, %dma_start3A_637, %dma_start3A_644] : memref<2x8x26x32xf32, #tpu.memory_space<vmem>> -> memref<1x1x1x32xf32, #tpu.memory_space<vmem>>
          %dma_start3A_646 = tpu.memref_squeeze %dma_start3A_645 : memref<1x1x1x32xf32, #tpu.memory_space<vmem>> -> memref<32xf32, #tpu.memory_space<vmem>>
          %dma_start3A_647 = arith.constant 0 : i32
          %dma_start3A_648 = tpu.memref_slice %arg3[%dma_start3A_635, %squeeze3A_634, %dma_start3A_647] : memref<26x100001x32xf32, #tpu.memory_space<hbm>> -> memref<1x1x32xf32, #tpu.memory_space<hbm>>
          %dma_start3A_649 = tpu.memref_squeeze %dma_start3A_648 : memref<1x1x32xf32, #tpu.memory_space<hbm>> -> memref<32xf32, #tpu.memory_space<hbm>>
          tpu.enqueue_dma source(%dma_start3A_649 : memref<32xf32, #tpu.memory_space<hbm>>) target(%dma_start3A_646 : memref<32xf32, #tpu.memory_space<vmem>>) target_semaphore(%arg9 : memref<!tpu.dma_semaphore, #tpu.memory_space<semaphore_mem>>)
          %slice3A_650 = vector.extract_strided_slice %get3A_277 {offsets = [12], sizes = [1], strides = [1]} : vector<16xi32> to vector<1xi32>
          %squeeze3A_651 = vector.extract %slice3A_650[0] : i32 from vector<1xi32>
          %dma_start3A_652 = arith.constant 22 : i32
          %dma_start3A_653 = arith.constant 0 : i32
          %dma_start3A_654 = arith.constant 22 : i32
          %dma_start3A_655 = arith.constant 0 : i32
          %dma_start3A_656 = tpu.memref_slice %arg6[%dma_start3A_653, %scan3A_266, %dma_start3A_654, %dma_start3A_655] : memref<2x8x26x32xf32, #tpu.memory_space<vmem>> -> memref<1x1x1x32xf32, #tpu.memory_space<vmem>>
          %dma_start3A_657 = tpu.memref_squeeze %dma_start3A_656 : memref<1x1x1x32xf32, #tpu.memory_space<vmem>> -> memref<32xf32, #tpu.memory_space<vmem>>
          %dma_start3A_658 = arith.constant 0 : i32
          %dma_start3A_659 = tpu.memref_slice %arg3[%dma_start3A_652, %squeeze3A_651, %dma_start3A_658] : memref<26x100001x32xf32, #tpu.memory_space<hbm>> -> memref<1x1x32xf32, #tpu.memory_space<hbm>>
          %dma_start3A_660 = tpu.memref_squeeze %dma_start3A_659 : memref<1x1x32xf32, #tpu.memory_space<hbm>> -> memref<32xf32, #tpu.memory_space<hbm>>
          %dma_start3A_661 = arith.constant 0 : i32
          %dma_start3A_662 = tpu.memref_slice %arg6[%dma_start3A_653, %scan3A_266, %dma_start3A_654, %dma_start3A_661] : memref<2x8x26x32xf32, #tpu.memory_space<vmem>> -> memref<1x1x1x32xf32, #tpu.memory_space<vmem>>
          %dma_start3A_663 = tpu.memref_squeeze %dma_start3A_662 : memref<1x1x1x32xf32, #tpu.memory_space<vmem>> -> memref<32xf32, #tpu.memory_space<vmem>>
          %dma_start3A_664 = arith.constant 0 : i32
          %dma_start3A_665 = tpu.memref_slice %arg3[%dma_start3A_652, %squeeze3A_651, %dma_start3A_664] : memref<26x100001x32xf32, #tpu.memory_space<hbm>> -> memref<1x1x32xf32, #tpu.memory_space<hbm>>
          %dma_start3A_666 = tpu.memref_squeeze %dma_start3A_665 : memref<1x1x32xf32, #tpu.memory_space<hbm>> -> memref<32xf32, #tpu.memory_space<hbm>>
          tpu.enqueue_dma source(%dma_start3A_666 : memref<32xf32, #tpu.memory_space<hbm>>) target(%dma_start3A_663 : memref<32xf32, #tpu.memory_space<vmem>>) target_semaphore(%arg9 : memref<!tpu.dma_semaphore, #tpu.memory_space<semaphore_mem>>)
          %slice3A_667 = vector.extract_strided_slice %get3A_277 {offsets = [13], sizes = [1], strides = [1]} : vector<16xi32> to vector<1xi32>
          %squeeze3A_668 = vector.extract %slice3A_667[0] : i32 from vector<1xi32>
          %dma_start3A_669 = arith.constant 23 : i32
          %dma_start3A_670 = arith.constant 0 : i32
          %dma_start3A_671 = arith.constant 23 : i32
          %dma_start3A_672 = arith.constant 0 : i32
          %dma_start3A_673 = tpu.memref_slice %arg6[%dma_start3A_670, %scan3A_266, %dma_start3A_671, %dma_start3A_672] : memref<2x8x26x32xf32, #tpu.memory_space<vmem>> -> memref<1x1x1x32xf32, #tpu.memory_space<vmem>>
          %dma_start3A_674 = tpu.memref_squeeze %dma_start3A_673 : memref<1x1x1x32xf32, #tpu.memory_space<vmem>> -> memref<32xf32, #tpu.memory_space<vmem>>
          %dma_start3A_675 = arith.constant 0 : i32
          %dma_start3A_676 = tpu.memref_slice %arg3[%dma_start3A_669, %squeeze3A_668, %dma_start3A_675] : memref<26x100001x32xf32, #tpu.memory_space<hbm>> -> memref<1x1x32xf32, #tpu.memory_space<hbm>>
          %dma_start3A_677 = tpu.memref_squeeze %dma_start3A_676 : memref<1x1x32xf32, #tpu.memory_space<hbm>> -> memref<32xf32, #tpu.memory_space<hbm>>
          %dma_start3A_678 = arith.constant 0 : i32
          %dma_start3A_679 = tpu.memref_slice %arg6[%dma_start3A_670, %scan3A_266, %dma_start3A_671, %dma_start3A_678] : memref<2x8x26x32xf32, #tpu.memory_space<vmem>> -> memref<1x1x1x32xf32, #tpu.memory_space<vmem>>
          %dma_start3A_680 = tpu.memref_squeeze %dma_start3A_679 : memref<1x1x1x32xf32, #tpu.memory_space<vmem>> -> memref<32xf32, #tpu.memory_space<vmem>>
          %dma_start3A_681 = arith.constant 0 : i32
          %dma_start3A_682 = tpu.memref_slice %arg3[%dma_start3A_669, %squeeze3A_668, %dma_start3A_681] : memref<26x100001x32xf32, #tpu.memory_space<hbm>> -> memref<1x1x32xf32, #tpu.memory_space<hbm>>
          %dma_start3A_683 = tpu.memref_squeeze %dma_start3A_682 : memref<1x1x32xf32, #tpu.memory_space<hbm>> -> memref<32xf32, #tpu.memory_space<hbm>>
          tpu.enqueue_dma source(%dma_start3A_683 : memref<32xf32, #tpu.memory_space<hbm>>) target(%dma_start3A_680 : memref<32xf32, #tpu.memory_space<vmem>>) target_semaphore(%arg9 : memref<!tpu.dma_semaphore, #tpu.memory_space<semaphore_mem>>)
          %slice3A_684 = vector.extract_strided_slice %get3A_277 {offsets = [14], sizes = [1], strides = [1]} : vector<16xi32> to vector<1xi32>
          %squeeze3A_685 = vector.extract %slice3A_684[0] : i32 from vector<1xi32>
          %dma_start3A_686 = arith.constant 24 : i32
          %dma_start3A_687 = arith.constant 0 : i32
          %dma_start3A_688 = arith.constant 24 : i32
          %dma_start3A_689 = arith.constant 0 : i32
          %dma_start3A_690 = tpu.memref_slice %arg6[%dma_start3A_687, %scan3A_266, %dma_start3A_688, %dma_start3A_689] : memref<2x8x26x32xf32, #tpu.memory_space<vmem>> -> memref<1x1x1x32xf32, #tpu.memory_space<vmem>>
          %dma_start3A_691 = tpu.memref_squeeze %dma_start3A_690 : memref<1x1x1x32xf32, #tpu.memory_space<vmem>> -> memref<32xf32, #tpu.memory_space<vmem>>
          %dma_start3A_692 = arith.constant 0 : i32
          %dma_start3A_693 = tpu.memref_slice %arg3[%dma_start3A_686, %squeeze3A_685, %dma_start3A_692] : memref<26x100001x32xf32, #tpu.memory_space<hbm>> -> memref<1x1x32xf32, #tpu.memory_space<hbm>>
          %dma_start3A_694 = tpu.memref_squeeze %dma_start3A_693 : memref<1x1x32xf32, #tpu.memory_space<hbm>> -> memref<32xf32, #tpu.memory_space<hbm>>
          %dma_start3A_695 = arith.constant 0 : i32
          %dma_start3A_696 = tpu.memref_slice %arg6[%dma_start3A_687, %scan3A_266, %dma_start3A_688, %dma_start3A_695] : memref<2x8x26x32xf32, #tpu.memory_space<vmem>> -> memref<1x1x1x32xf32, #tpu.memory_space<vmem>>
          %dma_start3A_697 = tpu.memref_squeeze %dma_start3A_696 : memref<1x1x1x32xf32, #tpu.memory_space<vmem>> -> memref<32xf32, #tpu.memory_space<vmem>>
          %dma_start3A_698 = arith.constant 0 : i32
          %dma_start3A_699 = tpu.memref_slice %arg3[%dma_start3A_686, %squeeze3A_685, %dma_start3A_698] : memref<26x100001x32xf32, #tpu.memory_space<hbm>> -> memref<1x1x32xf32, #tpu.memory_space<hbm>>
          %dma_start3A_700 = tpu.memref_squeeze %dma_start3A_699 : memref<1x1x32xf32, #tpu.memory_space<hbm>> -> memref<32xf32, #tpu.memory_space<hbm>>
          tpu.enqueue_dma source(%dma_start3A_700 : memref<32xf32, #tpu.memory_space<hbm>>) target(%dma_start3A_697 : memref<32xf32, #tpu.memory_space<vmem>>) target_semaphore(%arg9 : memref<!tpu.dma_semaphore, #tpu.memory_space<semaphore_mem>>)
          %slice3A_701 = vector.extract_strided_slice %get3A_277 {offsets = [15], sizes = [1], strides = [1]} : vector<16xi32> to vector<1xi32>
          %squeeze3A_702 = vector.extract %slice3A_701[0] : i32 from vector<1xi32>
          %dma_start3A_703 = arith.constant 25 : i32
          %dma_start3A_704 = arith.constant 0 : i32
          %dma_start3A_705 = arith.constant 25 : i32
          %dma_start3A_706 = arith.constant 0 : i32
          %dma_start3A_707 = tpu.memref_slice %arg6[%dma_start3A_704, %scan3A_266, %dma_start3A_705, %dma_start3A_706] : memref<2x8x26x32xf32, #tpu.memory_space<vmem>> -> memref<1x1x1x32xf32, #tpu.memory_space<vmem>>
          %dma_start3A_708 = tpu.memref_squeeze %dma_start3A_707 : memref<1x1x1x32xf32, #tpu.memory_space<vmem>> -> memref<32xf32, #tpu.memory_space<vmem>>
          %dma_start3A_709 = arith.constant 0 : i32
          %dma_start3A_710 = tpu.memref_slice %arg3[%dma_start3A_703, %squeeze3A_702, %dma_start3A_709] : memref<26x100001x32xf32, #tpu.memory_space<hbm>> -> memref<1x1x32xf32, #tpu.memory_space<hbm>>
          %dma_start3A_711 = tpu.memref_squeeze %dma_start3A_710 : memref<1x1x32xf32, #tpu.memory_space<hbm>> -> memref<32xf32, #tpu.memory_space<hbm>>
          %dma_start3A_712 = arith.constant 0 : i32
          %dma_start3A_713 = tpu.memref_slice %arg6[%dma_start3A_704, %scan3A_266, %dma_start3A_705, %dma_start3A_712] : memref<2x8x26x32xf32, #tpu.memory_space<vmem>> -> memref<1x1x1x32xf32, #tpu.memory_space<vmem>>
          %dma_start3A_714 = tpu.memref_squeeze %dma_start3A_713 : memref<1x1x1x32xf32, #tpu.memory_space<vmem>> -> memref<32xf32, #tpu.memory_space<vmem>>
          %dma_start3A_715 = arith.constant 0 : i32
          %dma_start3A_716 = tpu.memref_slice %arg3[%dma_start3A_703, %squeeze3A_702, %dma_start3A_715] : memref<26x100001x32xf32, #tpu.memory_space<hbm>> -> memref<1x1x32xf32, #tpu.memory_space<hbm>>
          %dma_start3A_717 = tpu.memref_squeeze %dma_start3A_716 : memref<1x1x32xf32, #tpu.memory_space<hbm>> -> memref<32xf32, #tpu.memory_space<hbm>>
          tpu.enqueue_dma source(%dma_start3A_717 : memref<32xf32, #tpu.memory_space<hbm>>) target(%dma_start3A_714 : memref<32xf32, #tpu.memory_space<vmem>>) target_semaphore(%arg9 : memref<!tpu.dma_semaphore, #tpu.memory_space<semaphore_mem>>)
        }
        %scan3A_265 = arith.constant 8 : i32
      } else {
      }
      %add3A_217 = arith.constant 3 : i32
      %add3A_218 = arith.addi %mul3A_118, %add3A_217 : i32
      %lt3A_219 = arith.constant 64 : i32
      %lt3A_220 = arith.cmpi slt, %add3A_218, %lt3A_219 : i32
      %convert_element_type3A_221 = arith.extui %lt3A_220 : i1 to i32
      %cond3A_222 = arith.constant 0 : i32
      %cond3A_223 = arith.cmpi ne, %convert_element_type3A_221, %cond3A_222 : i32
      scf.if %cond3A_223 {
        %dma_wait3A_224 = arith.constant 0 : i32
        %dma_wait3A_225 = arith.constant 0 : i32
        %dma_wait3A_226 = arith.constant 0 : i32
        %dma_wait3A_227 = arith.constant 0 : i32
        %dma_wait3A_228 = tpu.memref_slice %arg6[%dma_wait3A_224, %dma_wait3A_225, %dma_wait3A_226, %dma_wait3A_227] : memref<2x8x26x32xf32, #tpu.memory_space<vmem>> -> memref<1x8x26x32xf32, #tpu.memory_space<vmem>>
        %dma_wait3A_229 = tpu.memref_squeeze %dma_wait3A_228 : memref<1x8x26x32xf32, #tpu.memory_space<vmem>> -> memref<8x26x32xf32, #tpu.memory_space<vmem>>
        %dma_wait3A_230 = arith.constant 0 : i32
        %dma_wait3A_231 = arith.constant 0 : i32
        %dma_wait3A_232 = arith.constant 0 : i32
        %dma_wait3A_233 = tpu.memref_slice %arg4[%dma_wait3A_230, %dma_wait3A_231, %dma_wait3A_232] : memref<16384x26x32xf32, #tpu.memory_space<hbm>> -> memref<8x26x32xf32, #tpu.memory_space<hbm>>
        %dma_wait3A_234 = arith.constant 0 : i32
        %dma_wait3A_235 = arith.constant 0 : i32
        %dma_wait3A_236 = arith.constant 0 : i32
        %dma_wait3A_237 = tpu.memref_slice %arg6[%dma_wait3A_224, %dma_wait3A_234, %dma_wait3A_235, %dma_wait3A_236] : memref<2x8x26x32xf32, #tpu.memory_space<vmem>> -> memref<1x8x26x32xf32, #tpu.memory_space<vmem>>
        %dma_wait3A_238 = tpu.memref_squeeze %dma_wait3A_237 : memref<1x8x26x32xf32, #tpu.memory_space<vmem>> -> memref<8x26x32xf32, #tpu.memory_space<vmem>>
        %dma_wait3A_239 = arith.constant 0 : i32
        %dma_wait3A_240 = arith.constant 0 : i32
        %dma_wait3A_241 = arith.constant 0 : i32
        %dma_wait3A_242 = tpu.memref_slice %arg4[%dma_wait3A_239, %dma_wait3A_240, %dma_wait3A_241] : memref<16384x26x32xf32, #tpu.memory_space<hbm>> -> memref<8x26x32xf32, #tpu.memory_space<hbm>>
        tpu.wait_dma2 semaphore(%arg12 : memref<!tpu.dma_semaphore, #tpu.memory_space<semaphore_mem>>) src(%dma_wait3A_242 : memref<8x26x32xf32, #tpu.memory_space<hbm>>) dst(%dma_wait3A_238 : memref<8x26x32xf32, #tpu.memory_space<vmem>>)
        %dma_wait3A_243 = arith.constant 1 : i32
        %dma_wait3A_244 = arith.constant 0 : i32
        %dma_wait3A_245 = arith.constant 0 : i32
        %dma_wait3A_246 = tpu.memref_slice %arg5[%dma_wait3A_243, %dma_wait3A_244, %dma_wait3A_245] : memref<2x8x26xi32, #tpu.memory_space<vmem>> -> memref<1x8x26xi32, #tpu.memory_space<vmem>>
        %dma_wait3A_247 = tpu.memref_squeeze %dma_wait3A_246 : memref<1x8x26xi32, #tpu.memory_space<vmem>> -> memref<8x26xi32, #tpu.memory_space<vmem>>
        %dma_wait3A_248 = arith.constant 0 : i32
        %dma_wait3A_249 = arith.constant 0 : i32
        %dma_wait3A_250 = tpu.memref_slice %arg2[%dma_wait3A_248, %dma_wait3A_249] : memref<16384x26xi32, #tpu.memory_space<hbm>> -> memref<8x26xi32, #tpu.memory_space<hbm>>
        %dma_wait3A_251 = arith.constant 0 : i32
        %dma_wait3A_252 = arith.constant 0 : i32
        %dma_wait3A_253 = tpu.memref_slice %arg5[%dma_wait3A_243, %dma_wait3A_251, %dma_wait3A_252] : memref<2x8x26xi32, #tpu.memory_space<vmem>> -> memref<1x8x26xi32, #tpu.memory_space<vmem>>
        %dma_wait3A_254 = tpu.memref_squeeze %dma_wait3A_253 : memref<1x8x26xi32, #tpu.memory_space<vmem>> -> memref<8x26xi32, #tpu.memory_space<vmem>>
        %dma_wait3A_255 = arith.constant 0 : i32
        %dma_wait3A_256 = arith.constant 0 : i32
        %dma_wait3A_257 = tpu.memref_slice %arg2[%dma_wait3A_255, %dma_wait3A_256] : memref<16384x26xi32, #tpu.memory_space<hbm>> -> memref<8x26xi32, #tpu.memory_space<hbm>>
        tpu.wait_dma2 semaphore(%arg8 : memref<!tpu.dma_semaphore, #tpu.memory_space<semaphore_mem>>) src(%dma_wait3A_257 : memref<8x26xi32, #tpu.memory_space<hbm>>) dst(%dma_wait3A_254 : memref<8x26xi32, #tpu.memory_space<vmem>>)
        %add3A_258 = arith.constant 3 : i32
        %add3A_259 = arith.addi %mul3A_118, %add3A_258 : i32
        %scan3A_260 = arith.constant 0 : i32
        %scan3A_261 = arith.constant 0 : i32
        %scan3A_262 = arith.constant 8 : i32
        %scan3A_263 = arith.addi %scan3A_261, %scan3A_262 : i32
        %scan3A_264 = arith.constant 1 : i32
        scf.for %scan3A_266 = %scan3A_261 to %scan3A_263 step %scan3A_264  : i32 {
          %get3A = arith.constant 1 : i32
          %get3A_267 = arith.index_cast %get3A : i32 to index
          %get3A_268 = arith.index_cast %scan3A_266 : i32 to index
          %get3A_269 = arith.constant 0 : index
          %get3A_270 = tpu.vector_load %arg5[%get3A_267, %get3A_268, %get3A_269] {strides = array<i32>} : memref<2x8x26xi32, #tpu.memory_space<vmem>>, vector<1x1x16xi32>,
          %get3A_271 = vector.shape_cast %get3A_270 : vector<1x1x16xi32> to vector<16xi32>
          %get3A_272 = arith.constant 1 : i32
          %get3A_273 = arith.index_cast %get3A_272 : i32 to index
          %get3A_274 = arith.index_cast %scan3A_266 : i32 to index
          %get3A_275 = arith.constant 10 : index
          %get3A_276 = tpu.vector_load %arg5[%get3A_273, %get3A_274, %get3A_275] {strides = array<i32>} : memref<2x8x26xi32, #tpu.memory_space<vmem>>, vector<1x1x16xi32>,
          %get3A_277 = vector.shape_cast %get3A_276 : vector<1x1x16xi32> to vector<16xi32>
          %slice3A = vector.extract_strided_slice %get3A_271 {offsets = [0], sizes = [1], strides = [1]} : vector<16xi32> to vector<1xi32>
          %squeeze3A = vector.extract %slice3A[0] : i32 from vector<1xi32>
          %dma_start3A_278 = arith.constant 0 : i32
          %dma_start3A_279 = arith.constant 1 : i32
          %dma_start3A_280 = arith.constant 0 : i32
          %dma_start3A_281 = arith.constant 0 : i32
          %dma_start3A_282 = tpu.memref_slice %arg6[%dma_start3A_279, %scan3A_266, %dma_start3A_280, %dma_start3A_281] : memref<2x8x26x32xf32, #tpu.memory_space<vmem>> -> memref<1x1x1x32xf32, #tpu.memory_space<vmem>>
          %dma_start3A_283 = tpu.memref_squeeze %dma_start3A_282 : memref<1x1x1x32xf32, #tpu.memory_space<vmem>> -> memref<32xf32, #tpu.memory_space<vmem>>
          %dma_start3A_284 = arith.constant 0 : i32
          %dma_start3A_285 = tpu.memref_slice %arg3[%dma_start3A_278, %squeeze3A, %dma_start3A_284] : memref<26x100001x32xf32, #tpu.memory_space<hbm>> -> memref<1x1x32xf32, #tpu.memory_space<hbm>>
          %dma_start3A_286 = tpu.memref_squeeze %dma_start3A_285 : memref<1x1x32xf32, #tpu.memory_space<hbm>> -> memref<32xf32, #tpu.memory_space<hbm>>
          %dma_start3A_287 = arith.constant 0 : i32
          %dma_start3A_288 = tpu.memref_slice %arg6[%dma_start3A_279, %scan3A_266, %dma_start3A_280, %dma_start3A_287] : memref<2x8x26x32xf32, #tpu.memory_space<vmem>> -> memref<1x1x1x32xf32, #tpu.memory_space<vmem>>
          %dma_start3A_289 = tpu.memref_squeeze %dma_start3A_288 : memref<1x1x1x32xf32, #tpu.memory_space<vmem>> -> memref<32xf32, #tpu.memory_space<vmem>>
          %dma_start3A_290 = arith.constant 0 : i32
          %dma_start3A_291 = tpu.memref_slice %arg3[%dma_start3A_278, %squeeze3A, %dma_start3A_290] : memref<26x100001x32xf32, #tpu.memory_space<hbm>> -> memref<1x1x32xf32, #tpu.memory_space<hbm>>
          %dma_start3A_292 = tpu.memref_squeeze %dma_start3A_291 : memref<1x1x32xf32, #tpu.memory_space<hbm>> -> memref<32xf32, #tpu.memory_space<hbm>>
          tpu.enqueue_dma source(%dma_start3A_292 : memref<32xf32, #tpu.memory_space<hbm>>) target(%dma_start3A_289 : memref<32xf32, #tpu.memory_space<vmem>>) target_semaphore(%arg10 : memref<!tpu.dma_semaphore, #tpu.memory_space<semaphore_mem>>)
          %slice3A_293 = vector.extract_strided_slice %get3A_271 {offsets = [1], sizes = [1], strides = [1]} : vector<16xi32> to vector<1xi32>
          %squeeze3A_294 = vector.extract %slice3A_293[0] : i32 from vector<1xi32>
          %dma_start3A_295 = arith.constant 1 : i32
          %dma_start3A_296 = arith.constant 1 : i32
          %dma_start3A_297 = arith.constant 1 : i32
          %dma_start3A_298 = arith.constant 0 : i32
          %dma_start3A_299 = tpu.memref_slice %arg6[%dma_start3A_296, %scan3A_266, %dma_start3A_297, %dma_start3A_298] : memref<2x8x26x32xf32, #tpu.memory_space<vmem>> -> memref<1x1x1x32xf32, #tpu.memory_space<vmem>>
          %dma_start3A_300 = tpu.memref_squeeze %dma_start3A_299 : memref<1x1x1x32xf32, #tpu.memory_space<vmem>> -> memref<32xf32, #tpu.memory_space<vmem>>
          %dma_start3A_301 = arith.constant 0 : i32
          %dma_start3A_302 = tpu.memref_slice %arg3[%dma_start3A_295, %squeeze3A_294, %dma_start3A_301] : memref<26x100001x32xf32, #tpu.memory_space<hbm>> -> memref<1x1x32xf32, #tpu.memory_space<hbm>>
          %dma_start3A_303 = tpu.memref_squeeze %dma_start3A_302 : memref<1x1x32xf32, #tpu.memory_space<hbm>> -> memref<32xf32, #tpu.memory_space<hbm>>
          %dma_start3A_304 = arith.constant 0 : i32
          %dma_start3A_305 = tpu.memref_slice %arg6[%dma_start3A_296, %scan3A_266, %dma_start3A_297, %dma_start3A_304] : memref<2x8x26x32xf32, #tpu.memory_space<vmem>> -> memref<1x1x1x32xf32, #tpu.memory_space<vmem>>
          %dma_start3A_306 = tpu.memref_squeeze %dma_start3A_305 : memref<1x1x1x32xf32, #tpu.memory_space<vmem>> -> memref<32xf32, #tpu.memory_space<vmem>>
          %dma_start3A_307 = arith.constant 0 : i32
          %dma_start3A_308 = tpu.memref_slice %arg3[%dma_start3A_295, %squeeze3A_294, %dma_start3A_307] : memref<26x100001x32xf32, #tpu.memory_space<hbm>> -> memref<1x1x32xf32, #tpu.memory_space<hbm>>
          %dma_start3A_309 = tpu.memref_squeeze %dma_start3A_308 : memref<1x1x32xf32, #tpu.memory_space<hbm>> -> memref<32xf32, #tpu.memory_space<hbm>>
          tpu.enqueue_dma source(%dma_start3A_309 : memref<32xf32, #tpu.memory_space<hbm>>) target(%dma_start3A_306 : memref<32xf32, #tpu.memory_space<vmem>>) target_semaphore(%arg10 : memref<!tpu.dma_semaphore, #tpu.memory_space<semaphore_mem>>)
          %slice3A_310 = vector.extract_strided_slice %get3A_271 {offsets = [2], sizes = [1], strides = [1]} : vector<16xi32> to vector<1xi32>
          %squeeze3A_311 = vector.extract %slice3A_310[0] : i32 from vector<1xi32>
          %dma_start3A_312 = arith.constant 2 : i32
          %dma_start3A_313 = arith.constant 1 : i32
          %dma_start3A_314 = arith.constant 2 : i32
          %dma_start3A_315 = arith.constant 0 : i32
          %dma_start3A_316 = tpu.memref_slice %arg6[%dma_start3A_313, %scan3A_266, %dma_start3A_314, %dma_start3A_315] : memref<2x8x26x32xf32, #tpu.memory_space<vmem>> -> memref<1x1x1x32xf32, #tpu.memory_space<vmem>>
          %dma_start3A_317 = tpu.memref_squeeze %dma_start3A_316 : memref<1x1x1x32xf32, #tpu.memory_space<vmem>> -> memref<32xf32, #tpu.memory_space<vmem>>
          %dma_start3A_318 = arith.constant 0 : i32
          %dma_start3A_319 = tpu.memref_slice %arg3[%dma_start3A_312, %squeeze3A_311, %dma_start3A_318] : memref<26x100001x32xf32, #tpu.memory_space<hbm>> -> memref<1x1x32xf32, #tpu.memory_space<hbm>>
          %dma_start3A_320 = tpu.memref_squeeze %dma_start3A_319 : memref<1x1x32xf32, #tpu.memory_space<hbm>> -> memref<32xf32, #tpu.memory_space<hbm>>
          %dma_start3A_321 = arith.constant 0 : i32
          %dma_start3A_322 = tpu.memref_slice %arg6[%dma_start3A_313, %scan3A_266, %dma_start3A_314, %dma_start3A_321] : memref<2x8x26x32xf32, #tpu.memory_space<vmem>> -> memref<1x1x1x32xf32, #tpu.memory_space<vmem>>
          %dma_start3A_323 = tpu.memref_squeeze %dma_start3A_322 : memref<1x1x1x32xf32, #tpu.memory_space<vmem>> -> memref<32xf32, #tpu.memory_space<vmem>>
          %dma_start3A_324 = arith.constant 0 : i32
          %dma_start3A_325 = tpu.memref_slice %arg3[%dma_start3A_312, %squeeze3A_311, %dma_start3A_324] : memref<26x100001x32xf32, #tpu.memory_space<hbm>> -> memref<1x1x32xf32, #tpu.memory_space<hbm>>
          %dma_start3A_326 = tpu.memref_squeeze %dma_start3A_325 : memref<1x1x32xf32, #tpu.memory_space<hbm>> -> memref<32xf32, #tpu.memory_space<hbm>>
          tpu.enqueue_dma source(%dma_start3A_326 : memref<32xf32, #tpu.memory_space<hbm>>) target(%dma_start3A_323 : memref<32xf32, #tpu.memory_space<vmem>>) target_semaphore(%arg10 : memref<!tpu.dma_semaphore, #tpu.memory_space<semaphore_mem>>)
          %slice3A_327 = vector.extract_strided_slice %get3A_271 {offsets = [3], sizes = [1], strides = [1]} : vector<16xi32> to vector<1xi32>
          %squeeze3A_328 = vector.extract %slice3A_327[0] : i32 from vector<1xi32>
          %dma_start3A_329 = arith.constant 3 : i32
          %dma_start3A_330 = arith.constant 1 : i32
          %dma_start3A_331 = arith.constant 3 : i32
          %dma_start3A_332 = arith.constant 0 : i32
          %dma_start3A_333 = tpu.memref_slice %arg6[%dma_start3A_330, %scan3A_266, %dma_start3A_331, %dma_start3A_332] : memref<2x8x26x32xf32, #tpu.memory_space<vmem>> -> memref<1x1x1x32xf32, #tpu.memory_space<vmem>>
          %dma_start3A_334 = tpu.memref_squeeze %dma_start3A_333 : memref<1x1x1x32xf32, #tpu.memory_space<vmem>> -> memref<32xf32, #tpu.memory_space<vmem>>
          %dma_start3A_335 = arith.constant 0 : i32
          %dma_start3A_336 = tpu.memref_slice %arg3[%dma_start3A_329, %squeeze3A_328, %dma_start3A_335] : memref<26x100001x32xf32, #tpu.memory_space<hbm>> -> memref<1x1x32xf32, #tpu.memory_space<hbm>>
          %dma_start3A_337 = tpu.memref_squeeze %dma_start3A_336 : memref<1x1x32xf32, #tpu.memory_space<hbm>> -> memref<32xf32, #tpu.memory_space<hbm>>
          %dma_start3A_338 = arith.constant 0 : i32
          %dma_start3A_339 = tpu.memref_slice %arg6[%dma_start3A_330, %scan3A_266, %dma_start3A_331, %dma_start3A_338] : memref<2x8x26x32xf32, #tpu.memory_space<vmem>> -> memref<1x1x1x32xf32, #tpu.memory_space<vmem>>
          %dma_start3A_340 = tpu.memref_squeeze %dma_start3A_339 : memref<1x1x1x32xf32, #tpu.memory_space<vmem>> -> memref<32xf32, #tpu.memory_space<vmem>>
          %dma_start3A_341 = arith.constant 0 : i32
          %dma_start3A_342 = tpu.memref_slice %arg3[%dma_start3A_329, %squeeze3A_328, %dma_start3A_341] : memref<26x100001x32xf32, #tpu.memory_space<hbm>> -> memref<1x1x32xf32, #tpu.memory_space<hbm>>
          %dma_start3A_343 = tpu.memref_squeeze %dma_start3A_342 : memref<1x1x32xf32, #tpu.memory_space<hbm>> -> memref<32xf32, #tpu.memory_space<hbm>>
          tpu.enqueue_dma source(%dma_start3A_343 : memref<32xf32, #tpu.memory_space<hbm>>) target(%dma_start3A_340 : memref<32xf32, #tpu.memory_space<vmem>>) target_semaphore(%arg10 : memref<!tpu.dma_semaphore, #tpu.memory_space<semaphore_mem>>)
          %slice3A_344 = vector.extract_strided_slice %get3A_271 {offsets = [4], sizes = [1], strides = [1]} : vector<16xi32> to vector<1xi32>
          %squeeze3A_345 = vector.extract %slice3A_344[0] : i32 from vector<1xi32>
          %dma_start3A_346 = arith.constant 4 : i32
          %dma_start3A_347 = arith.constant 1 : i32
          %dma_start3A_348 = arith.constant 4 : i32
          %dma_start3A_349 = arith.constant 0 : i32
          %dma_start3A_350 = tpu.memref_slice %arg6[%dma_start3A_347, %scan3A_266, %dma_start3A_348, %dma_start3A_349] : memref<2x8x26x32xf32, #tpu.memory_space<vmem>> -> memref<1x1x1x32xf32, #tpu.memory_space<vmem>>
          %dma_start3A_351 = tpu.memref_squeeze %dma_start3A_350 : memref<1x1x1x32xf32, #tpu.memory_space<vmem>> -> memref<32xf32, #tpu.memory_space<vmem>>
          %dma_start3A_352 = arith.constant 0 : i32
          %dma_start3A_353 = tpu.memref_slice %arg3[%dma_start3A_346, %squeeze3A_345, %dma_start3A_352] : memref<26x100001x32xf32, #tpu.memory_space<hbm>> -> memref<1x1x32xf32, #tpu.memory_space<hbm>>
          %dma_start3A_354 = tpu.memref_squeeze %dma_start3A_353 : memref<1x1x32xf32, #tpu.memory_space<hbm>> -> memref<32xf32, #tpu.memory_space<hbm>>
          %dma_start3A_355 = arith.constant 0 : i32
          %dma_start3A_356 = tpu.memref_slice %arg6[%dma_start3A_347, %scan3A_266, %dma_start3A_348, %dma_start3A_355] : memref<2x8x26x32xf32, #tpu.memory_space<vmem>> -> memref<1x1x1x32xf32, #tpu.memory_space<vmem>>
          %dma_start3A_357 = tpu.memref_squeeze %dma_start3A_356 : memref<1x1x1x32xf32, #tpu.memory_space<vmem>> -> memref<32xf32, #tpu.memory_space<vmem>>
          %dma_start3A_358 = arith.constant 0 : i32
          %dma_start3A_359 = tpu.memref_slice %arg3[%dma_start3A_346, %squeeze3A_345, %dma_start3A_358] : memref<26x100001x32xf32, #tpu.memory_space<hbm>> -> memref<1x1x32xf32, #tpu.memory_space<hbm>>
          %dma_start3A_360 = tpu.memref_squeeze %dma_start3A_359 : memref<1x1x32xf32, #tpu.memory_space<hbm>> -> memref<32xf32, #tpu.memory_space<hbm>>
          tpu.enqueue_dma source(%dma_start3A_360 : memref<32xf32, #tpu.memory_space<hbm>>) target(%dma_start3A_357 : memref<32xf32, #tpu.memory_space<vmem>>) target_semaphore(%arg10 : memref<!tpu.dma_semaphore, #tpu.memory_space<semaphore_mem>>)
          %slice3A_361 = vector.extract_strided_slice %get3A_271 {offsets = [5], sizes = [1], strides = [1]} : vector<16xi32> to vector<1xi32>
          %squeeze3A_362 = vector.extract %slice3A_361[0] : i32 from vector<1xi32>
          %dma_start3A_363 = arith.constant 5 : i32
          %dma_start3A_364 = arith.constant 1 : i32
          %dma_start3A_365 = arith.constant 5 : i32
          %dma_start3A_366 = arith.constant 0 : i32
          %dma_start3A_367 = tpu.memref_slice %arg6[%dma_start3A_364, %scan3A_266, %dma_start3A_365, %dma_start3A_366] : memref<2x8x26x32xf32, #tpu.memory_space<vmem>> -> memref<1x1x1x32xf32, #tpu.memory_space<vmem>>
          %dma_start3A_368 = tpu.memref_squeeze %dma_start3A_367 : memref<1x1x1x32xf32, #tpu.memory_space<vmem>> -> memref<32xf32, #tpu.memory_space<vmem>>
          %dma_start3A_369 = arith.constant 0 : i32
          %dma_start3A_370 = tpu.memref_slice %arg3[%dma_start3A_363, %squeeze3A_362, %dma_start3A_369] : memref<26x100001x32xf32, #tpu.memory_space<hbm>> -> memref<1x1x32xf32, #tpu.memory_space<hbm>>
          %dma_start3A_371 = tpu.memref_squeeze %dma_start3A_370 : memref<1x1x32xf32, #tpu.memory_space<hbm>> -> memref<32xf32, #tpu.memory_space<hbm>>
          %dma_start3A_372 = arith.constant 0 : i32
          %dma_start3A_373 = tpu.memref_slice %arg6[%dma_start3A_364, %scan3A_266, %dma_start3A_365, %dma_start3A_372] : memref<2x8x26x32xf32, #tpu.memory_space<vmem>> -> memref<1x1x1x32xf32, #tpu.memory_space<vmem>>
          %dma_start3A_374 = tpu.memref_squeeze %dma_start3A_373 : memref<1x1x1x32xf32, #tpu.memory_space<vmem>> -> memref<32xf32, #tpu.memory_space<vmem>>
          %dma_start3A_375 = arith.constant 0 : i32
          %dma_start3A_376 = tpu.memref_slice %arg3[%dma_start3A_363, %squeeze3A_362, %dma_start3A_375] : memref<26x100001x32xf32, #tpu.memory_space<hbm>> -> memref<1x1x32xf32, #tpu.memory_space<hbm>>
          %dma_start3A_377 = tpu.memref_squeeze %dma_start3A_376 : memref<1x1x32xf32, #tpu.memory_space<hbm>> -> memref<32xf32, #tpu.memory_space<hbm>>
          tpu.enqueue_dma source(%dma_start3A_377 : memref<32xf32, #tpu.memory_space<hbm>>) target(%dma_start3A_374 : memref<32xf32, #tpu.memory_space<vmem>>) target_semaphore(%arg10 : memref<!tpu.dma_semaphore, #tpu.memory_space<semaphore_mem>>)
          %slice3A_378 = vector.extract_strided_slice %get3A_271 {offsets = [6], sizes = [1], strides = [1]} : vector<16xi32> to vector<1xi32>
          %squeeze3A_379 = vector.extract %slice3A_378[0] : i32 from vector<1xi32>
          %dma_start3A_380 = arith.constant 6 : i32
          %dma_start3A_381 = arith.constant 1 : i32
          %dma_start3A_382 = arith.constant 6 : i32
          %dma_start3A_383 = arith.constant 0 : i32
          %dma_start3A_384 = tpu.memref_slice %arg6[%dma_start3A_381, %scan3A_266, %dma_start3A_382, %dma_start3A_383] : memref<2x8x26x32xf32, #tpu.memory_space<vmem>> -> memref<1x1x1x32xf32, #tpu.memory_space<vmem>>
          %dma_start3A_385 = tpu.memref_squeeze %dma_start3A_384 : memref<1x1x1x32xf32, #tpu.memory_space<vmem>> -> memref<32xf32, #tpu.memory_space<vmem>>
          %dma_start3A_386 = arith.constant 0 : i32
          %dma_start3A_387 = tpu.memref_slice %arg3[%dma_start3A_380, %squeeze3A_379, %dma_start3A_386] : memref<26x100001x32xf32, #tpu.memory_space<hbm>> -> memref<1x1x32xf32, #tpu.memory_space<hbm>>
          %dma_start3A_388 = tpu.memref_squeeze %dma_start3A_387 : memref<1x1x32xf32, #tpu.memory_space<hbm>> -> memref<32xf32, #tpu.memory_space<hbm>>
          %dma_start3A_389 = arith.constant 0 : i32
          %dma_start3A_390 = tpu.memref_slice %arg6[%dma_start3A_381, %scan3A_266, %dma_start3A_382, %dma_start3A_389] : memref<2x8x26x32xf32, #tpu.memory_space<vmem>> -> memref<1x1x1x32xf32, #tpu.memory_space<vmem>>
          %dma_start3A_391 = tpu.memref_squeeze %dma_start3A_390 : memref<1x1x1x32xf32, #tpu.memory_space<vmem>> -> memref<32xf32, #tpu.memory_space<vmem>>
          %dma_start3A_392 = arith.constant 0 : i32
          %dma_start3A_393 = tpu.memref_slice %arg3[%dma_start3A_380, %squeeze3A_379, %dma_start3A_392] : memref<26x100001x32xf32, #tpu.memory_space<hbm>> -> memref<1x1x32xf32, #tpu.memory_space<hbm>>
          %dma_start3A_394 = tpu.memref_squeeze %dma_start3A_393 : memref<1x1x32xf32, #tpu.memory_space<hbm>> -> memref<32xf32, #tpu.memory_space<hbm>>
          tpu.enqueue_dma source(%dma_start3A_394 : memref<32xf32, #tpu.memory_space<hbm>>) target(%dma_start3A_391 : memref<32xf32, #tpu.memory_space<vmem>>) target_semaphore(%arg10 : memref<!tpu.dma_semaphore, #tpu.memory_space<semaphore_mem>>)
          %slice3A_395 = vector.extract_strided_slice %get3A_271 {offsets = [7], sizes = [1], strides = [1]} : vector<16xi32> to vector<1xi32>
          %squeeze3A_396 = vector.extract %slice3A_395[0] : i32 from vector<1xi32>
          %dma_start3A_397 = arith.constant 7 : i32
          %dma_start3A_398 = arith.constant 1 : i32
          %dma_start3A_399 = arith.constant 7 : i32
          %dma_start3A_400 = arith.constant 0 : i32
          %dma_start3A_401 = tpu.memref_slice %arg6[%dma_start3A_398, %scan3A_266, %dma_start3A_399, %dma_start3A_400] : memref<2x8x26x32xf32, #tpu.memory_space<vmem>> -> memref<1x1x1x32xf32, #tpu.memory_space<vmem>>
          %dma_start3A_402 = tpu.memref_squeeze %dma_start3A_401 : memref<1x1x1x32xf32, #tpu.memory_space<vmem>> -> memref<32xf32, #tpu.memory_space<vmem>>
          %dma_start3A_403 = arith.constant 0 : i32
          %dma_start3A_404 = tpu.memref_slice %arg3[%dma_start3A_397, %squeeze3A_396, %dma_start3A_403] : memref<26x100001x32xf32, #tpu.memory_space<hbm>> -> memref<1x1x32xf32, #tpu.memory_space<hbm>>
          %dma_start3A_405 = tpu.memref_squeeze %dma_start3A_404 : memref<1x1x32xf32, #tpu.memory_space<hbm>> -> memref<32xf32, #tpu.memory_space<hbm>>
          %dma_start3A_406 = arith.constant 0 : i32
          %dma_start3A_407 = tpu.memref_slice %arg6[%dma_start3A_398, %scan3A_266, %dma_start3A_399, %dma_start3A_406] : memref<2x8x26x32xf32, #tpu.memory_space<vmem>> -> memref<1x1x1x32xf32, #tpu.memory_space<vmem>>
          %dma_start3A_408 = tpu.memref_squeeze %dma_start3A_407 : memref<1x1x1x32xf32, #tpu.memory_space<vmem>> -> memref<32xf32, #tpu.memory_space<vmem>>
          %dma_start3A_409 = arith.constant 0 : i32
          %dma_start3A_410 = tpu.memref_slice %arg3[%dma_start3A_397, %squeeze3A_396, %dma_start3A_409] : memref<26x100001x32xf32, #tpu.memory_space<hbm>> -> memref<1x1x32xf32, #tpu.memory_space<hbm>>
          %dma_start3A_411 = tpu.memref_squeeze %dma_start3A_410 : memref<1x1x32xf32, #tpu.memory_space<hbm>> -> memref<32xf32, #tpu.memory_space<hbm>>
          tpu.enqueue_dma source(%dma_start3A_411 : memref<32xf32, #tpu.memory_space<hbm>>) target(%dma_start3A_408 : memref<32xf32, #tpu.memory_space<vmem>>) target_semaphore(%arg10 : memref<!tpu.dma_semaphore, #tpu.memory_space<semaphore_mem>>)
          %slice3A_412 = vector.extract_strided_slice %get3A_271 {offsets = [8], sizes = [1], strides = [1]} : vector<16xi32> to vector<1xi32>
          %squeeze3A_413 = vector.extract %slice3A_412[0] : i32 from vector<1xi32>
          %dma_start3A_414 = arith.constant 8 : i32
          %dma_start3A_415 = arith.constant 1 : i32
          %dma_start3A_416 = arith.constant 8 : i32
          %dma_start3A_417 = arith.constant 0 : i32
          %dma_start3A_418 = tpu.memref_slice %arg6[%dma_start3A_415, %scan3A_266, %dma_start3A_416, %dma_start3A_417] : memref<2x8x26x32xf32, #tpu.memory_space<vmem>> -> memref<1x1x1x32xf32, #tpu.memory_space<vmem>>
          %dma_start3A_419 = tpu.memref_squeeze %dma_start3A_418 : memref<1x1x1x32xf32, #tpu.memory_space<vmem>> -> memref<32xf32, #tpu.memory_space<vmem>>
          %dma_start3A_420 = arith.constant 0 : i32
          %dma_start3A_421 = tpu.memref_slice %arg3[%dma_start3A_414, %squeeze3A_413, %dma_start3A_420] : memref<26x100001x32xf32, #tpu.memory_space<hbm>> -> memref<1x1x32xf32, #tpu.memory_space<hbm>>
          %dma_start3A_422 = tpu.memref_squeeze %dma_start3A_421 : memref<1x1x32xf32, #tpu.memory_space<hbm>> -> memref<32xf32, #tpu.memory_space<hbm>>
          %dma_start3A_423 = arith.constant 0 : i32
          %dma_start3A_424 = tpu.memref_slice %arg6[%dma_start3A_415, %scan3A_266, %dma_start3A_416, %dma_start3A_423] : memref<2x8x26x32xf32, #tpu.memory_space<vmem>> -> memref<1x1x1x32xf32, #tpu.memory_space<vmem>>
          %dma_start3A_425 = tpu.memref_squeeze %dma_start3A_424 : memref<1x1x1x32xf32, #tpu.memory_space<vmem>> -> memref<32xf32, #tpu.memory_space<vmem>>
          %dma_start3A_426 = arith.constant 0 : i32
          %dma_start3A_427 = tpu.memref_slice %arg3[%dma_start3A_414, %squeeze3A_413, %dma_start3A_426] : memref<26x100001x32xf32, #tpu.memory_space<hbm>> -> memref<1x1x32xf32, #tpu.memory_space<hbm>>
          %dma_start3A_428 = tpu.memref_squeeze %dma_start3A_427 : memref<1x1x32xf32, #tpu.memory_space<hbm>> -> memref<32xf32, #tpu.memory_space<hbm>>
          tpu.enqueue_dma source(%dma_start3A_428 : memref<32xf32, #tpu.memory_space<hbm>>) target(%dma_start3A_425 : memref<32xf32, #tpu.memory_space<vmem>>) target_semaphore(%arg10 : memref<!tpu.dma_semaphore, #tpu.memory_space<semaphore_mem>>)
          %slice3A_429 = vector.extract_strided_slice %get3A_271 {offsets = [9], sizes = [1], strides = [1]} : vector<16xi32> to vector<1xi32>
          %squeeze3A_430 = vector.extract %slice3A_429[0] : i32 from vector<1xi32>
          %dma_start3A_431 = arith.constant 9 : i32
          %dma_start3A_432 = arith.constant 1 : i32
          %dma_start3A_433 = arith.constant 9 : i32
          %dma_start3A_434 = arith.constant 0 : i32
          %dma_start3A_435 = tpu.memref_slice %arg6[%dma_start3A_432, %scan3A_266, %dma_start3A_433, %dma_start3A_434] : memref<2x8x26x32xf32, #tpu.memory_space<vmem>> -> memref<1x1x1x32xf32, #tpu.memory_space<vmem>>
          %dma_start3A_436 = tpu.memref_squeeze %dma_start3A_435 : memref<1x1x1x32xf32, #tpu.memory_space<vmem>> -> memref<32xf32, #tpu.memory_space<vmem>>
          %dma_start3A_437 = arith.constant 0 : i32
          %dma_start3A_438 = tpu.memref_slice %arg3[%dma_start3A_431, %squeeze3A_430, %dma_start3A_437] : memref<26x100001x32xf32, #tpu.memory_space<hbm>> -> memref<1x1x32xf32, #tpu.memory_space<hbm>>
          %dma_start3A_439 = tpu.memref_squeeze %dma_start3A_438 : memref<1x1x32xf32, #tpu.memory_space<hbm>> -> memref<32xf32, #tpu.memory_space<hbm>>
          %dma_start3A_440 = arith.constant 0 : i32
          %dma_start3A_441 = tpu.memref_slice %arg6[%dma_start3A_432, %scan3A_266, %dma_start3A_433, %dma_start3A_440] : memref<2x8x26x32xf32, #tpu.memory_space<vmem>> -> memref<1x1x1x32xf32, #tpu.memory_space<vmem>>
          %dma_start3A_442 = tpu.memref_squeeze %dma_start3A_441 : memref<1x1x1x32xf32, #tpu.memory_space<vmem>> -> memref<32xf32, #tpu.memory_space<vmem>>
          %dma_start3A_443 = arith.constant 0 : i32
          %dma_start3A_444 = tpu.memref_slice %arg3[%dma_start3A_431, %squeeze3A_430, %dma_start3A_443] : memref<26x100001x32xf32, #tpu.memory_space<hbm>> -> memref<1x1x32xf32, #tpu.memory_space<hbm>>
          %dma_start3A_445 = tpu.memref_squeeze %dma_start3A_444 : memref<1x1x32xf32, #tpu.memory_space<hbm>> -> memref<32xf32, #tpu.memory_space<hbm>>
          tpu.enqueue_dma source(%dma_start3A_445 : memref<32xf32, #tpu.memory_space<hbm>>) target(%dma_start3A_442 : memref<32xf32, #tpu.memory_space<vmem>>) target_semaphore(%arg10 : memref<!tpu.dma_semaphore, #tpu.memory_space<semaphore_mem>>)
          %slice3A_446 = vector.extract_strided_slice %get3A_271 {offsets = [10], sizes = [1], strides = [1]} : vector<16xi32> to vector<1xi32>
          %squeeze3A_447 = vector.extract %slice3A_446[0] : i32 from vector<1xi32>
          %dma_start3A_448 = arith.constant 10 : i32
          %dma_start3A_449 = arith.constant 1 : i32
          %dma_start3A_450 = arith.constant 10 : i32
          %dma_start3A_451 = arith.constant 0 : i32
          %dma_start3A_452 = tpu.memref_slice %arg6[%dma_start3A_449, %scan3A_266, %dma_start3A_450, %dma_start3A_451] : memref<2x8x26x32xf32, #tpu.memory_space<vmem>> -> memref<1x1x1x32xf32, #tpu.memory_space<vmem>>
          %dma_start3A_453 = tpu.memref_squeeze %dma_start3A_452 : memref<1x1x1x32xf32, #tpu.memory_space<vmem>> -> memref<32xf32, #tpu.memory_space<vmem>>
          %dma_start3A_454 = arith.constant 0 : i32
          %dma_start3A_455 = tpu.memref_slice %arg3[%dma_start3A_448, %squeeze3A_447, %dma_start3A_454] : memref<26x100001x32xf32, #tpu.memory_space<hbm>> -> memref<1x1x32xf32, #tpu.memory_space<hbm>>
          %dma_start3A_456 = tpu.memref_squeeze %dma_start3A_455 : memref<1x1x32xf32, #tpu.memory_space<hbm>> -> memref<32xf32, #tpu.memory_space<hbm>>
          %dma_start3A_457 = arith.constant 0 : i32
          %dma_start3A_458 = tpu.memref_slice %arg6[%dma_start3A_449, %scan3A_266, %dma_start3A_450, %dma_start3A_457] : memref<2x8x26x32xf32, #tpu.memory_space<vmem>> -> memref<1x1x1x32xf32, #tpu.memory_space<vmem>>
          %dma_start3A_459 = tpu.memref_squeeze %dma_start3A_458 : memref<1x1x1x32xf32, #tpu.memory_space<vmem>> -> memref<32xf32, #tpu.memory_space<vmem>>
          %dma_start3A_460 = arith.constant 0 : i32
          %dma_start3A_461 = tpu.memref_slice %arg3[%dma_start3A_448, %squeeze3A_447, %dma_start3A_460] : memref<26x100001x32xf32, #tpu.memory_space<hbm>> -> memref<1x1x32xf32, #tpu.memory_space<hbm>>
          %dma_start3A_462 = tpu.memref_squeeze %dma_start3A_461 : memref<1x1x32xf32, #tpu.memory_space<hbm>> -> memref<32xf32, #tpu.memory_space<hbm>>
          tpu.enqueue_dma source(%dma_start3A_462 : memref<32xf32, #tpu.memory_space<hbm>>) target(%dma_start3A_459 : memref<32xf32, #tpu.memory_space<vmem>>) target_semaphore(%arg10 : memref<!tpu.dma_semaphore, #tpu.memory_space<semaphore_mem>>)
          %slice3A_463 = vector.extract_strided_slice %get3A_271 {offsets = [11], sizes = [1], strides = [1]} : vector<16xi32> to vector<1xi32>
          %squeeze3A_464 = vector.extract %slice3A_463[0] : i32 from vector<1xi32>
          %dma_start3A_465 = arith.constant 11 : i32
          %dma_start3A_466 = arith.constant 1 : i32
          %dma_start3A_467 = arith.constant 11 : i32
          %dma_start3A_468 = arith.constant 0 : i32
          %dma_start3A_469 = tpu.memref_slice %arg6[%dma_start3A_466, %scan3A_266, %dma_start3A_467, %dma_start3A_468] : memref<2x8x26x32xf32, #tpu.memory_space<vmem>> -> memref<1x1x1x32xf32, #tpu.memory_space<vmem>>
          %dma_start3A_470 = tpu.memref_squeeze %dma_start3A_469 : memref<1x1x1x32xf32, #tpu.memory_space<vmem>> -> memref<32xf32, #tpu.memory_space<vmem>>
          %dma_start3A_471 = arith.constant 0 : i32
          %dma_start3A_472 = tpu.memref_slice %arg3[%dma_start3A_465, %squeeze3A_464, %dma_start3A_471] : memref<26x100001x32xf32, #tpu.memory_space<hbm>> -> memref<1x1x32xf32, #tpu.memory_space<hbm>>
          %dma_start3A_473 = tpu.memref_squeeze %dma_start3A_472 : memref<1x1x32xf32, #tpu.memory_space<hbm>> -> memref<32xf32, #tpu.memory_space<hbm>>
          %dma_start3A_474 = arith.constant 0 : i32
          %dma_start3A_475 = tpu.memref_slice %arg6[%dma_start3A_466, %scan3A_266, %dma_start3A_467, %dma_start3A_474] : memref<2x8x26x32xf32, #tpu.memory_space<vmem>> -> memref<1x1x1x32xf32, #tpu.memory_space<vmem>>
          %dma_start3A_476 = tpu.memref_squeeze %dma_start3A_475 : memref<1x1x1x32xf32, #tpu.memory_space<vmem>> -> memref<32xf32, #tpu.memory_space<vmem>>
          %dma_start3A_477 = arith.constant 0 : i32
          %dma_start3A_478 = tpu.memref_slice %arg3[%dma_start3A_465, %squeeze3A_464, %dma_start3A_477] : memref<26x100001x32xf32, #tpu.memory_space<hbm>> -> memref<1x1x32xf32, #tpu.memory_space<hbm>>
          %dma_start3A_479 = tpu.memref_squeeze %dma_start3A_478 : memref<1x1x32xf32, #tpu.memory_space<hbm>> -> memref<32xf32, #tpu.memory_space<hbm>>
          tpu.enqueue_dma source(%dma_start3A_479 : memref<32xf32, #tpu.memory_space<hbm>>) target(%dma_start3A_476 : memref<32xf32, #tpu.memory_space<vmem>>) target_semaphore(%arg10 : memref<!tpu.dma_semaphore, #tpu.memory_space<semaphore_mem>>)
          %slice3A_480 = vector.extract_strided_slice %get3A_271 {offsets = [12], sizes = [1], strides = [1]} : vector<16xi32> to vector<1xi32>
          %squeeze3A_481 = vector.extract %slice3A_480[0] : i32 from vector<1xi32>
          %dma_start3A_482 = arith.constant 12 : i32
          %dma_start3A_483 = arith.constant 1 : i32
          %dma_start3A_484 = arith.constant 12 : i32
          %dma_start3A_485 = arith.constant 0 : i32
          %dma_start3A_486 = tpu.memref_slice %arg6[%dma_start3A_483, %scan3A_266, %dma_start3A_484, %dma_start3A_485] : memref<2x8x26x32xf32, #tpu.memory_space<vmem>> -> memref<1x1x1x32xf32, #tpu.memory_space<vmem>>
          %dma_start3A_487 = tpu.memref_squeeze %dma_start3A_486 : memref<1x1x1x32xf32, #tpu.memory_space<vmem>> -> memref<32xf32, #tpu.memory_space<vmem>>
          %dma_start3A_488 = arith.constant 0 : i32
          %dma_start3A_489 = tpu.memref_slice %arg3[%dma_start3A_482, %squeeze3A_481, %dma_start3A_488] : memref<26x100001x32xf32, #tpu.memory_space<hbm>> -> memref<1x1x32xf32, #tpu.memory_space<hbm>>
          %dma_start3A_490 = tpu.memref_squeeze %dma_start3A_489 : memref<1x1x32xf32, #tpu.memory_space<hbm>> -> memref<32xf32, #tpu.memory_space<hbm>>
          %dma_start3A_491 = arith.constant 0 : i32
          %dma_start3A_492 = tpu.memref_slice %arg6[%dma_start3A_483, %scan3A_266, %dma_start3A_484, %dma_start3A_491] : memref<2x8x26x32xf32, #tpu.memory_space<vmem>> -> memref<1x1x1x32xf32, #tpu.memory_space<vmem>>
          %dma_start3A_493 = tpu.memref_squeeze %dma_start3A_492 : memref<1x1x1x32xf32, #tpu.memory_space<vmem>> -> memref<32xf32, #tpu.memory_space<vmem>>
          %dma_start3A_494 = arith.constant 0 : i32
          %dma_start3A_495 = tpu.memref_slice %arg3[%dma_start3A_482, %squeeze3A_481, %dma_start3A_494] : memref<26x100001x32xf32, #tpu.memory_space<hbm>> -> memref<1x1x32xf32, #tpu.memory_space<hbm>>
          %dma_start3A_496 = tpu.memref_squeeze %dma_start3A_495 : memref<1x1x32xf32, #tpu.memory_space<hbm>> -> memref<32xf32, #tpu.memory_space<hbm>>
          tpu.enqueue_dma source(%dma_start3A_496 : memref<32xf32, #tpu.memory_space<hbm>>) target(%dma_start3A_493 : memref<32xf32, #tpu.memory_space<vmem>>) target_semaphore(%arg10 : memref<!tpu.dma_semaphore, #tpu.memory_space<semaphore_mem>>)
          %slice3A_497 = vector.extract_strided_slice %get3A_271 {offsets = [13], sizes = [1], strides = [1]} : vector<16xi32> to vector<1xi32>
          %squeeze3A_498 = vector.extract %slice3A_497[0] : i32 from vector<1xi32>
          %dma_start3A_499 = arith.constant 13 : i32
          %dma_start3A_500 = arith.constant 1 : i32
          %dma_start3A_501 = arith.constant 13 : i32
          %dma_start3A_502 = arith.constant 0 : i32
          %dma_start3A_503 = tpu.memref_slice %arg6[%dma_start3A_500, %scan3A_266, %dma_start3A_501, %dma_start3A_502] : memref<2x8x26x32xf32, #tpu.memory_space<vmem>> -> memref<1x1x1x32xf32, #tpu.memory_space<vmem>>
          %dma_start3A_504 = tpu.memref_squeeze %dma_start3A_503 : memref<1x1x1x32xf32, #tpu.memory_space<vmem>> -> memref<32xf32, #tpu.memory_space<vmem>>
          %dma_start3A_505 = arith.constant 0 : i32
          %dma_start3A_506 = tpu.memref_slice %arg3[%dma_start3A_499, %squeeze3A_498, %dma_start3A_505] : memref<26x100001x32xf32, #tpu.memory_space<hbm>> -> memref<1x1x32xf32, #tpu.memory_space<hbm>>
          %dma_start3A_507 = tpu.memref_squeeze %dma_start3A_506 : memref<1x1x32xf32, #tpu.memory_space<hbm>> -> memref<32xf32, #tpu.memory_space<hbm>>
          %dma_start3A_508 = arith.constant 0 : i32
          %dma_start3A_509 = tpu.memref_slice %arg6[%dma_start3A_500, %scan3A_266, %dma_start3A_501, %dma_start3A_508] : memref<2x8x26x32xf32, #tpu.memory_space<vmem>> -> memref<1x1x1x32xf32, #tpu.memory_space<vmem>>
          %dma_start3A_510 = tpu.memref_squeeze %dma_start3A_509 : memref<1x1x1x32xf32, #tpu.memory_space<vmem>> -> memref<32xf32, #tpu.memory_space<vmem>>
          %dma_start3A_511 = arith.constant 0 : i32
          %dma_start3A_512 = tpu.memref_slice %arg3[%dma_start3A_499, %squeeze3A_498, %dma_start3A_511] : memref<26x100001x32xf32, #tpu.memory_space<hbm>> -> memref<1x1x32xf32, #tpu.memory_space<hbm>>
          %dma_start3A_513 = tpu.memref_squeeze %dma_start3A_512 : memref<1x1x32xf32, #tpu.memory_space<hbm>> -> memref<32xf32, #tpu.memory_space<hbm>>
          tpu.enqueue_dma source(%dma_start3A_513 : memref<32xf32, #tpu.memory_space<hbm>>) target(%dma_start3A_510 : memref<32xf32, #tpu.memory_space<vmem>>) target_semaphore(%arg10 : memref<!tpu.dma_semaphore, #tpu.memory_space<semaphore_mem>>)
          %slice3A_514 = vector.extract_strided_slice %get3A_271 {offsets = [14], sizes = [1], strides = [1]} : vector<16xi32> to vector<1xi32>
          %squeeze3A_515 = vector.extract %slice3A_514[0] : i32 from vector<1xi32>
          %dma_start3A_516 = arith.constant 14 : i32
          %dma_start3A_517 = arith.constant 1 : i32
          %dma_start3A_518 = arith.constant 14 : i32
          %dma_start3A_519 = arith.constant 0 : i32
          %dma_start3A_520 = tpu.memref_slice %arg6[%dma_start3A_517, %scan3A_266, %dma_start3A_518, %dma_start3A_519] : memref<2x8x26x32xf32, #tpu.memory_space<vmem>> -> memref<1x1x1x32xf32, #tpu.memory_space<vmem>>
          %dma_start3A_521 = tpu.memref_squeeze %dma_start3A_520 : memref<1x1x1x32xf32, #tpu.memory_space<vmem>> -> memref<32xf32, #tpu.memory_space<vmem>>
          %dma_start3A_522 = arith.constant 0 : i32
          %dma_start3A_523 = tpu.memref_slice %arg3[%dma_start3A_516, %squeeze3A_515, %dma_start3A_522] : memref<26x100001x32xf32, #tpu.memory_space<hbm>> -> memref<1x1x32xf32, #tpu.memory_space<hbm>>
          %dma_start3A_524 = tpu.memref_squeeze %dma_start3A_523 : memref<1x1x32xf32, #tpu.memory_space<hbm>> -> memref<32xf32, #tpu.memory_space<hbm>>
          %dma_start3A_525 = arith.constant 0 : i32
          %dma_start3A_526 = tpu.memref_slice %arg6[%dma_start3A_517, %scan3A_266, %dma_start3A_518, %dma_start3A_525] : memref<2x8x26x32xf32, #tpu.memory_space<vmem>> -> memref<1x1x1x32xf32, #tpu.memory_space<vmem>>
          %dma_start3A_527 = tpu.memref_squeeze %dma_start3A_526 : memref<1x1x1x32xf32, #tpu.memory_space<vmem>> -> memref<32xf32, #tpu.memory_space<vmem>>
          %dma_start3A_528 = arith.constant 0 : i32
          %dma_start3A_529 = tpu.memref_slice %arg3[%dma_start3A_516, %squeeze3A_515, %dma_start3A_528] : memref<26x100001x32xf32, #tpu.memory_space<hbm>> -> memref<1x1x32xf32, #tpu.memory_space<hbm>>
          %dma_start3A_530 = tpu.memref_squeeze %dma_start3A_529 : memref<1x1x32xf32, #tpu.memory_space<hbm>> -> memref<32xf32, #tpu.memory_space<hbm>>
          tpu.enqueue_dma source(%dma_start3A_530 : memref<32xf32, #tpu.memory_space<hbm>>) target(%dma_start3A_527 : memref<32xf32, #tpu.memory_space<vmem>>) target_semaphore(%arg10 : memref<!tpu.dma_semaphore, #tpu.memory_space<semaphore_mem>>)
          %slice3A_531 = vector.extract_strided_slice %get3A_271 {offsets = [15], sizes = [1], strides = [1]} : vector<16xi32> to vector<1xi32>
          %squeeze3A_532 = vector.extract %slice3A_531[0] : i32 from vector<1xi32>
          %dma_start3A_533 = arith.constant 15 : i32
          %dma_start3A_534 = arith.constant 1 : i32
          %dma_start3A_535 = arith.constant 15 : i32
          %dma_start3A_536 = arith.constant 0 : i32
          %dma_start3A_537 = tpu.memref_slice %arg6[%dma_start3A_534, %scan3A_266, %dma_start3A_535, %dma_start3A_536] : memref<2x8x26x32xf32, #tpu.memory_space<vmem>> -> memref<1x1x1x32xf32, #tpu.memory_space<vmem>>
          %dma_start3A_538 = tpu.memref_squeeze %dma_start3A_537 : memref<1x1x1x32xf32, #tpu.memory_space<vmem>> -> memref<32xf32, #tpu.memory_space<vmem>>
          %dma_start3A_539 = arith.constant 0 : i32
          %dma_start3A_540 = tpu.memref_slice %arg3[%dma_start3A_533, %squeeze3A_532, %dma_start3A_539] : memref<26x100001x32xf32, #tpu.memory_space<hbm>> -> memref<1x1x32xf32, #tpu.memory_space<hbm>>
          %dma_start3A_541 = tpu.memref_squeeze %dma_start3A_540 : memref<1x1x32xf32, #tpu.memory_space<hbm>> -> memref<32xf32, #tpu.memory_space<hbm>>
          %dma_start3A_542 = arith.constant 0 : i32
          %dma_start3A_543 = tpu.memref_slice %arg6[%dma_start3A_534, %scan3A_266, %dma_start3A_535, %dma_start3A_542] : memref<2x8x26x32xf32, #tpu.memory_space<vmem>> -> memref<1x1x1x32xf32, #tpu.memory_space<vmem>>
          %dma_start3A_544 = tpu.memref_squeeze %dma_start3A_543 : memref<1x1x1x32xf32, #tpu.memory_space<vmem>> -> memref<32xf32, #tpu.memory_space<vmem>>
          %dma_start3A_545 = arith.constant 0 : i32
          %dma_start3A_546 = tpu.memref_slice %arg3[%dma_start3A_533, %squeeze3A_532, %dma_start3A_545] : memref<26x100001x32xf32, #tpu.memory_space<hbm>> -> memref<1x1x32xf32, #tpu.memory_space<hbm>>
          %dma_start3A_547 = tpu.memref_squeeze %dma_start3A_546 : memref<1x1x32xf32, #tpu.memory_space<hbm>> -> memref<32xf32, #tpu.memory_space<hbm>>
          tpu.enqueue_dma source(%dma_start3A_547 : memref<32xf32, #tpu.memory_space<hbm>>) target(%dma_start3A_544 : memref<32xf32, #tpu.memory_space<vmem>>) target_semaphore(%arg10 : memref<!tpu.dma_semaphore, #tpu.memory_space<semaphore_mem>>)
          %slice3A_548 = vector.extract_strided_slice %get3A_277 {offsets = [6], sizes = [1], strides = [1]} : vector<16xi32> to vector<1xi32>
          %squeeze3A_549 = vector.extract %slice3A_548[0] : i32 from vector<1xi32>
          %dma_start3A_550 = arith.constant 16 : i32
          %dma_start3A_551 = arith.constant 1 : i32
          %dma_start3A_552 = arith.constant 16 : i32
          %dma_start3A_553 = arith.constant 0 : i32
          %dma_start3A_554 = tpu.memref_slice %arg6[%dma_start3A_551, %scan3A_266, %dma_start3A_552, %dma_start3A_553] : memref<2x8x26x32xf32, #tpu.memory_space<vmem>> -> memref<1x1x1x32xf32, #tpu.memory_space<vmem>>
          %dma_start3A_555 = tpu.memref_squeeze %dma_start3A_554 : memref<1x1x1x32xf32, #tpu.memory_space<vmem>> -> memref<32xf32, #tpu.memory_space<vmem>>
          %dma_start3A_556 = arith.constant 0 : i32
          %dma_start3A_557 = tpu.memref_slice %arg3[%dma_start3A_550, %squeeze3A_549, %dma_start3A_556] : memref<26x100001x32xf32, #tpu.memory_space<hbm>> -> memref<1x1x32xf32, #tpu.memory_space<hbm>>
          %dma_start3A_558 = tpu.memref_squeeze %dma_start3A_557 : memref<1x1x32xf32, #tpu.memory_space<hbm>> -> memref<32xf32, #tpu.memory_space<hbm>>
          %dma_start3A_559 = arith.constant 0 : i32
          %dma_start3A_560 = tpu.memref_slice %arg6[%dma_start3A_551, %scan3A_266, %dma_start3A_552, %dma_start3A_559] : memref<2x8x26x32xf32, #tpu.memory_space<vmem>> -> memref<1x1x1x32xf32, #tpu.memory_space<vmem>>
          %dma_start3A_561 = tpu.memref_squeeze %dma_start3A_560 : memref<1x1x1x32xf32, #tpu.memory_space<vmem>> -> memref<32xf32, #tpu.memory_space<vmem>>
          %dma_start3A_562 = arith.constant 0 : i32
          %dma_start3A_563 = tpu.memref_slice %arg3[%dma_start3A_550, %squeeze3A_549, %dma_start3A_562] : memref<26x100001x32xf32, #tpu.memory_space<hbm>> -> memref<1x1x32xf32, #tpu.memory_space<hbm>>
          %dma_start3A_564 = tpu.memref_squeeze %dma_start3A_563 : memref<1x1x32xf32, #tpu.memory_space<hbm>> -> memref<32xf32, #tpu.memory_space<hbm>>
          tpu.enqueue_dma source(%dma_start3A_564 : memref<32xf32, #tpu.memory_space<hbm>>) target(%dma_start3A_561 : memref<32xf32, #tpu.memory_space<vmem>>) target_semaphore(%arg10 : memref<!tpu.dma_semaphore, #tpu.memory_space<semaphore_mem>>)
          %slice3A_565 = vector.extract_strided_slice %get3A_277 {offsets = [7], sizes = [1], strides = [1]} : vector<16xi32> to vector<1xi32>
          %squeeze3A_566 = vector.extract %slice3A_565[0] : i32 from vector<1xi32>
          %dma_start3A_567 = arith.constant 17 : i32
          %dma_start3A_568 = arith.constant 1 : i32
          %dma_start3A_569 = arith.constant 17 : i32
          %dma_start3A_570 = arith.constant 0 : i32
          %dma_start3A_571 = tpu.memref_slice %arg6[%dma_start3A_568, %scan3A_266, %dma_start3A_569, %dma_start3A_570] : memref<2x8x26x32xf32, #tpu.memory_space<vmem>> -> memref<1x1x1x32xf32, #tpu.memory_space<vmem>>
          %dma_start3A_572 = tpu.memref_squeeze %dma_start3A_571 : memref<1x1x1x32xf32, #tpu.memory_space<vmem>> -> memref<32xf32, #tpu.memory_space<vmem>>
          %dma_start3A_573 = arith.constant 0 : i32
          %dma_start3A_574 = tpu.memref_slice %arg3[%dma_start3A_567, %squeeze3A_566, %dma_start3A_573] : memref<26x100001x32xf32, #tpu.memory_space<hbm>> -> memref<1x1x32xf32, #tpu.memory_space<hbm>>
          %dma_start3A_575 = tpu.memref_squeeze %dma_start3A_574 : memref<1x1x32xf32, #tpu.memory_space<hbm>> -> memref<32xf32, #tpu.memory_space<hbm>>
          %dma_start3A_576 = arith.constant 0 : i32
          %dma_start3A_577 = tpu.memref_slice %arg6[%dma_start3A_568, %scan3A_266, %dma_start3A_569, %dma_start3A_576] : memref<2x8x26x32xf32, #tpu.memory_space<vmem>> -> memref<1x1x1x32xf32, #tpu.memory_space<vmem>>
          %dma_start3A_578 = tpu.memref_squeeze %dma_start3A_577 : memref<1x1x1x32xf32, #tpu.memory_space<vmem>> -> memref<32xf32, #tpu.memory_space<vmem>>
          %dma_start3A_579 = arith.constant 0 : i32
          %dma_start3A_580 = tpu.memref_slice %arg3[%dma_start3A_567, %squeeze3A_566, %dma_start3A_579] : memref<26x100001x32xf32, #tpu.memory_space<hbm>> -> memref<1x1x32xf32, #tpu.memory_space<hbm>>
          %dma_start3A_581 = tpu.memref_squeeze %dma_start3A_580 : memref<1x1x32xf32, #tpu.memory_space<hbm>> -> memref<32xf32, #tpu.memory_space<hbm>>
          tpu.enqueue_dma source(%dma_start3A_581 : memref<32xf32, #tpu.memory_space<hbm>>) target(%dma_start3A_578 : memref<32xf32, #tpu.memory_space<vmem>>) target_semaphore(%arg10 : memref<!tpu.dma_semaphore, #tpu.memory_space<semaphore_mem>>)
          %slice3A_582 = vector.extract_strided_slice %get3A_277 {offsets = [8], sizes = [1], strides = [1]} : vector<16xi32> to vector<1xi32>
          %squeeze3A_583 = vector.extract %slice3A_582[0] : i32 from vector<1xi32>
          %dma_start3A_584 = arith.constant 18 : i32
          %dma_start3A_585 = arith.constant 1 : i32
          %dma_start3A_586 = arith.constant 18 : i32
          %dma_start3A_587 = arith.constant 0 : i32
          %dma_start3A_588 = tpu.memref_slice %arg6[%dma_start3A_585, %scan3A_266, %dma_start3A_586, %dma_start3A_587] : memref<2x8x26x32xf32, #tpu.memory_space<vmem>> -> memref<1x1x1x32xf32, #tpu.memory_space<vmem>>
          %dma_start3A_589 = tpu.memref_squeeze %dma_start3A_588 : memref<1x1x1x32xf32, #tpu.memory_space<vmem>> -> memref<32xf32, #tpu.memory_space<vmem>>
          %dma_start3A_590 = arith.constant 0 : i32
          %dma_start3A_591 = tpu.memref_slice %arg3[%dma_start3A_584, %squeeze3A_583, %dma_start3A_590] : memref<26x100001x32xf32, #tpu.memory_space<hbm>> -> memref<1x1x32xf32, #tpu.memory_space<hbm>>
          %dma_start3A_592 = tpu.memref_squeeze %dma_start3A_591 : memref<1x1x32xf32, #tpu.memory_space<hbm>> -> memref<32xf32, #tpu.memory_space<hbm>>
          %dma_start3A_593 = arith.constant 0 : i32
          %dma_start3A_594 = tpu.memref_slice %arg6[%dma_start3A_585, %scan3A_266, %dma_start3A_586, %dma_start3A_593] : memref<2x8x26x32xf32, #tpu.memory_space<vmem>> -> memref<1x1x1x32xf32, #tpu.memory_space<vmem>>
          %dma_start3A_595 = tpu.memref_squeeze %dma_start3A_594 : memref<1x1x1x32xf32, #tpu.memory_space<vmem>> -> memref<32xf32, #tpu.memory_space<vmem>>
          %dma_start3A_596 = arith.constant 0 : i32
          %dma_start3A_597 = tpu.memref_slice %arg3[%dma_start3A_584, %squeeze3A_583, %dma_start3A_596] : memref<26x100001x32xf32, #tpu.memory_space<hbm>> -> memref<1x1x32xf32, #tpu.memory_space<hbm>>
          %dma_start3A_598 = tpu.memref_squeeze %dma_start3A_597 : memref<1x1x32xf32, #tpu.memory_space<hbm>> -> memref<32xf32, #tpu.memory_space<hbm>>
          tpu.enqueue_dma source(%dma_start3A_598 : memref<32xf32, #tpu.memory_space<hbm>>) target(%dma_start3A_595 : memref<32xf32, #tpu.memory_space<vmem>>) target_semaphore(%arg10 : memref<!tpu.dma_semaphore, #tpu.memory_space<semaphore_mem>>)
          %slice3A_599 = vector.extract_strided_slice %get3A_277 {offsets = [9], sizes = [1], strides = [1]} : vector<16xi32> to vector<1xi32>
          %squeeze3A_600 = vector.extract %slice3A_599[0] : i32 from vector<1xi32>
          %dma_start3A_601 = arith.constant 19 : i32
          %dma_start3A_602 = arith.constant 1 : i32
          %dma_start3A_603 = arith.constant 19 : i32
          %dma_start3A_604 = arith.constant 0 : i32
          %dma_start3A_605 = tpu.memref_slice %arg6[%dma_start3A_602, %scan3A_266, %dma_start3A_603, %dma_start3A_604] : memref<2x8x26x32xf32, #tpu.memory_space<vmem>> -> memref<1x1x1x32xf32, #tpu.memory_space<vmem>>
          %dma_start3A_606 = tpu.memref_squeeze %dma_start3A_605 : memref<1x1x1x32xf32, #tpu.memory_space<vmem>> -> memref<32xf32, #tpu.memory_space<vmem>>
          %dma_start3A_607 = arith.constant 0 : i32
          %dma_start3A_608 = tpu.memref_slice %arg3[%dma_start3A_601, %squeeze3A_600, %dma_start3A_607] : memref<26x100001x32xf32, #tpu.memory_space<hbm>> -> memref<1x1x32xf32, #tpu.memory_space<hbm>>
          %dma_start3A_609 = tpu.memref_squeeze %dma_start3A_608 : memref<1x1x32xf32, #tpu.memory_space<hbm>> -> memref<32xf32, #tpu.memory_space<hbm>>
          %dma_start3A_610 = arith.constant 0 : i32
          %dma_start3A_611 = tpu.memref_slice %arg6[%dma_start3A_602, %scan3A_266, %dma_start3A_603, %dma_start3A_610] : memref<2x8x26x32xf32, #tpu.memory_space<vmem>> -> memref<1x1x1x32xf32, #tpu.memory_space<vmem>>
          %dma_start3A_612 = tpu.memref_squeeze %dma_start3A_611 : memref<1x1x1x32xf32, #tpu.memory_space<vmem>> -> memref<32xf32, #tpu.memory_space<vmem>>
          %dma_start3A_613 = arith.constant 0 : i32
          %dma_start3A_614 = tpu.memref_slice %arg3[%dma_start3A_601, %squeeze3A_600, %dma_start3A_613] : memref<26x100001x32xf32, #tpu.memory_space<hbm>> -> memref<1x1x32xf32, #tpu.memory_space<hbm>>
          %dma_start3A_615 = tpu.memref_squeeze %dma_start3A_614 : memref<1x1x32xf32, #tpu.memory_space<hbm>> -> memref<32xf32, #tpu.memory_space<hbm>>
          tpu.enqueue_dma source(%dma_start3A_615 : memref<32xf32, #tpu.memory_space<hbm>>) target(%dma_start3A_612 : memref<32xf32, #tpu.memory_space<vmem>>) target_semaphore(%arg10 : memref<!tpu.dma_semaphore, #tpu.memory_space<semaphore_mem>>)
          %slice3A_616 = vector.extract_strided_slice %get3A_277 {offsets = [10], sizes = [1], strides = [1]} : vector<16xi32> to vector<1xi32>
          %squeeze3A_617 = vector.extract %slice3A_616[0] : i32 from vector<1xi32>
          %dma_start3A_618 = arith.constant 20 : i32
          %dma_start3A_619 = arith.constant 1 : i32
          %dma_start3A_620 = arith.constant 20 : i32
          %dma_start3A_621 = arith.constant 0 : i32
          %dma_start3A_622 = tpu.memref_slice %arg6[%dma_start3A_619, %scan3A_266, %dma_start3A_620, %dma_start3A_621] : memref<2x8x26x32xf32, #tpu.memory_space<vmem>> -> memref<1x1x1x32xf32, #tpu.memory_space<vmem>>
          %dma_start3A_623 = tpu.memref_squeeze %dma_start3A_622 : memref<1x1x1x32xf32, #tpu.memory_space<vmem>> -> memref<32xf32, #tpu.memory_space<vmem>>
          %dma_start3A_624 = arith.constant 0 : i32
          %dma_start3A_625 = tpu.memref_slice %arg3[%dma_start3A_618, %squeeze3A_617, %dma_start3A_624] : memref<26x100001x32xf32, #tpu.memory_space<hbm>> -> memref<1x1x32xf32, #tpu.memory_space<hbm>>
          %dma_start3A_626 = tpu.memref_squeeze %dma_start3A_625 : memref<1x1x32xf32, #tpu.memory_space<hbm>> -> memref<32xf32, #tpu.memory_space<hbm>>
          %dma_start3A_627 = arith.constant 0 : i32
          %dma_start3A_628 = tpu.memref_slice %arg6[%dma_start3A_619, %scan3A_266, %dma_start3A_620, %dma_start3A_627] : memref<2x8x26x32xf32, #tpu.memory_space<vmem>> -> memref<1x1x1x32xf32, #tpu.memory_space<vmem>>
          %dma_start3A_629 = tpu.memref_squeeze %dma_start3A_628 : memref<1x1x1x32xf32, #tpu.memory_space<vmem>> -> memref<32xf32, #tpu.memory_space<vmem>>
          %dma_start3A_630 = arith.constant 0 : i32
          %dma_start3A_631 = tpu.memref_slice %arg3[%dma_start3A_618, %squeeze3A_617, %dma_start3A_630] : memref<26x100001x32xf32, #tpu.memory_space<hbm>> -> memref<1x1x32xf32, #tpu.memory_space<hbm>>
          %dma_start3A_632 = tpu.memref_squeeze %dma_start3A_631 : memref<1x1x32xf32, #tpu.memory_space<hbm>> -> memref<32xf32, #tpu.memory_space<hbm>>
          tpu.enqueue_dma source(%dma_start3A_632 : memref<32xf32, #tpu.memory_space<hbm>>) target(%dma_start3A_629 : memref<32xf32, #tpu.memory_space<vmem>>) target_semaphore(%arg10 : memref<!tpu.dma_semaphore, #tpu.memory_space<semaphore_mem>>)
          %slice3A_633 = vector.extract_strided_slice %get3A_277 {offsets = [11], sizes = [1], strides = [1]} : vector<16xi32> to vector<1xi32>
          %squeeze3A_634 = vector.extract %slice3A_633[0] : i32 from vector<1xi32>
          %dma_start3A_635 = arith.constant 21 : i32
          %dma_start3A_636 = arith.constant 1 : i32
          %dma_start3A_637 = arith.constant 21 : i32
          %dma_start3A_638 = arith.constant 0 : i32
          %dma_start3A_639 = tpu.memref_slice %arg6[%dma_start3A_636, %scan3A_266, %dma_start3A_637, %dma_start3A_638] : memref<2x8x26x32xf32, #tpu.memory_space<vmem>> -> memref<1x1x1x32xf32, #tpu.memory_space<vmem>>
          %dma_start3A_640 = tpu.memref_squeeze %dma_start3A_639 : memref<1x1x1x32xf32, #tpu.memory_space<vmem>> -> memref<32xf32, #tpu.memory_space<vmem>>
          %dma_start3A_641 = arith.constant 0 : i32
          %dma_start3A_642 = tpu.memref_slice %arg3[%dma_start3A_635, %squeeze3A_634, %dma_start3A_641] : memref<26x100001x32xf32, #tpu.memory_space<hbm>> -> memref<1x1x32xf32, #tpu.memory_space<hbm>>
          %dma_start3A_643 = tpu.memref_squeeze %dma_start3A_642 : memref<1x1x32xf32, #tpu.memory_space<hbm>> -> memref<32xf32, #tpu.memory_space<hbm>>
          %dma_start3A_644 = arith.constant 0 : i32
          %dma_start3A_645 = tpu.memref_slice %arg6[%dma_start3A_636, %scan3A_266, %dma_start3A_637, %dma_start3A_644] : memref<2x8x26x32xf32, #tpu.memory_space<vmem>> -> memref<1x1x1x32xf32, #tpu.memory_space<vmem>>
          %dma_start3A_646 = tpu.memref_squeeze %dma_start3A_645 : memref<1x1x1x32xf32, #tpu.memory_space<vmem>> -> memref<32xf32, #tpu.memory_space<vmem>>
          %dma_start3A_647 = arith.constant 0 : i32
          %dma_start3A_648 = tpu.memref_slice %arg3[%dma_start3A_635, %squeeze3A_634, %dma_start3A_647] : memref<26x100001x32xf32, #tpu.memory_space<hbm>> -> memref<1x1x32xf32, #tpu.memory_space<hbm>>
          %dma_start3A_649 = tpu.memref_squeeze %dma_start3A_648 : memref<1x1x32xf32, #tpu.memory_space<hbm>> -> memref<32xf32, #tpu.memory_space<hbm>>
          tpu.enqueue_dma source(%dma_start3A_649 : memref<32xf32, #tpu.memory_space<hbm>>) target(%dma_start3A_646 : memref<32xf32, #tpu.memory_space<vmem>>) target_semaphore(%arg10 : memref<!tpu.dma_semaphore, #tpu.memory_space<semaphore_mem>>)
          %slice3A_650 = vector.extract_strided_slice %get3A_277 {offsets = [12], sizes = [1], strides = [1]} : vector<16xi32> to vector<1xi32>
          %squeeze3A_651 = vector.extract %slice3A_650[0] : i32 from vector<1xi32>
          %dma_start3A_652 = arith.constant 22 : i32
          %dma_start3A_653 = arith.constant 1 : i32
          %dma_start3A_654 = arith.constant 22 : i32
          %dma_start3A_655 = arith.constant 0 : i32
          %dma_start3A_656 = tpu.memref_slice %arg6[%dma_start3A_653, %scan3A_266, %dma_start3A_654, %dma_start3A_655] : memref<2x8x26x32xf32, #tpu.memory_space<vmem>> -> memref<1x1x1x32xf32, #tpu.memory_space<vmem>>
          %dma_start3A_657 = tpu.memref_squeeze %dma_start3A_656 : memref<1x1x1x32xf32, #tpu.memory_space<vmem>> -> memref<32xf32, #tpu.memory_space<vmem>>
          %dma_start3A_658 = arith.constant 0 : i32
          %dma_start3A_659 = tpu.memref_slice %arg3[%dma_start3A_652, %squeeze3A_651, %dma_start3A_658] : memref<26x100001x32xf32, #tpu.memory_space<hbm>> -> memref<1x1x32xf32, #tpu.memory_space<hbm>>
          %dma_start3A_660 = tpu.memref_squeeze %dma_start3A_659 : memref<1x1x32xf32, #tpu.memory_space<hbm>> -> memref<32xf32, #tpu.memory_space<hbm>>
          %dma_start3A_661 = arith.constant 0 : i32
          %dma_start3A_662 = tpu.memref_slice %arg6[%dma_start3A_653, %scan3A_266, %dma_start3A_654, %dma_start3A_661] : memref<2x8x26x32xf32, #tpu.memory_space<vmem>> -> memref<1x1x1x32xf32, #tpu.memory_space<vmem>>
          %dma_start3A_663 = tpu.memref_squeeze %dma_start3A_662 : memref<1x1x1x32xf32, #tpu.memory_space<vmem>> -> memref<32xf32, #tpu.memory_space<vmem>>
          %dma_start3A_664 = arith.constant 0 : i32
          %dma_start3A_665 = tpu.memref_slice %arg3[%dma_start3A_652, %squeeze3A_651, %dma_start3A_664] : memref<26x100001x32xf32, #tpu.memory_space<hbm>> -> memref<1x1x32xf32, #tpu.memory_space<hbm>>
          %dma_start3A_666 = tpu.memref_squeeze %dma_start3A_665 : memref<1x1x32xf32, #tpu.memory_space<hbm>> -> memref<32xf32, #tpu.memory_space<hbm>>
          tpu.enqueue_dma source(%dma_start3A_666 : memref<32xf32, #tpu.memory_space<hbm>>) target(%dma_start3A_663 : memref<32xf32, #tpu.memory_space<vmem>>) target_semaphore(%arg10 : memref<!tpu.dma_semaphore, #tpu.memory_space<semaphore_mem>>)
          %slice3A_667 = vector.extract_strided_slice %get3A_277 {offsets = [13], sizes = [1], strides = [1]} : vector<16xi32> to vector<1xi32>
          %squeeze3A_668 = vector.extract %slice3A_667[0] : i32 from vector<1xi32>
          %dma_start3A_669 = arith.constant 23 : i32
          %dma_start3A_670 = arith.constant 1 : i32
          %dma_start3A_671 = arith.constant 23 : i32
          %dma_start3A_672 = arith.constant 0 : i32
          %dma_start3A_673 = tpu.memref_slice %arg6[%dma_start3A_670, %scan3A_266, %dma_start3A_671, %dma_start3A_672] : memref<2x8x26x32xf32, #tpu.memory_space<vmem>> -> memref<1x1x1x32xf32, #tpu.memory_space<vmem>>
          %dma_start3A_674 = tpu.memref_squeeze %dma_start3A_673 : memref<1x1x1x32xf32, #tpu.memory_space<vmem>> -> memref<32xf32, #tpu.memory_space<vmem>>
          %dma_start3A_675 = arith.constant 0 : i32
          %dma_start3A_676 = tpu.memref_slice %arg3[%dma_start3A_669, %squeeze3A_668, %dma_start3A_675] : memref<26x100001x32xf32, #tpu.memory_space<hbm>> -> memref<1x1x32xf32, #tpu.memory_space<hbm>>
          %dma_start3A_677 = tpu.memref_squeeze %dma_start3A_676 : memref<1x1x32xf32, #tpu.memory_space<hbm>> -> memref<32xf32, #tpu.memory_space<hbm>>
          %dma_start3A_678 = arith.constant 0 : i32
          %dma_start3A_679 = tpu.memref_slice %arg6[%dma_start3A_670, %scan3A_266, %dma_start3A_671, %dma_start3A_678] : memref<2x8x26x32xf32, #tpu.memory_space<vmem>> -> memref<1x1x1x32xf32, #tpu.memory_space<vmem>>
          %dma_start3A_680 = tpu.memref_squeeze %dma_start3A_679 : memref<1x1x1x32xf32, #tpu.memory_space<vmem>> -> memref<32xf32, #tpu.memory_space<vmem>>
          %dma_start3A_681 = arith.constant 0 : i32
          %dma_start3A_682 = tpu.memref_slice %arg3[%dma_start3A_669, %squeeze3A_668, %dma_start3A_681] : memref<26x100001x32xf32, #tpu.memory_space<hbm>> -> memref<1x1x32xf32, #tpu.memory_space<hbm>>
          %dma_start3A_683 = tpu.memref_squeeze %dma_start3A_682 : memref<1x1x32xf32, #tpu.memory_space<hbm>> -> memref<32xf32, #tpu.memory_space<hbm>>
          tpu.enqueue_dma source(%dma_start3A_683 : memref<32xf32, #tpu.memory_space<hbm>>) target(%dma_start3A_680 : memref<32xf32, #tpu.memory_space<vmem>>) target_semaphore(%arg10 : memref<!tpu.dma_semaphore, #tpu.memory_space<semaphore_mem>>)
          %slice3A_684 = vector.extract_strided_slice %get3A_277 {offsets = [14], sizes = [1], strides = [1]} : vector<16xi32> to vector<1xi32>
          %squeeze3A_685 = vector.extract %slice3A_684[0] : i32 from vector<1xi32>
          %dma_start3A_686 = arith.constant 24 : i32
          %dma_start3A_687 = arith.constant 1 : i32
          %dma_start3A_688 = arith.constant 24 : i32
          %dma_start3A_689 = arith.constant 0 : i32
          %dma_start3A_690 = tpu.memref_slice %arg6[%dma_start3A_687, %scan3A_266, %dma_start3A_688, %dma_start3A_689] : memref<2x8x26x32xf32, #tpu.memory_space<vmem>> -> memref<1x1x1x32xf32, #tpu.memory_space<vmem>>
          %dma_start3A_691 = tpu.memref_squeeze %dma_start3A_690 : memref<1x1x1x32xf32, #tpu.memory_space<vmem>> -> memref<32xf32, #tpu.memory_space<vmem>>
          %dma_start3A_692 = arith.constant 0 : i32
          %dma_start3A_693 = tpu.memref_slice %arg3[%dma_start3A_686, %squeeze3A_685, %dma_start3A_692] : memref<26x100001x32xf32, #tpu.memory_space<hbm>> -> memref<1x1x32xf32, #tpu.memory_space<hbm>>
          %dma_start3A_694 = tpu.memref_squeeze %dma_start3A_693 : memref<1x1x32xf32, #tpu.memory_space<hbm>> -> memref<32xf32, #tpu.memory_space<hbm>>
          %dma_start3A_695 = arith.constant 0 : i32
          %dma_start3A_696 = tpu.memref_slice %arg6[%dma_start3A_687, %scan3A_266, %dma_start3A_688, %dma_start3A_695] : memref<2x8x26x32xf32, #tpu.memory_space<vmem>> -> memref<1x1x1x32xf32, #tpu.memory_space<vmem>>
          %dma_start3A_697 = tpu.memref_squeeze %dma_start3A_696 : memref<1x1x1x32xf32, #tpu.memory_space<vmem>> -> memref<32xf32, #tpu.memory_space<vmem>>
          %dma_start3A_698 = arith.constant 0 : i32
          %dma_start3A_699 = tpu.memref_slice %arg3[%dma_start3A_686, %squeeze3A_685, %dma_start3A_698] : memref<26x100001x32xf32, #tpu.memory_space<hbm>> -> memref<1x1x32xf32, #tpu.memory_space<hbm>>
          %dma_start3A_700 = tpu.memref_squeeze %dma_start3A_699 : memref<1x1x32xf32, #tpu.memory_space<hbm>> -> memref<32xf32, #tpu.memory_space<hbm>>
          tpu.enqueue_dma source(%dma_start3A_700 : memref<32xf32, #tpu.memory_space<hbm>>) target(%dma_start3A_697 : memref<32xf32, #tpu.memory_space<vmem>>) target_semaphore(%arg10 : memref<!tpu.dma_semaphore, #tpu.memory_space<semaphore_mem>>)
          %slice3A_701 = vector.extract_strided_slice %get3A_277 {offsets = [15], sizes = [1], strides = [1]} : vector<16xi32> to vector<1xi32>
          %squeeze3A_702 = vector.extract %slice3A_701[0] : i32 from vector<1xi32>
          %dma_start3A_703 = arith.constant 25 : i32
          %dma_start3A_704 = arith.constant 1 : i32
          %dma_start3A_705 = arith.constant 25 : i32
          %dma_start3A_706 = arith.constant 0 : i32
          %dma_start3A_707 = tpu.memref_slice %arg6[%dma_start3A_704, %scan3A_266, %dma_start3A_705, %dma_start3A_706] : memref<2x8x26x32xf32, #tpu.memory_space<vmem>> -> memref<1x1x1x32xf32, #tpu.memory_space<vmem>>
          %dma_start3A_708 = tpu.memref_squeeze %dma_start3A_707 : memref<1x1x1x32xf32, #tpu.memory_space<vmem>> -> memref<32xf32, #tpu.memory_space<vmem>>
          %dma_start3A_709 = arith.constant 0 : i32
          %dma_start3A_710 = tpu.memref_slice %arg3[%dma_start3A_703, %squeeze3A_702, %dma_start3A_709] : memref<26x100001x32xf32, #tpu.memory_space<hbm>> -> memref<1x1x32xf32, #tpu.memory_space<hbm>>
          %dma_start3A_711 = tpu.memref_squeeze %dma_start3A_710 : memref<1x1x32xf32, #tpu.memory_space<hbm>> -> memref<32xf32, #tpu.memory_space<hbm>>
          %dma_start3A_712 = arith.constant 0 : i32
          %dma_start3A_713 = tpu.memref_slice %arg6[%dma_start3A_704, %scan3A_266, %dma_start3A_705, %dma_start3A_712] : memref<2x8x26x32xf32, #tpu.memory_space<vmem>> -> memref<1x1x1x32xf32, #tpu.memory_space<vmem>>
          %dma_start3A_714 = tpu.memref_squeeze %dma_start3A_713 : memref<1x1x1x32xf32, #tpu.memory_space<vmem>> -> memref<32xf32, #tpu.memory_space<vmem>>
          %dma_start3A_715 = arith.constant 0 : i32
          %dma_start3A_716 = tpu.memref_slice %arg3[%dma_start3A_703, %squeeze3A_702, %dma_start3A_715] : memref<26x100001x32xf32, #tpu.memory_space<hbm>> -> memref<1x1x32xf32, #tpu.memory_space<hbm>>
          %dma_start3A_717 = tpu.memref_squeeze %dma_start3A_716 : memref<1x1x32xf32, #tpu.memory_space<hbm>> -> memref<32xf32, #tpu.memory_space<hbm>>
          tpu.enqueue_dma source(%dma_start3A_717 : memref<32xf32, #tpu.memory_space<hbm>>) target(%dma_start3A_714 : memref<32xf32, #tpu.memory_space<vmem>>) target_semaphore(%arg10 : memref<!tpu.dma_semaphore, #tpu.memory_space<semaphore_mem>>)
        }
        %scan3A_265 = arith.constant 8 : i32
      } else {
      }
    }
    %scan3A_77 = arith.constant 32 : i32
    %dma_wait3A_78 = arith.constant 0 : i32
    %dma_wait3A_79 = arith.constant 0 : i32
    %dma_wait3A_80 = arith.constant 0 : i32
    %dma_wait3A_81 = arith.constant 0 : i32
    %dma_wait3A_82 = tpu.memref_slice %arg6[%dma_wait3A_78, %dma_wait3A_79, %dma_wait3A_80, %dma_wait3A_81] : memref<2x8x26x32xf32, #tpu.memory_space<vmem>> -> memref<1x8x26x32xf32, #tpu.memory_space<vmem>>
    %dma_wait3A_83 = tpu.memref_squeeze %dma_wait3A_82 : memref<1x8x26x32xf32, #tpu.memory_space<vmem>> -> memref<8x26x32xf32, #tpu.memory_space<vmem>>
    %dma_wait3A_84 = arith.constant 0 : i32
    %dma_wait3A_85 = arith.constant 0 : i32
    %dma_wait3A_86 = arith.constant 0 : i32
    %dma_wait3A_87 = tpu.memref_slice %arg4[%dma_wait3A_84, %dma_wait3A_85, %dma_wait3A_86] : memref<16384x26x32xf32, #tpu.memory_space<hbm>> -> memref<8x26x32xf32, #tpu.memory_space<hbm>>
    %dma_wait3A_88 = arith.constant 0 : i32
    %dma_wait3A_89 = arith.constant 0 : i32
    %dma_wait3A_90 = arith.constant 0 : i32
    %dma_wait3A_91 = tpu.memref_slice %arg6[%dma_wait3A_78, %dma_wait3A_88, %dma_wait3A_89, %dma_wait3A_90] : memref<2x8x26x32xf32, #tpu.memory_space<vmem>> -> memref<1x8x26x32xf32, #tpu.memory_space<vmem>>
    %dma_wait3A_92 = tpu.memref_squeeze %dma_wait3A_91 : memref<1x8x26x32xf32, #tpu.memory_space<vmem>> -> memref<8x26x32xf32, #tpu.memory_space<vmem>>
    %dma_wait3A_93 = arith.constant 0 : i32
    %dma_wait3A_94 = arith.constant 0 : i32
    %dma_wait3A_95 = arith.constant 0 : i32
    %dma_wait3A_96 = tpu.memref_slice %arg4[%dma_wait3A_93, %dma_wait3A_94, %dma_wait3A_95] : memref<16384x26x32xf32, #tpu.memory_space<hbm>> -> memref<8x26x32xf32, #tpu.memory_space<hbm>>
    tpu.wait_dma2 semaphore(%arg11 : memref<!tpu.dma_semaphore, #tpu.memory_space<semaphore_mem>>) src(%dma_wait3A_96 : memref<8x26x32xf32, #tpu.memory_space<hbm>>) dst(%dma_wait3A_92 : memref<8x26x32xf32, #tpu.memory_space<vmem>>)
    %dma_wait3A_97 = arith.constant 0 : i32
    %dma_wait3A_98 = arith.constant 0 : i32
    %dma_wait3A_99 = arith.constant 0 : i32
    %dma_wait3A_100 = arith.constant 0 : i32
    %dma_wait3A_101 = tpu.memref_slice %arg6[%dma_wait3A_97, %dma_wait3A_98, %dma_wait3A_99, %dma_wait3A_100] : memref<2x8x26x32xf32, #tpu.memory_space<vmem>> -> memref<1x8x26x32xf32, #tpu.memory_space<vmem>>
    %dma_wait3A_102 = tpu.memref_squeeze %dma_wait3A_101 : memref<1x8x26x32xf32, #tpu.memory_space<vmem>> -> memref<8x26x32xf32, #tpu.memory_space<vmem>>
    %dma_wait3A_103 = arith.constant 0 : i32
    %dma_wait3A_104 = arith.constant 0 : i32
    %dma_wait3A_105 = arith.constant 0 : i32
    %dma_wait3A_106 = tpu.memref_slice %arg4[%dma_wait3A_103, %dma_wait3A_104, %dma_wait3A_105] : memref<16384x26x32xf32, #tpu.memory_space<hbm>> -> memref<8x26x32xf32, #tpu.memory_space<hbm>>
    %dma_wait3A_107 = arith.constant 0 : i32
    %dma_wait3A_108 = arith.constant 0 : i32
    %dma_wait3A_109 = arith.constant 0 : i32
    %dma_wait3A_110 = tpu.memref_slice %arg6[%dma_wait3A_97, %dma_wait3A_107, %dma_wait3A_108, %dma_wait3A_109] : memref<2x8x26x32xf32, #tpu.memory_space<vmem>> -> memref<1x8x26x32xf32, #tpu.memory_space<vmem>>
    %dma_wait3A_111 = tpu.memref_squeeze %dma_wait3A_110 : memref<1x8x26x32xf32, #tpu.memory_space<vmem>> -> memref<8x26x32xf32, #tpu.memory_space<vmem>>
    %dma_wait3A_112 = arith.constant 0 : i32
    %dma_wait3A_113 = arith.constant 0 : i32
    %dma_wait3A_114 = arith.constant 0 : i32
    %dma_wait3A_115 = tpu.memref_slice %arg4[%dma_wait3A_112, %dma_wait3A_113, %dma_wait3A_114] : memref<16384x26x32xf32, #tpu.memory_space<hbm>> -> memref<8x26x32xf32, #tpu.memory_space<hbm>>
    tpu.wait_dma2 semaphore(%arg12 : memref<!tpu.dma_semaphore, #tpu.memory_space<semaphore_mem>>) src(%dma_wait3A_115 : memref<8x26x32xf32, #tpu.memory_space<hbm>>) dst(%dma_wait3A_111 : memref<8x26x32xf32, #tpu.memory_space<vmem>>)
    return
  }
}

</mosaic_0001>

<sc_bundles>
// kernel: kernel.3.cloned.1.call-start
scs
__scs_entry_jumppad:
0x0: {  	(pc) =	sbr.rel $0x88, $3  }
0x1: {  	(tag) =	ssettag $0x0;
	lr =	simm.s32 $0x1  }
0x2: {  	[smem:$0x3F9F] =	sst lr;
	_ =	strace $0xD0000000  }
0x3: {  	_ = 	snop  }
0x4: {  	_ = 	snop  }
0x5: {  	_ = 	snop  }
0x6: {  	_ = 	snop  }
0x7: {  	_ = 	snop  }
__scs_overlays_trampoline_lowered:
0x8: {  	[smem:$0x3FAE] =	sst s0  }
0x9: {  	[smem:$0x3FAF] =	sst s1  }
0xa: {  	[smem:$0x3FB0] =	sst s2  }
0xb: {  	[smem:$0x3FB1] =	sst s3  }
0xc: {  	[smem:$0x3FB2] =	sst s4  }
0xd: {  	[smem:$0x3FB3] =	sst s5  }
0xe: {  	[smem:$0x3FB4] =	sst s6  }
0xf: {  	[smem:$0x3FB5] =	sst s7  }
0x10: {  	[smem:$0x3FB6] =	sst s8  }
0x11: {  	[smem:$0x3FB7] =	sst s9;
	s0 =	simm.s32 @!p0 $0x0  }
0x12: {  	s1 =	sld [smem:$0x3F9D];
	s0 =	simm.s32 @p0 $0x1  }
0x13: {  	[smem:$0x3FB8] =	sst s0;
	s0 =	simm.s32 @!p1 $0x0  }
0x14: {  	s2 =	sld [smem:$0x3F9C];
	s0 =	simm.s32 @p1 $0x1  }
0x15: {  	[smem:$0x3FB9] =	sst s0;
	s0 =	simm.s32 @!p2 $0x0  }
0x16: {  	s3 =	sld [smem:$0x3FDB];
	s0 =	simm.s32 @p2 $0x1  }
0x17: {  	s4 =	simm.s32 $0x1BF5;
	[smem:$0x3FBB] =	sst s0  }
0x18: {  	s0 =	sld [smem:$0x3F9E];
	_ =	swait.ge [sflag:s4], $0x0  }
0x19: {  	s7 =	sld [smem:$0x3F9F]  }
0x1a: {  	s8 =	sadd.s32 $0xFFFFE003, lr  }
0x1b: {  	s9 =	sadd.s32 $0xFFFFFEF7, lr;
	s5 =	simm.s32 $0xFFFFFFFF;
	p2 =	slt.u32 s8, $0xFFFFF086  }
0x1c: {  	p1 =	slt.u32 s9, $0xF7A;
	s5 =	simm.s32 @!p2 $0x0  }
0x1d: {  	s5 =	simm.s32 @p1 $0x1;
	p0 =	seq.s32 s7, s2  }
0x1e: {  	s7 =	smul.u32 @!p0 $0xF7A, s2;
	p2 =	seq.s32 @!p0 s5, $0x0  }
0x1f: {  	s9 =	smul.u32 $0xF7A, s1;
	s8 =	simm.s32 @!p0 $0x1BF5;
	p2 =	por !p2, p0  }
0x20: {  	[sflag:s8] =	ssyncset.s32 @!p0 $0xFFFFF086;
	s6 =	sadd.s32 @!p0 s3, s7;
	s7 =	simm.s32 @!p0 $0x108  }
0x21: {  	s3 =	sadd.s32 s3, s9;
	s6 =	sadd.s32 @!p0 $0x88, s6;
	s7 =	simm.s32 @p2 $0x1082  }
0x22: {  	[simem:s7], [sflag:s8] =	dma.local @!p0 [hbm:s6], $0xF7A  }
0x23: {  	s9 =	sor.u32 $0xD0000000, s2;
	s6 =	simm.s32 $0x108;
	_ =	swait.ge @!p0 [sflag:s8], $0x0  }
0x24: {  	s3 =	sadd.s32 $0x88, s3;
	s6 =	simm.s32 @!p1 $0x1082;
	[sflag:s4] =	ssyncset.s32 $0xFFFFF086  }
0x25: {  	[simem:s6], [sflag:s4] =	dma.local [hbm:s3], $0xF7A  }
0x26: {  	[smem:$0x3F9F] =	sst s1;
	(tag) =	ssettag s2;
	_ =	strace s9  }
0x27: {  	s1 =	sld [smem:$0x3FAF]  }
0x28: {  	s2 =	sld [smem:$0x3FB0]  }
0x29: {  	s4 =	sld [smem:$0x3FB2]  }
0x2a: {  	p0 =	seq.s32 s5, $0x0;
	s5 =	sld [smem:$0x3FB3]  }
0x2b: {  	s6 =	sld [smem:$0x3FB4]  }
0x2c: {  	s7 =	sld [smem:$0x3FB5]  }
0x2d: {  	s3 =	simm.s32 $0x108;
	s8 =	sld [smem:$0x3FB6]  }
0x2e: {  	s3 =	simm.s32 @!p0 $0x1082;
	s9 =	sld [smem:$0x3FB7]  }
0x2f: {  	lr =	sadd.s32 s0, s3;
	s0 =	sld [smem:$0x3FAE]  }
0x30: {  	s3 =	sld [smem:$0x3FB1]  }
0x31: {  	[smem:$0x3FBA] =	sst s10  }
0x32: {  	s10 =	sld [smem:$0x3FB8];
	_ =	sdelay $0x3  }
0x33: {  	p0 =	seq.s32 s10, $0x1;
	s10 =	sld [smem:$0x3FBA];
	_ =	sdelay $0x3  }
0x34: {  	[smem:$0x3FBA] =	sst s10  }
0x35: {  	s10 =	sld [smem:$0x3FB9];
	_ =	sdelay $0x3  }
0x36: {  	p1 =	seq.s32 s10, $0x1;
	s10 =	sld [smem:$0x3FBA];
	_ =	sdelay $0x3  }
0x37: {  	[smem:$0x3FBA] =	sst s10  }
0x38: {  	s10 =	sld [smem:$0x3FBB]  }
0x39: {  	_ = 	snop;
	(pc) =	sbr.ind lr, $3  }
0x3a: {  	_ = 	snop  }
0x3b: {  	_ = 	snop  }
0x3c: {  	p2 =	seq.s32 s10, $0x1;
	s10 =	sld [smem:$0x3FBA]  }
0x3d: {  	_ =	shalt  }
0x3e: {  	_ =	shalt  }
0x3f: {  	_ =	shalt  }
0x40: {  	_ =	shalt  }
0x41: {  	_ =	shalt  }
0x42: {  	_ =	shalt  }
0x43: {  	_ =	shalt  }
0x44: {  	_ =	shalt  }
0x45: {  	_ =	shalt  }
0x46: {  	_ =	shalt  }
0x47: {  	_ =	shalt  }
0x48: {  	_ =	shalt  }
0x49: {  	_ =	shalt  }
0x4a: {  	_ =	shalt  }
0x4b: {  	_ =	shalt  }
0x4c: {  	_ =	shalt  }
0x4d: {  	_ =	shalt  }
0x4e: {  	_ =	shalt  }
0x4f: {  	_ =	shalt  }
0x50: {  	_ =	shalt  }
0x51: {  	_ =	shalt  }
0x52: {  	_ =	shalt  }
0x53: {  	_ =	shalt  }
0x54: {  	_ =	shalt  }
0x55: {  	_ =	shalt  }
0x56: {  	_ =	shalt  }
0x57: {  	_ =	shalt  }
0x58: {  	_ =	shalt  }
0x59: {  	_ =	shalt  }
0x5a: {  	_ =	shalt  }
0x5b: {  	_ =	shalt  }
0x5c: {  	_ =	shalt  }
0x5d: {  	_ =	shalt  }
0x5e: {  	_ =	shalt  }
0x5f: {  	_ =	shalt  }
0x60: {  	_ =	shalt  }
0x61: {  	_ =	shalt  }
0x62: {  	_ =	shalt  }
0x63: {  	_ =	shalt  }
0x64: {  	_ =	shalt  }
0x65: {  	_ =	shalt  }
0x66: {  	_ =	shalt  }
0x67: {  	_ =	shalt  }
0x68: {  	_ =	shalt  }
0x69: {  	_ =	shalt  }
0x6a: {  	_ =	shalt  }
0x6b: {  	_ =	shalt  }
0x6c: {  	_ =	shalt  }
0x6d: {  	_ =	shalt  }
0x6e: {  	_ =	shalt  }
0x6f: {  	_ =	shalt  }
0x70: {  	_ =	shalt  }
0x71: {  	_ =	shalt  }
0x72: {  	_ =	shalt  }
0x73: {  	_ =	shalt  }
0x74: {  	_ =	shalt  }
0x75: {  	_ =	shalt  }
0x76: {  	_ =	shalt  }
0x77: {  	_ =	shalt  }
0x78: {  	_ =	shalt  }
0x79: {  	_ =	shalt  }
0x7a: {  	_ =	shalt  }
0x7b: {  	_ =	shalt  }
0x7c: {  	_ =	shalt  }
0x7d: {  	_ =	shalt  }
0x7e: {  	_ =	shalt  }
0x7f: {  	_ =	shalt  }
0x80: {  	_ =	shalt  }
0x81: {  	_ =	shalt  }
0x82: {  	_ =	shalt  }
0x83: {  	_ =	shalt  }
0x84: {  	_ =	shalt  }
0x85: {  	_ =	shalt  }
0x86: {  	_ =	shalt  }
0x87: {  	_ =	shalt  }
.Lfunc_end0:
.L_simem_size_0:
called_computation_lowered:
.L_overlay_start_0:
0x88: {  	s2 =	sld [smem:$0x3FD9]  }
0x89: {  	s3 =	sld [smem:$0x3FFE];
	_ =	sdelay $0x1  }
0x8a: {  	s1 =	srdreg.scid  }
0x8b: {  	s0 =	sand.u32 $0x1, s1  }
0x8c: {  	s17 =	sshll.u32 s0, $0xA;
	s2 =	sadd.s32 s3, s2  }
0x8d: {  	s2 =	sadd.s32 s2, s17  }
0x8e: {  	[smem:$0x3FC6] =	sst s2  }
0x8f: {  	_ = 	snop  }
0x90: {  	s2 =	sld [smem:$0x3FD0];
	(tm) =	ssettm $0x1  }
0x91: {  	s18 =	sld [smem:$0x3FFB];
	_ =	sdelay $0x3  }
0x92: {  	_ =	strace s18  }
0x93: {  	s3 =	sld [smem:$0x3FFC];
	_ =	sdelay $0x3  }
0x94: {  	_ =	strace s3  }
0x95: {  	s3 =	sld [smem:$0x3FFD];
	_ =	sdelay $0x3  }
0x96: {  	_ =	strace s3  }
0x97: {  	_ =	strace $0x8FFFFFFF  }
0x98: {  	s19 =	sld [smem:$0x3FDB];
	_ =	sdelay $0x1  }
0x99: {  	s4 =	simm.s32 $_scs_section_size  }
0x9a: {  	s5 =	simm.s32 $_size__tile_overlayer_lowered;
	s6 =	simm.s32 $_tile_overlayer_lowered  }
0x9b: {  	s22 =	simm.s32 $0x1BFF;
	s21 =	sshll.u32 s6, $0x1;
	s3 =	sadd.s32 s4, s19  }
0x9c: {  	s7 =	simm.s32 $0x0;
	s20 =	sshll.u32 s5, $0x1;
	s5 =	sadd.s32 s21, s3  }
0x9d: {  	[timem:s7], [sflag:s22] =	dma.local [hbm:s5], s20  }
0x9e: {  	_ =	swait.ge [sflag:s22], s20  }
0x9f: {  	s4 =	ssub.s32 $0x0, s20;
	[sflag:s22] =	ssyncset.done $0x0  }
0xa0: {  	[sflag:s22] =	ssyncadd.s32 s4;
	_ =	sdelay $0x1  }
0xa1: {  	s23 =	simm.s32 $0x1B8B  }
0xa2: {  	_ =	swait.ge [sflag:s23], $0x1  }
0xa3: {  	[sflag:s23] =	ssyncset.done $0x0  }
0xa4: {  	s25 =	simm.s32 $0x1B8E;
	s24 =	sld [smem:$0x3FFE];
	[sflag:s23] =	ssyncadd.s32 $0xFFFFFFFF  }
0xa5: {  	s26 =	simm.s32 $execute0_lowered;
	[smem:$0x3FD2] =	sst s25  }
0xa6: {  	s5 =	sshll.u32 s26, $0x1;
	_ =	strace $0x80000046;
	[dreg:$0x1] =	wrdreg $0xFFFFFFFF  }
0xa7: {  	s28 =	simm.s32 $_size_execute0_lowered;
	s3 =	sadd.s32 s3, s5;
	[dreg:$0x0] =	wrdreg $0x0  }
0xa8: {  	s5 =	sshll.u32 s28, $0x1;
	[dreg:$0x2] =	wrdreg s3  }
0xa9: {  	[dreg:$0x3] =	wrdreg s5  }
0xaa: {  	[dreg:$0x4] =	wrdreg $0xC0  }
0xab: {  	_ =	task [dreg:s7], $0x5FFFF  }
0xac: {  	[dreg:$0x1] =	wrdreg $0xFFFFFFFF  }
0xad: {  	[dreg:$0x0] =	wrdreg $0x60  }
0xae: {  	[dreg:$0x2] =	wrdreg s2  }
0xaf: {  	[dreg:$0x3] =	wrdreg s24  }
0xb0: {  	[dreg:$0x4] =	wrdreg $0x9  }
0xb1: {  	_ =	task.clear_ibuf [dreg:s7], $0x5FFFF;
	_ =	strace $0x90000046  }
0xb2: {  	s29 =	simm.s32 $0x9;
	_ =	strace $0x80000048  }
0xb3: {  	_ =	swait.ge [sflag:s29], $0x1  }
0xb4: {  	[sflag:s29] =	ssyncadd.s32 $0xFFFFFFFF  }
0xb5: {  	_ =	strace $0x90000048  }
0xb6: {  	_ =	sfence  }
0xb7: {  	s30 =	sld [smem:$0x0];
	_ =	sdelay $0x2  }
0xb8: {  	s31 =	sshll.u32 s1, $0xD;
	s1 =	sshrl.u32 s1, $0x2  }
0xb9: {  	s3 =	sand.u32 $0x4000, s31;
	s1 =	sadd.s32 s1, s30  }
0xba: {  	s0 =	sor.u32 s3, s0;
	s1 =	sshll.u32 s1, $0x11  }
0xbb: {  	s0 =	sor.u32 s1, s0  }
0xbc: {  	s0 =	sadd.s32 $0x8F2B, s0  }
0xbd: {  	[sflag:s0] =	ssyncadd.remote.s32 $0x1  }
0xbe: {  	_ =	sfence.sel $0xFFFF  }
0xbf: {  	[dreg:$0x0] =	wrdreg $0xFFFFFFFF;
	(pc) =	sbr.abs _section_cstart, $3  }
0xc0: {  	[dreg:$0x1] =	wrdreg $0xFFFFFFFF  }
0xc1: {  	_ =	task.clear_ibuf [dreg:s7], $0x2FFFF;
	_ =	strace $0x9FFFFFFF  }
0xc2: {  	(tm) =	ssettm $0x7FFFFFFF  }
0xc3: {  	_ =	shalt  }
tec
execute0_lowered:
.L_overlay_start_1:
0x0: {  	(tag) =	ssettag $0x1  }
0x1: {  	s7 =	rddreg [dreg:$0x0];
	s1 =	srdreg.scid  }
0x2: {  	s3 =	simm.s32 $0x0;
	s2 =	stileid.u32;
	s1 =	sand.u32 $0x1, s1  }
0x3: {  	[smem:$0x7FF] =	sst s3;
	s2 =	sshll.u32 s2, $0xA;
	s4 =	sshll.u32 s1, $0x9  }
0x4: {  	s0 =	rddreg [dreg:$0x1];
	_ =	strace $0x80000047;
	s2 =	sor.u32 s4, s2  }
0x5: {  	s1 =	ssub.s32 $0x2, s1;
	s4 =	sadd.s32 $0x400, s0;
	s6 =	sshll.u32 s2, $0x4  }
0x6: {  	s5 =	sshll.u32 s2, $0x9;
	s2 =	sshrl.u32 s2, $0x3;
	s29 =	sadd.s32 s7, s6  }
0x7: {  	s28 =	sshrl.u32 s1, $0x1;
	s31 =	sor.u32 $0x2, s2;
	[dreg:$0xf] =	wrdreg s29  }
0x8: {  	s1 =	ssub.s32 s1, s28;
	s2 =	sor.u32 $0x3, s2;
	[dreg:$0x12] =	wrdreg s31  }
.Ltmp0:
0x9: {  	s1 =	smax.u32 s1, $0x1;
	[dreg:$0x13] =	wrdreg s2;
	(pc) =	sbr.rel .LBB2_1-.Ltmp0, $4  }
0xa: {  	s0 =	sadd.s32 s5, s0;
	s5 =	sadd.s32 $0x80, s29;
	[dreg:$0x14] =	wrdreg s1  }
0xb: {  	s30 =	sadd.s32 $0x27AD600, s0;
	[dreg:$0x10] =	wrdreg s5  }
0xc: {  	s0 =	sadd.s32 $0x27AE600, s0;
	[dreg:$0x11] =	wrdreg s30  }
0xd: {  	s2 =	simm.s32 $0x0;
	[dreg:$0x15] =	wrdreg s0  }
.LBB2_12:
0xe: {  	s0 =	simm.s32 $0x5  }
0xf: {  	_ =	swait.ge [sflag:s0], $0x6800  }
0x10: {  	[sflag:s0] =	ssyncset.done $0x0  }
0x11: {  	s1 =	simm.s32 $0x6;
	[sflag:s0] =	ssyncadd.s32 $0xFFFF9800  }
0x12: {  	_ =	swait.ge [sflag:s1], $0x6800  }
0x13: {  	s2 =	rddreg [dreg:$0x16]  }
0x14: {  	s31 =	rddreg [dreg:$0x14];
	s2 =	sadd.s32 $0x1, s2  }
0x15: {  	p0 =	sne.s32 s2, s31  }
.Ltmp1:
0x16: {  	_ = 	snop;
	(pc) =	sbr.rel @!p0 .LBB2_13-.Ltmp1, $3  }
0x17: {  	_ =	sdelay $0x1  }
0x18: {  	[sflag:s1] =	ssyncset.done $0x0  }
0x19: {  	[sflag:s1] =	ssyncadd.s32 $0xFFFF9800  }
.LBB2_1:
0x1a: {  	[dreg:$0x16] =	wrdreg s2  }
0x1b: {  	s0 =	rddreg [dreg:$0xf]  }
0x1c: {  	[tilespmem:s3], [sflag:$0x1] =	stream.linear.gather [hbm4b:s0+s3], $0x400, $0x38;
	[tilespmem:$0x10800] =	vst v63  }
0x1d: {  	s18 =	rddreg [dreg:$0x10];
	s1 =	simm.s32 $0x400;
	s19 =	simm.s32 $0x1  }
0x1e: {  	[tilespmem:s1], [sflag:$0x2] =	stream.linear.gather [hbm4b:s18+s3], $0x400, $0x38;
	[tilespmem:$0x10800] =	vst v63  }
0x1f: {  	_ =	swait.ge [sflag:s19], $0x400  }
0x20: {  	[sflag:s19] =	ssyncset.done $0x0  }
0x21: {  	s20 =	simm.s32 $0xA;
	[sflag:s19] =	ssyncadd.s32 $0xFFFFFC00  }
0x22: {  	v0 =	vld [tilespmem:s20+$0xFFFFFFF6];
	_ =	sdelay $0x4  }
0x23: {  	v1 =	vshll.u32 v0, $0x7;
	(v2sf) =	vpush v0, $0x0  }
0x24: {  	(v2sf) =	vpush v1, $0xB  }
0x25: {  	(v2sf) =	vpush v1, $0x1  }
0x26: {  	(v2sf) =	vpush v1, $0x5  }
0x27: {  	(v2sf) =	vpush v1, $0x2;
	_ =	sdelay $0x1  }
0x28: {  	(v2sf) =	vpush v1, $0x4  }
0x29: {  	(v2sf) =	vpush v1, $0x6;
	_ =	sdelay $0x1  }
0x2a: {  	(v2sf) =	vpush v1, $0x7  }
0x2b: {  	(v2sf) =	vpush v1, $0x3;
	_ =	sdelay $0x1  }
0x2c: {  	s12 =	simm.s32 $0x4000;
	s5 =	simm.s32 $0x0;
	v0 =	vld [tilespmem:s20+$0x0]  }
0x2d: {  	s7 =	simm.s32 $0x900;
	s8 =	simm.s32 $0x880;
	s9 =	simm.s32 $0x800  }
0x2e: {  	s25 =	simm.s32 $0x980;
	s16 =	simm.s32 $0x8A;
	s2 =	simm.s32 $0xC00  }
0x2f: {  	s11 =	simm.s32 $0x1280;
	s10 =	simm.s32 $0x1300;
	s19 =	spop (v2sf)  }
0x30: {  	s26 =	simm.s32 $0xB00;
	s13 =	simm.s32 $0x1100;
	s1 =	spop (v2sf)  }
0x31: {  	s0 =	simm.s32 $0xD80;
	v0 =	vshll.u32 v0, $0x7;
	s21 =	sshll.u32 s19, $0x4;
	s20 =	spop (v2sf)  }
0x32: {  	s18 =	simm.s32 $0xA00;
	(v2sf) =	vpush v0, $0x9;
	s21 =	sand.u32 $0x1FFFFFF0, s21;
	s28 =	spop (v2sf)  }
0x33: {  	s21 =	sadd.s32 s4, s21;
	s20 =	sadd.s32 $0xC35400, s20;
	s22 =	spop (v2sf)  }
0x34: {  	(v2sf) =	vpush v0, $0x6;
	[tilespmem:s9], [sflag:$0x3] =	stream.linear.gather [hbm4b:s21+s3], $0x80, $0x38;
	[tilespmem:$0x10800] =	vst v63  }
0x35: {  	s19 =	simm.s32 $0xA80;
	(v2sf) =	vpush v1, $0x8;
	s20 =	sshrl.u32 s20, $0x3;
	s29 =	spop (v2sf)  }
0x36: {  	s22 =	sadd.s32 $0x186A800, s22;
	s21 =	sadd.s32 s4, s20;
	s30 =	spop (v2sf)  }
0x37: {  	[tilespmem:s8], [sflag:$0x3] =	stream.linear.gather [hbm4b:s21+s3], $0x80, $0x38;
	[tilespmem:$0x10800] =	vst v63  }
0x38: {  	s1 =	sadd.s32 $0x8649C00, s1;
	(v2sf) =	vpush v1, $0x9;
	s23 =	sshrl.u32 s22, $0x3;
	s31 =	spop (v2sf)  }
0x39: {  	s1 =	sshrl.u32 s1, $0x3;
	s6 =	sadd.s32 s4, s23;
	s24 =	spop (v2sf)  }
0x3a: {  	(v2sf) =	vpush v1, $0xD;
	[tilespmem:s7], [sflag:$0x3] =	stream.linear.gather [hbm4b:s6+s3], $0x80, $0x38;
	[tilespmem:$0x10800] =	vst v63  }
0x3b: {  	s28 =	sadd.s32 $0x3D0A400, s28;
	s1 =	sadd.s32 s4, s1;
	s8 =	sadd.s32 $0x249FC00, s24  }
0x3c: {  	s20 =	simm.s32 $0x1180;
	s9 =	sadd.s32 $0x30D5000, s29;
	s7 =	sshrl.u32 s8, $0x3  }
0x3d: {  	s28 =	sshrl.u32 s28, $0x3;
	s15 =	sshrl.u32 s9, $0x3;
	(v2sf) =	vpush v1, $0xA;
	s7 =	sadd.s32 s4, s7  }
0x3e: {  	[tilespmem:s25], [sflag:$0x3] =	stream.linear.gather [hbm4b:s7+s3], $0x80, $0x38;
	[tilespmem:$0x10800] =	vst v63  }
0x3f: {  	s22 =	simm.s32 $0x1000;
	s21 =	simm.s32 $0x1080;
	(v2sf) =	vpush v0, $0x7;
	s7 =	sadd.s32 s4, s15  }
0x40: {  	(v2sf) =	vpush v1, $0xC;
	[tilespmem:s18], [sflag:$0x3] =	stream.linear.gather [hbm4b:s7+s3], $0x80, $0x38;
	[tilespmem:$0x10800] =	vst v63  }
0x41: {  	s28 =	sadd.s32 s4, s28;
	s14 =	sadd.s32 $0x493F800, s30;
	s29 =	spop (v2sf)  }
0x42: {  	[tilespmem:s19], [sflag:$0x3] =	stream.linear.gather [hbm4b:s28+s3], $0x80, $0x38;
	[tilespmem:$0x10800] =	vst v63  }
0x43: {  	s23 =	simm.s32 $0xF80;
	s9 =	sshrl.u32 s14, $0x3;
	s7 =	spop (v2sf)  }
0x44: {  	s17 =	sadd.s32 $0x5574C00, s31;
	s9 =	sadd.s32 s4, s9;
	s24 =	spop (v2sf)  }
0x45: {  	(v2sf) =	vpush v0, $0x8;
	[tilespmem:s26], [sflag:$0x3] =	stream.linear.gather [hbm4b:s9+s3], $0x80, $0x38;
	[tilespmem:$0x10800] =	vst v63  }
0x46: {  	s31 =	simm.s32 $0xB80;
	s8 =	sshrl.u32 s17, $0x3;
	s25 =	sadd.s32 $0x61AA000, s24  }
0x47: {  	s8 =	sadd.s32 s4, s8;
	(v2sf) =	vpush v1, $0xE;
	s28 =	spop (v2sf);
	s30 =	sshrl.u32 s25, $0x3  }
0x48: {  	(v2sf) =	vpush v0, $0xA;
	[tilespmem:s31], [sflag:$0x3] =	stream.linear.gather [hbm4b:s8+s3], $0x80, $0x38;
	[tilespmem:$0x10800] =	vst v63  }
0x49: {  	s15 =	sadd.s32 $0x6DDF400, s28;
	s9 =	sadd.s32 s4, s30;
	s6 =	spop (v2sf);
	(v2sf) =	vpush v1, $0xF  }
0x4a: {  	[tilespmem:s2], [sflag:$0x3] =	stream.linear.gather [hbm4b:s9+s3], $0x80, $0x38;
	[tilespmem:$0x10800] =	vst v63  }
0x4b: {  	s14 =	simm.s32 $0xD00;
	s29 =	sadd.s32 $0xE7F3C00, s29;
	s9 =	sshrl.u32 s15, $0x3  }
0x4c: {  	s28 =	simm.s32 $0xC80;
	s17 =	spop (v2sf);
	s9 =	sadd.s32 s4, s9  }
0x4d: {  	[tilespmem:s28], [sflag:$0x3] =	stream.linear.gather [hbm4b:s9+s3], $0x80, $0x38;
	[tilespmem:$0x10800] =	vst v63  }
0x4e: {  	s25 =	simm.s32 $0xE80;
	s26 =	sadd.s32 $0x7A14800, s17;
	s18 =	spop (v2sf)  }
0x4f: {  	s8 =	sadd.s32 $0x9EB4400, s6;
	s26 =	sshrl.u32 s26, $0x3;
	s19 =	spop (v2sf)  }
0x50: {  	s8 =	sshrl.u32 s8, $0x3;
	s26 =	sadd.s32 s4, s26;
	s2 =	sadd.s32 $0x927F000, s19  }
0x51: {  	[tilespmem:s14], [sflag:$0x3] =	stream.linear.gather [hbm4b:s26+s3], $0x80, $0x38;
	[tilespmem:$0x10800] =	vst v63  }
0x52: {  	s28 =	simm.s32 $0xE00;
	s9 =	sadd.s32 s4, s8;
	s2 =	sshrl.u32 s2, $0x3  }
0x53: {  	[tilespmem:s0], [sflag:$0x3] =	stream.linear.gather [hbm4b:s1+s3], $0x80, $0x38;
	[tilespmem:$0x10800] =	vst v63  }
0x54: {  	s2 =	sadd.s32 s4, s2;
	s0 =	sadd.s32 $0xC354000, s7;
	s7 =	spop (v2sf)  }
0x55: {  	[tilespmem:s28], [sflag:$0x3] =	stream.linear.gather [hbm4b:s2+s3], $0x80, $0x38;
	[tilespmem:$0x10800] =	vst v63  }
0x56: {  	(v2sf) =	vpush v0, $0xB;
	s26 =	simm.s32 $0xF00;
	s1 =	sadd.s32 $0xCF89400, s18;
	s24 =	spop (v2sf)  }
0x57: {  	s2 =	sshrl.u32 s29, $0x3;
	(v2sf) =	vpush v0, $0xC;
	s30 =	sadd.s32 $0xAAE9800, s24;
	s28 =	spop (v2sf)  }
0x58: {  	(v2sf) =	vpush v0, $0xD;
	s30 =	sshrl.u32 s30, $0x3;
	s31 =	sadd.s32 $0xF429000, s28;
	s29 =	spop (v2sf)  }
0x59: {  	(v2sf) =	vpush v0, $0xE;
	s28 =	sadd.s32 s4, s30;
	s8 =	sshrl.u32 s31, $0x3;
	s29 =	sadd.s32 $0xB71EC00, s29  }
.LBB2_2:
0x5a: {  	[tilespmem:s25], [sflag:$0x3] =	stream.linear.gather [hbm4b:s9+s3], $0x80, $0x38;
	[tilespmem:$0x10800] =	vst v63  }
0x5b: {  	s24 =	sshrl.u32 s29, $0x3  }
0x5c: {  	[tilespmem:s26], [sflag:$0x3] =	stream.linear.gather [hbm4b:s28+s3], $0x80, $0x38;
	[tilespmem:$0x10800] =	vst v63  }
0x5d: {  	s0 =	sshrl.u32 s0, $0x3;
	s9 =	sadd.s32 s4, s24  }
0x5e: {  	(v2sf) =	vpush v0, $0xF;
	[tilespmem:s23], [sflag:$0x3] =	stream.linear.gather [hbm4b:s9+s3], $0x80, $0x38;
	[tilespmem:$0x10800] =	vst v63  }
0x5f: {  	s7 =	sadd.s32 $0xDBBE800, s7;
	s1 =	sshrl.u32 s1, $0x3;
	s0 =	sadd.s32 s4, s0  }
0x60: {  	[tilespmem:s22], [sflag:$0x3] =	stream.linear.gather [hbm4b:s0+s3], $0x80, $0x38;
	[tilespmem:$0x10800] =	vst v63  }
0x61: {  	s1 =	sadd.s32 s4, s1;
	s7 =	sshrl.u32 s7, $0x3  }
0x62: {  	[tilespmem:s21], [sflag:$0x3] =	stream.linear.gather [hbm4b:s1+s3], $0x80, $0x38;
	[tilespmem:$0x10800] =	vst v63  }
0x63: {  	s26 =	sadd.s32 s4, s7  }
0x64: {  	[tilespmem:s13], [sflag:$0x3] =	stream.linear.gather [hbm4b:s26+s3], $0x80, $0x38;
	[tilespmem:$0x10800] =	vst v63  }
0x65: {  	s2 =	sadd.s32 s4, s2;
	s15 =	sadd.s32 s4, s8;
	s25 =	spop (v2sf)  }
0x66: {  	s18 =	sadd.s32 $0x1200, s5;
	s30 =	sadd.s32 $0x1005E400, s25;
	s31 =	spop (v2sf)  }
0x67: {  	[tilespmem:s20], [sflag:$0x3] =	stream.linear.gather [hbm4b:s2+s3], $0x80, $0x38;
	[tilespmem:$0x10800] =	vst v63  }
0x68: {  	s25 =	sadd.s32 $0x1380, s5;
	s14 =	sadd.s32 $0x10C93800, s31;
	s17 =	spop (v2sf)  }
0x69: {  	s6 =	sshrl.u32 s30, $0x3;
	s7 =	sshrl.u32 s14, $0x3;
	s8 =	sadd.s32 $0x118C8C00, s17  }
0x6a: {  	[tilespmem:s18], [sflag:$0x3] =	stream.linear.gather [hbm4b:s15+s3], $0x80, $0x38;
	[tilespmem:$0x10800] =	vst v63  }
0x6b: {  	s19 =	spop (v2sf);
	s20 =	sadd.s32 s4, s6;
	s21 =	sshrl.u32 s8, $0x3  }
0x6c: {  	[tilespmem:s11], [sflag:$0x3] =	stream.linear.gather [hbm4b:s20+s3], $0x80, $0x38;
	[tilespmem:$0x10800] =	vst v63  }
0x6d: {  	s22 =	sadd.s32 $0x124FE000, s19;
	s23 =	sadd.s32 s4, s7;
	s24 =	spop (v2sf)  }
0x6e: {  	[tilespmem:s10], [sflag:$0x3] =	stream.linear.gather [hbm4b:s23+s3], $0x80, $0x38;
	[tilespmem:$0x10800] =	vst v63  }
0x6f: {  	s2 =	sshrl.u32 s22, $0x3;
	s1 =	sadd.s32 s4, s21;
	s7 =	sadd.s32 $0x13133400, s24  }
0x70: {  	[tilespmem:s25], [sflag:$0x3] =	stream.linear.gather [hbm4b:s1+s3], $0x80, $0x38;
	[tilespmem:$0x10800] =	vst v63  }
0x71: {  	s26 =	sadd.s32 $0x1400, s5;
	s30 =	sadd.s32 s4, s2;
	s31 =	sshrl.u32 s7, $0x3  }
0x72: {  	[tilespmem:s26], [sflag:$0x3] =	stream.linear.gather [hbm4b:s30+s3], $0x80, $0x38;
	[tilespmem:$0x10800] =	vst v63  }
0x73: {  	s6 =	sadd.s32 $0x1480, s5;
	s7 =	sadd.s32 s4, s31  }
0x74: {  	[tilespmem:s6], [sflag:$0x3] =	stream.linear.gather [hbm4b:s7+s3], $0x80, $0x38;
	[tilespmem:$0x10800] =	vst v63  }
0x75: {  	v0 =	vld [tilespmem:s16+$0xFFFFFFF6];
	_ =	sdelay $0x4  }
0x76: {  	(v2sf) =	vpush v0, $0x0  }
0x77: {  	v1 =	vshll.u32 v0, $0x7  }
0x78: {  	(v2sf) =	vpush v1, $0xB  }
0x79: {  	(v2sf) =	vpush v1, $0x1  }
0x7a: {  	(v2sf) =	vpush v1, $0x5  }
0x7b: {  	(v2sf) =	vpush v1, $0x2;
	_ =	sdelay $0x1  }
0x7c: {  	s8 =	smov.u32 s12  }
0x7d: {  	p0 =	sne.s32 s12, $0x1C000;
	s5 =	sshra.s32 s8, $0x2;
	v0 =	vld [tilespmem:s16+$0x0];
	(v2sf) =	vpush v1, $0x4  }
0x7e: {  	s12 =	sadd.s32 $0x4000, s12;
	s0 =	sadd.s32 $0x900, s5;
	s9 =	sadd.s32 $0xD80, s5  }
0x7f: {  	s11 =	sadd.s32 $0x1280, s5;
	s13 =	sadd.s32 $0x1300, s5;
	s2 =	sadd.s32 $0xB00, s5;
	(v2sf) =	vpush v1, $0x6  }
0x80: {  	s28 =	sadd.s32 $0x1100, s5;
	s20 =	sadd.s32 $0x1180, s5;
	s22 =	sadd.s32 $0x1000, s5;
	(v2sf) =	vpush v1, $0x7  }
0x81: {  	s21 =	sadd.s32 $0x1080, s5;
	s29 =	sadd.s32 $0xE00, s5;
	[dreg:$0x3] =	wrdreg s9;
	(v2sf) =	vpush v1, $0x3  }
0x82: {  	s10 =	sadd.s32 $0x800, s5;
	s9 =	sadd.s32 $0x980, s5;
	[dreg:$0x8] =	wrdreg s11;
	v0 =	vshll.u32 v0, $0x7  }
0x83: {  	[dreg:$0x7] =	wrdreg s13;
	s23 =	sadd.s32 $0xF80, s5;
	s31 =	sadd.s32 $0xD00, s5;
	(v2sf) =	vpush v0, $0x9  }
0x84: {  	s1 =	sadd.s32 $0x880, s5;
	s25 =	sadd.s32 $0xE80, s5;
	(v2sf) =	vpush v0, $0x6;
	s14 =	spop (v2sf)  }
0x85: {  	s30 =	sadd.s32 $0xC00, s5;
	s26 =	sadd.s32 $0xF00, s5;
	(v2sf) =	vpush v1, $0x8;
	s8 =	sshll.u32 s14, $0x4  }
0x86: {  	s16 =	sadd.s32 $0x80, s16;
	s15 =	spop (v2sf);
	s8 =	sand.u32 $0x1FFFFFF0, s8  }
0x87: {  	s17 =	spop (v2sf);
	s11 =	sadd.s32 $0x8649C00, s15;
	s8 =	sadd.s32 s4, s8  }
0x88: {  	s13 =	sadd.s32 $0xC35400, s17;
	s14 =	spop (v2sf);
	s17 =	sadd.s32 $0xA00, s5  }
0x89: {  	s11 =	sshrl.u32 s11, $0x3;
	s13 =	sshrl.u32 s13, $0x3;
	s15 =	spop (v2sf)  }
0x8a: {  	[tilespmem:s10], [sflag:$0x3] =	stream.linear.gather [hbm4b:s8+s3], $0x80, $0x38;
	[tilespmem:$0x10800] =	vst v63  }
0x8b: {  	(v2sf) =	vpush v1, $0x9;
	s14 =	sadd.s32 $0x3D0A400, s14;
	s13 =	sadd.s32 s4, s13;
	s15 =	sadd.s32 $0x186A800, s15  }
0x8c: {  	s24 =	spop (v2sf);
	s14 =	sshrl.u32 s14, $0x3;
	s15 =	sshrl.u32 s15, $0x3  }
0x8d: {  	(v2sf) =	vpush v1, $0xD;
	[tilespmem:s1], [sflag:$0x3] =	stream.linear.gather [hbm4b:s13+s3], $0x80, $0x38;
	[tilespmem:$0x10800] =	vst v63  }
0x8e: {  	s24 =	sadd.s32 $0x30D5000, s24;
	s6 =	spop (v2sf);
	s13 =	sadd.s32 $0xC80, s5  }
0x8f: {  	s7 =	sshrl.u32 s24, $0x3;
	s6 =	sadd.s32 $0x493F800, s6;
	s18 =	spop (v2sf);
	(v2sf) =	vpush v1, $0xA  }
0x90: {  	s15 =	sadd.s32 s4, s15;
	s24 =	sadd.s32 $0x5574C00, s18;
	s19 =	spop (v2sf);
	(v2sf) =	vpush v0, $0x7  }
0x91: {  	[tilespmem:s0], [sflag:$0x3] =	stream.linear.gather [hbm4b:s15+s3], $0x80, $0x38;
	[tilespmem:$0x10800] =	vst v63  }
0x92: {  	s7 =	sadd.s32 s4, s7;
	s8 =	spop (v2sf);
	s10 =	sadd.s32 $0x249FC00, s19  }
0x93: {  	s18 =	spop (v2sf);
	(v2sf) =	vpush v1, $0xC;
	s1 =	sshrl.u32 s10, $0x3;
	s10 =	sshrl.u32 s24, $0x3  }
0x94: {  	s8 =	sadd.s32 $0xE7F3C00, s8;
	s24 =	spop (v2sf);
	s1 =	sadd.s32 s4, s1  }
0x95: {  	[tilespmem:s9], [sflag:$0x3] =	stream.linear.gather [hbm4b:s1+s3], $0x80, $0x38;
	[tilespmem:$0x10800] =	vst v63  }
0x96: {  	s0 =	sadd.s32 $0xC354000, s18;
	s19 =	sadd.s32 $0x61AA000, s24;
	s24 =	sadd.s32 $0xA80, s5  }
0x97: {  	[tilespmem:s17], [sflag:$0x3] =	stream.linear.gather [hbm4b:s7+s3], $0x80, $0x38;
	[tilespmem:$0x10800] =	vst v63  }
0x98: {  	(v2sf) =	vpush v0, $0x8;
	s1 =	sshrl.u32 s6, $0x3;
	s6 =	sadd.s32 $0xB80, s5;
	s17 =	sadd.s32 s4, s14  }
0x99: {  	[tilespmem:s24], [sflag:$0x3] =	stream.linear.gather [hbm4b:s17+s3], $0x80, $0x38;
	[tilespmem:$0x10800] =	vst v63  }
0x9a: {  	(v2sf) =	vpush v1, $0xE;
	s19 =	sshrl.u32 s19, $0x3;
	s1 =	sadd.s32 s4, s1;
	s15 =	spop (v2sf)  }
0x9b: {  	[tilespmem:s2], [sflag:$0x3] =	stream.linear.gather [hbm4b:s1+s3], $0x80, $0x38;
	[tilespmem:$0x10800] =	vst v63  }
0x9c: {  	s18 =	sadd.s32 $0x6DDF400, s15;
	s15 =	sadd.s32 s4, s10;
	s9 =	spop (v2sf);
	(v2sf) =	vpush v0, $0xA  }
0x9d: {  	(v2sf) =	vpush v1, $0xF;
	[tilespmem:s6], [sflag:$0x3] =	stream.linear.gather [hbm4b:s15+s3], $0x80, $0x38;
	[tilespmem:$0x10800] =	vst v63  }
0x9e: {  	s14 =	sshrl.u32 s18, $0x3;
	s9 =	sadd.s32 $0x9EB4400, s9;
	s24 =	spop (v2sf)  }
0x9f: {  	s9 =	sshrl.u32 s9, $0x3;
	s17 =	sadd.s32 $0x7A14800, s24;
	s18 =	spop (v2sf)  }
0xa0: {  	s24 =	sadd.s32 s4, s19;
	s2 =	sshrl.u32 s17, $0x3;
	s1 =	sadd.s32 $0xCF89400, s18  }
0xa1: {  	[tilespmem:s30], [sflag:$0x3] =	stream.linear.gather [hbm4b:s24+s3], $0x80, $0x38;
	[tilespmem:$0x10800] =	vst v63  }
0xa2: {  	s18 =	sadd.s32 s4, s14;
	s14 =	sadd.s32 s4, s11;
	s10 =	spop (v2sf)  }
0xa3: {  	s11 =	rddreg [dreg:$0x8];
	s15 =	sadd.s32 s4, s2;
	s2 =	sadd.s32 $0x927F000, s10  }
0xa4: {  	[tilespmem:s13], [sflag:$0x3] =	stream.linear.gather [hbm4b:s18+s3], $0x80, $0x38;
	[tilespmem:$0x10800] =	vst v63  }
0xa5: {  	s9 =	sadd.s32 s4, s9;
	s10 =	rddreg [dreg:$0x7];
	s24 =	sshrl.u32 s2, $0x3  }
0xa6: {  	[tilespmem:s31], [sflag:$0x3] =	stream.linear.gather [hbm4b:s15+s3], $0x80, $0x38;
	[tilespmem:$0x10800] =	vst v63  }
0xa7: {  	s7 =	spop (v2sf);
	s18 =	sadd.s32 s4, s24;
	s24 =	rddreg [dreg:$0x3]  }
0xa8: {  	[tilespmem:s24], [sflag:$0x3] =	stream.linear.gather [hbm4b:s14+s3], $0x80, $0x38;
	[tilespmem:$0x10800] =	vst v63  }
.Ltmp2:
0xa9: {  	s13 =	smov.u32 s28;
	s19 =	spop (v2sf);
	(pc) =	sbr.rel @p0 .LBB2_2-.Ltmp2, $4  }
0xaa: {  	(v2sf) =	vpush v0, $0xB;
	[tilespmem:s29], [sflag:$0x3] =	stream.linear.gather [hbm4b:s18+s3], $0x80, $0x38;
	[tilespmem:$0x10800] =	vst v63  }
0xab: {  	s2 =	sshrl.u32 s8, $0x3;
	s30 =	sadd.s32 $0xAAE9800, s19;
	(v2sf) =	vpush v0, $0xC;
	s19 =	spop (v2sf)  }
0xac: {  	s17 =	sshrl.u32 s30, $0x3;
	(v2sf) =	vpush v0, $0xD;
	s30 =	sadd.s32 $0xF429000, s19;
	s31 =	spop (v2sf)  }
0xad: {  	s28 =	sadd.s32 s4, s17;
	(v2sf) =	vpush v0, $0xE;
	s29 =	sadd.s32 $0xB71EC00, s31;
	s8 =	sshrl.u32 s30, $0x3  }
0xae: {  	[tilespmem:s25], [sflag:$0x3] =	stream.linear.gather [hbm4b:s9+s3], $0x80, $0x38;
	[tilespmem:$0x10800] =	vst v63  }
0xaf: {  	s6 =	sshrl.u32 s29, $0x3  }
0xb0: {  	[tilespmem:s26], [sflag:$0x3] =	stream.linear.gather [hbm4b:s28+s3], $0x80, $0x38;
	[tilespmem:$0x10800] =	vst v63  }
0xb1: {  	s0 =	sshrl.u32 s0, $0x3;
	s6 =	sadd.s32 s4, s6  }
0xb2: {  	(v2sf) =	vpush v0, $0xF;
	[tilespmem:s23], [sflag:$0x3] =	stream.linear.gather [hbm4b:s6+s3], $0x80, $0x38;
	[tilespmem:$0x10800] =	vst v63  }
0xb3: {  	s7 =	sadd.s32 $0xDBBE800, s7;
	s1 =	sshrl.u32 s1, $0x3;
	s0 =	sadd.s32 s4, s0  }
0xb4: {  	[tilespmem:s22], [sflag:$0x3] =	stream.linear.gather [hbm4b:s0+s3], $0x80, $0x38;
	[tilespmem:$0x10800] =	vst v63  }
0xb5: {  	s1 =	sadd.s32 s4, s1;
	s14 =	sshrl.u32 s7, $0x3  }
0xb6: {  	[tilespmem:s21], [sflag:$0x3] =	stream.linear.gather [hbm4b:s1+s3], $0x80, $0x38;
	[tilespmem:$0x10800] =	vst v63  }
0xb7: {  	s16 =	sadd.s32 s4, s14  }
0xb8: {  	[tilespmem:s13], [sflag:$0x3] =	stream.linear.gather [hbm4b:s16+s3], $0x80, $0x38;
	[tilespmem:$0x10800] =	vst v63  }
0xb9: {  	s19 =	sadd.s32 s4, s2;
	s25 =	sadd.s32 $0x1200, s5;
	s15 =	spop (v2sf)  }
0xba: {  	s14 =	sadd.s32 $0x1380, s5;
	s23 =	sadd.s32 s4, s8;
	s18 =	spop (v2sf)  }
0xbb: {  	[tilespmem:s20], [sflag:$0x3] =	stream.linear.gather [hbm4b:s19+s3], $0x80, $0x38;
	[tilespmem:$0x10800] =	vst v63  }
0xbc: {  	s17 =	sadd.s32 $0x1005E400, s15;
	s22 =	sadd.s32 $0x10C93800, s18;
	s24 =	spop (v2sf)  }
0xbd: {  	s21 =	sshrl.u32 s17, $0x3;
	s6 =	sshrl.u32 s22, $0x3;
	s7 =	sadd.s32 $0x118C8C00, s24  }
0xbe: {  	[tilespmem:s25], [sflag:$0x3] =	stream.linear.gather [hbm4b:s23+s3], $0x80, $0x38;
	[tilespmem:$0x10800] =	vst v63  }
0xbf: {  	s26 =	spop (v2sf);
	s2 =	sadd.s32 s4, s21;
	s7 =	sshrl.u32 s7, $0x3  }
0xc0: {  	[tilespmem:s11], [sflag:$0x3] =	stream.linear.gather [hbm4b:s2+s3], $0x80, $0x38;
	[tilespmem:$0x10800] =	vst v63  }
0xc1: {  	s9 =	sadd.s32 $0x124FE000, s26;
	s12 =	sadd.s32 s4, s6;
	s13 =	spop (v2sf)  }
0xc2: {  	[tilespmem:s10], [sflag:$0x3] =	stream.linear.gather [hbm4b:s12+s3], $0x80, $0x38;
	[tilespmem:$0x10800] =	vst v63  }
0xc3: {  	s2 =	sshrl.u32 s9, $0x3;
	s1 =	sadd.s32 s4, s7;
	s6 =	sadd.s32 $0x13133400, s13  }
0xc4: {  	[tilespmem:s14], [sflag:$0x3] =	stream.linear.gather [hbm4b:s1+s3], $0x80, $0x38;
	[tilespmem:$0x10800] =	vst v63  }
0xc5: {  	s15 =	sadd.s32 $0x1400, s5;
	s16 =	sadd.s32 s4, s2;
	s17 =	sshrl.u32 s6, $0x3  }
0xc6: {  	[tilespmem:s15], [sflag:$0x3] =	stream.linear.gather [hbm4b:s16+s3], $0x80, $0x38;
	[tilespmem:$0x10800] =	vst v63  }
0xc7: {  	s20 =	simm.s32 $0x2;
	s18 =	sadd.s32 $0x1480, s5;
	s19 =	sadd.s32 s4, s17  }
0xc8: {  	[tilespmem:s18], [sflag:$0x3] =	stream.linear.gather [hbm4b:s19+s3], $0x80, $0x38;
	[tilespmem:$0x10800] =	vst v63  }
0xc9: {  	_ =	swait.ge [sflag:s20], $0x400  }
0xca: {  	[sflag:s20] =	ssyncset.done $0x0  }
0xcb: {  	s21 =	simm.s32 $0x40A;
	[sflag:s20] =	ssyncadd.s32 $0xFFFFFC00  }
0xcc: {  	v0 =	vld [tilespmem:s21+$0xFFFFFFF6];
	_ =	sdelay $0x4  }
0xcd: {  	v1 =	vshll.u32 v0, $0x7;
	(v2sf) =	vpush v0, $0x0  }
0xce: {  	(v2sf) =	vpush v1, $0xB  }
0xcf: {  	(v2sf) =	vpush v1, $0x1  }
0xd0: {  	(v2sf) =	vpush v1, $0x5  }
0xd1: {  	(v2sf) =	vpush v1, $0x2;
	_ =	sdelay $0x1  }
0xd2: {  	(v2sf) =	vpush v1, $0x4  }
0xd3: {  	(v2sf) =	vpush v1, $0x6;
	_ =	sdelay $0x1  }
0xd4: {  	(v2sf) =	vpush v1, $0x7  }
0xd5: {  	(v2sf) =	vpush v1, $0x3;
	_ =	sdelay $0x1  }
0xd6: {  	s31 =	simm.s32 $0x9280;
	s28 =	simm.s32 $0x8F00;
	s0 =	simm.s32 $0x8D80;
	v0 =	vld [tilespmem:s21+$0x0]  }
0xd7: {  	s5 =	simm.s32 $0x0;
	s22 =	simm.s32 $0x8880;
	s23 =	simm.s32 $0x8800  }
0xd8: {  	s9 =	simm.s32 $0x8980;
	s13 =	simm.s32 $0x8B00;
	s6 =	simm.s32 $0x8900  }
0xd9: {  	s2 =	simm.s32 $0x8C00;
	s12 =	simm.s32 $0x0;
	s25 =	spop (v2sf)  }
0xda: {  	s17 =	simm.s32 $0x48A;
	s16 =	simm.s32 $0x4000;
	s1 =	spop (v2sf)  }
0xdb: {  	s18 =	simm.s32 $0x9300;
	v0 =	vshll.u32 v0, $0x7;
	s10 =	sshll.u32 s25, $0x4;
	s26 =	spop (v2sf)  }
0xdc: {  	s20 =	simm.s32 $0x9100;
	(v2sf) =	vpush v0, $0x9;
	s10 =	sand.u32 $0x1FFFFFF0, s10;
	s14 =	spop (v2sf)  }
0xdd: {  	s10 =	sadd.s32 s4, s10;
	s11 =	sadd.s32 $0xC35400, s26;
	s15 =	spop (v2sf)  }
0xde: {  	(v2sf) =	vpush v0, $0x6;
	[tilespmem:s23], [sflag:$0x4] =	stream.linear.gather [hbm4b:s10+s5], $0x80, $0x38;
	[tilespmem:$0x10800] =	vst v63  }
0xdf: {  	s1 =	sadd.s32 $0x8649C00, s1;
	(v2sf) =	vpush v1, $0x8;
	s11 =	sshrl.u32 s11, $0x3;
	s24 =	spop (v2sf)  }
0xe0: {  	s15 =	sadd.s32 $0x186A800, s15;
	s10 =	sadd.s32 s4, s11;
	s26 =	spop (v2sf)  }
0xe1: {  	[tilespmem:s22], [sflag:$0x4] =	stream.linear.gather [hbm4b:s10+s5], $0x80, $0x38;
	[tilespmem:$0x10800] =	vst v63  }
0xe2: {  	s1 =	sshrl.u32 s1, $0x3;
	(v2sf) =	vpush v1, $0x9;
	s19 =	sshrl.u32 s15, $0x3;
	s11 =	spop (v2sf)  }
0xe3: {  	s23 =	simm.s32 $0x8F80;
	s25 =	sadd.s32 s4, s19;
	s21 =	spop (v2sf)  }
0xe4: {  	(v2sf) =	vpush v1, $0xD;
	[tilespmem:s6], [sflag:$0x4] =	stream.linear.gather [hbm4b:s25+s5], $0x80, $0x38;
	[tilespmem:$0x10800] =	vst v63  }
0xe5: {  	s1 =	sadd.s32 s4, s1;
	s10 =	sadd.s32 $0x30D5000, s24;
	s8 =	sadd.s32 $0x249FC00, s21  }
0xe6: {  	s19 =	sadd.s32 $0x3D0A400, s14;
	s24 =	sshrl.u32 s10, $0x3;
	s6 =	sshrl.u32 s8, $0x3  }
0xe7: {  	s14 =	simm.s32 $0x8A80;
	(v2sf) =	vpush v1, $0xA;
	s10 =	sshrl.u32 s19, $0x3;
	s6 =	sadd.s32 s4, s6  }
0xe8: {  	[tilespmem:s9], [sflag:$0x4] =	stream.linear.gather [hbm4b:s6+s5], $0x80, $0x38;
	[tilespmem:$0x10800] =	vst v63  }
0xe9: {  	(v2sf) =	vpush v0, $0x7;
	s8 =	sadd.s32 $0x493F800, s26;
	s26 =	simm.s32 $0x8A00;
	s6 =	sadd.s32 s4, s24  }
0xea: {  	(v2sf) =	vpush v1, $0xC;
	[tilespmem:s26], [sflag:$0x4] =	stream.linear.gather [hbm4b:s6+s5], $0x80, $0x38;
	[tilespmem:$0x10800] =	vst v63  }
0xeb: {  	s25 =	sadd.s32 $0x5574C00, s11;
	s10 =	sadd.s32 s4, s10;
	s11 =	spop (v2sf)  }
0xec: {  	[tilespmem:s14], [sflag:$0x4] =	stream.linear.gather [hbm4b:s10+s5], $0x80, $0x38;
	[tilespmem:$0x10800] =	vst v63  }
0xed: {  	s15 =	simm.s32 $0x9180;
	s8 =	sshrl.u32 s8, $0x3;
	s6 =	spop (v2sf)  }
0xee: {  	s7 =	sshrl.u32 s25, $0x3;
	s8 =	sadd.s32 s4, s8;
	s19 =	spop (v2sf)  }
0xef: {  	(v2sf) =	vpush v0, $0x8;
	[tilespmem:s13], [sflag:$0x4] =	stream.linear.gather [hbm4b:s8+s5], $0x80, $0x38;
	[tilespmem:$0x10800] =	vst v63  }
0xf0: {  	s22 =	simm.s32 $0x9000;
	s7 =	sadd.s32 s4, s7;
	s9 =	sadd.s32 $0x61AA000, s19  }
0xf1: {  	(v2sf) =	vpush v1, $0xE;
	s13 =	simm.s32 $0x8B80;
	s24 =	spop (v2sf);
	s25 =	sshrl.u32 s9, $0x3  }
0xf2: {  	(v2sf) =	vpush v0, $0xA;
	[tilespmem:s13], [sflag:$0x4] =	stream.linear.gather [hbm4b:s7+s5], $0x80, $0x38;
	[tilespmem:$0x10800] =	vst v63  }
0xf3: {  	s19 =	sadd.s32 $0x6DDF400, s24;
	s8 =	sadd.s32 s4, s25;
	s7 =	spop (v2sf);
	(v2sf) =	vpush v1, $0xF  }
0xf4: {  	[tilespmem:s2], [sflag:$0x4] =	stream.linear.gather [hbm4b:s8+s5], $0x80, $0x38;
	[tilespmem:$0x10800] =	vst v63  }
0xf5: {  	s21 =	simm.s32 $0x9080;
	s26 =	simm.s32 $0x8E80;
	s8 =	sshrl.u32 s19, $0x3  }
0xf6: {  	s25 =	simm.s32 $0x8C80;
	s24 =	spop (v2sf);
	s8 =	sadd.s32 s4, s8  }
0xf7: {  	[tilespmem:s25], [sflag:$0x4] =	stream.linear.gather [hbm4b:s8+s5], $0x80, $0x38;
	[tilespmem:$0x10800] =	vst v63  }
0xf8: {  	s14 =	simm.s32 $0x8D00;
	s9 =	sadd.s32 $0x7A14800, s24;
	s8 =	spop (v2sf)  }
0xf9: {  	s11 =	sadd.s32 $0xE7F3C00, s11;
	s9 =	sshrl.u32 s9, $0x3;
	s13 =	spop (v2sf)  }
0xfa: {  	s2 =	sadd.s32 $0xC354000, s6;
	s9 =	sadd.s32 s4, s9;
	s24 =	sadd.s32 $0x927F000, s13  }
0xfb: {  	[tilespmem:s14], [sflag:$0x4] =	stream.linear.gather [hbm4b:s9+s5], $0x80, $0x38;
	[tilespmem:$0x10800] =	vst v63  }
0xfc: {  	s19 =	sadd.s32 $0x9EB4400, s7;
	s14 =	simm.s32 $0x8E00;
	s7 =	sshrl.u32 s24, $0x3  }
0xfd: {  	[tilespmem:s0], [sflag:$0x4] =	stream.linear.gather [hbm4b:s1+s5], $0x80, $0x38;
	[tilespmem:$0x10800] =	vst v63  }
0xfe: {  	s7 =	sadd.s32 s4, s7;
	s1 =	sadd.s32 $0xCF89400, s8;
	s9 =	spop (v2sf)  }
0xff: {  	[tilespmem:s14], [sflag:$0x4] =	stream.linear.gather [hbm4b:s7+s5], $0x80, $0x38;
	[tilespmem:$0x10800] =	vst v63  }
0x100: {  	(v2sf) =	vpush v0, $0xB;
	s7 =	sshrl.u32 s11, $0x3;
	s14 =	sshrl.u32 s19, $0x3;
	s25 =	spop (v2sf)  }
0x101: {  	(v2sf) =	vpush v0, $0xC;
	s8 =	sadd.s32 s4, s14;
	s10 =	sadd.s32 $0xAAE9800, s25;
	s19 =	spop (v2sf)  }
0x102: {  	(v2sf) =	vpush v0, $0xD;
	s13 =	sshrl.u32 s10, $0x3;
	s24 =	sadd.s32 $0xF429000, s19;
	s25 =	spop (v2sf)  }
0x103: {  	(v2sf) =	vpush v0, $0xE;
	s29 =	sadd.s32 s4, s13;
	s0 =	sshrl.u32 s24, $0x3;
	s30 =	sadd.s32 $0xB71EC00, s25  }
.LBB2_4:
0x104: {  	[tilespmem:s26], [sflag:$0x4] =	stream.linear.gather [hbm4b:s8+s5], $0x80, $0x38;
	[tilespmem:$0x10800] =	vst v63  }
0x105: {  	s6 =	sshrl.u32 s30, $0x3  }
0x106: {  	[tilespmem:s28], [sflag:$0x4] =	stream.linear.gather [hbm4b:s29+s5], $0x80, $0x38;
	[tilespmem:$0x10800] =	vst v63  }
0x107: {  	s2 =	sshrl.u32 s2, $0x3;
	s6 =	sadd.s32 s4, s6  }
0x108: {  	(v2sf) =	vpush v0, $0xF;
	[tilespmem:s23], [sflag:$0x4] =	stream.linear.gather [hbm4b:s6+s5], $0x80, $0x38;
	[tilespmem:$0x10800] =	vst v63  }
0x109: {  	s19 =	sadd.s32 $0xDBBE800, s9;
	s1 =	sshrl.u32 s1, $0x3;
	s2 =	sadd.s32 s4, s2  }
0x10a: {  	[tilespmem:s22], [sflag:$0x4] =	stream.linear.gather [hbm4b:s2+s5], $0x80, $0x38;
	[tilespmem:$0x10800] =	vst v63  }
0x10b: {  	s1 =	sadd.s32 s4, s1;
	s24 =	sshrl.u32 s19, $0x3  }
0x10c: {  	[tilespmem:s21], [sflag:$0x4] =	stream.linear.gather [hbm4b:s1+s5], $0x80, $0x38;
	[tilespmem:$0x10800] =	vst v63  }
0x10d: {  	s26 =	sadd.s32 s4, s24  }
0x10e: {  	[tilespmem:s20], [sflag:$0x4] =	stream.linear.gather [hbm4b:s26+s5], $0x80, $0x38;
	[tilespmem:$0x10800] =	vst v63  }
0x10f: {  	s10 =	sadd.s32 s4, s7;
	s0 =	sadd.s32 s4, s0;
	s25 =	spop (v2sf)  }
0x110: {  	s26 =	sadd.s32 $0x9380, s12;
	s8 =	sadd.s32 $0x1005E400, s25;
	s9 =	spop (v2sf)  }
0x111: {  	[tilespmem:s15], [sflag:$0x4] =	stream.linear.gather [hbm4b:s10+s5], $0x80, $0x38;
	[tilespmem:$0x10800] =	vst v63  }
0x112: {  	s15 =	sadd.s32 $0x9200, s12;
	s11 =	sadd.s32 $0x10C93800, s9;
	s14 =	spop (v2sf)  }
0x113: {  	s6 =	sshrl.u32 s8, $0x3;
	s13 =	sshrl.u32 s11, $0x3;
	s7 =	sadd.s32 $0x118C8C00, s14  }
0x114: {  	[tilespmem:s15], [sflag:$0x4] =	stream.linear.gather [hbm4b:s0+s5], $0x80, $0x38;
	[tilespmem:$0x10800] =	vst v63  }
0x115: {  	s19 =	spop (v2sf);
	s20 =	sadd.s32 s4, s6;
	s21 =	sshrl.u32 s7, $0x3  }
0x116: {  	[tilespmem:s31], [sflag:$0x4] =	stream.linear.gather [hbm4b:s20+s5], $0x80, $0x38;
	[tilespmem:$0x10800] =	vst v63  }
0x117: {  	s22 =	sadd.s32 $0x124FE000, s19;
	s23 =	sadd.s32 s4, s13;
	s25 =	spop (v2sf)  }
0x118: {  	[tilespmem:s18], [sflag:$0x4] =	stream.linear.gather [hbm4b:s23+s5], $0x80, $0x38;
	[tilespmem:$0x10800] =	vst v63  }
0x119: {  	s24 =	sshrl.u32 s22, $0x3;
	s1 =	sadd.s32 s4, s21;
	s6 =	sadd.s32 $0x13133400, s25  }
0x11a: {  	[tilespmem:s26], [sflag:$0x4] =	stream.linear.gather [hbm4b:s1+s5], $0x80, $0x38;
	[tilespmem:$0x10800] =	vst v63  }
0x11b: {  	s7 =	sadd.s32 $0x9400, s12;
	s8 =	sadd.s32 s4, s24;
	s9 =	sshrl.u32 s6, $0x3  }
0x11c: {  	[tilespmem:s7], [sflag:$0x4] =	stream.linear.gather [hbm4b:s8+s5], $0x80, $0x38;
	[tilespmem:$0x10800] =	vst v63  }
0x11d: {  	s10 =	sadd.s32 $0x9480, s12;
	s11 =	sadd.s32 s4, s9  }
0x11e: {  	[tilespmem:s10], [sflag:$0x4] =	stream.linear.gather [hbm4b:s11+s5], $0x80, $0x38;
	[tilespmem:$0x10800] =	vst v63  }
0x11f: {  	v0 =	vld [tilespmem:s17+$0xFFFFFFF6];
	_ =	sdelay $0x4  }
0x120: {  	(v2sf) =	vpush v0, $0x0  }
0x121: {  	v1 =	vshll.u32 v0, $0x7  }
0x122: {  	(v2sf) =	vpush v1, $0xB  }
0x123: {  	(v2sf) =	vpush v1, $0x1  }
0x124: {  	(v2sf) =	vpush v1, $0x5  }
0x125: {  	(v2sf) =	vpush v1, $0x2;
	_ =	sdelay $0x1  }
0x126: {  	s12 =	smov.u32 s16;
	(v2sf) =	vpush v1, $0x4  }
0x127: {  	p0 =	sne.s32 s16, $0x1C000;
	s12 =	sshra.s32 s12, $0x2  }
0x128: {  	s16 =	sadd.s32 $0x4000, s16;
	s2 =	sadd.s32 $0x8900, s12;
	s0 =	sadd.s32 $0x8D80, s12;
	v0 =	vld [tilespmem:s17+$0x0]  }
0x129: {  	s6 =	sadd.s32 $0x8800, s12;
	s30 =	sadd.s32 $0x8C00, s12;
	s31 =	sadd.s32 $0x9280, s12;
	(v2sf) =	vpush v1, $0x6  }
0x12a: {  	s13 =	sadd.s32 $0x9300, s12;
	s25 =	sadd.s32 $0x8B00, s12;
	s14 =	sadd.s32 $0x9180, s12;
	(v2sf) =	vpush v1, $0x7  }
0x12b: {  	s22 =	sadd.s32 $0x9000, s12;
	s29 =	sadd.s32 $0x9080, s12;
	[dreg:$0x4] =	wrdreg s0;
	(v2sf) =	vpush v1, $0x3  }
0x12c: {  	s28 =	sadd.s32 $0x8F00, s12;
	s9 =	sadd.s32 $0x8980, s12;
	[dreg:$0x9] =	wrdreg s13  }
0x12d: {  	[dreg:$0xe] =	wrdreg s14;
	s23 =	sadd.s32 $0x8F80, s12;
	s18 =	sadd.s32 $0x8E00, s12;
	v0 =	vshll.u32 v0, $0x7  }
0x12e: {  	[dreg:$0xb] =	wrdreg s18;
	s1 =	sadd.s32 $0x9100, s12;
	(v2sf) =	vpush v0, $0x9;
	s15 =	spop (v2sf)  }
0x12f: {  	s26 =	sadd.s32 $0x8E80, s12;
	s7 =	sadd.s32 $0x8880, s12;
	(v2sf) =	vpush v0, $0x6;
	s0 =	sshll.u32 s15, $0x4  }
0x130: {  	s17 =	sadd.s32 $0x80, s17;
	s19 =	spop (v2sf);
	s10 =	sand.u32 $0x1FFFFFF0, s0  }
0x131: {  	(v2sf) =	vpush v1, $0x8;
	s0 =	sadd.s32 $0x8D00, s12;
	s11 =	spop (v2sf);
	s14 =	sadd.s32 $0x8649C00, s19  }
0x132: {  	s10 =	sadd.s32 s4, s10;
	s11 =	sadd.s32 $0xC35400, s11;
	s13 =	spop (v2sf)  }
0x133: {  	s14 =	sshrl.u32 s14, $0x3;
	s11 =	sshrl.u32 s11, $0x3;
	s20 =	spop (v2sf)  }
0x134: {  	[tilespmem:s6], [sflag:$0x4] =	stream.linear.gather [hbm4b:s10+s5], $0x80, $0x38;
	[tilespmem:$0x10800] =	vst v63  }
0x135: {  	(v2sf) =	vpush v1, $0x9;
	s13 =	sadd.s32 $0x3D0A400, s13;
	s11 =	sadd.s32 s4, s11;
	s21 =	spop (v2sf)  }
0x136: {  	s8 =	sadd.s32 $0x186A800, s20;
	s13 =	sshrl.u32 s13, $0x3;
	s18 =	sadd.s32 $0x30D5000, s21  }
0x137: {  	(v2sf) =	vpush v1, $0xD;
	[tilespmem:s7], [sflag:$0x4] =	stream.linear.gather [hbm4b:s11+s5], $0x80, $0x38;
	[tilespmem:$0x10800] =	vst v63  }
0x138: {  	s24 =	sshrl.u32 s8, $0x3;
	s19 =	spop (v2sf);
	s6 =	sshrl.u32 s18, $0x3  }
0x139: {  	s10 =	sadd.s32 $0x493F800, s19;
	s20 =	spop (v2sf);
	s19 =	sadd.s32 $0x8A00, s12  }
0x13a: {  	(v2sf) =	vpush v1, $0xA;
	s24 =	sadd.s32 s4, s24;
	s15 =	sadd.s32 $0x5574C00, s20;
	s21 =	spop (v2sf)  }
0x13b: {  	[tilespmem:s2], [sflag:$0x4] =	stream.linear.gather [hbm4b:s24+s5], $0x80, $0x38;
	[tilespmem:$0x10800] =	vst v63  }
0x13c: {  	s6 =	sadd.s32 s4, s6;
	s24 =	sadd.s32 $0x8A80, s12;
	s18 =	sadd.s32 $0x249FC00, s21  }
0x13d: {  	(v2sf) =	vpush v0, $0x7;
	s8 =	spop (v2sf);
	s11 =	sshrl.u32 s15, $0x3;
	s7 =	sshrl.u32 s18, $0x3  }
0x13e: {  	s15 =	sadd.s32 $0x8C80, s12;
	s20 =	spop (v2sf);
	s7 =	sadd.s32 s4, s7  }
0x13f: {  	(v2sf) =	vpush v1, $0xC;
	[tilespmem:s9], [sflag:$0x4] =	stream.linear.gather [hbm4b:s7+s5], $0x80, $0x38;
	[tilespmem:$0x10800] =	vst v63  }
0x140: {  	s8 =	sadd.s32 $0xE7F3C00, s8;
	s18 =	spop (v2sf);
	s2 =	sadd.s32 $0xC354000, s20  }
0x141: {  	(v2sf) =	vpush v0, $0x8;
	[tilespmem:s19], [sflag:$0x4] =	stream.linear.gather [hbm4b:s6+s5], $0x80, $0x38;
	[tilespmem:$0x10800] =	vst v63  }
0x142: {  	s20 =	smov.u32 s1;
	s1 =	sshrl.u32 s10, $0x3;
	s19 =	sadd.s32 s4, s13  }
0x143: {  	(v2sf) =	vpush v1, $0xE;
	[tilespmem:s24], [sflag:$0x4] =	stream.linear.gather [hbm4b:s19+s5], $0x80, $0x38;
	[tilespmem:$0x10800] =	vst v63  }
0x144: {  	s21 =	sadd.s32 $0x61AA000, s18;
	s1 =	sadd.s32 s4, s1;
	s18 =	spop (v2sf)  }
0x145: {  	[tilespmem:s25], [sflag:$0x4] =	stream.linear.gather [hbm4b:s1+s5], $0x80, $0x38;
	[tilespmem:$0x10800] =	vst v63  }
0x146: {  	s7 =	sadd.s32 $0x8B80, s12;
	s21 =	sshrl.u32 s21, $0x3;
	s10 =	spop (v2sf);
	(v2sf) =	vpush v0, $0xA  }
0x147: {  	s13 =	sadd.s32 s4, s21;
	s9 =	sadd.s32 $0x6DDF400, s18;
	s19 =	sadd.s32 s4, s11;
	(v2sf) =	vpush v1, $0xF  }
0x148: {  	[tilespmem:s7], [sflag:$0x4] =	stream.linear.gather [hbm4b:s19+s5], $0x80, $0x38;
	[tilespmem:$0x10800] =	vst v63  }
0x149: {  	s21 =	smov.u32 s29;
	s6 =	sshrl.u32 s9, $0x3;
	s18 =	spop (v2sf)  }
0x14a: {  	[tilespmem:s30], [sflag:$0x4] =	stream.linear.gather [hbm4b:s13+s5], $0x80, $0x38;
	[tilespmem:$0x10800] =	vst v63  }
0x14b: {  	s6 =	sadd.s32 s4, s6;
	s10 =	sadd.s32 $0x9EB4400, s10;
	s24 =	sadd.s32 $0x7A14800, s18  }
0x14c: {  	s7 =	sshrl.u32 s8, $0x3;
	s25 =	spop (v2sf);
	s18 =	sshrl.u32 s24, $0x3  }
0x14d: {  	[tilespmem:s15], [sflag:$0x4] =	stream.linear.gather [hbm4b:s6+s5], $0x80, $0x38;
	[tilespmem:$0x10800] =	vst v63  }
0x14e: {  	s15 =	rddreg [dreg:$0xe];
	s19 =	spop (v2sf);
	s18 =	sadd.s32 s4, s18  }
0x14f: {  	[tilespmem:s0], [sflag:$0x4] =	stream.linear.gather [hbm4b:s18+s5], $0x80, $0x38;
	[tilespmem:$0x10800] =	vst v63  }
0x150: {  	s1 =	sadd.s32 $0xCF89400, s25;
	s9 =	spop (v2sf);
	s18 =	rddreg [dreg:$0x9]  }
0x151: {  	s24 =	sadd.s32 $0x927F000, s19;
	s19 =	sadd.s32 s4, s14;
	s14 =	rddreg [dreg:$0x4]  }
0x152: {  	s25 =	spop (v2sf);
	s13 =	sshrl.u32 s24, $0x3;
	s24 =	sshrl.u32 s10, $0x3  }
0x153: {  	[tilespmem:s14], [sflag:$0x4] =	stream.linear.gather [hbm4b:s19+s5], $0x80, $0x38;
	[tilespmem:$0x10800] =	vst v63  }
.Ltmp3:
0x154: {  	s11 =	sadd.s32 $0xAAE9800, s25;
	s0 =	sadd.s32 s4, s13;
	(pc) =	sbr.rel @p0 .LBB2_4-.Ltmp3, $4  }
0x155: {  	(v2sf) =	vpush v0, $0xB;
	s8 =	sadd.s32 s4, s24;
	s11 =	sshrl.u32 s11, $0x3;
	s25 =	spop (v2sf)  }
0x156: {  	(v2sf) =	vpush v0, $0xC;
	s19 =	sadd.s32 $0xF429000, s25;
	s24 =	spop (v2sf);
	s25 =	rddreg [dreg:$0xb]  }
0x157: {  	(v2sf) =	vpush v0, $0xD;
	[tilespmem:s25], [sflag:$0x4] =	stream.linear.gather [hbm4b:s0+s5], $0x80, $0x38;
	[tilespmem:$0x10800] =	vst v63  }
0x158: {  	s29 =	sadd.s32 s4, s11;
	(v2sf) =	vpush v0, $0xE;
	s30 =	sadd.s32 $0xB71EC00, s24;
	s0 =	sshrl.u32 s19, $0x3  }
0x159: {  	[tilespmem:s26], [sflag:$0x4] =	stream.linear.gather [hbm4b:s8+s5], $0x80, $0x38;
	[tilespmem:$0x10800] =	vst v63  }
0x15a: {  	s6 =	sshrl.u32 s30, $0x3  }
0x15b: {  	[tilespmem:s28], [sflag:$0x4] =	stream.linear.gather [hbm4b:s29+s5], $0x80, $0x38;
	[tilespmem:$0x10800] =	vst v63  }
0x15c: {  	s2 =	sshrl.u32 s2, $0x3;
	s6 =	sadd.s32 s4, s6  }
0x15d: {  	(v2sf) =	vpush v0, $0xF;
	[tilespmem:s23], [sflag:$0x4] =	stream.linear.gather [hbm4b:s6+s5], $0x80, $0x38;
	[tilespmem:$0x10800] =	vst v63  }
0x15e: {  	s26 =	sadd.s32 $0xDBBE800, s9;
	s1 =	sshrl.u32 s1, $0x3;
	s2 =	sadd.s32 s4, s2  }
0x15f: {  	[tilespmem:s22], [sflag:$0x4] =	stream.linear.gather [hbm4b:s2+s5], $0x80, $0x38;
	[tilespmem:$0x10800] =	vst v63  }
0x160: {  	s1 =	sadd.s32 s4, s1;
	s28 =	sshrl.u32 s26, $0x3  }
0x161: {  	[tilespmem:s21], [sflag:$0x4] =	stream.linear.gather [hbm4b:s1+s5], $0x80, $0x38;
	[tilespmem:$0x10800] =	vst v63  }
0x162: {  	s30 =	sadd.s32 s4, s28  }
0x163: {  	[tilespmem:s20], [sflag:$0x4] =	stream.linear.gather [hbm4b:s30+s5], $0x80, $0x38;
	[tilespmem:$0x10800] =	vst v63  }
0x164: {  	s10 =	sadd.s32 s4, s7;
	s0 =	sadd.s32 s4, s0;
	s29 =	spop (v2sf)  }
0x165: {  	s16 =	sadd.s32 $0x9200, s12;
	s25 =	sadd.s32 $0x9380, s12;
	s9 =	spop (v2sf)  }
0x166: {  	[tilespmem:s15], [sflag:$0x4] =	stream.linear.gather [hbm4b:s10+s5], $0x80, $0x38;
	[tilespmem:$0x10800] =	vst v63  }
0x167: {  	s8 =	sadd.s32 $0x1005E400, s29;
	s11 =	sadd.s32 $0x10C93800, s9;
	s14 =	spop (v2sf)  }
0x168: {  	s6 =	sshrl.u32 s8, $0x3;
	s13 =	sshrl.u32 s11, $0x3;
	s7 =	sadd.s32 $0x118C8C00, s14  }
0x169: {  	[tilespmem:s16], [sflag:$0x4] =	stream.linear.gather [hbm4b:s0+s5], $0x80, $0x38;
	[tilespmem:$0x10800] =	vst v63  }
0x16a: {  	s17 =	spop (v2sf);
	s19 =	sadd.s32 s4, s6;
	s20 =	sshrl.u32 s7, $0x3  }
0x16b: {  	[tilespmem:s31], [sflag:$0x4] =	stream.linear.gather [hbm4b:s19+s5], $0x80, $0x38;
	[tilespmem:$0x10800] =	vst v63  }
0x16c: {  	s21 =	sadd.s32 $0x124FE000, s17;
	s22 =	sadd.s32 s4, s13;
	s24 =	spop (v2sf)  }
0x16d: {  	[tilespmem:s18], [sflag:$0x4] =	stream.linear.gather [hbm4b:s22+s5], $0x80, $0x38;
	[tilespmem:$0x10800] =	vst v63  }
0x16e: {  	s23 =	sshrl.u32 s21, $0x3;
	s1 =	sadd.s32 s4, s20;
	s6 =	sadd.s32 $0x13133400, s24  }
0x16f: {  	[tilespmem:s25], [sflag:$0x4] =	stream.linear.gather [hbm4b:s1+s5], $0x80, $0x38;
	[tilespmem:$0x10800] =	vst v63  }
0x170: {  	s26 =	sadd.s32 $0x9400, s12;
	s28 =	sadd.s32 s4, s23;
	s29 =	sshrl.u32 s6, $0x3  }
0x171: {  	[tilespmem:s26], [sflag:$0x4] =	stream.linear.gather [hbm4b:s28+s5], $0x80, $0x38;
	[tilespmem:$0x10800] =	vst v63  }
0x172: {  	s30 =	sadd.s32 $0x9480, s12;
	s31 =	sadd.s32 s4, s29  }
0x173: {  	[tilespmem:s30], [sflag:$0x4] =	stream.linear.gather [hbm4b:s31+s5], $0x80, $0x38;
	[tilespmem:$0x10800] =	vst v63  }
.LBB2_6:
0x174: {  	s0 =	simm.s32 $0x3  }
0x175: {  	_ =	swait.ge [sflag:s0], $0x6800  }
0x176: {  	s1 =	sshll.u32 s5, $0xD;
	[sflag:s0] =	ssyncset.done $0x0;
	s26 =	rddreg [dreg:$0x11]  }
0x177: {  	s2 =	simm.s32 $0x800;
	[sflag:s0] =	ssyncadd.s32 $0xFFFF9800;
	s0 =	sadd.s32 s1, s26  }
0x178: {  	[hbm4b:s0+s3] =	stream.linear.scatter [tilespmem:s2], [sflag:$0x5], $0xD00, $0x38;
	[tilespmem:$0x10800] =	vst v63  }
0x179: {  	s29 =	simm.s32 $0x1800;
	s28 =	sadd.s32 $0x200, s0  }
0x17a: {  	[hbm4b:s28+s3] =	stream.linear.scatter [tilespmem:s29], [sflag:$0x5], $0xD00, $0x38;
	[tilespmem:$0x10800] =	vst v63  }
0x17b: {  	s31 =	simm.s32 $0x2800;
	s30 =	sadd.s32 $0x400, s0  }
0x17c: {  	[hbm4b:s30+s3] =	stream.linear.scatter [tilespmem:s31], [sflag:$0x5], $0xD00, $0x38;
	[tilespmem:$0x10800] =	vst v63  }
0x17d: {  	s6 =	smov.u32 s5;
	s7 =	simm.s32 $0x3800;
	s5 =	sadd.s32 $0x600, s0  }
0x17e: {  	[hbm4b:s5+s3] =	stream.linear.scatter [tilespmem:s7], [sflag:$0x5], $0xD00, $0x38;
	[tilespmem:$0x10800] =	vst v63  }
0x17f: {  	s9 =	simm.s32 $0x4800;
	s8 =	sadd.s32 $0x800, s0  }
0x180: {  	[hbm4b:s8+s3] =	stream.linear.scatter [tilespmem:s9], [sflag:$0x5], $0xD00, $0x38;
	[tilespmem:$0x10800] =	vst v63  }
0x181: {  	s11 =	simm.s32 $0x5800;
	s10 =	sadd.s32 $0xA00, s0  }
0x182: {  	[hbm4b:s10+s3] =	stream.linear.scatter [tilespmem:s11], [sflag:$0x5], $0xD00, $0x38;
	[tilespmem:$0x10800] =	vst v63  }
0x183: {  	s13 =	simm.s32 $0x6800;
	s12 =	sadd.s32 $0xC00, s0  }
0x184: {  	[hbm4b:s12+s3] =	stream.linear.scatter [tilespmem:s13], [sflag:$0x5], $0xD00, $0x38;
	[tilespmem:$0x10800] =	vst v63  }
0x185: {  	s14 =	simm.s32 $0x7800;
	s0 =	sadd.s32 $0xE00, s0  }
0x186: {  	[hbm4b:s0+s3] =	stream.linear.scatter [tilespmem:s14], [sflag:$0x5], $0xD00, $0x38;
	[tilespmem:$0x10800] =	vst v63  }
0x187: {  	p0 =	seq.s32 s6, $0x1F;
	s2 =	rddreg [dreg:$0x12];
	s0 =	sshll.u32 s6, $0x1  }
0x188: {  	s2 =	sadd.s32 @!p0 s0, s2  }
0x189: {  	s15 =	simm.s32 $0x4;
	s5 =	rddreg [dreg:$0x0];
	s2 =	sshll.u32 @!p0 s2, $0x7  }
0x18a: {  	[dreg:$0x17] =	wrdreg s6;
	s6 =	simm.s32 @!p0 $0x0;
	s2 =	sadd.s32 @!p0 s5, s2  }
0x18b: {  	[tilespmem:s6], [sflag:$0x1] =	stream.linear.gather @!p0 [hbm4b:s2+s6], $0x400, $0x38;
	[tilespmem:$0x10800] =	vst v63  }
0x18c: {  	_ =	swait.ge [sflag:s15], $0x6800  }
0x18d: {  	[sflag:s15] =	ssyncset.done $0x0;
	s16 =	rddreg [dreg:$0x15]  }
0x18e: {  	s17 =	simm.s32 $0x8800;
	[sflag:s15] =	ssyncadd.s32 $0xFFFF9800;
	s1 =	sadd.s32 s16, s1  }
0x18f: {  	[hbm4b:s1+s3] =	stream.linear.scatter [tilespmem:s17], [sflag:$0x6], $0xD00, $0x38;
	[tilespmem:$0x10800] =	vst v63  }
0x190: {  	s19 =	simm.s32 $0x9800;
	s18 =	sadd.s32 $0x200, s1  }
0x191: {  	[hbm4b:s18+s3] =	stream.linear.scatter [tilespmem:s19], [sflag:$0x6], $0xD00, $0x38;
	[tilespmem:$0x10800] =	vst v63  }
0x192: {  	s21 =	simm.s32 $0xA800;
	s20 =	sadd.s32 $0x400, s1  }
0x193: {  	[hbm4b:s20+s3] =	stream.linear.scatter [tilespmem:s21], [sflag:$0x6], $0xD00, $0x38;
	[tilespmem:$0x10800] =	vst v63  }
0x194: {  	s23 =	simm.s32 $0xB800;
	s22 =	sadd.s32 $0x600, s1  }
0x195: {  	[hbm4b:s22+s3] =	stream.linear.scatter [tilespmem:s23], [sflag:$0x6], $0xD00, $0x38;
	[tilespmem:$0x10800] =	vst v63  }
0x196: {  	s25 =	simm.s32 $0xC800;
	s24 =	sadd.s32 $0x800, s1  }
0x197: {  	[hbm4b:s24+s3] =	stream.linear.scatter [tilespmem:s25], [sflag:$0x6], $0xD00, $0x38;
	[tilespmem:$0x10800] =	vst v63  }
0x198: {  	s28 =	simm.s32 $0xD800;
	s26 =	sadd.s32 $0xA00, s1  }
0x199: {  	[hbm4b:s26+s3] =	stream.linear.scatter [tilespmem:s28], [sflag:$0x6], $0xD00, $0x38;
	[tilespmem:$0x10800] =	vst v63  }
.Ltmp4:
0x19a: {  	_ = 	snop;
	(pc) =	sbr.rel @p0 .LBB2_12-.Ltmp4, $4  }
0x19b: {  	s30 =	simm.s32 $0xE800;
	s29 =	sadd.s32 $0xC00, s1  }
0x19c: {  	[hbm4b:s29+s3] =	stream.linear.scatter [tilespmem:s30], [sflag:$0x6], $0xD00, $0x38;
	[tilespmem:$0x10800] =	vst v63  }
0x19d: {  	s31 =	simm.s32 $0xF800;
	s1 =	sadd.s32 $0xE00, s1  }
0x19e: {  	[hbm4b:s1+s3] =	stream.linear.scatter [tilespmem:s31], [sflag:$0x6], $0xD00, $0x38;
	[tilespmem:$0x10800] =	vst v63  }
0x19f: {  	s1 =	rddreg [dreg:$0x13]  }
0x1a0: {  	s0 =	sadd.s32 s0, s1  }
0x1a1: {  	s17 =	simm.s32 $0x0;
	s0 =	sshll.u32 s0, $0x7  }
0x1a2: {  	s2 =	simm.s32 $0x400;
	s18 =	simm.s32 $0x5;
	s0 =	sadd.s32 s5, s0  }
0x1a3: {  	[tilespmem:s2], [sflag:$0x2] =	stream.linear.gather [hbm4b:s0+s17], $0x400, $0x38;
	[tilespmem:$0x10800] =	vst v63  }
0x1a4: {  	_ =	swait.ge [sflag:s18], $0x6800  }
0x1a5: {  	[sflag:s18] =	ssyncset.done $0x0  }
0x1a6: {  	s19 =	simm.s32 $0x1;
	[sflag:s18] =	ssyncadd.s32 $0xFFFF9800  }
0x1a7: {  	_ =	swait.ge [sflag:s19], $0x400  }
0x1a8: {  	[sflag:s19] =	ssyncset.done $0x0  }
0x1a9: {  	s20 =	simm.s32 $0xA;
	[sflag:s19] =	ssyncadd.s32 $0xFFFFFC00  }
0x1aa: {  	v0 =	vld [tilespmem:s20+$0xFFFFFFF6];
	_ =	sdelay $0x4  }
0x1ab: {  	v1 =	vshll.u32 v0, $0x7;
	(v2sf) =	vpush v0, $0x0  }
0x1ac: {  	(v2sf) =	vpush v1, $0xB  }
0x1ad: {  	(v2sf) =	vpush v1, $0x1  }
0x1ae: {  	(v2sf) =	vpush v1, $0x5  }
0x1af: {  	(v2sf) =	vpush v1, $0x2;
	_ =	sdelay $0x1  }
0x1b0: {  	(v2sf) =	vpush v1, $0x4  }
0x1b1: {  	(v2sf) =	vpush v1, $0x6;
	_ =	sdelay $0x1  }
0x1b2: {  	(v2sf) =	vpush v1, $0x7  }
0x1b3: {  	(v2sf) =	vpush v1, $0x3;
	_ =	sdelay $0x1  }
0x1b4: {  	s16 =	simm.s32 $0x4000;
	s12 =	simm.s32 $0x0;
	v0 =	vld [tilespmem:s20+$0x0]  }
0x1b5: {  	s6 =	simm.s32 $0x900;
	s7 =	simm.s32 $0x880;
	s8 =	simm.s32 $0x800  }
0x1b6: {  	s9 =	simm.s32 $0x980;
	s25 =	simm.s32 $0x1300;
	s13 =	simm.s32 $0xB00  }
0x1b7: {  	s23 =	simm.s32 $0x1180;
	s31 =	simm.s32 $0xF80;
	s10 =	spop (v2sf)  }
0x1b8: {  	s28 =	simm.s32 $0xF00;
	s0 =	simm.s32 $0xD80;
	s1 =	spop (v2sf)  }
0x1b9: {  	s17 =	simm.s32 $0x8A;
	v0 =	vshll.u32 v0, $0x7;
	s10 =	sshll.u32 s10, $0x4;
	s11 =	spop (v2sf)  }
0x1ba: {  	s2 =	simm.s32 $0xC00;
	(v2sf) =	vpush v0, $0x9;
	s10 =	sand.u32 $0x1FFFFFF0, s10;
	s14 =	spop (v2sf)  }
0x1bb: {  	s10 =	sadd.s32 s4, s10;
	s11 =	sadd.s32 $0xC35400, s11;
	s15 =	spop (v2sf)  }
0x1bc: {  	(v2sf) =	vpush v0, $0x6;
	[tilespmem:s8], [sflag:$0x3] =	stream.linear.gather [hbm4b:s10+s3], $0x80, $0x38;
	[tilespmem:$0x10800] =	vst v63  }
0x1bd: {  	s19 =	simm.s32 $0x1280;
	(v2sf) =	vpush v1, $0x8;
	s11 =	sshrl.u32 s11, $0x3;
	s24 =	spop (v2sf)  }
0x1be: {  	s15 =	sadd.s32 $0x186A800, s15;
	s21 =	sadd.s32 s4, s11;
	s26 =	spop (v2sf)  }
0x1bf: {  	[tilespmem:s7], [sflag:$0x3] =	stream.linear.gather [hbm4b:s21+s3], $0x80, $0x38;
	[tilespmem:$0x10800] =	vst v63  }
0x1c0: {  	s20 =	simm.s32 $0x1100;
	(v2sf) =	vpush v1, $0x9;
	s22 =	sshrl.u32 s15, $0x3;
	s11 =	spop (v2sf)  }
0x1c1: {  	s1 =	sadd.s32 $0x8649C00, s1;
	s15 =	sadd.s32 s4, s22;
	s5 =	spop (v2sf)  }
0x1c2: {  	(v2sf) =	vpush v1, $0xD;
	[tilespmem:s6], [sflag:$0x3] =	stream.linear.gather [hbm4b:s15+s3], $0x80, $0x38;
	[tilespmem:$0x10800] =	vst v63  }
0x1c3: {  	s1 =	sshrl.u32 s1, $0x3;
	s24 =	sadd.s32 $0x30D5000, s24;
	s18 =	sadd.s32 $0x249FC00, s5  }
0x1c4: {  	s8 =	sadd.s32 $0x493F800, s26;
	s15 =	sadd.s32 $0x5574C00, s11;
	s6 =	sshrl.u32 s18, $0x3  }
0x1c5: {  	(v2sf) =	vpush v1, $0xA;
	s5 =	sadd.s32 $0x3D0A400, s14;
	s14 =	sshrl.u32 s24, $0x3;
	s6 =	sadd.s32 s4, s6  }
0x1c6: {  	[tilespmem:s9], [sflag:$0x3] =	stream.linear.gather [hbm4b:s6+s3], $0x80, $0x38;
	[tilespmem:$0x10800] =	vst v63  }
0x1c7: {  	(v2sf) =	vpush v0, $0x7;
	s18 =	simm.s32 $0xA00;
	s10 =	sshrl.u32 s5, $0x3;
	s6 =	sadd.s32 s4, s14  }
0x1c8: {  	(v2sf) =	vpush v1, $0xC;
	[tilespmem:s18], [sflag:$0x3] =	stream.linear.gather [hbm4b:s6+s3], $0x80, $0x38;
	[tilespmem:$0x10800] =	vst v63  }
0x1c9: {  	s24 =	simm.s32 $0xA80;
	s10 =	sadd.s32 s4, s10;
	s11 =	spop (v2sf)  }
0x1ca: {  	[tilespmem:s24], [sflag:$0x3] =	stream.linear.gather [hbm4b:s10+s3], $0x80, $0x38;
	[tilespmem:$0x10800] =	vst v63  }
0x1cb: {  	s1 =	sadd.s32 s4, s1;
	s8 =	sshrl.u32 s8, $0x3;
	s6 =	spop (v2sf)  }
0x1cc: {  	s7 =	sshrl.u32 s15, $0x3;
	s8 =	sadd.s32 s4, s8;
	s26 =	spop (v2sf)  }
0x1cd: {  	(v2sf) =	vpush v0, $0x8;
	[tilespmem:s13], [sflag:$0x3] =	stream.linear.gather [hbm4b:s8+s3], $0x80, $0x38;
	[tilespmem:$0x10800] =	vst v63  }
0x1ce: {  	s21 =	simm.s32 $0x1080;
	s7 =	sadd.s32 s4, s7;
	s9 =	sadd.s32 $0x61AA000, s26  }
0x1cf: {  	s14 =	simm.s32 $0xB80;
	(v2sf) =	vpush v1, $0xE;
	s5 =	spop (v2sf);
	s13 =	sshrl.u32 s9, $0x3  }
0x1d0: {  	(v2sf) =	vpush v0, $0xA;
	[tilespmem:s14], [sflag:$0x3] =	stream.linear.gather [hbm4b:s7+s3], $0x80, $0x38;
	[tilespmem:$0x10800] =	vst v63  }
0x1d1: {  	s18 =	sadd.s32 $0x6DDF400, s5;
	s8 =	sadd.s32 s4, s13;
	s7 =	spop (v2sf);
	(v2sf) =	vpush v1, $0xF  }
0x1d2: {  	[tilespmem:s2], [sflag:$0x3] =	stream.linear.gather [hbm4b:s8+s3], $0x80, $0x38;
	[tilespmem:$0x10800] =	vst v63  }
0x1d3: {  	s22 =	simm.s32 $0x1000;
	s15 =	simm.s32 $0xD00;
	s8 =	sshrl.u32 s18, $0x3  }
0x1d4: {  	s5 =	simm.s32 $0xC80;
	s24 =	spop (v2sf);
	s8 =	sadd.s32 s4, s8  }
0x1d5: {  	[tilespmem:s5], [sflag:$0x3] =	stream.linear.gather [hbm4b:s8+s3], $0x80, $0x38;
	[tilespmem:$0x10800] =	vst v63  }
0x1d6: {  	s11 =	sadd.s32 $0xE7F3C00, s11;
	s9 =	sadd.s32 $0x7A14800, s24;
	s13 =	spop (v2sf)  }
0x1d7: {  	s26 =	simm.s32 $0xE80;
	s9 =	sshrl.u32 s9, $0x3;
	s14 =	spop (v2sf)  }
0x1d8: {  	s18 =	sadd.s32 $0x9EB4400, s7;
	s9 =	sadd.s32 s4, s9;
	s24 =	sadd.s32 $0x927F000, s14  }
0x1d9: {  	[tilespmem:s15], [sflag:$0x3] =	stream.linear.gather [hbm4b:s9+s3], $0x80, $0x38;
	[tilespmem:$0x10800] =	vst v63  }
0x1da: {  	s2 =	sadd.s32 $0xC354000, s6;
	s14 =	sshrl.u32 s18, $0x3;
	s7 =	sshrl.u32 s24, $0x3  }
0x1db: {  	[tilespmem:s0], [sflag:$0x3] =	stream.linear.gather [hbm4b:s1+s3], $0x80, $0x38;
	[tilespmem:$0x10800] =	vst v63  }
0x1dc: {  	s15 =	simm.s32 $0xE00;
	s7 =	sadd.s32 s4, s7;
	s9 =	spop (v2sf)  }
0x1dd: {  	[tilespmem:s15], [sflag:$0x3] =	stream.linear.gather [hbm4b:s7+s3], $0x80, $0x38;
	[tilespmem:$0x10800] =	vst v63  }
0x1de: {  	(v2sf) =	vpush v0, $0xB;
	s8 =	sadd.s32 s4, s14;
	s1 =	sadd.s32 $0xCF89400, s13;
	s5 =	spop (v2sf)  }
0x1df: {  	s7 =	sshrl.u32 s11, $0x3;
	(v2sf) =	vpush v0, $0xC;
	s10 =	sadd.s32 $0xAAE9800, s5;
	s15 =	spop (v2sf)  }
0x1e0: {  	(v2sf) =	vpush v0, $0xD;
	s13 =	sshrl.u32 s10, $0x3;
	s18 =	sadd.s32 $0xF429000, s15;
	s24 =	spop (v2sf)  }
0x1e1: {  	(v2sf) =	vpush v0, $0xE;
	s29 =	sadd.s32 s4, s13;
	s0 =	sshrl.u32 s18, $0x3;
	s30 =	sadd.s32 $0xB71EC00, s24  }
.LBB2_8:
0x1e2: {  	[tilespmem:s26], [sflag:$0x3] =	stream.linear.gather [hbm4b:s8+s3], $0x80, $0x38;
	[tilespmem:$0x10800] =	vst v63  }
0x1e3: {  	s6 =	sshrl.u32 s30, $0x3  }
0x1e4: {  	[tilespmem:s28], [sflag:$0x3] =	stream.linear.gather [hbm4b:s29+s3], $0x80, $0x38;
	[tilespmem:$0x10800] =	vst v63  }
0x1e5: {  	s2 =	sshrl.u32 s2, $0x3;
	s6 =	sadd.s32 s4, s6  }
0x1e6: {  	(v2sf) =	vpush v0, $0xF;
	[tilespmem:s31], [sflag:$0x3] =	stream.linear.gather [hbm4b:s6+s3], $0x80, $0x38;
	[tilespmem:$0x10800] =	vst v63  }
0x1e7: {  	s18 =	sadd.s32 $0xDBBE800, s9;
	s1 =	sshrl.u32 s1, $0x3;
	s2 =	sadd.s32 s4, s2  }
0x1e8: {  	[tilespmem:s22], [sflag:$0x3] =	stream.linear.gather [hbm4b:s2+s3], $0x80, $0x38;
	[tilespmem:$0x10800] =	vst v63  }
0x1e9: {  	s1 =	sadd.s32 s4, s1;
	s24 =	sshrl.u32 s18, $0x3  }
0x1ea: {  	[tilespmem:s21], [sflag:$0x3] =	stream.linear.gather [hbm4b:s1+s3], $0x80, $0x38;
	[tilespmem:$0x10800] =	vst v63  }
0x1eb: {  	s5 =	sadd.s32 s4, s24  }
0x1ec: {  	[tilespmem:s20], [sflag:$0x3] =	stream.linear.gather [hbm4b:s5+s3], $0x80, $0x38;
	[tilespmem:$0x10800] =	vst v63  }
0x1ed: {  	s11 =	sadd.s32 s4, s7;
	s0 =	sadd.s32 s4, s0;
	s26 =	spop (v2sf)  }
0x1ee: {  	s18 =	sadd.s32 $0x1200, s12;
	s9 =	sadd.s32 $0x1005E400, s26;
	s10 =	spop (v2sf)  }
0x1ef: {  	[tilespmem:s23], [sflag:$0x3] =	stream.linear.gather [hbm4b:s11+s3], $0x80, $0x38;
	[tilespmem:$0x10800] =	vst v63  }
0x1f0: {  	s6 =	sshrl.u32 s9, $0x3;
	s13 =	sadd.s32 $0x10C93800, s10;
	s15 =	spop (v2sf)  }
0x1f1: {  	s14 =	sshrl.u32 s13, $0x3;
	s7 =	sadd.s32 $0x118C8C00, s15;
	s20 =	spop (v2sf)  }
0x1f2: {  	[tilespmem:s18], [sflag:$0x3] =	stream.linear.gather [hbm4b:s0+s3], $0x80, $0x38;
	[tilespmem:$0x10800] =	vst v63  }
0x1f3: {  	s21 =	sadd.s32 s4, s6;
	s22 =	sshrl.u32 s7, $0x3;
	s23 =	sadd.s32 $0x124FE000, s20  }
0x1f4: {  	[tilespmem:s19], [sflag:$0x3] =	stream.linear.gather [hbm4b:s21+s3], $0x80, $0x38;
	[tilespmem:$0x10800] =	vst v63  }
0x1f5: {  	s24 =	sadd.s32 s4, s14;
	s5 =	spop (v2sf);
	s7 =	sadd.s32 $0x1380, s12  }
0x1f6: {  	[tilespmem:s25], [sflag:$0x3] =	stream.linear.gather [hbm4b:s24+s3], $0x80, $0x38;
	[tilespmem:$0x10800] =	vst v63  }
0x1f7: {  	s26 =	sshrl.u32 s23, $0x3;
	s1 =	sadd.s32 s4, s22;
	s6 =	sadd.s32 $0x13133400, s5  }
0x1f8: {  	[tilespmem:s7], [sflag:$0x3] =	stream.linear.gather [hbm4b:s1+s3], $0x80, $0x38;
	[tilespmem:$0x10800] =	vst v63  }
0x1f9: {  	s8 =	sadd.s32 $0x1400, s12;
	s9 =	sadd.s32 s4, s26;
	s10 =	sshrl.u32 s6, $0x3  }
0x1fa: {  	[tilespmem:s8], [sflag:$0x3] =	stream.linear.gather [hbm4b:s9+s3], $0x80, $0x38;
	[tilespmem:$0x10800] =	vst v63  }
0x1fb: {  	s11 =	sadd.s32 $0x1480, s12;
	s12 =	sadd.s32 s4, s10  }
0x1fc: {  	[tilespmem:s11], [sflag:$0x3] =	stream.linear.gather [hbm4b:s12+s3], $0x80, $0x38;
	[tilespmem:$0x10800] =	vst v63  }
0x1fd: {  	v0 =	vld [tilespmem:s17+$0xFFFFFFF6];
	_ =	sdelay $0x4  }
0x1fe: {  	v1 =	vshll.u32 v0, $0x7;
	(v2sf) =	vpush v0, $0x0  }
0x1ff: {  	(v2sf) =	vpush v1, $0xB  }
0x200: {  	(v2sf) =	vpush v1, $0x1  }
0x201: {  	(v2sf) =	vpush v1, $0x5  }
0x202: {  	(v2sf) =	vpush v1, $0x2;
	_ =	sdelay $0x2  }
0x203: {  	s13 =	smov.u32 s16;
	v0 =	vld [tilespmem:s17+$0x0];
	(v2sf) =	vpush v1, $0x4  }
0x204: {  	p0 =	sne.s32 s16, $0x1C000;
	s16 =	sadd.s32 $0x4000, s16;
	s12 =	sshra.s32 s13, $0x2  }
0x205: {  	s20 =	simm.s32 $0x0;
	s2 =	sadd.s32 $0x900, s12;
	s0 =	sadd.s32 $0xD80, s12;
	(v2sf) =	vpush v1, $0x6  }
0x206: {  	s7 =	sadd.s32 $0x880, s12;
	s6 =	sadd.s32 $0x800, s12;
	s1 =	sadd.s32 $0x980, s12;
	(v2sf) =	vpush v1, $0x7  }
0x207: {  	s30 =	sadd.s32 $0xC00, s12;
	s3 =	sadd.s32 $0x1280, s12;
	s25 =	sadd.s32 $0x1300, s12;
	(v2sf) =	vpush v1, $0x3  }
0x208: {  	s9 =	sadd.s32 $0xB00, s12;
	s29 =	sadd.s32 $0x1100, s12;
	s23 =	sadd.s32 $0x1180, s12;
	v0 =	vshll.u32 v0, $0x7  }
0x209: {  	s31 =	sadd.s32 $0xF80, s12;
	s22 =	sadd.s32 $0x1000, s12;
	s21 =	sadd.s32 $0x1080, s12;
	(v2sf) =	vpush v0, $0x9  }
0x20a: {  	s26 =	sadd.s32 $0xE80, s12;
	s5 =	sadd.s32 $0xE00, s12;
	[dreg:$0x5] =	wrdreg s0;
	(v2sf) =	vpush v0, $0x6  }
0x20b: {  	s28 =	sadd.s32 $0xF00, s12;
	[dreg:$0xc] =	wrdreg s5;
	(v2sf) =	vpush v1, $0x8;
	s14 =	spop (v2sf)  }
0x20c: {  	s17 =	sadd.s32 $0x80, s17;
	s0 =	sshll.u32 s14, $0x4;
	s15 =	spop (v2sf)  }
0x20d: {  	s10 =	sand.u32 $0x1FFFFFF0, s0;
	s0 =	sadd.s32 $0xD00, s12;
	s11 =	spop (v2sf)  }
0x20e: {  	s14 =	sadd.s32 $0x8649C00, s15;
	s11 =	sadd.s32 $0xC35400, s11;
	s13 =	spop (v2sf)  }
0x20f: {  	s10 =	sadd.s32 s4, s10;
	s11 =	sshrl.u32 s11, $0x3;
	s18 =	spop (v2sf)  }
0x210: {  	[tilespmem:s6], [sflag:$0x3] =	stream.linear.gather [hbm4b:s10+s20], $0x80, $0x38;
	[tilespmem:$0x10800] =	vst v63  }
0x211: {  	s13 =	sadd.s32 $0x3D0A400, s13;
	s11 =	sadd.s32 s4, s11;
	s8 =	sadd.s32 $0x186A800, s18  }
0x212: {  	(v2sf) =	vpush v1, $0x9;
	s15 =	spop (v2sf);
	s13 =	sshrl.u32 s13, $0x3;
	s24 =	sshrl.u32 s8, $0x3  }
0x213: {  	[tilespmem:s7], [sflag:$0x3] =	stream.linear.gather [hbm4b:s11+s20], $0x80, $0x38;
	[tilespmem:$0x10800] =	vst v63  }
0x214: {  	(v2sf) =	vpush v1, $0xD;
	s19 =	sadd.s32 $0x30D5000, s15;
	s5 =	spop (v2sf);
	s11 =	sshrl.u32 s14, $0x3  }
0x215: {  	s14 =	sadd.s32 $0xC80, s12;
	s13 =	sadd.s32 s4, s13;
	s18 =	spop (v2sf)  }
0x216: {  	s6 =	sshrl.u32 s19, $0x3;
	(v2sf) =	vpush v1, $0xA;
	s24 =	sadd.s32 s4, s24;
	s19 =	spop (v2sf)  }
0x217: {  	[tilespmem:s2], [sflag:$0x3] =	stream.linear.gather [hbm4b:s24+s20], $0x80, $0x38;
	[tilespmem:$0x10800] =	vst v63  }
0x218: {  	s10 =	sadd.s32 $0x493F800, s5;
	(v2sf) =	vpush v0, $0x7;
	s8 =	spop (v2sf);
	s5 =	sadd.s32 $0x249FC00, s19  }
0x219: {  	s15 =	sadd.s32 $0x5574C00, s18;
	s19 =	spop (v2sf);
	s5 =	sshrl.u32 s5, $0x3  }
0x21a: {  	s7 =	sshrl.u32 s15, $0x3;
	(v2sf) =	vpush v1, $0xC;
	s15 =	spop (v2sf);
	s5 =	sadd.s32 s4, s5  }
0x21b: {  	(v2sf) =	vpush v0, $0x8;
	s2 =	sadd.s32 $0xC354000, s19;
	s19 =	smov.u32 s3;
	s3 =	simm.s32 $0x0  }
0x21c: {  	[tilespmem:s1], [sflag:$0x3] =	stream.linear.gather [hbm4b:s5+s3], $0x80, $0x38;
	[tilespmem:$0x10800] =	vst v63  }
0x21d: {  	s18 =	sadd.s32 $0xA00, s12;
	s6 =	sadd.s32 s4, s6;
	s24 =	sadd.s32 $0xA80, s12;
	(v2sf) =	vpush v1, $0xE  }
0x21e: {  	[tilespmem:s18], [sflag:$0x3] =	stream.linear.gather [hbm4b:s6+s3], $0x80, $0x38;
	[tilespmem:$0x10800] =	vst v63  }
0x21f: {  	s8 =	sadd.s32 $0xE7F3C00, s8;
	s20 =	sadd.s32 $0x61AA000, s15;
	s1 =	sshrl.u32 s10, $0x3  }
0x220: {  	[tilespmem:s24], [sflag:$0x3] =	stream.linear.gather [hbm4b:s13+s3], $0x80, $0x38;
	[tilespmem:$0x10800] =	vst v63  }
0x221: {  	s5 =	sadd.s32 $0xB80, s12;
	s1 =	sadd.s32 s4, s1;
	s15 =	spop (v2sf)  }
0x222: {  	[tilespmem:s9], [sflag:$0x3] =	stream.linear.gather [hbm4b:s1+s3], $0x80, $0x38;
	[tilespmem:$0x10800] =	vst v63  }
0x223: {  	s18 =	sadd.s32 $0x6DDF400, s15;
	s15 =	sadd.s32 s4, s7;
	s10 =	spop (v2sf);
	(v2sf) =	vpush v0, $0xA  }
0x224: {  	(v2sf) =	vpush v1, $0xF;
	[tilespmem:s5], [sflag:$0x3] =	stream.linear.gather [hbm4b:s15+s3], $0x80, $0x38;
	[tilespmem:$0x10800] =	vst v63  }
0x225: {  	s20 =	sshrl.u32 s20, $0x3;
	s10 =	sadd.s32 $0x9EB4400, s10;
	s24 =	spop (v2sf)  }
0x226: {  	s6 =	sshrl.u32 s18, $0x3;
	s10 =	sshrl.u32 s10, $0x3;
	s18 =	sadd.s32 $0x7A14800, s24  }
0x227: {  	s9 =	spop (v2sf);
	s24 =	sadd.s32 s4, s20;
	s20 =	smov.u32 s29  }
0x228: {  	[tilespmem:s30], [sflag:$0x3] =	stream.linear.gather [hbm4b:s24+s3], $0x80, $0x38;
	[tilespmem:$0x10800] =	vst v63  }
0x229: {  	s15 =	sshrl.u32 s18, $0x3;
	s1 =	sadd.s32 $0xCF89400, s9;
	s18 =	spop (v2sf)  }
0x22a: {  	s24 =	sadd.s32 s4, s6;
	s13 =	sadd.s32 s4, s15;
	s9 =	spop (v2sf)  }
0x22b: {  	[tilespmem:s14], [sflag:$0x3] =	stream.linear.gather [hbm4b:s24+s3], $0x80, $0x38;
	[tilespmem:$0x10800] =	vst v63  }
0x22c: {  	s15 =	sadd.s32 $0x927F000, s18;
	s24 =	sadd.s32 s4, s11;
	s18 =	spop (v2sf)  }
0x22d: {  	[tilespmem:s0], [sflag:$0x3] =	stream.linear.gather [hbm4b:s13+s3], $0x80, $0x38;
	[tilespmem:$0x10800] =	vst v63  }
0x22e: {  	s14 =	rddreg [dreg:$0x5];
	s6 =	sshrl.u32 s15, $0x3;
	s7 =	sadd.s32 $0xAAE9800, s18  }
0x22f: {  	[tilespmem:s14], [sflag:$0x3] =	stream.linear.gather [hbm4b:s24+s3], $0x80, $0x38;
	[tilespmem:$0x10800] =	vst v63  }
.Ltmp5:
0x230: {  	s0 =	sadd.s32 s4, s6;
	s24 =	rddreg [dreg:$0xc];
	(pc) =	sbr.rel @p0 .LBB2_8-.Ltmp5, $4  }
0x231: {  	(v2sf) =	vpush v0, $0xB;
	[tilespmem:s24], [sflag:$0x3] =	stream.linear.gather [hbm4b:s0+s3], $0x80, $0x38;
	[tilespmem:$0x10800] =	vst v63  }
0x232: {  	(v2sf) =	vpush v0, $0xC;
	s11 =	sshrl.u32 s7, $0x3;
	s7 =	sshrl.u32 s8, $0x3;
	s13 =	spop (v2sf)  }
0x233: {  	s8 =	sadd.s32 s4, s10;
	(v2sf) =	vpush v0, $0xD;
	s15 =	sadd.s32 $0xF429000, s13;
	s18 =	spop (v2sf)  }
0x234: {  	s29 =	sadd.s32 s4, s11;
	(v2sf) =	vpush v0, $0xE;
	s30 =	sadd.s32 $0xB71EC00, s18;
	s0 =	sshrl.u32 s15, $0x3  }
0x235: {  	[tilespmem:s26], [sflag:$0x3] =	stream.linear.gather [hbm4b:s8+s3], $0x80, $0x38;
	[tilespmem:$0x10800] =	vst v63  }
0x236: {  	s5 =	sshrl.u32 s30, $0x3  }
0x237: {  	[tilespmem:s28], [sflag:$0x3] =	stream.linear.gather [hbm4b:s29+s3], $0x80, $0x38;
	[tilespmem:$0x10800] =	vst v63  }
0x238: {  	s2 =	sshrl.u32 s2, $0x3;
	s5 =	sadd.s32 s4, s5  }
0x239: {  	(v2sf) =	vpush v0, $0xF;
	[tilespmem:s31], [sflag:$0x3] =	stream.linear.gather [hbm4b:s5+s3], $0x80, $0x38;
	[tilespmem:$0x10800] =	vst v63  }
0x23a: {  	s6 =	sadd.s32 $0xDBBE800, s9;
	s1 =	sshrl.u32 s1, $0x3;
	s2 =	sadd.s32 s4, s2  }
0x23b: {  	[tilespmem:s22], [sflag:$0x3] =	stream.linear.gather [hbm4b:s2+s3], $0x80, $0x38;
	[tilespmem:$0x10800] =	vst v63  }
0x23c: {  	s1 =	sadd.s32 s4, s1;
	s11 =	sshrl.u32 s6, $0x3  }
0x23d: {  	[tilespmem:s21], [sflag:$0x3] =	stream.linear.gather [hbm4b:s1+s3], $0x80, $0x38;
	[tilespmem:$0x10800] =	vst v63  }
0x23e: {  	s14 =	sadd.s32 s4, s11  }
0x23f: {  	[tilespmem:s20], [sflag:$0x3] =	stream.linear.gather [hbm4b:s14+s3], $0x80, $0x38;
	[tilespmem:$0x10800] =	vst v63  }
0x240: {  	s17 =	sadd.s32 s4, s7;
	s0 =	sadd.s32 s4, s0;
	s13 =	spop (v2sf)  }
0x241: {  	s8 =	sadd.s32 $0x1380, s12;
	s21 =	sadd.s32 $0x1200, s12;
	s16 =	spop (v2sf)  }
0x242: {  	[tilespmem:s23], [sflag:$0x3] =	stream.linear.gather [hbm4b:s17+s3], $0x80, $0x38;
	[tilespmem:$0x10800] =	vst v63  }
0x243: {  	s15 =	sadd.s32 $0x1005E400, s13;
	s6 =	sadd.s32 $0x10C93800, s16;
	s20 =	spop (v2sf)  }
0x244: {  	s5 =	sshrl.u32 s15, $0x3;
	s18 =	sshrl.u32 s6, $0x3;
	s6 =	sadd.s32 $0x118C8C00, s20  }
0x245: {  	[tilespmem:s21], [sflag:$0x3] =	stream.linear.gather [hbm4b:s0+s3], $0x80, $0x38;
	[tilespmem:$0x10800] =	vst v63  }
0x246: {  	s22 =	spop (v2sf);
	s23 =	sadd.s32 s4, s5;
	s24 =	sshrl.u32 s6, $0x3  }
0x247: {  	[tilespmem:s19], [sflag:$0x3] =	stream.linear.gather [hbm4b:s23+s3], $0x80, $0x38;
	[tilespmem:$0x10800] =	vst v63  }
0x248: {  	s26 =	sadd.s32 $0x124FE000, s22;
	s2 =	sadd.s32 s4, s18;
	s7 =	spop (v2sf)  }
0x249: {  	[tilespmem:s25], [sflag:$0x3] =	stream.linear.gather [hbm4b:s2+s3], $0x80, $0x38;
	[tilespmem:$0x10800] =	vst v63  }
0x24a: {  	s6 =	sshrl.u32 s26, $0x3;
	s1 =	sadd.s32 s4, s24;
	s5 =	sadd.s32 $0x13133400, s7  }
0x24b: {  	[tilespmem:s8], [sflag:$0x3] =	stream.linear.gather [hbm4b:s1+s3], $0x80, $0x38;
	[tilespmem:$0x10800] =	vst v63  }
0x24c: {  	s9 =	sadd.s32 $0x1400, s12;
	s10 =	sadd.s32 s4, s6;
	s11 =	sshrl.u32 s5, $0x3  }
0x24d: {  	[tilespmem:s9], [sflag:$0x3] =	stream.linear.gather [hbm4b:s10+s3], $0x80, $0x38;
	[tilespmem:$0x10800] =	vst v63  }
0x24e: {  	s13 =	sadd.s32 $0x1480, s12;
	s15 =	simm.s32 $0x6;
	s14 =	sadd.s32 s4, s11  }
0x24f: {  	[tilespmem:s13], [sflag:$0x3] =	stream.linear.gather [hbm4b:s14+s3], $0x80, $0x38;
	[tilespmem:$0x10800] =	vst v63  }
0x250: {  	_ =	swait.ge [sflag:s15], $0x6800  }
0x251: {  	[sflag:s15] =	ssyncset.done $0x0  }
0x252: {  	s16 =	simm.s32 $0x2;
	[sflag:s15] =	ssyncadd.s32 $0xFFFF9800  }
0x253: {  	_ =	swait.ge [sflag:s16], $0x400  }
0x254: {  	[sflag:s16] =	ssyncset.done $0x0  }
0x255: {  	s17 =	simm.s32 $0x40A;
	[sflag:s16] =	ssyncadd.s32 $0xFFFFFC00  }
0x256: {  	v0 =	vld [tilespmem:s17+$0xFFFFFFF6];
	_ =	sdelay $0x4  }
0x257: {  	v1 =	vshll.u32 v0, $0x7;
	(v2sf) =	vpush v0, $0x0  }
0x258: {  	(v2sf) =	vpush v1, $0xB  }
0x259: {  	(v2sf) =	vpush v1, $0x1  }
0x25a: {  	(v2sf) =	vpush v1, $0x5  }
0x25b: {  	(v2sf) =	vpush v1, $0x2;
	_ =	sdelay $0x1  }
0x25c: {  	(v2sf) =	vpush v1, $0x4  }
0x25d: {  	(v2sf) =	vpush v1, $0x6;
	_ =	sdelay $0x1  }
0x25e: {  	(v2sf) =	vpush v1, $0x7  }
0x25f: {  	(v2sf) =	vpush v1, $0x3;
	_ =	sdelay $0x2  }
0x260: {  	v0 =	vld [tilespmem:s17+$0x0]  }
0x261: {  	s28 =	simm.s32 $0x8F00;
	s31 =	simm.s32 $0x9280  }
0x262: {  	s12 =	simm.s32 $0x0;
	s0 =	simm.s32 $0x8D80;
	s21 =	spop (v2sf)  }
0x263: {  	s20 =	simm.s32 $0x9100;
	s18 =	simm.s32 $0x8880;
	s1 =	spop (v2sf)  }
0x264: {  	s19 =	simm.s32 $0x8800;
	s9 =	sshll.u32 s21, $0x4;
	s10 =	spop (v2sf)  }
0x265: {  	s5 =	simm.s32 $0x8900;
	v0 =	vshll.u32 v0, $0x7;
	s9 =	sand.u32 $0x1FFFFFF0, s9;
	s13 =	spop (v2sf)  }
0x266: {  	(v2sf) =	vpush v0, $0x9;
	s9 =	sadd.s32 s4, s9;
	s10 =	sadd.s32 $0xC35400, s10;
	s14 =	spop (v2sf)  }
0x267: {  	[tilespmem:s19], [sflag:$0x4] =	stream.linear.gather [hbm4b:s9+s3], $0x80, $0x38;
	[tilespmem:$0x10800] =	vst v63  }
0x268: {  	s2 =	simm.s32 $0x8C00;
	(v2sf) =	vpush v0, $0x6;
	s10 =	sshrl.u32 s10, $0x3;
	s15 =	spop (v2sf)  }
0x269: {  	(v2sf) =	vpush v1, $0x8;
	s14 =	sadd.s32 $0x186A800, s14;
	s22 =	sadd.s32 s4, s10;
	s24 =	spop (v2sf)  }
0x26a: {  	[tilespmem:s18], [sflag:$0x4] =	stream.linear.gather [hbm4b:s22+s3], $0x80, $0x38;
	[tilespmem:$0x10800] =	vst v63  }
0x26b: {  	s25 =	simm.s32 $0x9300;
	s23 =	sshrl.u32 s14, $0x3;
	s10 =	spop (v2sf)  }
0x26c: {  	s11 =	simm.s32 $0x8B00;
	(v2sf) =	vpush v1, $0x9;
	s9 =	sadd.s32 s4, s23;
	s26 =	spop (v2sf)  }
0x26d: {  	[tilespmem:s5], [sflag:$0x4] =	stream.linear.gather [hbm4b:s9+s3], $0x80, $0x38;
	[tilespmem:$0x10800] =	vst v63  }
0x26e: {  	s8 =	simm.s32 $0x8980;
	s16 =	simm.s32 $0x4000;
	(v2sf) =	vpush v1, $0xD;
	s18 =	sadd.s32 $0x249FC00, s26  }
0x26f: {  	s17 =	simm.s32 $0x48A;
	s21 =	simm.s32 $0x9080;
	s5 =	sshrl.u32 s18, $0x3  }
0x270: {  	s19 =	sadd.s32 $0x30D5000, s15;
	s15 =	simm.s32 $0x8A00;
	s5 =	sadd.s32 s4, s5  }
0x271: {  	(v2sf) =	vpush v1, $0xA;
	[tilespmem:s8], [sflag:$0x4] =	stream.linear.gather [hbm4b:s5+s3], $0x80, $0x38;
	[tilespmem:$0x10800] =	vst v63  }
0x272: {  	s24 =	sadd.s32 $0x493F800, s24;
	s26 =	sadd.s32 $0x3D0A400, s13;
	s8 =	sshrl.u32 s19, $0x3  }
0x273: {  	s13 =	sadd.s32 $0x5574C00, s10;
	(v2sf) =	vpush v0, $0x7;
	s9 =	sshrl.u32 s26, $0x3;
	s5 =	sadd.s32 s4, s8  }
0x274: {  	(v2sf) =	vpush v1, $0xC;
	[tilespmem:s15], [sflag:$0x4] =	stream.linear.gather [hbm4b:s5+s3], $0x80, $0x38;
	[tilespmem:$0x10800] =	vst v63  }
0x275: {  	s18 =	simm.s32 $0x8A80;
	s9 =	sadd.s32 s4, s9;
	s10 =	spop (v2sf)  }
0x276: {  	[tilespmem:s18], [sflag:$0x4] =	stream.linear.gather [hbm4b:s9+s3], $0x80, $0x38;
	[tilespmem:$0x10800] =	vst v63  }
0x277: {  	s1 =	sadd.s32 $0x8649C00, s1;
	s7 =	sshrl.u32 s24, $0x3;
	s5 =	spop (v2sf)  }
0x278: {  	s1 =	sshrl.u32 s1, $0x3;
	s7 =	sadd.s32 s4, s7;
	s19 =	spop (v2sf)  }
0x279: {  	(v2sf) =	vpush v0, $0x8;
	[tilespmem:s11], [sflag:$0x4] =	stream.linear.gather [hbm4b:s7+s3], $0x80, $0x38;
	[tilespmem:$0x10800] =	vst v63  }
0x27a: {  	s6 =	sshrl.u32 s13, $0x3;
	s13 =	simm.s32 $0x8B80;
	s8 =	sadd.s32 $0x61AA000, s19  }
0x27b: {  	s6 =	sadd.s32 s4, s6;
	(v2sf) =	vpush v1, $0xE;
	s24 =	spop (v2sf);
	s11 =	sshrl.u32 s8, $0x3  }
0x27c: {  	[tilespmem:s13], [sflag:$0x4] =	stream.linear.gather [hbm4b:s6+s3], $0x80, $0x38;
	[tilespmem:$0x10800] =	vst v63  }
0x27d: {  	(v2sf) =	vpush v0, $0xA;
	s18 =	sadd.s32 $0x6DDF400, s24;
	s7 =	sadd.s32 s4, s11;
	s6 =	spop (v2sf)  }
0x27e: {  	(v2sf) =	vpush v1, $0xF;
	[tilespmem:s2], [sflag:$0x4] =	stream.linear.gather [hbm4b:s7+s3], $0x80, $0x38;
	[tilespmem:$0x10800] =	vst v63  }
0x27f: {  	s1 =	sadd.s32 s4, s1;
	s14 =	simm.s32 $0x9180;
	s7 =	sshrl.u32 s18, $0x3  }
0x280: {  	s24 =	simm.s32 $0x8C80;
	s19 =	spop (v2sf);
	s7 =	sadd.s32 s4, s7  }
0x281: {  	[tilespmem:s24], [sflag:$0x4] =	stream.linear.gather [hbm4b:s7+s3], $0x80, $0x38;
	[tilespmem:$0x10800] =	vst v63  }
0x282: {  	s22 =	simm.s32 $0x9000;
	s8 =	sadd.s32 $0x7A14800, s19;
	s11 =	spop (v2sf)  }
0x283: {  	s23 =	simm.s32 $0x8F80;
	s8 =	sshrl.u32 s8, $0x3;
	s13 =	spop (v2sf)  }
0x284: {  	s15 =	simm.s32 $0x8D00;
	s8 =	sadd.s32 s4, s8;
	s19 =	sadd.s32 $0x927F000, s13  }
0x285: {  	[tilespmem:s15], [sflag:$0x4] =	stream.linear.gather [hbm4b:s8+s3], $0x80, $0x38;
	[tilespmem:$0x10800] =	vst v63  }
0x286: {  	s26 =	simm.s32 $0x8E80;
	s18 =	sadd.s32 $0x9EB4400, s6;
	s6 =	sshrl.u32 s19, $0x3  }
0x287: {  	[tilespmem:s0], [sflag:$0x4] =	stream.linear.gather [hbm4b:s1+s3], $0x80, $0x38;
	[tilespmem:$0x10800] =	vst v63  }
0x288: {  	s15 =	simm.s32 $0x8E00;
	s6 =	sadd.s32 s4, s6;
	s9 =	spop (v2sf)  }
0x289: {  	[tilespmem:s15], [sflag:$0x4] =	stream.linear.gather [hbm4b:s6+s3], $0x80, $0x38;
	[tilespmem:$0x10800] =	vst v63  }
0x28a: {  	s1 =	sadd.s32 $0xCF89400, s11;
	s11 =	sadd.s32 $0xE7F3C00, s10;
	s24 =	spop (v2sf)  }
0x28b: {  	s2 =	sadd.s32 $0xC354000, s5;
	(v2sf) =	vpush v0, $0xB;
	s7 =	sshrl.u32 s11, $0x3;
	s8 =	sadd.s32 $0xAAE9800, s24  }
0x28c: {  	s15 =	sshrl.u32 s18, $0x3;
	(v2sf) =	vpush v0, $0xC;
	s13 =	sshrl.u32 s8, $0x3;
	s18 =	spop (v2sf)  }
0x28d: {  	(v2sf) =	vpush v0, $0xD;
	s8 =	sadd.s32 s4, s15;
	s19 =	sadd.s32 $0xF429000, s18;
	s24 =	spop (v2sf)  }
0x28e: {  	(v2sf) =	vpush v0, $0xE;
	s29 =	sadd.s32 s4, s13;
	s0 =	sshrl.u32 s19, $0x3;
	s30 =	sadd.s32 $0xB71EC00, s24  }
.LBB2_10:
0x28f: {  	[tilespmem:s26], [sflag:$0x4] =	stream.linear.gather [hbm4b:s8+s3], $0x80, $0x38;
	[tilespmem:$0x10800] =	vst v63  }
0x290: {  	s5 =	sshrl.u32 s30, $0x3  }
0x291: {  	[tilespmem:s28], [sflag:$0x4] =	stream.linear.gather [hbm4b:s29+s3], $0x80, $0x38;
	[tilespmem:$0x10800] =	vst v63  }
0x292: {  	s2 =	sshrl.u32 s2, $0x3;
	s5 =	sadd.s32 s4, s5  }
0x293: {  	(v2sf) =	vpush v0, $0xF;
	[tilespmem:s23], [sflag:$0x4] =	stream.linear.gather [hbm4b:s5+s3], $0x80, $0x38;
	[tilespmem:$0x10800] =	vst v63  }
0x294: {  	s6 =	sadd.s32 $0xDBBE800, s9;
	s1 =	sshrl.u32 s1, $0x3;
	s2 =	sadd.s32 s4, s2  }
0x295: {  	[tilespmem:s22], [sflag:$0x4] =	stream.linear.gather [hbm4b:s2+s3], $0x80, $0x38;
	[tilespmem:$0x10800] =	vst v63  }
0x296: {  	s1 =	sadd.s32 s4, s1;
	s11 =	sshrl.u32 s6, $0x3  }
0x297: {  	[tilespmem:s21], [sflag:$0x4] =	stream.linear.gather [hbm4b:s1+s3], $0x80, $0x38;
	[tilespmem:$0x10800] =	vst v63  }
0x298: {  	s15 =	sadd.s32 s4, s11  }
0x299: {  	[tilespmem:s20], [sflag:$0x4] =	stream.linear.gather [hbm4b:s15+s3], $0x80, $0x38;
	[tilespmem:$0x10800] =	vst v63  }
0x29a: {  	s0 =	sadd.s32 s4, s0;
	s24 =	sadd.s32 $0x9200, s12;
	s13 =	spop (v2sf)  }
0x29b: {  	s21 =	sadd.s32 s4, s7;
	s15 =	sadd.s32 $0x9380, s12;
	s19 =	spop (v2sf)  }
0x29c: {  	[tilespmem:s14], [sflag:$0x4] =	stream.linear.gather [hbm4b:s21+s3], $0x80, $0x38;
	[tilespmem:$0x10800] =	vst v63  }
0x29d: {  	s18 =	sadd.s32 $0x1005E400, s13;
	s6 =	sadd.s32 $0x10C93800, s19;
	s23 =	spop (v2sf)  }
0x29e: {  	s5 =	sshrl.u32 s18, $0x3;
	s22 =	sshrl.u32 s6, $0x3;
	s6 =	sadd.s32 $0x118C8C00, s23  }
0x29f: {  	[tilespmem:s24], [sflag:$0x4] =	stream.linear.gather [hbm4b:s0+s3], $0x80, $0x38;
	[tilespmem:$0x10800] =	vst v63  }
0x2a0: {  	s26 =	spop (v2sf);
	s8 =	sadd.s32 s4, s5;
	s9 =	sshrl.u32 s6, $0x3  }
0x2a1: {  	[tilespmem:s31], [sflag:$0x4] =	stream.linear.gather [hbm4b:s8+s3], $0x80, $0x38;
	[tilespmem:$0x10800] =	vst v63  }
0x2a2: {  	s10 =	sadd.s32 $0x124FE000, s26;
	s11 =	sadd.s32 s4, s22;
	s14 =	spop (v2sf)  }
0x2a3: {  	[tilespmem:s25], [sflag:$0x4] =	stream.linear.gather [hbm4b:s11+s3], $0x80, $0x38;
	[tilespmem:$0x10800] =	vst v63  }
0x2a4: {  	s13 =	sshrl.u32 s10, $0x3;
	s1 =	sadd.s32 s4, s9;
	s5 =	sadd.s32 $0x13133400, s14  }
0x2a5: {  	[tilespmem:s15], [sflag:$0x4] =	stream.linear.gather [hbm4b:s1+s3], $0x80, $0x38;
	[tilespmem:$0x10800] =	vst v63  }
0x2a6: {  	s18 =	sadd.s32 $0x9400, s12;
	s19 =	sadd.s32 s4, s13;
	s20 =	sshrl.u32 s5, $0x3  }
0x2a7: {  	[tilespmem:s18], [sflag:$0x4] =	stream.linear.gather [hbm4b:s19+s3], $0x80, $0x38;
	[tilespmem:$0x10800] =	vst v63  }
0x2a8: {  	s21 =	sadd.s32 $0x9480, s12;
	s22 =	sadd.s32 s4, s20  }
0x2a9: {  	[tilespmem:s21], [sflag:$0x4] =	stream.linear.gather [hbm4b:s22+s3], $0x80, $0x38;
	[tilespmem:$0x10800] =	vst v63  }
0x2aa: {  	v0 =	vld [tilespmem:s17+$0xFFFFFFF6];
	_ =	sdelay $0x4  }
0x2ab: {  	(v2sf) =	vpush v0, $0x0  }
0x2ac: {  	v1 =	vshll.u32 v0, $0x7  }
0x2ad: {  	(v2sf) =	vpush v1, $0xB  }
0x2ae: {  	(v2sf) =	vpush v1, $0x1  }
0x2af: {  	(v2sf) =	vpush v1, $0x5;
	_ =	sdelay $0x1  }
0x2b0: {  	(v2sf) =	vpush v1, $0x2  }
0x2b1: {  	s23 =	smov.u32 s16;
	(v2sf) =	vpush v1, $0x4  }
0x2b2: {  	p0 =	sne.s32 s16, $0x1C000;
	s12 =	sshra.s32 s23, $0x2;
	v0 =	vld [tilespmem:s17+$0x0]  }
0x2b3: {  	s16 =	sadd.s32 $0x4000, s16;
	s2 =	sadd.s32 $0x8900, s12;
	s0 =	sadd.s32 $0x8D80, s12  }
0x2b4: {  	s7 =	sadd.s32 $0x8880, s12;
	s24 =	sadd.s32 $0x8800, s12;
	s30 =	sadd.s32 $0x8C00, s12;
	(v2sf) =	vpush v1, $0x6  }
0x2b5: {  	s31 =	sadd.s32 $0x9280, s12;
	s9 =	sadd.s32 $0x8B00, s12;
	s29 =	sadd.s32 $0x9100, s12;
	(v2sf) =	vpush v1, $0x7  }
0x2b6: {  	s10 =	sadd.s32 $0x9180, s12;
	s23 =	sadd.s32 $0x8F80, s12;
	[dreg:$0x6] =	wrdreg s0  }
0x2b7: {  	s26 =	sadd.s32 $0x8E80, s12;
	[dreg:$0xa] =	wrdreg s10;
	s13 =	sadd.s32 $0x8E00, s12;
	v0 =	vshll.u32 v0, $0x7;
	(v2sf) =	vpush v1, $0x3  }
0x2b8: {  	s28 =	sadd.s32 $0x8F00, s12;
	s25 =	sadd.s32 $0x9300, s12;
	[dreg:$0xd] =	wrdreg s13;
	(v2sf) =	vpush v0, $0x9  }
0x2b9: {  	s1 =	sadd.s32 $0x8980, s12;
	s22 =	sadd.s32 $0x9000, s12;
	(v2sf) =	vpush v0, $0x6;
	s11 =	spop (v2sf)  }
0x2ba: {  	s21 =	sadd.s32 $0x9080, s12;
	s17 =	sadd.s32 $0x80, s17;
	(v2sf) =	vpush v1, $0x8;
	s0 =	sshll.u32 s11, $0x4  }
0x2bb: {  	s14 =	spop (v2sf);
	s15 =	sand.u32 $0x1FFFFFF0, s0;
	s0 =	sadd.s32 $0x8D00, s12  }
0x2bc: {  	s10 =	spop (v2sf);
	s6 =	sadd.s32 $0x8649C00, s14;
	s8 =	sadd.s32 s4, s15  }
0x2bd: {  	s10 =	sadd.s32 $0xC35400, s10;
	s11 =	spop (v2sf);
	s6 =	sshrl.u32 s6, $0x3  }
0x2be: {  	[tilespmem:s24], [sflag:$0x4] =	stream.linear.gather [hbm4b:s8+s3], $0x80, $0x38;
	[tilespmem:$0x10800] =	vst v63  }
0x2bf: {  	s10 =	sshrl.u32 s10, $0x3;
	s13 =	spop (v2sf);
	s11 =	sadd.s32 $0x3D0A400, s11  }
0x2c0: {  	(v2sf) =	vpush v1, $0x9;
	s10 =	sadd.s32 s4, s10;
	s13 =	sadd.s32 $0x186A800, s13;
	s18 =	spop (v2sf)  }
0x2c1: {  	s11 =	sshrl.u32 s11, $0x3;
	s13 =	sshrl.u32 s13, $0x3;
	s14 =	sadd.s32 $0x30D5000, s18  }
0x2c2: {  	(v2sf) =	vpush v1, $0xD;
	[tilespmem:s7], [sflag:$0x4] =	stream.linear.gather [hbm4b:s10+s3], $0x80, $0x38;
	[tilespmem:$0x10800] =	vst v63  }
0x2c3: {  	s15 =	spop (v2sf);
	s18 =	sadd.s32 $0x8A00, s12;
	s5 =	sshrl.u32 s14, $0x3  }
0x2c4: {  	s14 =	sadd.s32 $0x493F800, s15;
	s19 =	spop (v2sf);
	s13 =	sadd.s32 s4, s13  }
0x2c5: {  	(v2sf) =	vpush v1, $0xA;
	[tilespmem:s2], [sflag:$0x4] =	stream.linear.gather [hbm4b:s13+s3], $0x80, $0x38;
	[tilespmem:$0x10800] =	vst v63  }
0x2c6: {  	s20 =	sadd.s32 $0x5574C00, s19;
	s24 =	spop (v2sf);
	s5 =	sadd.s32 s4, s5  }
0x2c7: {  	(v2sf) =	vpush v0, $0x7;
	s13 =	sadd.s32 $0x8C80, s12;
	s8 =	spop (v2sf);
	s24 =	sadd.s32 $0x249FC00, s24  }
0x2c8: {  	s10 =	sshrl.u32 s20, $0x3;
	s19 =	spop (v2sf);
	s7 =	sshrl.u32 s24, $0x3  }
0x2c9: {  	s8 =	sadd.s32 $0xE7F3C00, s8;
	s24 =	spop (v2sf);
	s7 =	sadd.s32 s4, s7  }
0x2ca: {  	(v2sf) =	vpush v1, $0xC;
	[tilespmem:s1], [sflag:$0x4] =	stream.linear.gather [hbm4b:s7+s3], $0x80, $0x38;
	[tilespmem:$0x10800] =	vst v63  }
0x2cb: {  	(v2sf) =	vpush v0, $0x8;
	s2 =	sadd.s32 $0xC354000, s19;
	s20 =	sadd.s32 $0x61AA000, s24;
	s24 =	sadd.s32 $0x8A80, s12  }
0x2cc: {  	[tilespmem:s18], [sflag:$0x4] =	stream.linear.gather [hbm4b:s5+s3], $0x80, $0x38;
	[tilespmem:$0x10800] =	vst v63  }
0x2cd: {  	(v2sf) =	vpush v1, $0xE;
	s1 =	sshrl.u32 s14, $0x3;
	s7 =	sadd.s32 $0x8B80, s12;
	s18 =	sadd.s32 s4, s11  }
0x2ce: {  	[tilespmem:s24], [sflag:$0x4] =	stream.linear.gather [hbm4b:s18+s3], $0x80, $0x38;
	[tilespmem:$0x10800] =	vst v63  }
0x2cf: {  	s20 =	sshrl.u32 s20, $0x3;
	s1 =	sadd.s32 s4, s1;
	s15 =	spop (v2sf)  }
0x2d0: {  	[tilespmem:s9], [sflag:$0x4] =	stream.linear.gather [hbm4b:s1+s3], $0x80, $0x38;
	[tilespmem:$0x10800] =	vst v63  }
0x2d1: {  	s19 =	sadd.s32 $0x6DDF400, s15;
	s18 =	sadd.s32 s4, s20;
	s14 =	spop (v2sf);
	(v2sf) =	vpush v0, $0xA  }
0x2d2: {  	s20 =	smov.u32 s29;
	s5 =	sshrl.u32 s19, $0x3;
	s9 =	sadd.s32 s4, s10;
	(v2sf) =	vpush v1, $0xF  }
0x2d3: {  	[tilespmem:s7], [sflag:$0x4] =	stream.linear.gather [hbm4b:s9+s3], $0x80, $0x38;
	[tilespmem:$0x10800] =	vst v63  }
0x2d4: {  	s5 =	sadd.s32 s4, s5;
	s14 =	sadd.s32 $0x9EB4400, s14;
	s24 =	spop (v2sf)  }
0x2d5: {  	[tilespmem:s30], [sflag:$0x4] =	stream.linear.gather [hbm4b:s18+s3], $0x80, $0x38;
	[tilespmem:$0x10800] =	vst v63  }
0x2d6: {  	s7 =	sshrl.u32 s8, $0x3;
	s10 =	sadd.s32 $0x7A14800, s24;
	s11 =	spop (v2sf)  }
0x2d7: {  	[tilespmem:s13], [sflag:$0x4] =	stream.linear.gather [hbm4b:s5+s3], $0x80, $0x38;
	[tilespmem:$0x10800] =	vst v63  }
0x2d8: {  	s19 =	sshrl.u32 s10, $0x3;
	s1 =	sadd.s32 $0xCF89400, s11;
	s10 =	sshrl.u32 s14, $0x3  }
0x2d9: {  	s14 =	rddreg [dreg:$0xa];
	s24 =	spop (v2sf);
	s15 =	sadd.s32 s4, s19  }
0x2da: {  	s9 =	spop (v2sf);
	s11 =	sadd.s32 $0x927F000, s24;
	s24 =	sadd.s32 s4, s6  }
0x2db: {  	[tilespmem:s0], [sflag:$0x4] =	stream.linear.gather [hbm4b:s15+s3], $0x80, $0x38;
	[tilespmem:$0x10800] =	vst v63  }
0x2dc: {  	s15 =	rddreg [dreg:$0x6];
	s18 =	spop (v2sf);
	s11 =	sshrl.u32 s11, $0x3  }
0x2dd: {  	[tilespmem:s15], [sflag:$0x4] =	stream.linear.gather [hbm4b:s24+s3], $0x80, $0x38;
	[tilespmem:$0x10800] =	vst v63  }
.Ltmp6:
0x2de: {  	s0 =	sadd.s32 s4, s11;
	s24 =	rddreg [dreg:$0xd];
	(pc) =	sbr.rel @p0 .LBB2_10-.Ltmp6, $4  }
0x2df: {  	(v2sf) =	vpush v0, $0xB;
	[tilespmem:s24], [sflag:$0x4] =	stream.linear.gather [hbm4b:s0+s3], $0x80, $0x38;
	[tilespmem:$0x10800] =	vst v63  }
0x2e0: {  	s8 =	sadd.s32 s4, s10;
	s19 =	sadd.s32 $0xAAE9800, s18;
	(v2sf) =	vpush v0, $0xC;
	s13 =	spop (v2sf)  }
0x2e1: {  	s6 =	sshrl.u32 s19, $0x3;
	(v2sf) =	vpush v0, $0xD;
	s18 =	sadd.s32 $0xF429000, s13;
	s19 =	spop (v2sf)  }
0x2e2: {  	s29 =	sadd.s32 s4, s6;
	(v2sf) =	vpush v0, $0xE;
	s30 =	sadd.s32 $0xB71EC00, s19;
	s0 =	sshrl.u32 s18, $0x3  }
0x2e3: {  	[tilespmem:s26], [sflag:$0x4] =	stream.linear.gather [hbm4b:s8+s3], $0x80, $0x38;
	[tilespmem:$0x10800] =	vst v63  }
0x2e4: {  	s5 =	sshrl.u32 s30, $0x3  }
0x2e5: {  	[tilespmem:s28], [sflag:$0x4] =	stream.linear.gather [hbm4b:s29+s3], $0x80, $0x38;
	[tilespmem:$0x10800] =	vst v63  }
0x2e6: {  	s2 =	sshrl.u32 s2, $0x3;
	s5 =	sadd.s32 s4, s5  }
0x2e7: {  	[tilespmem:s23], [sflag:$0x4] =	stream.linear.gather [hbm4b:s5+s3], $0x80, $0x38;
	[tilespmem:$0x10800] =	vst v63  }
0x2e8: {  	s6 =	sadd.s32 $0xDBBE800, s9;
	s1 =	sshrl.u32 s1, $0x3;
	s2 =	sadd.s32 s4, s2  }
0x2e9: {  	(v2sf) =	vpush v0, $0xF;
	[tilespmem:s22], [sflag:$0x4] =	stream.linear.gather [hbm4b:s2+s3], $0x80, $0x38;
	[tilespmem:$0x10800] =	vst v63  }
0x2ea: {  	s1 =	sadd.s32 s4, s1;
	s29 =	sshrl.u32 s6, $0x3  }
0x2eb: {  	[tilespmem:s21], [sflag:$0x4] =	stream.linear.gather [hbm4b:s1+s3], $0x80, $0x38;
	[tilespmem:$0x10800] =	vst v63  }
0x2ec: {  	s8 =	sadd.s32 s4, s29  }
0x2ed: {  	[tilespmem:s20], [sflag:$0x4] =	stream.linear.gather [hbm4b:s8+s3], $0x80, $0x38;
	[tilespmem:$0x10800] =	vst v63  }
0x2ee: {  	s11 =	sadd.s32 s4, s7;
	s30 =	spop (v2sf)  }
0x2ef: {  	s16 =	sadd.s32 $0x9200, s12;
	s24 =	sadd.s32 $0x9380, s12;
	s10 =	spop (v2sf)  }
0x2f0: {  	[tilespmem:s14], [sflag:$0x4] =	stream.linear.gather [hbm4b:s11+s3], $0x80, $0x38;
	[tilespmem:$0x10800] =	vst v63  }
0x2f1: {  	s0 =	sadd.s32 s4, s0;
	s9 =	sadd.s32 $0x1005E400, s30;
	s6 =	sadd.s32 $0x10C93800, s10  }
0x2f2: {  	s5 =	sshrl.u32 s9, $0x3;
	s15 =	spop (v2sf);
	s13 =	sshrl.u32 s6, $0x3  }
0x2f3: {  	[tilespmem:s16], [sflag:$0x4] =	stream.linear.gather [hbm4b:s0+s3], $0x80, $0x38;
	[tilespmem:$0x10800] =	vst v63  }
0x2f4: {  	s6 =	sadd.s32 $0x118C8C00, s15;
	s17 =	spop (v2sf);
	s18 =	sadd.s32 s4, s5  }
0x2f5: {  	[tilespmem:s31], [sflag:$0x4] =	stream.linear.gather [hbm4b:s18+s3], $0x80, $0x38;
	[tilespmem:$0x10800] =	vst v63  }
0x2f6: {  	s19 =	sshrl.u32 s6, $0x3;
	s20 =	sadd.s32 $0x124FE000, s17;
	s21 =	sadd.s32 s4, s13  }
0x2f7: {  	[tilespmem:s25], [sflag:$0x4] =	stream.linear.gather [hbm4b:s21+s3], $0x80, $0x38;
	[tilespmem:$0x10800] =	vst v63  }
0x2f8: {  	s23 =	spop (v2sf);
	s22 =	sshrl.u32 s20, $0x3;
	s1 =	sadd.s32 s4, s19  }
0x2f9: {  	[tilespmem:s24], [sflag:$0x4] =	stream.linear.gather [hbm4b:s1+s3], $0x80, $0x38;
	[tilespmem:$0x10800] =	vst v63  }
.Ltmp7:
0x2fa: {  	s5 =	sadd.s32 $0x13133400, s23;
	s31 =	rddreg [dreg:$0x17];
	(pc) =	sbr.rel .LBB2_6-.Ltmp7, $4  }
0x2fb: {  	s26 =	sadd.s32 s4, s22;
	s28 =	sshrl.u32 s5, $0x3;
	s25 =	sadd.s32 $0x9400, s12  }
0x2fc: {  	[tilespmem:s25], [sflag:$0x4] =	stream.linear.gather [hbm4b:s26+s3], $0x80, $0x38;
	[tilespmem:$0x10800] =	vst v63  }
0x2fd: {  	s29 =	sadd.s32 $0x9480, s12;
	s5 =	sadd.s32 $0x1, s31;
	s30 =	sadd.s32 s4, s28  }
0x2fe: {  	[tilespmem:s29], [sflag:$0x4] =	stream.linear.gather [hbm4b:s30+s3], $0x80, $0x38;
	[tilespmem:$0x10800] =	vst v63  }
.LBB2_13:
0x2ff: {  	_ =	sfence.sel $0x180000  }
0x300: {  	[bflag:$0x0] =	sbarrier.arrive $0xFFFF  }
0x301: {  	_ =	strace $0x90000047  }
0x302: {  	s0 =	stileid.u32;
	[bflag:$0x2] =	sbarrier.arrive $0xFFFF  }
0x303: {  	p0 =	sne.s32 s0, $0x0;
	s0 =	rddreg [dreg:$0x2]  }
0x304: {  	s0 =	sadd.s32 @!p0 $0x100000, s0  }
0x305: {  	[sflag:s0] =	ssyncadd.tile.s32 @!p0 $0x1;
	_ =	shalt  }
.Lfunc_end2:
_tile_overlayer_lowered:
.L_overlay_start_2:
0x306: {  	(tag) =	ssettag $0x2  }
0x307: {  	s0 =	rddreg [dreg:$0x0];
	s2 =	stileid.u32  }
0x308: {  	s1 =	rddreg [dreg:$0x1];
	p0 =	sne.s32 s2, $0x0  }
0x309: {  	s3 =	rddreg [dreg:$0x2];
	[bflag:$0x3] =	sbarrier.arrive $0xFFFF;
	s2 =	simm.s32 @!p0 $0x1C07  }
0x30a: {  	[timem:s3], [sflag:s2] =	dma.local @!p0 [hbm:s0], s1  }
0x30b: {  	s0 =	simm.s32 @!p0 $0x7  }
0x30c: {  	_ =	swait.ge @!p0 [sflag:s0], s1  }
0x30d: {  	s1 =	ssub.s32 @!p0 $0x0, s1;
	[sflag:s0] =	ssyncset.done @!p0 $0x0  }
0x30e: {  	[sflag:s0] =	ssyncadd.s32 @!p0 s1  }
0x30f: {  	[bflag:$0x3] =	sbarrier.arrive $0xFFFF  }
0x310: {  	_ =	shalt  }

</sc_bundles>
